<compile_context>
chip_gen: v7x
topology: tpu7x:2x2x1
jax: 0.10.2.dev20260603
libtpu: 0.0.44.dev20260713+nightly
codegen_flags: <defaults>
</compile_context>

<pallas_src>
import functools

import jax
import jax.numpy as jnp
from jax import lax
from jax.experimental import pallas as pl
from jax.experimental.pallas import tpu as pltpu
from jax.experimental.pallas import tpu_sc as plsc

_C = 128
_NW = 32


def _deg_partials(pk1d, ew1d, n_pad):
    nchunk = pk1d.shape[0] // _C
    cpt = nchunk // _NW
    nstep = cpt // 2
    per_tile = n_pad // 16
    mesh = plsc.VectorSubcoreMesh(core_axis_name="c", subcore_axis_name="s")

    @functools.partial(
        pl.kernel,
        mesh=mesh,
        out_type=jax.ShapeDtypeStruct((2, n_pad), jnp.float32),
        scratch_types=[
            pltpu.VMEM((_C,), jnp.int32),
            pltpu.VMEM((_C,), jnp.int32),
            pltpu.VMEM((_C,), jnp.float32),
            pltpu.VMEM((_C,), jnp.float32),
            pltpu.VMEM((_C,), jnp.int32),
            pltpu.VMEM((_C,), jnp.int32),
            pltpu.VMEM((per_tile,), jnp.float32),
            pltpu.VMEM_SHARED((n_pad,), jnp.float32),
            pltpu.SemaphoreType.DMA,
            pltpu.SemaphoreType.DMA,
            pltpu.SemaphoreType.DMA,
        ],
    )
    def k(pk_hbm, ew_hbm, out_hbm,
          pk_b0, pk_b1, ew_b0, ew_b1, col_v0, col_v1, zb, deg_acc,
          sa, sd0, sd1):
        cid = lax.axis_index("c")
        sid = lax.axis_index("s")
        wid = sid * 2 + cid
        ebase = wid * cpt * _C

        def zero_body(i, _):
            zb[pl.ds(i * 16, 16)] = jnp.zeros((16,), jnp.float32)
            return 0

        lax.fori_loop(0, per_tile // 16, zero_body, 0)
        pltpu.sync_copy(zb, deg_acc.at[pl.ds(sid * per_tile, per_tile)])

        def fetch_idx(c, pk_b, ew_b, sem):
            pltpu.async_copy(pk_hbm.at[pl.ds(ebase + c * _C, _C)], pk_b, sem)
            pltpu.async_copy(ew_hbm.at[pl.ds(ebase + c * _C, _C)], ew_b, sem)

        def fetch_wait(c, pk_b, ew_b, sem):
            pltpu.make_async_copy(
                pk_hbm.at[pl.ds(ebase + c * _C, _C)], pk_b, sem).wait()
            pltpu.make_async_copy(
                ew_hbm.at[pl.ds(ebase + c * _C, _C)], ew_b, sem).wait()

        def unpack_col(pk_b, col_v):
            def body(g, _):
                pk16 = pk_b[pl.ds(g * 16, 16)]
                col_v[pl.ds(g * 16, 16)] = lax.shift_right_logical(pk16, 16)
                return 0

            lax.fori_loop(0, _C // 16, body, 0)

        pltpu.sync_copy(pk_hbm.at[pl.ds(ebase, _C)], pk_b0)
        pltpu.sync_copy(ew_hbm.at[pl.ds(ebase, _C)], ew_b0)
        fetch_idx(1, pk_b1, ew_b1, sd1)
        unpack_col(pk_b0, col_v0)
        plsc.subcore_barrier()

        def step(t, _):
            c0 = 2 * t
            c1 = 2 * t + 1
            s0 = pltpu.async_copy(ew_b0, deg_acc.at[col_v0], sa, add=True)
            fetch_wait(c1, pk_b1, ew_b1, sd1)
            unpack_col(pk_b1, col_v1)
            s1 = pltpu.async_copy(ew_b1, deg_acc.at[col_v1], sa, add=True)
            s0.wait()

            @pl.when(t < nstep - 1)
            def _():
                fetch_idx(c0 + 2, pk_b0, ew_b0, sd0)

            s1.wait()

            @pl.when(t < nstep - 1)
            def _():
                fetch_wait(c0 + 2, pk_b0, ew_b0, sd0)
                unpack_col(pk_b0, col_v0)
                fetch_idx(c1 + 2, pk_b1, ew_b1, sd1)

            return 0

        lax.fori_loop(0, nstep, step, 0)
        plsc.subcore_barrier()
        pltpu.sync_copy(
            deg_acc.at[pl.ds(sid * per_tile, per_tile)],
            out_hbm.at[cid, pl.ds(sid * per_tile, per_tile)],
        )

    return k(pk1d, ew1d)


def _prep(deg_partials, x, n, n_pad, d):

    def body(degp_ref, x_ref, dinv_ref, xs_ref):
        deg = degp_ref[0, :] + degp_ref[1, :] + 1.0
        dinv = lax.rsqrt(deg)
        dinv_ref[...] = dinv[:, None]
        xs_ref[...] = x_ref[...] * dinv[:n, None]

    return pl.pallas_call(
        body,
        out_shape=(
            jax.ShapeDtypeStruct((n_pad, 1), jnp.float32),
            jax.ShapeDtypeStruct((n, d), jnp.float32),
        ),
    )(deg_partials, x)


def _scatter_partials(xs, ei, ew, n_pad, d):
    e = ew.shape[0]
    nchunk = e // _C
    rows_per_tile = n_pad // 16
    zrows = _C
    mesh = plsc.VectorSubcoreMesh(core_axis_name="c", subcore_axis_name="s")

    @functools.partial(
        pl.kernel,
        mesh=mesh,
        out_type=jax.ShapeDtypeStruct((2, n_pad, d), jnp.float32),
        scratch_types=[
            pltpu.VMEM((_C,), jnp.int32),
            pltpu.VMEM((_C,), jnp.int32),
            pltpu.VMEM((_C,), jnp.float32),
            pltpu.VMEM((_C, d), jnp.float32),
            pltpu.VMEM_SHARED((n_pad, d), jnp.float32),
            pltpu.SemaphoreType.DMA,
            pltpu.SemaphoreType.DMA,
            pltpu.SemaphoreType.DMA,
            pltpu.SemaphoreType.DMA,
        ],
    )
    def k(xs_hbm, ei_hbm, ew_hbm, out_hbm, row_v, col_v, ew_v, rows_v, p_acc,
          sem, si0, si1, si2):
        cid = lax.axis_index("c")
        sid = lax.axis_index("s")
        wid = sid * 2 + cid

        def zero_body(i, _):
            r = i // 8
            kk = i % 8
            rows_v[r, pl.ds(kk * 16, 16)] = jnp.zeros((16,), jnp.float32)
            return 0

        lax.fori_loop(0, _C * 8, zero_body, 0)
        for j in range(rows_per_tile // zrows):
            pltpu.sync_copy(
                rows_v,
                p_acc.at[pl.ds(sid * rows_per_tile + j * zrows, zrows)],
            )
        plsc.subcore_barrier()

        lo = wid * nchunk // _NW
        hi = (wid + 1) * nchunk // _NW

        def chunk(i, _):
            base = i * _C
            pltpu.async_copy(ei_hbm.at[0, pl.ds(base, _C)], row_v, si0)
            pltpu.async_copy(ei_hbm.at[1, pl.ds(base, _C)], col_v, si1)
            pltpu.async_copy(ew_hbm.at[pl.ds(base, _C)], ew_v, si2)
            pltpu.make_async_copy(ei_hbm.at[0, pl.ds(base, _C)], row_v, si0).wait()
            g = pltpu.async_copy(xs_hbm.at[row_v], rows_v, sem)
            pltpu.make_async_copy(ei_hbm.at[1, pl.ds(base, _C)], col_v, si1).wait()
            pltpu.make_async_copy(ew_hbm.at[pl.ds(base, _C)], ew_v, si2).wait()
            g.wait()

            def scale(g, _):
                ew16 = ew_v[pl.ds(g * 16, 16)]
                for j in range(16):
                    w = ew16[j]
                    ee = g * 16 + j
                    for kk in range(8):
                        sl = rows_v[ee, pl.ds(kk * 16, 16)]
                        rows_v[ee, pl.ds(kk * 16, 16)] = sl * w
                return 0

            lax.fori_loop(0, _C // 16, scale, 0)
            pltpu.sync_copy(rows_v, p_acc.at[col_v], add=True)
            return 0

        lax.fori_loop(lo, hi, chunk, 0)
        plsc.subcore_barrier()
        pltpu.sync_copy(
            p_acc.at[pl.ds(sid * rows_per_tile, rows_per_tile)],
            out_hbm.at[cid, pl.ds(sid * rows_per_tile, rows_per_tile)],
        )

    return k(xs, ei, ew)


def _dense(pa, pb, xs, dinv2, mz, cz, mh, ch, hw, hb, n, d):
    blk = 1000

    def body(pa_ref, pb_ref, xs_ref, dinv_ref, mz_ref, cz_ref, mh_ref, ch_ref,
             hw_ref, hb_ref, out_ref, h_ref):
        p = dinv_ref[...] * (pa_ref[...] + pb_ref[...] + xs_ref[...])
        z = jax.nn.sigmoid(
            jnp.dot(p, mz_ref[...], preferred_element_type=jnp.float32,
                    precision=lax.Precision.HIGHEST) + cz_ref[...])
        ht = jnp.tanh(
            jnp.dot(p, mh_ref[...], preferred_element_type=jnp.float32,
                    precision=lax.Precision.HIGHEST) + ch_ref[...])
        h = (1.0 - z) * ht
        h_ref[...] = h
        out_ref[...] = jnp.dot(h, hw_ref[...], preferred_element_type=jnp.float32,
                               precision=lax.Precision.HIGHEST) + hb_ref[...]

    return pl.pallas_call(
        body,
        grid=(n // blk,),
        in_specs=[
            pl.BlockSpec((blk, d), lambda i: (i, 0)),
            pl.BlockSpec((blk, d), lambda i: (i, 0)),
            pl.BlockSpec((blk, d), lambda i: (i, 0)),
            pl.BlockSpec((blk, 1), lambda i: (i, 0)),
            pl.BlockSpec((d, d), lambda i: (0, 0)),
            pl.BlockSpec((1, d), lambda i: (0, 0)),
            pl.BlockSpec((d, d), lambda i: (0, 0)),
            pl.BlockSpec((1, d), lambda i: (0, 0)),
            pl.BlockSpec((d, 1), lambda i: (0, 0)),
            pl.BlockSpec((1, 1), lambda i: (0, 0)),
        ],
        out_specs=(
            pl.BlockSpec((blk, 1), lambda i: (i, 0)),
            pl.BlockSpec((blk, d), lambda i: (i, 0)),
        ),
        out_shape=(
            jax.ShapeDtypeStruct((n, 1), jnp.float32),
            jax.ShapeDtypeStruct((n, d), jnp.float32),
        ),
    )(pa, pb, xs, dinv2, mz, cz, mh, ch, hw, hb)


def kernel(x, ei, ew, Wz, bz, Lz_w, Lz_b, Wr, br, Lr_w, Lr_b, Wh, bh, Lh_w,
           Lh_b, head_w, head_b):
    n, d = x.shape
    hid = Wz.shape[1]
    n_pad = ((n + 255) // 256) * 256

    e = ew.shape[0]
    nchunk_pad = ((e // _C) + 2 * _NW - 1) // (2 * _NW) * (2 * _NW)
    e_pad = nchunk_pad * _C
    zpad_i = jnp.zeros((e_pad - e,), jnp.int32)
    zpad_f = jnp.zeros((e_pad - e,), jnp.float32)
    pk1d = jnp.concatenate([ei[0], zpad_i]) | (
        jnp.concatenate([ei[1], zpad_i]) << 16)
    ew1d = jnp.concatenate([ew, zpad_f])

    degp = _deg_partials(pk1d, ew1d, n_pad)
    dinv2, xs = _prep(degp, x, n, n_pad, d)
    pp = _scatter_partials(xs, ei, ew, n_pad, d)

    mz = Wz @ Lz_w[:hid]
    cz = (bz @ Lz_w[:hid] + Lz_b)[None, :]
    mh = Wh @ Lh_w[:hid]
    ch = (bh @ Lh_w[:hid] + Lh_b)[None, :]

    out, h_new = _dense(pp[0, :n], pp[1, :n], xs, dinv2[:n], mz, cz, mh, ch,
                        head_w, head_b[None, :], n, d)
    return (out, h_new)

# --- scband reference (transcript-rebuilt; emitter-appended) ---
"""Pipeline reference for scband-tgru-26508538151547 (READ-ONLY COPY).

The authoritative reference and input builder live on the scoring server;
editing this copy changes nothing except your own understanding.
"""

import jax, jax.numpy as jnp
import numpy as np

N = 10000
E = 320000
D = 128
HID = 128


def gcn_conv(x, edge_index, edge_weight, W, b, num_nodes):
    # GCNConv: x' = D^{-1/2}(A+I)D^{-1/2} X W + b
    xw = x @ W
    row = edge_index[0]
    col = edge_index[1]
    loop = jnp.arange(num_nodes, dtype=row.dtype)
    row = jnp.concatenate([row, loop])
    col = jnp.concatenate([col, loop])
    ew = jnp.concatenate([edge_weight, jnp.ones((num_nodes,), dtype=x.dtype)])
    deg = jnp.zeros((num_nodes,), dtype=x.dtype).at[col].add(ew)
    dinv = jnp.where(deg > 0, 1.0 / jnp.sqrt(deg), 0.0)
    norm = dinv[row] * ew * dinv[col]
    msgs = norm[:, None] * xw[row]
    out = jnp.zeros((num_nodes, xw.shape[1]), dtype=x.dtype).at[col].add(msgs)
    return out + b


def setup_inputs(seed: int = 0) -> dict:
    key = jax.random.key(seed)
    ks = jax.random.split(key, 20)
    x = jax.random.normal(ks[0], (N, D), dtype=jnp.float32)
    ei = jax.random.randint(ks[1], (2, E), 0, N, dtype=jnp.int32)
    ew = jax.random.uniform(ks[2], (E,), dtype=jnp.float32)
    s_gcn = 1.0 / np.sqrt(D)
    s_lin = 1.0 / np.sqrt(2 * HID)
    s_head = 1.0 / np.sqrt(HID)
    params = {
        'Wz': jax.random.uniform(ks[3], (D, HID), jnp.float32, -s_gcn, s_gcn),
        'bz': jnp.zeros((HID,), jnp.float32),
        'Lz_w': jax.random.uniform(ks[4], (2 * HID, HID), jnp.float32, -s_lin, s_lin),
        'Lz_b': jax.random.uniform(ks[5], (HID,), jnp.float32, -s_lin, s_lin),
        'Wr': jax.random.uniform(ks[6], (D, HID), jnp.float32, -s_gcn, s_gcn),
        'br': jnp.zeros((HID,), jnp.float32),
        'Lr_w': jax.random.uniform(ks[7], (2 * HID, HID), jnp.float32, -s_lin, s_lin),
        'Lr_b': jax.random.uniform(ks[8], (HID,), jnp.float32, -s_lin, s_lin),
        'Wh': jax.random.uniform(ks[9], (D, HID), jnp.float32, -s_gcn, s_gcn),
        'bh': jnp.zeros((HID,), jnp.float32),
        'Lh_w': jax.random.uniform(ks[10], (2 * HID, HID), jnp.float32, -s_lin, s_lin),
        'Lh_b': jax.random.uniform(ks[11], (HID,), jnp.float32, -s_lin, s_lin),
        'head_w': jax.random.uniform(ks[12], (HID, 1), jnp.float32, -s_head, s_head),
        'head_b': jax.random.uniform(ks[13], (1,), jnp.float32, -s_head, s_head),
    }
    return {'x': x, 'ei': ei, 'ew': ew, **params}


def reference(x, ei, ew, Wz, bz, Lz_w, Lz_b, Wr, br, Lr_w, Lr_b, Wh, bh, Lh_w, Lh_b, head_w, head_b):
    n = x.shape[0]
    Hst = jnp.zeros((n, Wz.shape[1]), dtype=x.dtype)  # h=None -> zeros
    # TGCN cell (GRU with GCNConv gates)
    Z = jax.nn.sigmoid(jnp.concatenate([gcn_conv(x, ei, ew, Wz, bz, n), Hst], axis=1) @ Lz_w + Lz_b)
    R = jax.nn.sigmoid(jnp.concatenate([gcn_conv(x, ei, ew, Wr, br, n), Hst], axis=1) @ Lr_w + Lr_b)
    H_tilde = jnp.tanh(jnp.concatenate([gcn_conv(x, ei, ew, Wh, bh, n), Hst * R], axis=1) @ Lh_w + Lh_b)
    H_new = Z * Hst + (1.0 - Z) * H_tilde
    out = H_new @ head_w + head_b
    return (out, H_new)

if __name__ == "__main__":
    import jax
    _d = setup_inputs()
    print(jax.jit(kernel)(*tuple(_d.values())))

</pallas_src>

<mosaic_0001>
#map = affine_map<(d0, d1) -> (0, 0)>
#map1 = affine_map<(d0, d1) -> (0)>
#map2 = affine_map<(d0, d1) -> (0, 0, 0)>
module attributes {stable_mosaic.version = 14 : i64} {
  func.func @k(%arg0: i32, %arg1: i32, %arg2: memref<10000x128xf32, #tpu.memory_space<hbm>>, %arg3: memref<2x320000xi32, #tpu.memory_space<hbm>>, %arg4: memref<320000xf32, #tpu.memory_space<hbm>>, %arg5: memref<2x10240x128xf32, #tpu.memory_space<hbm>>, %arg6: memref<128xi32, #tpu.memory_space<vmem>>, %arg7: memref<128xi32, #tpu.memory_space<vmem>>, %arg8: memref<128xf32, #tpu.memory_space<vmem>>, %arg9: memref<128x128xf32, #tpu.memory_space<vmem>>, %arg10: memref<10240x128xf32, #tpu.memory_space<vmem_shared>>, %arg11: memref<!tpu.dma_semaphore, #tpu.memory_space<semaphore_mem>>, %arg12: memref<!tpu.dma_semaphore, #tpu.memory_space<semaphore_mem>>, %arg13: memref<!tpu.dma_semaphore, #tpu.memory_space<semaphore_mem>>, %arg14: memref<!tpu.dma_semaphore, #tpu.memory_space<semaphore_mem>>) attributes {dimension_semantics = [#tpu.dimension_semantics<core_parallel>, #tpu.dimension_semantics<subcore_parallel>], iteration_bounds = array<i64: 2, 16>, scalar_prefetch = 0 : i64, scratch_operands = 9 : i64, tpu.core_type = #tpu.core_type<sc_vector_subcore>, window_params = [{transform_indices = #map}, {transform_indices = #map}, {transform_indices = #map1}, {transform_indices = #map2}]} {
    %mul3A = arith.constant 2 : i32
    %mul3A_0 = arith.muli %arg1, %mul3A : i32
    %add3A = arith.addi %mul3A_0, %arg0 : i32
    %scan3A = arith.constant 0 : i32
    %scan3A_1 = arith.constant 0 : i32
    %scan3A_2 = arith.constant 1024 : i32
    %scan3A_3 = arith.addi %scan3A_1, %scan3A_2 : i32
    %scan3A_4 = arith.constant 1 : i32
    %scan3A_5 = scf.for %scan3A_88 = %scan3A_1 to %scan3A_3 step %scan3A_4 iter_args(%scan3A_89 = %scan3A) -> (i32)  : i32 {
      %jit3A_90 = arith.constant 8 : i32
      %div3A_91 = arith.divsi %scan3A_88, %jit3A_90 : i32
      %sign3A_92 = arith.constant 0 : i32
      %sign3A_93 = arith.cmpi sgt, %scan3A_88, %sign3A_92 : i32
      %sign3A_94 = arith.extui %sign3A_93 : i1 to i32
      %sign3A_95 = arith.constant 0 : i32
      %sign3A_96 = arith.cmpi slt, %scan3A_88, %sign3A_95 : i32
      %sign3A_97 = arith.extui %sign3A_96 : i1 to i32
      %sign3A_98 = arith.subi %sign3A_94, %sign3A_97 : i32
      %sign3A_99 = arith.constant 0 : i32
      %sign3A_100 = arith.cmpi sgt, %jit3A_90, %sign3A_99 : i32
      %sign3A_101 = arith.extui %sign3A_100 : i1 to i32
      %sign3A_102 = arith.constant 0 : i32
      %sign3A_103 = arith.cmpi slt, %jit3A_90, %sign3A_102 : i32
      %sign3A_104 = arith.extui %sign3A_103 : i1 to i32
      %sign3A_105 = arith.subi %sign3A_101, %sign3A_104 : i32
      %ne3A_106 = arith.cmpi ne, %sign3A_98, %sign3A_105 : i32
      %rem3A_107 = arith.remsi %scan3A_88, %jit3A_90 : i32
      %ne3A_108 = arith.constant 0 : i32
      %ne3A_109 = arith.cmpi ne, %rem3A_107, %ne3A_108 : i32
      %and3A_110 = arith.andi %ne3A_106, %ne3A_109 : i1
      %sub3A_111 = arith.constant 1 : i32
      %sub3A_112 = arith.subi %div3A_91, %sub3A_111 : i32
      %select_n3A_113 = arith.select %and3A_110, %sub3A_112, %div3A_91 : i32
      %jit3A_114 = arith.constant 8 : i32
      %eq3A = arith.constant 0 : i32
      %eq3A_115 = arith.cmpi eq, %jit3A_114, %eq3A : i32
      %jit3A_116 = arith.constant 1 : i32
      %select_n3A_117 = arith.select %eq3A_115, %jit3A_116, %jit3A_114 : i32
      %rem3A_118 = arith.remsi %scan3A_88, %select_n3A_117 : i32
      %ne3A_119 = arith.constant 0 : i32
      %ne3A_120 = arith.cmpi ne, %rem3A_118, %ne3A_119 : i32
      %lt3A = arith.constant 0 : i32
      %lt3A_121 = arith.cmpi slt, %rem3A_118, %lt3A : i32
      %lt3A_122 = arith.constant 0 : i32
      %lt3A_123 = arith.cmpi slt, %select_n3A_117, %lt3A_122 : i32
      %ne3A_124 = arith.xori %lt3A_121, %lt3A_123 : i1
      %and3A_125 = arith.andi %ne3A_124, %ne3A_120 : i1
      %add3A_126 = arith.addi %rem3A_118, %select_n3A_117 : i32
      %select_n3A_127 = arith.select %and3A_125, %add3A_126, %rem3A_118 : i32
      %broadcast_in_dim3A = arith.constant 0.000000e+00 : f32
      %broadcast_in_dim3A_128 = vector.broadcast %broadcast_in_dim3A : f32 to vector<16xf32>
      %mul3A_129 = arith.constant 16 : i32
      %mul3A_130 = arith.muli %select_n3A_127, %mul3A_129 : i32
      %swap3A = arith.index_cast %select_n3A_113 : i32 to index
      %swap3A_131 = arith.index_cast %mul3A_130 : i32 to index
      %swap3A_132 = tpu.vector_load %arg9[%swap3A, %swap3A_131] {strides = array<i32>} : memref<128x128xf32, #tpu.memory_space<vmem>>, vector<1x16xf32>,
      %swap3A_133 = vector.shape_cast %swap3A_132 : vector<1x16xf32> to vector<16xf32>
      %swap3A_134 = vector.shape_cast %broadcast_in_dim3A_128 : vector<16xf32> to vector<1x16xf32>
      tpu.vector_store %arg9[%swap3A, %swap3A_131], %swap3A_134 {strides = array<i32>} : memref<128x128xf32, #tpu.memory_space<vmem>>, vector<1x16xf32>,
      %scan3A_135 = arith.constant 0 : i32
      scf.yield %scan3A_135 : i32
    }
    %scan3A_6 = arith.constant 1024 : i32
    %mul3A_7 = arith.constant 640 : i32
    %mul3A_8 = arith.muli %arg1, %mul3A_7 : i32
    %add3A_9 = arith.constant 0 : i32
    %add3A_10 = arith.addi %mul3A_8, %add3A_9 : i32
    "tpu.region"() ({
      %run_scoped3A = tpu.sem_alloc : memref<!tpu.dma_semaphore, #tpu.memory_space<semaphore_mem>>
      %dma_start3A = arith.constant 0 : i32
      %dma_start3A_88 = tpu.memref_slice %arg10[%add3A_10, %dma_start3A] : memref<10240x128xf32, #tpu.memory_space<vmem_shared>> -> memref<128x128xf32, #tpu.memory_space<vmem_shared>>
      %dma_start3A_89 = arith.constant 0 : i32
      %dma_start3A_90 = tpu.memref_slice %arg10[%add3A_10, %dma_start3A_89] : memref<10240x128xf32, #tpu.memory_space<vmem_shared>> -> memref<128x128xf32, #tpu.memory_space<vmem_shared>>
      tpu.enqueue_dma source(%arg9 : memref<128x128xf32, #tpu.memory_space<vmem>>) target(%dma_start3A_90 : memref<128x128xf32, #tpu.memory_space<vmem_shared>>) target_semaphore(%run_scoped3A : memref<!tpu.dma_semaphore, #tpu.memory_space<semaphore_mem>>)
      %dma_wait3A = arith.constant 0 : i32
      %dma_wait3A_91 = tpu.memref_slice %arg10[%add3A_10, %dma_wait3A] : memref<10240x128xf32, #tpu.memory_space<vmem_shared>> -> memref<128x128xf32, #tpu.memory_space<vmem_shared>>
      %dma_wait3A_92 = arith.constant 0 : i32
      %dma_wait3A_93 = tpu.memref_slice %arg10[%add3A_10, %dma_wait3A_92] : memref<10240x128xf32, #tpu.memory_space<vmem_shared>> -> memref<128x128xf32, #tpu.memory_space<vmem_shared>>
      tpu.wait_dma2 semaphore(%run_scoped3A : memref<!tpu.dma_semaphore, #tpu.memory_space<semaphore_mem>>) src(%arg9 : memref<128x128xf32, #tpu.memory_space<vmem>>) dst(%dma_wait3A_93 : memref<128x128xf32, #tpu.memory_space<vmem_shared>>)
      tpu.yield
    }) : () -> ()
    %mul3A_11 = arith.constant 640 : i32
    %mul3A_12 = arith.muli %arg1, %mul3A_11 : i32
    %add3A_13 = arith.constant 128 : i32
    %add3A_14 = arith.addi %mul3A_12, %add3A_13 : i32
    "tpu.region"() ({
      %run_scoped3A = tpu.sem_alloc : memref<!tpu.dma_semaphore, #tpu.memory_space<semaphore_mem>>
      %dma_start3A = arith.constant 0 : i32
      %dma_start3A_88 = tpu.memref_slice %arg10[%add3A_14, %dma_start3A] : memref<10240x128xf32, #tpu.memory_space<vmem_shared>> -> memref<128x128xf32, #tpu.memory_space<vmem_shared>>
      %dma_start3A_89 = arith.constant 0 : i32
      %dma_start3A_90 = tpu.memref_slice %arg10[%add3A_14, %dma_start3A_89] : memref<10240x128xf32, #tpu.memory_space<vmem_shared>> -> memref<128x128xf32, #tpu.memory_space<vmem_shared>>
      tpu.enqueue_dma source(%arg9 : memref<128x128xf32, #tpu.memory_space<vmem>>) target(%dma_start3A_90 : memref<128x128xf32, #tpu.memory_space<vmem_shared>>) target_semaphore(%run_scoped3A : memref<!tpu.dma_semaphore, #tpu.memory_space<semaphore_mem>>)
      %dma_wait3A = arith.constant 0 : i32
      %dma_wait3A_91 = tpu.memref_slice %arg10[%add3A_14, %dma_wait3A] : memref<10240x128xf32, #tpu.memory_space<vmem_shared>> -> memref<128x128xf32, #tpu.memory_space<vmem_shared>>
      %dma_wait3A_92 = arith.constant 0 : i32
      %dma_wait3A_93 = tpu.memref_slice %arg10[%add3A_14, %dma_wait3A_92] : memref<10240x128xf32, #tpu.memory_space<vmem_shared>> -> memref<128x128xf32, #tpu.memory_space<vmem_shared>>
      tpu.wait_dma2 semaphore(%run_scoped3A : memref<!tpu.dma_semaphore, #tpu.memory_space<semaphore_mem>>) src(%arg9 : memref<128x128xf32, #tpu.memory_space<vmem>>) dst(%dma_wait3A_93 : memref<128x128xf32, #tpu.memory_space<vmem_shared>>)
      tpu.yield
    }) : () -> ()
    %mul3A_15 = arith.constant 640 : i32
    %mul3A_16 = arith.muli %arg1, %mul3A_15 : i32
    %add3A_17 = arith.constant 256 : i32
    %add3A_18 = arith.addi %mul3A_16, %add3A_17 : i32
    "tpu.region"() ({
      %run_scoped3A = tpu.sem_alloc : memref<!tpu.dma_semaphore, #tpu.memory_space<semaphore_mem>>
      %dma_start3A = arith.constant 0 : i32
      %dma_start3A_88 = tpu.memref_slice %arg10[%add3A_18, %dma_start3A] : memref<10240x128xf32, #tpu.memory_space<vmem_shared>> -> memref<128x128xf32, #tpu.memory_space<vmem_shared>>
      %dma_start3A_89 = arith.constant 0 : i32
      %dma_start3A_90 = tpu.memref_slice %arg10[%add3A_18, %dma_start3A_89] : memref<10240x128xf32, #tpu.memory_space<vmem_shared>> -> memref<128x128xf32, #tpu.memory_space<vmem_shared>>
      tpu.enqueue_dma source(%arg9 : memref<128x128xf32, #tpu.memory_space<vmem>>) target(%dma_start3A_90 : memref<128x128xf32, #tpu.memory_space<vmem_shared>>) target_semaphore(%run_scoped3A : memref<!tpu.dma_semaphore, #tpu.memory_space<semaphore_mem>>)
      %dma_wait3A = arith.constant 0 : i32
      %dma_wait3A_91 = tpu.memref_slice %arg10[%add3A_18, %dma_wait3A] : memref<10240x128xf32, #tpu.memory_space<vmem_shared>> -> memref<128x128xf32, #tpu.memory_space<vmem_shared>>
      %dma_wait3A_92 = arith.constant 0 : i32
      %dma_wait3A_93 = tpu.memref_slice %arg10[%add3A_18, %dma_wait3A_92] : memref<10240x128xf32, #tpu.memory_space<vmem_shared>> -> memref<128x128xf32, #tpu.memory_space<vmem_shared>>
      tpu.wait_dma2 semaphore(%run_scoped3A : memref<!tpu.dma_semaphore, #tpu.memory_space<semaphore_mem>>) src(%arg9 : memref<128x128xf32, #tpu.memory_space<vmem>>) dst(%dma_wait3A_93 : memref<128x128xf32, #tpu.memory_space<vmem_shared>>)
      tpu.yield
    }) : () -> ()
    %mul3A_19 = arith.constant 640 : i32
    %mul3A_20 = arith.muli %arg1, %mul3A_19 : i32
    %add3A_21 = arith.constant 384 : i32
    %add3A_22 = arith.addi %mul3A_20, %add3A_21 : i32
    "tpu.region"() ({
      %run_scoped3A = tpu.sem_alloc : memref<!tpu.dma_semaphore, #tpu.memory_space<semaphore_mem>>
      %dma_start3A = arith.constant 0 : i32
      %dma_start3A_88 = tpu.memref_slice %arg10[%add3A_22, %dma_start3A] : memref<10240x128xf32, #tpu.memory_space<vmem_shared>> -> memref<128x128xf32, #tpu.memory_space<vmem_shared>>
      %dma_start3A_89 = arith.constant 0 : i32
      %dma_start3A_90 = tpu.memref_slice %arg10[%add3A_22, %dma_start3A_89] : memref<10240x128xf32, #tpu.memory_space<vmem_shared>> -> memref<128x128xf32, #tpu.memory_space<vmem_shared>>
      tpu.enqueue_dma source(%arg9 : memref<128x128xf32, #tpu.memory_space<vmem>>) target(%dma_start3A_90 : memref<128x128xf32, #tpu.memory_space<vmem_shared>>) target_semaphore(%run_scoped3A : memref<!tpu.dma_semaphore, #tpu.memory_space<semaphore_mem>>)
      %dma_wait3A = arith.constant 0 : i32
      %dma_wait3A_91 = tpu.memref_slice %arg10[%add3A_22, %dma_wait3A] : memref<10240x128xf32, #tpu.memory_space<vmem_shared>> -> memref<128x128xf32, #tpu.memory_space<vmem_shared>>
      %dma_wait3A_92 = arith.constant 0 : i32
      %dma_wait3A_93 = tpu.memref_slice %arg10[%add3A_22, %dma_wait3A_92] : memref<10240x128xf32, #tpu.memory_space<vmem_shared>> -> memref<128x128xf32, #tpu.memory_space<vmem_shared>>
      tpu.wait_dma2 semaphore(%run_scoped3A : memref<!tpu.dma_semaphore, #tpu.memory_space<semaphore_mem>>) src(%arg9 : memref<128x128xf32, #tpu.memory_space<vmem>>) dst(%dma_wait3A_93 : memref<128x128xf32, #tpu.memory_space<vmem_shared>>)
      tpu.yield
    }) : () -> ()
    %mul3A_23 = arith.constant 640 : i32
    %mul3A_24 = arith.muli %arg1, %mul3A_23 : i32
    %add3A_25 = arith.constant 512 : i32
    %add3A_26 = arith.addi %mul3A_24, %add3A_25 : i32
    "tpu.region"() ({
      %run_scoped3A = tpu.sem_alloc : memref<!tpu.dma_semaphore, #tpu.memory_space<semaphore_mem>>
      %dma_start3A = arith.constant 0 : i32
      %dma_start3A_88 = tpu.memref_slice %arg10[%add3A_26, %dma_start3A] : memref<10240x128xf32, #tpu.memory_space<vmem_shared>> -> memref<128x128xf32, #tpu.memory_space<vmem_shared>>
      %dma_start3A_89 = arith.constant 0 : i32
      %dma_start3A_90 = tpu.memref_slice %arg10[%add3A_26, %dma_start3A_89] : memref<10240x128xf32, #tpu.memory_space<vmem_shared>> -> memref<128x128xf32, #tpu.memory_space<vmem_shared>>
      tpu.enqueue_dma source(%arg9 : memref<128x128xf32, #tpu.memory_space<vmem>>) target(%dma_start3A_90 : memref<128x128xf32, #tpu.memory_space<vmem_shared>>) target_semaphore(%run_scoped3A : memref<!tpu.dma_semaphore, #tpu.memory_space<semaphore_mem>>)
      %dma_wait3A = arith.constant 0 : i32
      %dma_wait3A_91 = tpu.memref_slice %arg10[%add3A_26, %dma_wait3A] : memref<10240x128xf32, #tpu.memory_space<vmem_shared>> -> memref<128x128xf32, #tpu.memory_space<vmem_shared>>
      %dma_wait3A_92 = arith.constant 0 : i32
      %dma_wait3A_93 = tpu.memref_slice %arg10[%add3A_26, %dma_wait3A_92] : memref<10240x128xf32, #tpu.memory_space<vmem_shared>> -> memref<128x128xf32, #tpu.memory_space<vmem_shared>>
      tpu.wait_dma2 semaphore(%run_scoped3A : memref<!tpu.dma_semaphore, #tpu.memory_space<semaphore_mem>>) src(%arg9 : memref<128x128xf32, #tpu.memory_space<vmem>>) dst(%dma_wait3A_93 : memref<128x128xf32, #tpu.memory_space<vmem_shared>>)
      tpu.yield
    }) : () -> ()
    %barrier3A = arith.constant 0 : index
    tpu.barrier barrier_id(%barrier3A)
    %mul3A_27 = arith.constant 2500 : i32
    %mul3A_28 = arith.muli %add3A, %mul3A_27 : i32
    %jit3A = arith.constant 32 : i32
    %div3A = arith.divsi %mul3A_28, %jit3A : i32
    %sign3A = arith.constant 0 : i32
    %sign3A_29 = arith.cmpi sgt, %mul3A_28, %sign3A : i32
    %sign3A_30 = arith.extui %sign3A_29 : i1 to i32
    %sign3A_31 = arith.constant 0 : i32
    %sign3A_32 = arith.cmpi slt, %mul3A_28, %sign3A_31 : i32
    %sign3A_33 = arith.extui %sign3A_32 : i1 to i32
    %sign3A_34 = arith.subi %sign3A_30, %sign3A_33 : i32
    %sign3A_35 = arith.constant 0 : i32
    %sign3A_36 = arith.cmpi sgt, %jit3A, %sign3A_35 : i32
    %sign3A_37 = arith.extui %sign3A_36 : i1 to i32
    %sign3A_38 = arith.constant 0 : i32
    %sign3A_39 = arith.cmpi slt, %jit3A, %sign3A_38 : i32
    %sign3A_40 = arith.extui %sign3A_39 : i1 to i32
    %sign3A_41 = arith.subi %sign3A_37, %sign3A_40 : i32
    %ne3A = arith.cmpi ne, %sign3A_34, %sign3A_41 : i32
    %rem3A = arith.remsi %mul3A_28, %jit3A : i32
    %ne3A_42 = arith.constant 0 : i32
    %ne3A_43 = arith.cmpi ne, %rem3A, %ne3A_42 : i32
    %and3A = arith.andi %ne3A, %ne3A_43 : i1
    %sub3A = arith.constant 1 : i32
    %sub3A_44 = arith.subi %div3A, %sub3A : i32
    %select_n3A = arith.select %and3A, %sub3A_44, %div3A : i32
    %add3A_45 = arith.constant 1 : i32
    %add3A_46 = arith.addi %add3A, %add3A_45 : i32
    %mul3A_47 = arith.constant 2500 : i32
    %mul3A_48 = arith.muli %add3A_46, %mul3A_47 : i32
    %jit3A_49 = arith.constant 32 : i32
    %div3A_50 = arith.divsi %mul3A_48, %jit3A_49 : i32
    %sign3A_51 = arith.constant 0 : i32
    %sign3A_52 = arith.cmpi sgt, %mul3A_48, %sign3A_51 : i32
    %sign3A_53 = arith.extui %sign3A_52 : i1 to i32
    %sign3A_54 = arith.constant 0 : i32
    %sign3A_55 = arith.cmpi slt, %mul3A_48, %sign3A_54 : i32
    %sign3A_56 = arith.extui %sign3A_55 : i1 to i32
    %sign3A_57 = arith.subi %sign3A_53, %sign3A_56 : i32
    %sign3A_58 = arith.constant 0 : i32
    %sign3A_59 = arith.cmpi sgt, %jit3A_49, %sign3A_58 : i32
    %sign3A_60 = arith.extui %sign3A_59 : i1 to i32
    %sign3A_61 = arith.constant 0 : i32
    %sign3A_62 = arith.cmpi slt, %jit3A_49, %sign3A_61 : i32
    %sign3A_63 = arith.extui %sign3A_62 : i1 to i32
    %sign3A_64 = arith.subi %sign3A_60, %sign3A_63 : i32
    %ne3A_65 = arith.cmpi ne, %sign3A_57, %sign3A_64 : i32
    %rem3A_66 = arith.remsi %mul3A_48, %jit3A_49 : i32
    %ne3A_67 = arith.constant 0 : i32
    %ne3A_68 = arith.cmpi ne, %rem3A_66, %ne3A_67 : i32
    %and3A_69 = arith.andi %ne3A_65, %ne3A_68 : i1
    %sub3A_70 = arith.constant 1 : i32
    %sub3A_71 = arith.subi %div3A_50, %sub3A_70 : i32
    %select_n3A_72 = arith.select %and3A_69, %sub3A_71, %div3A_50 : i32
    %while3A = arith.constant 0 : i32
    %while3A_73 = arith.subi %select_n3A_72, %select_n3A : i32
    %while3A_74 = arith.addi %select_n3A, %while3A_73 : i32
    %while3A_75 = arith.constant 1 : i32
    %while3A_76 = arith.divsi %while3A_73, %while3A_75 : i32
    %while3A_77 = arith.muli %while3A_76, %while3A_75 : i32
    %while3A_78 = arith.addi %select_n3A, %while3A_77 : i32
    %while3A_79 = arith.constant 1 : i32
    %while3A_80 = scf.for %while3A_88 = %select_n3A to %while3A_78 step %while3A_79 iter_args(%while3A_89 = %while3A) -> (i32)  : i32 {
      %mul3A_90 = arith.constant 128 : i32
      %mul3A_91 = arith.muli %while3A_88, %mul3A_90 : i32
      %dma_start3A = arith.constant 0 : i32
      %dma_start3A_92 = tpu.memref_slice %arg3[%dma_start3A, %mul3A_91] : memref<2x320000xi32, #tpu.memory_space<hbm>> -> memref<1x128xi32, #tpu.memory_space<hbm>>
      %dma_start3A_93 = tpu.memref_squeeze %dma_start3A_92 : memref<1x128xi32, #tpu.memory_space<hbm>> -> memref<128xi32, #tpu.memory_space<hbm>>
      %dma_start3A_94 = tpu.memref_slice %arg3[%dma_start3A, %mul3A_91] : memref<2x320000xi32, #tpu.memory_space<hbm>> -> memref<1x128xi32, #tpu.memory_space<hbm>>
      %dma_start3A_95 = tpu.memref_squeeze %dma_start3A_94 : memref<1x128xi32, #tpu.memory_space<hbm>> -> memref<128xi32, #tpu.memory_space<hbm>>
      tpu.enqueue_dma source(%dma_start3A_95 : memref<128xi32, #tpu.memory_space<hbm>>) target(%arg6 : memref<128xi32, #tpu.memory_space<vmem>>) target_semaphore(%arg12 : memref<!tpu.dma_semaphore, #tpu.memory_space<semaphore_mem>>)
      %dma_start3A_96 = arith.constant 1 : i32
      %dma_start3A_97 = tpu.memref_slice %arg3[%dma_start3A_96, %mul3A_91] : memref<2x320000xi32, #tpu.memory_space<hbm>> -> memref<1x128xi32, #tpu.memory_space<hbm>>
      %dma_start3A_98 = tpu.memref_squeeze %dma_start3A_97 : memref<1x128xi32, #tpu.memory_space<hbm>> -> memref<128xi32, #tpu.memory_space<hbm>>
      %dma_start3A_99 = tpu.memref_slice %arg3[%dma_start3A_96, %mul3A_91] : memref<2x320000xi32, #tpu.memory_space<hbm>> -> memref<1x128xi32, #tpu.memory_space<hbm>>
      %dma_start3A_100 = tpu.memref_squeeze %dma_start3A_99 : memref<1x128xi32, #tpu.memory_space<hbm>> -> memref<128xi32, #tpu.memory_space<hbm>>
      tpu.enqueue_dma source(%dma_start3A_100 : memref<128xi32, #tpu.memory_space<hbm>>) target(%arg7 : memref<128xi32, #tpu.memory_space<vmem>>) target_semaphore(%arg13 : memref<!tpu.dma_semaphore, #tpu.memory_space<semaphore_mem>>)
      %dma_start3A_101 = tpu.memref_slice %arg4[%mul3A_91] : memref<320000xf32, #tpu.memory_space<hbm>> -> memref<128xf32, #tpu.memory_space<hbm>>
      %dma_start3A_102 = tpu.memref_slice %arg4[%mul3A_91] : memref<320000xf32, #tpu.memory_space<hbm>> -> memref<128xf32, #tpu.memory_space<hbm>>
      tpu.enqueue_dma source(%dma_start3A_102 : memref<128xf32, #tpu.memory_space<hbm>>) target(%arg8 : memref<128xf32, #tpu.memory_space<vmem>>) target_semaphore(%arg14 : memref<!tpu.dma_semaphore, #tpu.memory_space<semaphore_mem>>)
      %dma_wait3A = arith.constant 0 : i32
      %dma_wait3A_103 = tpu.memref_slice %arg3[%dma_wait3A, %mul3A_91] : memref<2x320000xi32, #tpu.memory_space<hbm>> -> memref<1x128xi32, #tpu.memory_space<hbm>>
      %dma_wait3A_104 = tpu.memref_squeeze %dma_wait3A_103 : memref<1x128xi32, #tpu.memory_space<hbm>> -> memref<128xi32, #tpu.memory_space<hbm>>
      %dma_wait3A_105 = tpu.memref_slice %arg3[%dma_wait3A, %mul3A_91] : memref<2x320000xi32, #tpu.memory_space<hbm>> -> memref<1x128xi32, #tpu.memory_space<hbm>>
      %dma_wait3A_106 = tpu.memref_squeeze %dma_wait3A_105 : memref<1x128xi32, #tpu.memory_space<hbm>> -> memref<128xi32, #tpu.memory_space<hbm>>
      tpu.wait_dma2 semaphore(%arg12 : memref<!tpu.dma_semaphore, #tpu.memory_space<semaphore_mem>>) src(%dma_wait3A_106 : memref<128xi32, #tpu.memory_space<hbm>>) dst(%arg6 : memref<128xi32, #tpu.memory_space<vmem>>)
      %dma_start3A_107 = arith.constant 0 : i32
      %dma_start3A_108 = arith.constant 0 : i32
      %dma_start3A_109 = tpu.memref_slice %arg2[%dma_start3A_107, %dma_start3A_108] : memref<10000x128xf32, #tpu.memory_space<hbm>> -> memref<10000x128xf32, #tpu.memory_space<hbm>>
      tpu.enqueue_indirect_dma source(%dma_start3A_109 : memref<10000x128xf32, #tpu.memory_space<hbm>>) target(%arg9 : memref<128x128xf32, #tpu.memory_space<vmem>>) offsets(%arg6 : memref<128xi32, #tpu.memory_space<vmem>>) semaphore(%arg11 : memref<!tpu.dma_semaphore, #tpu.memory_space<semaphore_mem>>)
      %dma_wait3A_110 = arith.constant 1 : i32
      %dma_wait3A_111 = tpu.memref_slice %arg3[%dma_wait3A_110, %mul3A_91] : memref<2x320000xi32, #tpu.memory_space<hbm>> -> memref<1x128xi32, #tpu.memory_space<hbm>>
      %dma_wait3A_112 = tpu.memref_squeeze %dma_wait3A_111 : memref<1x128xi32, #tpu.memory_space<hbm>> -> memref<128xi32, #tpu.memory_space<hbm>>
      %dma_wait3A_113 = tpu.memref_slice %arg3[%dma_wait3A_110, %mul3A_91] : memref<2x320000xi32, #tpu.memory_space<hbm>> -> memref<1x128xi32, #tpu.memory_space<hbm>>
      %dma_wait3A_114 = tpu.memref_squeeze %dma_wait3A_113 : memref<1x128xi32, #tpu.memory_space<hbm>> -> memref<128xi32, #tpu.memory_space<hbm>>
      tpu.wait_dma2 semaphore(%arg13 : memref<!tpu.dma_semaphore, #tpu.memory_space<semaphore_mem>>) src(%dma_wait3A_114 : memref<128xi32, #tpu.memory_space<hbm>>) dst(%arg7 : memref<128xi32, #tpu.memory_space<vmem>>)
      %dma_wait3A_115 = tpu.memref_slice %arg4[%mul3A_91] : memref<320000xf32, #tpu.memory_space<hbm>> -> memref<128xf32, #tpu.memory_space<hbm>>
      %dma_wait3A_116 = tpu.memref_slice %arg4[%mul3A_91] : memref<320000xf32, #tpu.memory_space<hbm>> -> memref<128xf32, #tpu.memory_space<hbm>>
      tpu.wait_dma2 semaphore(%arg14 : memref<!tpu.dma_semaphore, #tpu.memory_space<semaphore_mem>>) src(%dma_wait3A_116 : memref<128xf32, #tpu.memory_space<hbm>>) dst(%arg8 : memref<128xf32, #tpu.memory_space<vmem>>)
      %dma_wait3A_117 = arith.constant 0 : i32
      %dma_wait3A_118 = arith.constant 0 : i32
      %dma_wait3A_119 = tpu.memref_slice %arg2[%dma_wait3A_117, %dma_wait3A_118] : memref<10000x128xf32, #tpu.memory_space<hbm>> -> memref<10000x128xf32, #tpu.memory_space<hbm>>
      tpu.wait_indirect_dma semaphore(%arg11 : memref<!tpu.dma_semaphore, #tpu.memory_space<semaphore_mem>>) src(%dma_wait3A_119 : memref<10000x128xf32, #tpu.memory_space<hbm>>) dst(%arg9 : memref<128x128xf32, #tpu.memory_space<vmem>>)
      %scan3A_120 = arith.constant 0 : i32
      %scan3A_121 = arith.constant 0 : i32
      %scan3A_122 = arith.constant 8 : i32
      %scan3A_123 = arith.addi %scan3A_121, %scan3A_122 : i32
      %scan3A_124 = arith.constant 1 : i32
      %scan3A_125 = scf.for %scan3A_128 = %scan3A_121 to %scan3A_123 step %scan3A_124 iter_args(%scan3A_129 = %scan3A_120) -> (i32)  : i32 {
        %mul3A_130 = arith.constant 16 : i32
        %mul3A_131 = arith.muli %scan3A_128, %mul3A_130 : i32
        %get3A = arith.index_cast %mul3A_131 : i32 to index
        %get3A_132 = tpu.vector_load %arg8[%get3A] {strides = array<i32>} : memref<128xf32, #tpu.memory_space<vmem>>, vector<16xf32>,
        %get3A_133 = vector.shape_cast %get3A_132 : vector<16xf32> to vector<16xf32>
        %slice3A = vector.extract_strided_slice %get3A_133 {offsets = [0], sizes = [1], strides = [1]} : vector<16xf32> to vector<1xf32>
        %squeeze3A = vector.extract %slice3A[0] : f32 from vector<1xf32>
        %mul3A_134 = arith.constant 16 : i32
        %mul3A_135 = arith.muli %scan3A_128, %mul3A_134 : i32
        %add3A_136 = arith.constant 0 : i32
        %add3A_137 = arith.addi %mul3A_135, %add3A_136 : i32
        %get3A_138 = arith.index_cast %add3A_137 : i32 to index
        %get3A_139 = arith.constant 0 : index
        %get3A_140 = tpu.vector_load %arg9[%get3A_138, %get3A_139] {strides = array<i32>} : memref<128x128xf32, #tpu.memory_space<vmem>>, vector<1x16xf32>,
        %get3A_141 = vector.shape_cast %get3A_140 : vector<1x16xf32> to vector<16xf32>
        %mul3A_142 = vector.broadcast %squeeze3A : f32 to vector<16xf32>
        %mul3A_143 = arith.mulf %get3A_141, %mul3A_142 : vector<16xf32>
        %swap3A = arith.index_cast %add3A_137 : i32 to index
        %swap3A_144 = arith.constant 0 : index
        %swap3A_145 = tpu.vector_load %arg9[%swap3A, %swap3A_144] {strides = array<i32>} : memref<128x128xf32, #tpu.memory_space<vmem>>, vector<1x16xf32>,
        %swap3A_146 = vector.shape_cast %swap3A_145 : vector<1x16xf32> to vector<16xf32>
        %swap3A_147 = vector.shape_cast %mul3A_143 : vector<16xf32> to vector<1x16xf32>
        tpu.vector_store %arg9[%swap3A, %swap3A_144], %swap3A_147 {strides = array<i32>} : memref<128x128xf32, #tpu.memory_space<vmem>>, vector<1x16xf32>,
        %get3A_148 = arith.index_cast %add3A_137 : i32 to index
        %get3A_149 = arith.constant 16 : index
        %get3A_150 = tpu.vector_load %arg9[%get3A_148, %get3A_149] {strides = array<i32>} : memref<128x128xf32, #tpu.memory_space<vmem>>, vector<1x16xf32>,
        %get3A_151 = vector.shape_cast %get3A_150 : vector<1x16xf32> to vector<16xf32>
        %mul3A_152 = vector.broadcast %squeeze3A : f32 to vector<16xf32>
        %mul3A_153 = arith.mulf %get3A_151, %mul3A_152 : vector<16xf32>
        %swap3A_154 = arith.index_cast %add3A_137 : i32 to index
        %swap3A_155 = arith.constant 16 : index
        %swap3A_156 = tpu.vector_load %arg9[%swap3A_154, %swap3A_155] {strides = array<i32>} : memref<128x128xf32, #tpu.memory_space<vmem>>, vector<1x16xf32>,
        %swap3A_157 = vector.shape_cast %swap3A_156 : vector<1x16xf32> to vector<16xf32>
        %swap3A_158 = vector.shape_cast %mul3A_153 : vector<16xf32> to vector<1x16xf32>
        tpu.vector_store %arg9[%swap3A_154, %swap3A_155], %swap3A_158 {strides = array<i32>} : memref<128x128xf32, #tpu.memory_space<vmem>>, vector<1x16xf32>,
        %get3A_159 = arith.index_cast %add3A_137 : i32 to index
        %get3A_160 = arith.constant 32 : index
        %get3A_161 = tpu.vector_load %arg9[%get3A_159, %get3A_160] {strides = array<i32>} : memref<128x128xf32, #tpu.memory_space<vmem>>, vector<1x16xf32>,
        %get3A_162 = vector.shape_cast %get3A_161 : vector<1x16xf32> to vector<16xf32>
        %mul3A_163 = vector.broadcast %squeeze3A : f32 to vector<16xf32>
        %mul3A_164 = arith.mulf %get3A_162, %mul3A_163 : vector<16xf32>
        %swap3A_165 = arith.index_cast %add3A_137 : i32 to index
        %swap3A_166 = arith.constant 32 : index
        %swap3A_167 = tpu.vector_load %arg9[%swap3A_165, %swap3A_166] {strides = array<i32>} : memref<128x128xf32, #tpu.memory_space<vmem>>, vector<1x16xf32>,
        %swap3A_168 = vector.shape_cast %swap3A_167 : vector<1x16xf32> to vector<16xf32>
        %swap3A_169 = vector.shape_cast %mul3A_164 : vector<16xf32> to vector<1x16xf32>
        tpu.vector_store %arg9[%swap3A_165, %swap3A_166], %swap3A_169 {strides = array<i32>} : memref<128x128xf32, #tpu.memory_space<vmem>>, vector<1x16xf32>,
        %get3A_170 = arith.index_cast %add3A_137 : i32 to index
        %get3A_171 = arith.constant 48 : index
        %get3A_172 = tpu.vector_load %arg9[%get3A_170, %get3A_171] {strides = array<i32>} : memref<128x128xf32, #tpu.memory_space<vmem>>, vector<1x16xf32>,
        %get3A_173 = vector.shape_cast %get3A_172 : vector<1x16xf32> to vector<16xf32>
        %mul3A_174 = vector.broadcast %squeeze3A : f32 to vector<16xf32>
        %mul3A_175 = arith.mulf %get3A_173, %mul3A_174 : vector<16xf32>
        %swap3A_176 = arith.index_cast %add3A_137 : i32 to index
        %swap3A_177 = arith.constant 48 : index
        %swap3A_178 = tpu.vector_load %arg9[%swap3A_176, %swap3A_177] {strides = array<i32>} : memref<128x128xf32, #tpu.memory_space<vmem>>, vector<1x16xf32>,
        %swap3A_179 = vector.shape_cast %swap3A_178 : vector<1x16xf32> to vector<16xf32>
        %swap3A_180 = vector.shape_cast %mul3A_175 : vector<16xf32> to vector<1x16xf32>
        tpu.vector_store %arg9[%swap3A_176, %swap3A_177], %swap3A_180 {strides = array<i32>} : memref<128x128xf32, #tpu.memory_space<vmem>>, vector<1x16xf32>,
        %get3A_181 = arith.index_cast %add3A_137 : i32 to index
        %get3A_182 = arith.constant 64 : index
        %get3A_183 = tpu.vector_load %arg9[%get3A_181, %get3A_182] {strides = array<i32>} : memref<128x128xf32, #tpu.memory_space<vmem>>, vector<1x16xf32>,
        %get3A_184 = vector.shape_cast %get3A_183 : vector<1x16xf32> to vector<16xf32>
        %mul3A_185 = vector.broadcast %squeeze3A : f32 to vector<16xf32>
        %mul3A_186 = arith.mulf %get3A_184, %mul3A_185 : vector<16xf32>
        %swap3A_187 = arith.index_cast %add3A_137 : i32 to index
        %swap3A_188 = arith.constant 64 : index
        %swap3A_189 = tpu.vector_load %arg9[%swap3A_187, %swap3A_188] {strides = array<i32>} : memref<128x128xf32, #tpu.memory_space<vmem>>, vector<1x16xf32>,
        %swap3A_190 = vector.shape_cast %swap3A_189 : vector<1x16xf32> to vector<16xf32>
        %swap3A_191 = vector.shape_cast %mul3A_186 : vector<16xf32> to vector<1x16xf32>
        tpu.vector_store %arg9[%swap3A_187, %swap3A_188], %swap3A_191 {strides = array<i32>} : memref<128x128xf32, #tpu.memory_space<vmem>>, vector<1x16xf32>,
        %get3A_192 = arith.index_cast %add3A_137 : i32 to index
        %get3A_193 = arith.constant 80 : index
        %get3A_194 = tpu.vector_load %arg9[%get3A_192, %get3A_193] {strides = array<i32>} : memref<128x128xf32, #tpu.memory_space<vmem>>, vector<1x16xf32>,
        %get3A_195 = vector.shape_cast %get3A_194 : vector<1x16xf32> to vector<16xf32>
        %mul3A_196 = vector.broadcast %squeeze3A : f32 to vector<16xf32>
        %mul3A_197 = arith.mulf %get3A_195, %mul3A_196 : vector<16xf32>
        %swap3A_198 = arith.index_cast %add3A_137 : i32 to index
        %swap3A_199 = arith.constant 80 : index
        %swap3A_200 = tpu.vector_load %arg9[%swap3A_198, %swap3A_199] {strides = array<i32>} : memref<128x128xf32, #tpu.memory_space<vmem>>, vector<1x16xf32>,
        %swap3A_201 = vector.shape_cast %swap3A_200 : vector<1x16xf32> to vector<16xf32>
        %swap3A_202 = vector.shape_cast %mul3A_197 : vector<16xf32> to vector<1x16xf32>
        tpu.vector_store %arg9[%swap3A_198, %swap3A_199], %swap3A_202 {strides = array<i32>} : memref<128x128xf32, #tpu.memory_space<vmem>>, vector<1x16xf32>,
        %get3A_203 = arith.index_cast %add3A_137 : i32 to index
        %get3A_204 = arith.constant 96 : index
        %get3A_205 = tpu.vector_load %arg9[%get3A_203, %get3A_204] {strides = array<i32>} : memref<128x128xf32, #tpu.memory_space<vmem>>, vector<1x16xf32>,
        %get3A_206 = vector.shape_cast %get3A_205 : vector<1x16xf32> to vector<16xf32>
        %mul3A_207 = vector.broadcast %squeeze3A : f32 to vector<16xf32>
        %mul3A_208 = arith.mulf %get3A_206, %mul3A_207 : vector<16xf32>
        %swap3A_209 = arith.index_cast %add3A_137 : i32 to index
        %swap3A_210 = arith.constant 96 : index
        %swap3A_211 = tpu.vector_load %arg9[%swap3A_209, %swap3A_210] {strides = array<i32>} : memref<128x128xf32, #tpu.memory_space<vmem>>, vector<1x16xf32>,
        %swap3A_212 = vector.shape_cast %swap3A_211 : vector<1x16xf32> to vector<16xf32>
        %swap3A_213 = vector.shape_cast %mul3A_208 : vector<16xf32> to vector<1x16xf32>
        tpu.vector_store %arg9[%swap3A_209, %swap3A_210], %swap3A_213 {strides = array<i32>} : memref<128x128xf32, #tpu.memory_space<vmem>>, vector<1x16xf32>,
        %get3A_214 = arith.index_cast %add3A_137 : i32 to index
        %get3A_215 = arith.constant 112 : index
        %get3A_216 = tpu.vector_load %arg9[%get3A_214, %get3A_215] {strides = array<i32>} : memref<128x128xf32, #tpu.memory_space<vmem>>, vector<1x16xf32>,
        %get3A_217 = vector.shape_cast %get3A_216 : vector<1x16xf32> to vector<16xf32>
        %mul3A_218 = vector.broadcast %squeeze3A : f32 to vector<16xf32>
        %mul3A_219 = arith.mulf %get3A_217, %mul3A_218 : vector<16xf32>
        %swap3A_220 = arith.index_cast %add3A_137 : i32 to index
        %swap3A_221 = arith.constant 112 : index
        %swap3A_222 = tpu.vector_load %arg9[%swap3A_220, %swap3A_221] {strides = array<i32>} : memref<128x128xf32, #tpu.memory_space<vmem>>, vector<1x16xf32>,
        %swap3A_223 = vector.shape_cast %swap3A_222 : vector<1x16xf32> to vector<16xf32>
        %swap3A_224 = vector.shape_cast %mul3A_219 : vector<16xf32> to vector<1x16xf32>
        tpu.vector_store %arg9[%swap3A_220, %swap3A_221], %swap3A_224 {strides = array<i32>} : memref<128x128xf32, #tpu.memory_space<vmem>>, vector<1x16xf32>,
        %slice3A_225 = vector.extract_strided_slice %get3A_133 {offsets = [1], sizes = [1], strides = [1]} : vector<16xf32> to vector<1xf32>
        %squeeze3A_226 = vector.extract %slice3A_225[0] : f32 from vector<1xf32>
        %mul3A_227 = arith.constant 16 : i32
        %mul3A_228 = arith.muli %scan3A_128, %mul3A_227 : i32
        %add3A_229 = arith.constant 1 : i32
        %add3A_230 = arith.addi %mul3A_228, %add3A_229 : i32
        %get3A_231 = arith.index_cast %add3A_230 : i32 to index
        %get3A_232 = arith.constant 0 : index
        %get3A_233 = tpu.vector_load %arg9[%get3A_231, %get3A_232] {strides = array<i32>} : memref<128x128xf32, #tpu.memory_space<vmem>>, vector<1x16xf32>,
        %get3A_234 = vector.shape_cast %get3A_233 : vector<1x16xf32> to vector<16xf32>
        %mul3A_235 = vector.broadcast %squeeze3A_226 : f32 to vector<16xf32>
        %mul3A_236 = arith.mulf %get3A_234, %mul3A_235 : vector<16xf32>
        %swap3A_237 = arith.index_cast %add3A_230 : i32 to index
        %swap3A_238 = arith.constant 0 : index
        %swap3A_239 = tpu.vector_load %arg9[%swap3A_237, %swap3A_238] {strides = array<i32>} : memref<128x128xf32, #tpu.memory_space<vmem>>, vector<1x16xf32>,
        %swap3A_240 = vector.shape_cast %swap3A_239 : vector<1x16xf32> to vector<16xf32>
        %swap3A_241 = vector.shape_cast %mul3A_236 : vector<16xf32> to vector<1x16xf32>
        tpu.vector_store %arg9[%swap3A_237, %swap3A_238], %swap3A_241 {strides = array<i32>} : memref<128x128xf32, #tpu.memory_space<vmem>>, vector<1x16xf32>,
        %get3A_242 = arith.index_cast %add3A_230 : i32 to index
        %get3A_243 = arith.constant 16 : index
        %get3A_244 = tpu.vector_load %arg9[%get3A_242, %get3A_243] {strides = array<i32>} : memref<128x128xf32, #tpu.memory_space<vmem>>, vector<1x16xf32>,
        %get3A_245 = vector.shape_cast %get3A_244 : vector<1x16xf32> to vector<16xf32>
        %mul3A_246 = vector.broadcast %squeeze3A_226 : f32 to vector<16xf32>
        %mul3A_247 = arith.mulf %get3A_245, %mul3A_246 : vector<16xf32>
        %swap3A_248 = arith.index_cast %add3A_230 : i32 to index
        %swap3A_249 = arith.constant 16 : index
        %swap3A_250 = tpu.vector_load %arg9[%swap3A_248, %swap3A_249] {strides = array<i32>} : memref<128x128xf32, #tpu.memory_space<vmem>>, vector<1x16xf32>,
        %swap3A_251 = vector.shape_cast %swap3A_250 : vector<1x16xf32> to vector<16xf32>
        %swap3A_252 = vector.shape_cast %mul3A_247 : vector<16xf32> to vector<1x16xf32>
        tpu.vector_store %arg9[%swap3A_248, %swap3A_249], %swap3A_252 {strides = array<i32>} : memref<128x128xf32, #tpu.memory_space<vmem>>, vector<1x16xf32>,
        %get3A_253 = arith.index_cast %add3A_230 : i32 to index
        %get3A_254 = arith.constant 32 : index
        %get3A_255 = tpu.vector_load %arg9[%get3A_253, %get3A_254] {strides = array<i32>} : memref<128x128xf32, #tpu.memory_space<vmem>>, vector<1x16xf32>,
        %get3A_256 = vector.shape_cast %get3A_255 : vector<1x16xf32> to vector<16xf32>
        %mul3A_257 = vector.broadcast %squeeze3A_226 : f32 to vector<16xf32>
        %mul3A_258 = arith.mulf %get3A_256, %mul3A_257 : vector<16xf32>
        %swap3A_259 = arith.index_cast %add3A_230 : i32 to index
        %swap3A_260 = arith.constant 32 : index
        %swap3A_261 = tpu.vector_load %arg9[%swap3A_259, %swap3A_260] {strides = array<i32>} : memref<128x128xf32, #tpu.memory_space<vmem>>, vector<1x16xf32>,
        %swap3A_262 = vector.shape_cast %swap3A_261 : vector<1x16xf32> to vector<16xf32>
        %swap3A_263 = vector.shape_cast %mul3A_258 : vector<16xf32> to vector<1x16xf32>
        tpu.vector_store %arg9[%swap3A_259, %swap3A_260], %swap3A_263 {strides = array<i32>} : memref<128x128xf32, #tpu.memory_space<vmem>>, vector<1x16xf32>,
        %get3A_264 = arith.index_cast %add3A_230 : i32 to index
        %get3A_265 = arith.constant 48 : index
        %get3A_266 = tpu.vector_load %arg9[%get3A_264, %get3A_265] {strides = array<i32>} : memref<128x128xf32, #tpu.memory_space<vmem>>, vector<1x16xf32>,
        %get3A_267 = vector.shape_cast %get3A_266 : vector<1x16xf32> to vector<16xf32>
        %mul3A_268 = vector.broadcast %squeeze3A_226 : f32 to vector<16xf32>
        %mul3A_269 = arith.mulf %get3A_267, %mul3A_268 : vector<16xf32>
        %swap3A_270 = arith.index_cast %add3A_230 : i32 to index
        %swap3A_271 = arith.constant 48 : index
        %swap3A_272 = tpu.vector_load %arg9[%swap3A_270, %swap3A_271] {strides = array<i32>} : memref<128x128xf32, #tpu.memory_space<vmem>>, vector<1x16xf32>,
        %swap3A_273 = vector.shape_cast %swap3A_272 : vector<1x16xf32> to vector<16xf32>
        %swap3A_274 = vector.shape_cast %mul3A_269 : vector<16xf32> to vector<1x16xf32>
        tpu.vector_store %arg9[%swap3A_270, %swap3A_271], %swap3A_274 {strides = array<i32>} : memref<128x128xf32, #tpu.memory_space<vmem>>, vector<1x16xf32>,
        %get3A_275 = arith.index_cast %add3A_230 : i32 to index
        %get3A_276 = arith.constant 64 : index
        %get3A_277 = tpu.vector_load %arg9[%get3A_275, %get3A_276] {strides = array<i32>} : memref<128x128xf32, #tpu.memory_space<vmem>>, vector<1x16xf32>,
        %get3A_278 = vector.shape_cast %get3A_277 : vector<1x16xf32> to vector<16xf32>
        %mul3A_279 = vector.broadcast %squeeze3A_226 : f32 to vector<16xf32>
        %mul3A_280 = arith.mulf %get3A_278, %mul3A_279 : vector<16xf32>
        %swap3A_281 = arith.index_cast %add3A_230 : i32 to index
        %swap3A_282 = arith.constant 64 : index
        %swap3A_283 = tpu.vector_load %arg9[%swap3A_281, %swap3A_282] {strides = array<i32>} : memref<128x128xf32, #tpu.memory_space<vmem>>, vector<1x16xf32>,
        %swap3A_284 = vector.shape_cast %swap3A_283 : vector<1x16xf32> to vector<16xf32>
        %swap3A_285 = vector.shape_cast %mul3A_280 : vector<16xf32> to vector<1x16xf32>
        tpu.vector_store %arg9[%swap3A_281, %swap3A_282], %swap3A_285 {strides = array<i32>} : memref<128x128xf32, #tpu.memory_space<vmem>>, vector<1x16xf32>,
        %get3A_286 = arith.index_cast %add3A_230 : i32 to index
        %get3A_287 = arith.constant 80 : index
        %get3A_288 = tpu.vector_load %arg9[%get3A_286, %get3A_287] {strides = array<i32>} : memref<128x128xf32, #tpu.memory_space<vmem>>, vector<1x16xf32>,
        %get3A_289 = vector.shape_cast %get3A_288 : vector<1x16xf32> to vector<16xf32>
        %mul3A_290 = vector.broadcast %squeeze3A_226 : f32 to vector<16xf32>
        %mul3A_291 = arith.mulf %get3A_289, %mul3A_290 : vector<16xf32>
        %swap3A_292 = arith.index_cast %add3A_230 : i32 to index
        %swap3A_293 = arith.constant 80 : index
        %swap3A_294 = tpu.vector_load %arg9[%swap3A_292, %swap3A_293] {strides = array<i32>} : memref<128x128xf32, #tpu.memory_space<vmem>>, vector<1x16xf32>,
        %swap3A_295 = vector.shape_cast %swap3A_294 : vector<1x16xf32> to vector<16xf32>
        %swap3A_296 = vector.shape_cast %mul3A_291 : vector<16xf32> to vector<1x16xf32>
        tpu.vector_store %arg9[%swap3A_292, %swap3A_293], %swap3A_296 {strides = array<i32>} : memref<128x128xf32, #tpu.memory_space<vmem>>, vector<1x16xf32>,
        %get3A_297 = arith.index_cast %add3A_230 : i32 to index
        %get3A_298 = arith.constant 96 : index
        %get3A_299 = tpu.vector_load %arg9[%get3A_297, %get3A_298] {strides = array<i32>} : memref<128x128xf32, #tpu.memory_space<vmem>>, vector<1x16xf32>,
        %get3A_300 = vector.shape_cast %get3A_299 : vector<1x16xf32> to vector<16xf32>
        %mul3A_301 = vector.broadcast %squeeze3A_226 : f32 to vector<16xf32>
        %mul3A_302 = arith.mulf %get3A_300, %mul3A_301 : vector<16xf32>
        %swap3A_303 = arith.index_cast %add3A_230 : i32 to index
        %swap3A_304 = arith.constant 96 : index
        %swap3A_305 = tpu.vector_load %arg9[%swap3A_303, %swap3A_304] {strides = array<i32>} : memref<128x128xf32, #tpu.memory_space<vmem>>, vector<1x16xf32>,
        %swap3A_306 = vector.shape_cast %swap3A_305 : vector<1x16xf32> to vector<16xf32>
        %swap3A_307 = vector.shape_cast %mul3A_302 : vector<16xf32> to vector<1x16xf32>
        tpu.vector_store %arg9[%swap3A_303, %swap3A_304], %swap3A_307 {strides = array<i32>} : memref<128x128xf32, #tpu.memory_space<vmem>>, vector<1x16xf32>,
        %get3A_308 = arith.index_cast %add3A_230 : i32 to index
        %get3A_309 = arith.constant 112 : index
        %get3A_310 = tpu.vector_load %arg9[%get3A_308, %get3A_309] {strides = array<i32>} : memref<128x128xf32, #tpu.memory_space<vmem>>, vector<1x16xf32>,
        %get3A_311 = vector.shape_cast %get3A_310 : vector<1x16xf32> to vector<16xf32>
        %mul3A_312 = vector.broadcast %squeeze3A_226 : f32 to vector<16xf32>
        %mul3A_313 = arith.mulf %get3A_311, %mul3A_312 : vector<16xf32>
        %swap3A_314 = arith.index_cast %add3A_230 : i32 to index
        %swap3A_315 = arith.constant 112 : index
        %swap3A_316 = tpu.vector_load %arg9[%swap3A_314, %swap3A_315] {strides = array<i32>} : memref<128x128xf32, #tpu.memory_space<vmem>>, vector<1x16xf32>,
        %swap3A_317 = vector.shape_cast %swap3A_316 : vector<1x16xf32> to vector<16xf32>
        %swap3A_318 = vector.shape_cast %mul3A_313 : vector<16xf32> to vector<1x16xf32>
        tpu.vector_store %arg9[%swap3A_314, %swap3A_315], %swap3A_318 {strides = array<i32>} : memref<128x128xf32, #tpu.memory_space<vmem>>, vector<1x16xf32>,
        %slice3A_319 = vector.extract_strided_slice %get3A_133 {offsets = [2], sizes = [1], strides = [1]} : vector<16xf32> to vector<1xf32>
        %squeeze3A_320 = vector.extract %slice3A_319[0] : f32 from vector<1xf32>
        %mul3A_321 = arith.constant 16 : i32
        %mul3A_322 = arith.muli %scan3A_128, %mul3A_321 : i32
        %add3A_323 = arith.constant 2 : i32
        %add3A_324 = arith.addi %mul3A_322, %add3A_323 : i32
        %get3A_325 = arith.index_cast %add3A_324 : i32 to index
        %get3A_326 = arith.constant 0 : index
        %get3A_327 = tpu.vector_load %arg9[%get3A_325, %get3A_326] {strides = array<i32>} : memref<128x128xf32, #tpu.memory_space<vmem>>, vector<1x16xf32>,
        %get3A_328 = vector.shape_cast %get3A_327 : vector<1x16xf32> to vector<16xf32>
        %mul3A_329 = vector.broadcast %squeeze3A_320 : f32 to vector<16xf32>
        %mul3A_330 = arith.mulf %get3A_328, %mul3A_329 : vector<16xf32>
        %swap3A_331 = arith.index_cast %add3A_324 : i32 to index
        %swap3A_332 = arith.constant 0 : index
        %swap3A_333 = tpu.vector_load %arg9[%swap3A_331, %swap3A_332] {strides = array<i32>} : memref<128x128xf32, #tpu.memory_space<vmem>>, vector<1x16xf32>,
        %swap3A_334 = vector.shape_cast %swap3A_333 : vector<1x16xf32> to vector<16xf32>
        %swap3A_335 = vector.shape_cast %mul3A_330 : vector<16xf32> to vector<1x16xf32>
        tpu.vector_store %arg9[%swap3A_331, %swap3A_332], %swap3A_335 {strides = array<i32>} : memref<128x128xf32, #tpu.memory_space<vmem>>, vector<1x16xf32>,
        %get3A_336 = arith.index_cast %add3A_324 : i32 to index
        %get3A_337 = arith.constant 16 : index
        %get3A_338 = tpu.vector_load %arg9[%get3A_336, %get3A_337] {strides = array<i32>} : memref<128x128xf32, #tpu.memory_space<vmem>>, vector<1x16xf32>,
        %get3A_339 = vector.shape_cast %get3A_338 : vector<1x16xf32> to vector<16xf32>
        %mul3A_340 = vector.broadcast %squeeze3A_320 : f32 to vector<16xf32>
        %mul3A_341 = arith.mulf %get3A_339, %mul3A_340 : vector<16xf32>
        %swap3A_342 = arith.index_cast %add3A_324 : i32 to index
        %swap3A_343 = arith.constant 16 : index
        %swap3A_344 = tpu.vector_load %arg9[%swap3A_342, %swap3A_343] {strides = array<i32>} : memref<128x128xf32, #tpu.memory_space<vmem>>, vector<1x16xf32>,
        %swap3A_345 = vector.shape_cast %swap3A_344 : vector<1x16xf32> to vector<16xf32>
        %swap3A_346 = vector.shape_cast %mul3A_341 : vector<16xf32> to vector<1x16xf32>
        tpu.vector_store %arg9[%swap3A_342, %swap3A_343], %swap3A_346 {strides = array<i32>} : memref<128x128xf32, #tpu.memory_space<vmem>>, vector<1x16xf32>,
        %get3A_347 = arith.index_cast %add3A_324 : i32 to index
        %get3A_348 = arith.constant 32 : index
        %get3A_349 = tpu.vector_load %arg9[%get3A_347, %get3A_348] {strides = array<i32>} : memref<128x128xf32, #tpu.memory_space<vmem>>, vector<1x16xf32>,
        %get3A_350 = vector.shape_cast %get3A_349 : vector<1x16xf32> to vector<16xf32>
        %mul3A_351 = vector.broadcast %squeeze3A_320 : f32 to vector<16xf32>
        %mul3A_352 = arith.mulf %get3A_350, %mul3A_351 : vector<16xf32>
        %swap3A_353 = arith.index_cast %add3A_324 : i32 to index
        %swap3A_354 = arith.constant 32 : index
        %swap3A_355 = tpu.vector_load %arg9[%swap3A_353, %swap3A_354] {strides = array<i32>} : memref<128x128xf32, #tpu.memory_space<vmem>>, vector<1x16xf32>,
        %swap3A_356 = vector.shape_cast %swap3A_355 : vector<1x16xf32> to vector<16xf32>
        %swap3A_357 = vector.shape_cast %mul3A_352 : vector<16xf32> to vector<1x16xf32>
        tpu.vector_store %arg9[%swap3A_353, %swap3A_354], %swap3A_357 {strides = array<i32>} : memref<128x128xf32, #tpu.memory_space<vmem>>, vector<1x16xf32>,
        %get3A_358 = arith.index_cast %add3A_324 : i32 to index
        %get3A_359 = arith.constant 48 : index
        %get3A_360 = tpu.vector_load %arg9[%get3A_358, %get3A_359] {strides = array<i32>} : memref<128x128xf32, #tpu.memory_space<vmem>>, vector<1x16xf32>,
        %get3A_361 = vector.shape_cast %get3A_360 : vector<1x16xf32> to vector<16xf32>
        %mul3A_362 = vector.broadcast %squeeze3A_320 : f32 to vector<16xf32>
        %mul3A_363 = arith.mulf %get3A_361, %mul3A_362 : vector<16xf32>
        %swap3A_364 = arith.index_cast %add3A_324 : i32 to index
        %swap3A_365 = arith.constant 48 : index
        %swap3A_366 = tpu.vector_load %arg9[%swap3A_364, %swap3A_365] {strides = array<i32>} : memref<128x128xf32, #tpu.memory_space<vmem>>, vector<1x16xf32>,
        %swap3A_367 = vector.shape_cast %swap3A_366 : vector<1x16xf32> to vector<16xf32>
        %swap3A_368 = vector.shape_cast %mul3A_363 : vector<16xf32> to vector<1x16xf32>
        tpu.vector_store %arg9[%swap3A_364, %swap3A_365], %swap3A_368 {strides = array<i32>} : memref<128x128xf32, #tpu.memory_space<vmem>>, vector<1x16xf32>,
        %get3A_369 = arith.index_cast %add3A_324 : i32 to index
        %get3A_370 = arith.constant 64 : index
        %get3A_371 = tpu.vector_load %arg9[%get3A_369, %get3A_370] {strides = array<i32>} : memref<128x128xf32, #tpu.memory_space<vmem>>, vector<1x16xf32>,
        %get3A_372 = vector.shape_cast %get3A_371 : vector<1x16xf32> to vector<16xf32>
        %mul3A_373 = vector.broadcast %squeeze3A_320 : f32 to vector<16xf32>
        %mul3A_374 = arith.mulf %get3A_372, %mul3A_373 : vector<16xf32>
        %swap3A_375 = arith.index_cast %add3A_324 : i32 to index
        %swap3A_376 = arith.constant 64 : index
        %swap3A_377 = tpu.vector_load %arg9[%swap3A_375, %swap3A_376] {strides = array<i32>} : memref<128x128xf32, #tpu.memory_space<vmem>>, vector<1x16xf32>,
        %swap3A_378 = vector.shape_cast %swap3A_377 : vector<1x16xf32> to vector<16xf32>
        %swap3A_379 = vector.shape_cast %mul3A_374 : vector<16xf32> to vector<1x16xf32>
        tpu.vector_store %arg9[%swap3A_375, %swap3A_376], %swap3A_379 {strides = array<i32>} : memref<128x128xf32, #tpu.memory_space<vmem>>, vector<1x16xf32>,
        %get3A_380 = arith.index_cast %add3A_324 : i32 to index
        %get3A_381 = arith.constant 80 : index
        %get3A_382 = tpu.vector_load %arg9[%get3A_380, %get3A_381] {strides = array<i32>} : memref<128x128xf32, #tpu.memory_space<vmem>>, vector<1x16xf32>,
        %get3A_383 = vector.shape_cast %get3A_382 : vector<1x16xf32> to vector<16xf32>
        %mul3A_384 = vector.broadcast %squeeze3A_320 : f32 to vector<16xf32>
        %mul3A_385 = arith.mulf %get3A_383, %mul3A_384 : vector<16xf32>
        %swap3A_386 = arith.index_cast %add3A_324 : i32 to index
        %swap3A_387 = arith.constant 80 : index
        %swap3A_388 = tpu.vector_load %arg9[%swap3A_386, %swap3A_387] {strides = array<i32>} : memref<128x128xf32, #tpu.memory_space<vmem>>, vector<1x16xf32>,
        %swap3A_389 = vector.shape_cast %swap3A_388 : vector<1x16xf32> to vector<16xf32>
        %swap3A_390 = vector.shape_cast %mul3A_385 : vector<16xf32> to vector<1x16xf32>
        tpu.vector_store %arg9[%swap3A_386, %swap3A_387], %swap3A_390 {strides = array<i32>} : memref<128x128xf32, #tpu.memory_space<vmem>>, vector<1x16xf32>,
        %get3A_391 = arith.index_cast %add3A_324 : i32 to index
        %get3A_392 = arith.constant 96 : index
        %get3A_393 = tpu.vector_load %arg9[%get3A_391, %get3A_392] {strides = array<i32>} : memref<128x128xf32, #tpu.memory_space<vmem>>, vector<1x16xf32>,
        %get3A_394 = vector.shape_cast %get3A_393 : vector<1x16xf32> to vector<16xf32>
        %mul3A_395 = vector.broadcast %squeeze3A_320 : f32 to vector<16xf32>
        %mul3A_396 = arith.mulf %get3A_394, %mul3A_395 : vector<16xf32>
        %swap3A_397 = arith.index_cast %add3A_324 : i32 to index
        %swap3A_398 = arith.constant 96 : index
        %swap3A_399 = tpu.vector_load %arg9[%swap3A_397, %swap3A_398] {strides = array<i32>} : memref<128x128xf32, #tpu.memory_space<vmem>>, vector<1x16xf32>,
        %swap3A_400 = vector.shape_cast %swap3A_399 : vector<1x16xf32> to vector<16xf32>
        %swap3A_401 = vector.shape_cast %mul3A_396 : vector<16xf32> to vector<1x16xf32>
        tpu.vector_store %arg9[%swap3A_397, %swap3A_398], %swap3A_401 {strides = array<i32>} : memref<128x128xf32, #tpu.memory_space<vmem>>, vector<1x16xf32>,
        %get3A_402 = arith.index_cast %add3A_324 : i32 to index
        %get3A_403 = arith.constant 112 : index
        %get3A_404 = tpu.vector_load %arg9[%get3A_402, %get3A_403] {strides = array<i32>} : memref<128x128xf32, #tpu.memory_space<vmem>>, vector<1x16xf32>,
        %get3A_405 = vector.shape_cast %get3A_404 : vector<1x16xf32> to vector<16xf32>
        %mul3A_406 = vector.broadcast %squeeze3A_320 : f32 to vector<16xf32>
        %mul3A_407 = arith.mulf %get3A_405, %mul3A_406 : vector<16xf32>
        %swap3A_408 = arith.index_cast %add3A_324 : i32 to index
        %swap3A_409 = arith.constant 112 : index
        %swap3A_410 = tpu.vector_load %arg9[%swap3A_408, %swap3A_409] {strides = array<i32>} : memref<128x128xf32, #tpu.memory_space<vmem>>, vector<1x16xf32>,
        %swap3A_411 = vector.shape_cast %swap3A_410 : vector<1x16xf32> to vector<16xf32>
        %swap3A_412 = vector.shape_cast %mul3A_407 : vector<16xf32> to vector<1x16xf32>
        tpu.vector_store %arg9[%swap3A_408, %swap3A_409], %swap3A_412 {strides = array<i32>} : memref<128x128xf32, #tpu.memory_space<vmem>>, vector<1x16xf32>,
        %slice3A_413 = vector.extract_strided_slice %get3A_133 {offsets = [3], sizes = [1], strides = [1]} : vector<16xf32> to vector<1xf32>
        %squeeze3A_414 = vector.extract %slice3A_413[0] : f32 from vector<1xf32>
        %mul3A_415 = arith.constant 16 : i32
        %mul3A_416 = arith.muli %scan3A_128, %mul3A_415 : i32
        %add3A_417 = arith.constant 3 : i32
        %add3A_418 = arith.addi %mul3A_416, %add3A_417 : i32
        %get3A_419 = arith.index_cast %add3A_418 : i32 to index
        %get3A_420 = arith.constant 0 : index
        %get3A_421 = tpu.vector_load %arg9[%get3A_419, %get3A_420] {strides = array<i32>} : memref<128x128xf32, #tpu.memory_space<vmem>>, vector<1x16xf32>,
        %get3A_422 = vector.shape_cast %get3A_421 : vector<1x16xf32> to vector<16xf32>
        %mul3A_423 = vector.broadcast %squeeze3A_414 : f32 to vector<16xf32>
        %mul3A_424 = arith.mulf %get3A_422, %mul3A_423 : vector<16xf32>
        %swap3A_425 = arith.index_cast %add3A_418 : i32 to index
        %swap3A_426 = arith.constant 0 : index
        %swap3A_427 = tpu.vector_load %arg9[%swap3A_425, %swap3A_426] {strides = array<i32>} : memref<128x128xf32, #tpu.memory_space<vmem>>, vector<1x16xf32>,
        %swap3A_428 = vector.shape_cast %swap3A_427 : vector<1x16xf32> to vector<16xf32>
        %swap3A_429 = vector.shape_cast %mul3A_424 : vector<16xf32> to vector<1x16xf32>
        tpu.vector_store %arg9[%swap3A_425, %swap3A_426], %swap3A_429 {strides = array<i32>} : memref<128x128xf32, #tpu.memory_space<vmem>>, vector<1x16xf32>,
        %get3A_430 = arith.index_cast %add3A_418 : i32 to index
        %get3A_431 = arith.constant 16 : index
        %get3A_432 = tpu.vector_load %arg9[%get3A_430, %get3A_431] {strides = array<i32>} : memref<128x128xf32, #tpu.memory_space<vmem>>, vector<1x16xf32>,
        %get3A_433 = vector.shape_cast %get3A_432 : vector<1x16xf32> to vector<16xf32>
        %mul3A_434 = vector.broadcast %squeeze3A_414 : f32 to vector<16xf32>
        %mul3A_435 = arith.mulf %get3A_433, %mul3A_434 : vector<16xf32>
        %swap3A_436 = arith.index_cast %add3A_418 : i32 to index
        %swap3A_437 = arith.constant 16 : index
        %swap3A_438 = tpu.vector_load %arg9[%swap3A_436, %swap3A_437] {strides = array<i32>} : memref<128x128xf32, #tpu.memory_space<vmem>>, vector<1x16xf32>,
        %swap3A_439 = vector.shape_cast %swap3A_438 : vector<1x16xf32> to vector<16xf32>
        %swap3A_440 = vector.shape_cast %mul3A_435 : vector<16xf32> to vector<1x16xf32>
        tpu.vector_store %arg9[%swap3A_436, %swap3A_437], %swap3A_440 {strides = array<i32>} : memref<128x128xf32, #tpu.memory_space<vmem>>, vector<1x16xf32>,
        %get3A_441 = arith.index_cast %add3A_418 : i32 to index
        %get3A_442 = arith.constant 32 : index
        %get3A_443 = tpu.vector_load %arg9[%get3A_441, %get3A_442] {strides = array<i32>} : memref<128x128xf32, #tpu.memory_space<vmem>>, vector<1x16xf32>,
        %get3A_444 = vector.shape_cast %get3A_443 : vector<1x16xf32> to vector<16xf32>
        %mul3A_445 = vector.broadcast %squeeze3A_414 : f32 to vector<16xf32>
        %mul3A_446 = arith.mulf %get3A_444, %mul3A_445 : vector<16xf32>
        %swap3A_447 = arith.index_cast %add3A_418 : i32 to index
        %swap3A_448 = arith.constant 32 : index
        %swap3A_449 = tpu.vector_load %arg9[%swap3A_447, %swap3A_448] {strides = array<i32>} : memref<128x128xf32, #tpu.memory_space<vmem>>, vector<1x16xf32>,
        %swap3A_450 = vector.shape_cast %swap3A_449 : vector<1x16xf32> to vector<16xf32>
        %swap3A_451 = vector.shape_cast %mul3A_446 : vector<16xf32> to vector<1x16xf32>
        tpu.vector_store %arg9[%swap3A_447, %swap3A_448], %swap3A_451 {strides = array<i32>} : memref<128x128xf32, #tpu.memory_space<vmem>>, vector<1x16xf32>,
        %get3A_452 = arith.index_cast %add3A_418 : i32 to index
        %get3A_453 = arith.constant 48 : index
        %get3A_454 = tpu.vector_load %arg9[%get3A_452, %get3A_453] {strides = array<i32>} : memref<128x128xf32, #tpu.memory_space<vmem>>, vector<1x16xf32>,
        %get3A_455 = vector.shape_cast %get3A_454 : vector<1x16xf32> to vector<16xf32>
        %mul3A_456 = vector.broadcast %squeeze3A_414 : f32 to vector<16xf32>
        %mul3A_457 = arith.mulf %get3A_455, %mul3A_456 : vector<16xf32>
        %swap3A_458 = arith.index_cast %add3A_418 : i32 to index
        %swap3A_459 = arith.constant 48 : index
        %swap3A_460 = tpu.vector_load %arg9[%swap3A_458, %swap3A_459] {strides = array<i32>} : memref<128x128xf32, #tpu.memory_space<vmem>>, vector<1x16xf32>,
        %swap3A_461 = vector.shape_cast %swap3A_460 : vector<1x16xf32> to vector<16xf32>
        %swap3A_462 = vector.shape_cast %mul3A_457 : vector<16xf32> to vector<1x16xf32>
        tpu.vector_store %arg9[%swap3A_458, %swap3A_459], %swap3A_462 {strides = array<i32>} : memref<128x128xf32, #tpu.memory_space<vmem>>, vector<1x16xf32>,
        %get3A_463 = arith.index_cast %add3A_418 : i32 to index
        %get3A_464 = arith.constant 64 : index
        %get3A_465 = tpu.vector_load %arg9[%get3A_463, %get3A_464] {strides = array<i32>} : memref<128x128xf32, #tpu.memory_space<vmem>>, vector<1x16xf32>,
        %get3A_466 = vector.shape_cast %get3A_465 : vector<1x16xf32> to vector<16xf32>
        %mul3A_467 = vector.broadcast %squeeze3A_414 : f32 to vector<16xf32>
        %mul3A_468 = arith.mulf %get3A_466, %mul3A_467 : vector<16xf32>
        %swap3A_469 = arith.index_cast %add3A_418 : i32 to index
        %swap3A_470 = arith.constant 64 : index
        %swap3A_471 = tpu.vector_load %arg9[%swap3A_469, %swap3A_470] {strides = array<i32>} : memref<128x128xf32, #tpu.memory_space<vmem>>, vector<1x16xf32>,
        %swap3A_472 = vector.shape_cast %swap3A_471 : vector<1x16xf32> to vector<16xf32>
        %swap3A_473 = vector.shape_cast %mul3A_468 : vector<16xf32> to vector<1x16xf32>
        tpu.vector_store %arg9[%swap3A_469, %swap3A_470], %swap3A_473 {strides = array<i32>} : memref<128x128xf32, #tpu.memory_space<vmem>>, vector<1x16xf32>,
        %get3A_474 = arith.index_cast %add3A_418 : i32 to index
        %get3A_475 = arith.constant 80 : index
        %get3A_476 = tpu.vector_load %arg9[%get3A_474, %get3A_475] {strides = array<i32>} : memref<128x128xf32, #tpu.memory_space<vmem>>, vector<1x16xf32>,
        %get3A_477 = vector.shape_cast %get3A_476 : vector<1x16xf32> to vector<16xf32>
        %mul3A_478 = vector.broadcast %squeeze3A_414 : f32 to vector<16xf32>
        %mul3A_479 = arith.mulf %get3A_477, %mul3A_478 : vector<16xf32>
        %swap3A_480 = arith.index_cast %add3A_418 : i32 to index
        %swap3A_481 = arith.constant 80 : index
        %swap3A_482 = tpu.vector_load %arg9[%swap3A_480, %swap3A_481] {strides = array<i32>} : memref<128x128xf32, #tpu.memory_space<vmem>>, vector<1x16xf32>,
        %swap3A_483 = vector.shape_cast %swap3A_482 : vector<1x16xf32> to vector<16xf32>
        %swap3A_484 = vector.shape_cast %mul3A_479 : vector<16xf32> to vector<1x16xf32>
        tpu.vector_store %arg9[%swap3A_480, %swap3A_481], %swap3A_484 {strides = array<i32>} : memref<128x128xf32, #tpu.memory_space<vmem>>, vector<1x16xf32>,
        %get3A_485 = arith.index_cast %add3A_418 : i32 to index
        %get3A_486 = arith.constant 96 : index
        %get3A_487 = tpu.vector_load %arg9[%get3A_485, %get3A_486] {strides = array<i32>} : memref<128x128xf32, #tpu.memory_space<vmem>>, vector<1x16xf32>,
        %get3A_488 = vector.shape_cast %get3A_487 : vector<1x16xf32> to vector<16xf32>
        %mul3A_489 = vector.broadcast %squeeze3A_414 : f32 to vector<16xf32>
        %mul3A_490 = arith.mulf %get3A_488, %mul3A_489 : vector<16xf32>
        %swap3A_491 = arith.index_cast %add3A_418 : i32 to index
        %swap3A_492 = arith.constant 96 : index
        %swap3A_493 = tpu.vector_load %arg9[%swap3A_491, %swap3A_492] {strides = array<i32>} : memref<128x128xf32, #tpu.memory_space<vmem>>, vector<1x16xf32>,
        %swap3A_494 = vector.shape_cast %swap3A_493 : vector<1x16xf32> to vector<16xf32>
        %swap3A_495 = vector.shape_cast %mul3A_490 : vector<16xf32> to vector<1x16xf32>
        tpu.vector_store %arg9[%swap3A_491, %swap3A_492], %swap3A_495 {strides = array<i32>} : memref<128x128xf32, #tpu.memory_space<vmem>>, vector<1x16xf32>,
        %get3A_496 = arith.index_cast %add3A_418 : i32 to index
        %get3A_497 = arith.constant 112 : index
        %get3A_498 = tpu.vector_load %arg9[%get3A_496, %get3A_497] {strides = array<i32>} : memref<128x128xf32, #tpu.memory_space<vmem>>, vector<1x16xf32>,
        %get3A_499 = vector.shape_cast %get3A_498 : vector<1x16xf32> to vector<16xf32>
        %mul3A_500 = vector.broadcast %squeeze3A_414 : f32 to vector<16xf32>
        %mul3A_501 = arith.mulf %get3A_499, %mul3A_500 : vector<16xf32>
        %swap3A_502 = arith.index_cast %add3A_418 : i32 to index
        %swap3A_503 = arith.constant 112 : index
        %swap3A_504 = tpu.vector_load %arg9[%swap3A_502, %swap3A_503] {strides = array<i32>} : memref<128x128xf32, #tpu.memory_space<vmem>>, vector<1x16xf32>,
        %swap3A_505 = vector.shape_cast %swap3A_504 : vector<1x16xf32> to vector<16xf32>
        %swap3A_506 = vector.shape_cast %mul3A_501 : vector<16xf32> to vector<1x16xf32>
        tpu.vector_store %arg9[%swap3A_502, %swap3A_503], %swap3A_506 {strides = array<i32>} : memref<128x128xf32, #tpu.memory_space<vmem>>, vector<1x16xf32>,
        %slice3A_507 = vector.extract_strided_slice %get3A_133 {offsets = [4], sizes = [1], strides = [1]} : vector<16xf32> to vector<1xf32>
        %squeeze3A_508 = vector.extract %slice3A_507[0] : f32 from vector<1xf32>
        %mul3A_509 = arith.constant 16 : i32
        %mul3A_510 = arith.muli %scan3A_128, %mul3A_509 : i32
        %add3A_511 = arith.constant 4 : i32
        %add3A_512 = arith.addi %mul3A_510, %add3A_511 : i32
        %get3A_513 = arith.index_cast %add3A_512 : i32 to index
        %get3A_514 = arith.constant 0 : index
        %get3A_515 = tpu.vector_load %arg9[%get3A_513, %get3A_514] {strides = array<i32>} : memref<128x128xf32, #tpu.memory_space<vmem>>, vector<1x16xf32>,
        %get3A_516 = vector.shape_cast %get3A_515 : vector<1x16xf32> to vector<16xf32>
        %mul3A_517 = vector.broadcast %squeeze3A_508 : f32 to vector<16xf32>
        %mul3A_518 = arith.mulf %get3A_516, %mul3A_517 : vector<16xf32>
        %swap3A_519 = arith.index_cast %add3A_512 : i32 to index
        %swap3A_520 = arith.constant 0 : index
        %swap3A_521 = tpu.vector_load %arg9[%swap3A_519, %swap3A_520] {strides = array<i32>} : memref<128x128xf32, #tpu.memory_space<vmem>>, vector<1x16xf32>,
        %swap3A_522 = vector.shape_cast %swap3A_521 : vector<1x16xf32> to vector<16xf32>
        %swap3A_523 = vector.shape_cast %mul3A_518 : vector<16xf32> to vector<1x16xf32>
        tpu.vector_store %arg9[%swap3A_519, %swap3A_520], %swap3A_523 {strides = array<i32>} : memref<128x128xf32, #tpu.memory_space<vmem>>, vector<1x16xf32>,
        %get3A_524 = arith.index_cast %add3A_512 : i32 to index
        %get3A_525 = arith.constant 16 : index
        %get3A_526 = tpu.vector_load %arg9[%get3A_524, %get3A_525] {strides = array<i32>} : memref<128x128xf32, #tpu.memory_space<vmem>>, vector<1x16xf32>,
        %get3A_527 = vector.shape_cast %get3A_526 : vector<1x16xf32> to vector<16xf32>
        %mul3A_528 = vector.broadcast %squeeze3A_508 : f32 to vector<16xf32>
        %mul3A_529 = arith.mulf %get3A_527, %mul3A_528 : vector<16xf32>
        %swap3A_530 = arith.index_cast %add3A_512 : i32 to index
        %swap3A_531 = arith.constant 16 : index
        %swap3A_532 = tpu.vector_load %arg9[%swap3A_530, %swap3A_531] {strides = array<i32>} : memref<128x128xf32, #tpu.memory_space<vmem>>, vector<1x16xf32>,
        %swap3A_533 = vector.shape_cast %swap3A_532 : vector<1x16xf32> to vector<16xf32>
        %swap3A_534 = vector.shape_cast %mul3A_529 : vector<16xf32> to vector<1x16xf32>
        tpu.vector_store %arg9[%swap3A_530, %swap3A_531], %swap3A_534 {strides = array<i32>} : memref<128x128xf32, #tpu.memory_space<vmem>>, vector<1x16xf32>,
        %get3A_535 = arith.index_cast %add3A_512 : i32 to index
        %get3A_536 = arith.constant 32 : index
        %get3A_537 = tpu.vector_load %arg9[%get3A_535, %get3A_536] {strides = array<i32>} : memref<128x128xf32, #tpu.memory_space<vmem>>, vector<1x16xf32>,
        %get3A_538 = vector.shape_cast %get3A_537 : vector<1x16xf32> to vector<16xf32>
        %mul3A_539 = vector.broadcast %squeeze3A_508 : f32 to vector<16xf32>
        %mul3A_540 = arith.mulf %get3A_538, %mul3A_539 : vector<16xf32>
        %swap3A_541 = arith.index_cast %add3A_512 : i32 to index
        %swap3A_542 = arith.constant 32 : index
        %swap3A_543 = tpu.vector_load %arg9[%swap3A_541, %swap3A_542] {strides = array<i32>} : memref<128x128xf32, #tpu.memory_space<vmem>>, vector<1x16xf32>,
        %swap3A_544 = vector.shape_cast %swap3A_543 : vector<1x16xf32> to vector<16xf32>
        %swap3A_545 = vector.shape_cast %mul3A_540 : vector<16xf32> to vector<1x16xf32>
        tpu.vector_store %arg9[%swap3A_541, %swap3A_542], %swap3A_545 {strides = array<i32>} : memref<128x128xf32, #tpu.memory_space<vmem>>, vector<1x16xf32>,
        %get3A_546 = arith.index_cast %add3A_512 : i32 to index
        %get3A_547 = arith.constant 48 : index
        %get3A_548 = tpu.vector_load %arg9[%get3A_546, %get3A_547] {strides = array<i32>} : memref<128x128xf32, #tpu.memory_space<vmem>>, vector<1x16xf32>,
        %get3A_549 = vector.shape_cast %get3A_548 : vector<1x16xf32> to vector<16xf32>
        %mul3A_550 = vector.broadcast %squeeze3A_508 : f32 to vector<16xf32>
        %mul3A_551 = arith.mulf %get3A_549, %mul3A_550 : vector<16xf32>
        %swap3A_552 = arith.index_cast %add3A_512 : i32 to index
        %swap3A_553 = arith.constant 48 : index
        %swap3A_554 = tpu.vector_load %arg9[%swap3A_552, %swap3A_553] {strides = array<i32>} : memref<128x128xf32, #tpu.memory_space<vmem>>, vector<1x16xf32>,
        %swap3A_555 = vector.shape_cast %swap3A_554 : vector<1x16xf32> to vector<16xf32>
        %swap3A_556 = vector.shape_cast %mul3A_551 : vector<16xf32> to vector<1x16xf32>
        tpu.vector_store %arg9[%swap3A_552, %swap3A_553], %swap3A_556 {strides = array<i32>} : memref<128x128xf32, #tpu.memory_space<vmem>>, vector<1x16xf32>,
        %get3A_557 = arith.index_cast %add3A_512 : i32 to index
        %get3A_558 = arith.constant 64 : index
        %get3A_559 = tpu.vector_load %arg9[%get3A_557, %get3A_558] {strides = array<i32>} : memref<128x128xf32, #tpu.memory_space<vmem>>, vector<1x16xf32>,
        %get3A_560 = vector.shape_cast %get3A_559 : vector<1x16xf32> to vector<16xf32>
        %mul3A_561 = vector.broadcast %squeeze3A_508 : f32 to vector<16xf32>
        %mul3A_562 = arith.mulf %get3A_560, %mul3A_561 : vector<16xf32>
        %swap3A_563 = arith.index_cast %add3A_512 : i32 to index
        %swap3A_564 = arith.constant 64 : index
        %swap3A_565 = tpu.vector_load %arg9[%swap3A_563, %swap3A_564] {strides = array<i32>} : memref<128x128xf32, #tpu.memory_space<vmem>>, vector<1x16xf32>,
        %swap3A_566 = vector.shape_cast %swap3A_565 : vector<1x16xf32> to vector<16xf32>
        %swap3A_567 = vector.shape_cast %mul3A_562 : vector<16xf32> to vector<1x16xf32>
        tpu.vector_store %arg9[%swap3A_563, %swap3A_564], %swap3A_567 {strides = array<i32>} : memref<128x128xf32, #tpu.memory_space<vmem>>, vector<1x16xf32>,
        %get3A_568 = arith.index_cast %add3A_512 : i32 to index
        %get3A_569 = arith.constant 80 : index
        %get3A_570 = tpu.vector_load %arg9[%get3A_568, %get3A_569] {strides = array<i32>} : memref<128x128xf32, #tpu.memory_space<vmem>>, vector<1x16xf32>,
        %get3A_571 = vector.shape_cast %get3A_570 : vector<1x16xf32> to vector<16xf32>
        %mul3A_572 = vector.broadcast %squeeze3A_508 : f32 to vector<16xf32>
        %mul3A_573 = arith.mulf %get3A_571, %mul3A_572 : vector<16xf32>
        %swap3A_574 = arith.index_cast %add3A_512 : i32 to index
        %swap3A_575 = arith.constant 80 : index
        %swap3A_576 = tpu.vector_load %arg9[%swap3A_574, %swap3A_575] {strides = array<i32>} : memref<128x128xf32, #tpu.memory_space<vmem>>, vector<1x16xf32>,
        %swap3A_577 = vector.shape_cast %swap3A_576 : vector<1x16xf32> to vector<16xf32>
        %swap3A_578 = vector.shape_cast %mul3A_573 : vector<16xf32> to vector<1x16xf32>
        tpu.vector_store %arg9[%swap3A_574, %swap3A_575], %swap3A_578 {strides = array<i32>} : memref<128x128xf32, #tpu.memory_space<vmem>>, vector<1x16xf32>,
        %get3A_579 = arith.index_cast %add3A_512 : i32 to index
        %get3A_580 = arith.constant 96 : index
        %get3A_581 = tpu.vector_load %arg9[%get3A_579, %get3A_580] {strides = array<i32>} : memref<128x128xf32, #tpu.memory_space<vmem>>, vector<1x16xf32>,
        %get3A_582 = vector.shape_cast %get3A_581 : vector<1x16xf32> to vector<16xf32>
        %mul3A_583 = vector.broadcast %squeeze3A_508 : f32 to vector<16xf32>
        %mul3A_584 = arith.mulf %get3A_582, %mul3A_583 : vector<16xf32>
        %swap3A_585 = arith.index_cast %add3A_512 : i32 to index
        %swap3A_586 = arith.constant 96 : index
        %swap3A_587 = tpu.vector_load %arg9[%swap3A_585, %swap3A_586] {strides = array<i32>} : memref<128x128xf32, #tpu.memory_space<vmem>>, vector<1x16xf32>,
        %swap3A_588 = vector.shape_cast %swap3A_587 : vector<1x16xf32> to vector<16xf32>
        %swap3A_589 = vector.shape_cast %mul3A_584 : vector<16xf32> to vector<1x16xf32>
        tpu.vector_store %arg9[%swap3A_585, %swap3A_586], %swap3A_589 {strides = array<i32>} : memref<128x128xf32, #tpu.memory_space<vmem>>, vector<1x16xf32>,
        %get3A_590 = arith.index_cast %add3A_512 : i32 to index
        %get3A_591 = arith.constant 112 : index
        %get3A_592 = tpu.vector_load %arg9[%get3A_590, %get3A_591] {strides = array<i32>} : memref<128x128xf32, #tpu.memory_space<vmem>>, vector<1x16xf32>,
        %get3A_593 = vector.shape_cast %get3A_592 : vector<1x16xf32> to vector<16xf32>
        %mul3A_594 = vector.broadcast %squeeze3A_508 : f32 to vector<16xf32>
        %mul3A_595 = arith.mulf %get3A_593, %mul3A_594 : vector<16xf32>
        %swap3A_596 = arith.index_cast %add3A_512 : i32 to index
        %swap3A_597 = arith.constant 112 : index
        %swap3A_598 = tpu.vector_load %arg9[%swap3A_596, %swap3A_597] {strides = array<i32>} : memref<128x128xf32, #tpu.memory_space<vmem>>, vector<1x16xf32>,
        %swap3A_599 = vector.shape_cast %swap3A_598 : vector<1x16xf32> to vector<16xf32>
        %swap3A_600 = vector.shape_cast %mul3A_595 : vector<16xf32> to vector<1x16xf32>
        tpu.vector_store %arg9[%swap3A_596, %swap3A_597], %swap3A_600 {strides = array<i32>} : memref<128x128xf32, #tpu.memory_space<vmem>>, vector<1x16xf32>,
        %slice3A_601 = vector.extract_strided_slice %get3A_133 {offsets = [5], sizes = [1], strides = [1]} : vector<16xf32> to vector<1xf32>
        %squeeze3A_602 = vector.extract %slice3A_601[0] : f32 from vector<1xf32>
        %mul3A_603 = arith.constant 16 : i32
        %mul3A_604 = arith.muli %scan3A_128, %mul3A_603 : i32
        %add3A_605 = arith.constant 5 : i32
        %add3A_606 = arith.addi %mul3A_604, %add3A_605 : i32
        %get3A_607 = arith.index_cast %add3A_606 : i32 to index
        %get3A_608 = arith.constant 0 : index
        %get3A_609 = tpu.vector_load %arg9[%get3A_607, %get3A_608] {strides = array<i32>} : memref<128x128xf32, #tpu.memory_space<vmem>>, vector<1x16xf32>,
        %get3A_610 = vector.shape_cast %get3A_609 : vector<1x16xf32> to vector<16xf32>
        %mul3A_611 = vector.broadcast %squeeze3A_602 : f32 to vector<16xf32>
        %mul3A_612 = arith.mulf %get3A_610, %mul3A_611 : vector<16xf32>
        %swap3A_613 = arith.index_cast %add3A_606 : i32 to index
        %swap3A_614 = arith.constant 0 : index
        %swap3A_615 = tpu.vector_load %arg9[%swap3A_613, %swap3A_614] {strides = array<i32>} : memref<128x128xf32, #tpu.memory_space<vmem>>, vector<1x16xf32>,
        %swap3A_616 = vector.shape_cast %swap3A_615 : vector<1x16xf32> to vector<16xf32>
        %swap3A_617 = vector.shape_cast %mul3A_612 : vector<16xf32> to vector<1x16xf32>
        tpu.vector_store %arg9[%swap3A_613, %swap3A_614], %swap3A_617 {strides = array<i32>} : memref<128x128xf32, #tpu.memory_space<vmem>>, vector<1x16xf32>,
        %get3A_618 = arith.index_cast %add3A_606 : i32 to index
        %get3A_619 = arith.constant 16 : index
        %get3A_620 = tpu.vector_load %arg9[%get3A_618, %get3A_619] {strides = array<i32>} : memref<128x128xf32, #tpu.memory_space<vmem>>, vector<1x16xf32>,
        %get3A_621 = vector.shape_cast %get3A_620 : vector<1x16xf32> to vector<16xf32>
        %mul3A_622 = vector.broadcast %squeeze3A_602 : f32 to vector<16xf32>
        %mul3A_623 = arith.mulf %get3A_621, %mul3A_622 : vector<16xf32>
        %swap3A_624 = arith.index_cast %add3A_606 : i32 to index
        %swap3A_625 = arith.constant 16 : index
        %swap3A_626 = tpu.vector_load %arg9[%swap3A_624, %swap3A_625] {strides = array<i32>} : memref<128x128xf32, #tpu.memory_space<vmem>>, vector<1x16xf32>,
        %swap3A_627 = vector.shape_cast %swap3A_626 : vector<1x16xf32> to vector<16xf32>
        %swap3A_628 = vector.shape_cast %mul3A_623 : vector<16xf32> to vector<1x16xf32>
        tpu.vector_store %arg9[%swap3A_624, %swap3A_625], %swap3A_628 {strides = array<i32>} : memref<128x128xf32, #tpu.memory_space<vmem>>, vector<1x16xf32>,
        %get3A_629 = arith.index_cast %add3A_606 : i32 to index
        %get3A_630 = arith.constant 32 : index
        %get3A_631 = tpu.vector_load %arg9[%get3A_629, %get3A_630] {strides = array<i32>} : memref<128x128xf32, #tpu.memory_space<vmem>>, vector<1x16xf32>,
        %get3A_632 = vector.shape_cast %get3A_631 : vector<1x16xf32> to vector<16xf32>
        %mul3A_633 = vector.broadcast %squeeze3A_602 : f32 to vector<16xf32>
        %mul3A_634 = arith.mulf %get3A_632, %mul3A_633 : vector<16xf32>
        %swap3A_635 = arith.index_cast %add3A_606 : i32 to index
        %swap3A_636 = arith.constant 32 : index
        %swap3A_637 = tpu.vector_load %arg9[%swap3A_635, %swap3A_636] {strides = array<i32>} : memref<128x128xf32, #tpu.memory_space<vmem>>, vector<1x16xf32>,
        %swap3A_638 = vector.shape_cast %swap3A_637 : vector<1x16xf32> to vector<16xf32>
        %swap3A_639 = vector.shape_cast %mul3A_634 : vector<16xf32> to vector<1x16xf32>
        tpu.vector_store %arg9[%swap3A_635, %swap3A_636], %swap3A_639 {strides = array<i32>} : memref<128x128xf32, #tpu.memory_space<vmem>>, vector<1x16xf32>,
        %get3A_640 = arith.index_cast %add3A_606 : i32 to index
        %get3A_641 = arith.constant 48 : index
        %get3A_642 = tpu.vector_load %arg9[%get3A_640, %get3A_641] {strides = array<i32>} : memref<128x128xf32, #tpu.memory_space<vmem>>, vector<1x16xf32>,
        %get3A_643 = vector.shape_cast %get3A_642 : vector<1x16xf32> to vector<16xf32>
        %mul3A_644 = vector.broadcast %squeeze3A_602 : f32 to vector<16xf32>
        %mul3A_645 = arith.mulf %get3A_643, %mul3A_644 : vector<16xf32>
        %swap3A_646 = arith.index_cast %add3A_606 : i32 to index
        %swap3A_647 = arith.constant 48 : index
        %swap3A_648 = tpu.vector_load %arg9[%swap3A_646, %swap3A_647] {strides = array<i32>} : memref<128x128xf32, #tpu.memory_space<vmem>>, vector<1x16xf32>,
        %swap3A_649 = vector.shape_cast %swap3A_648 : vector<1x16xf32> to vector<16xf32>
        %swap3A_650 = vector.shape_cast %mul3A_645 : vector<16xf32> to vector<1x16xf32>
        tpu.vector_store %arg9[%swap3A_646, %swap3A_647], %swap3A_650 {strides = array<i32>} : memref<128x128xf32, #tpu.memory_space<vmem>>, vector<1x16xf32>,
        %get3A_651 = arith.index_cast %add3A_606 : i32 to index
        %get3A_652 = arith.constant 64 : index
        %get3A_653 = tpu.vector_load %arg9[%get3A_651, %get3A_652] {strides = array<i32>} : memref<128x128xf32, #tpu.memory_space<vmem>>, vector<1x16xf32>,
        %get3A_654 = vector.shape_cast %get3A_653 : vector<1x16xf32> to vector<16xf32>
        %mul3A_655 = vector.broadcast %squeeze3A_602 : f32 to vector<16xf32>
        %mul3A_656 = arith.mulf %get3A_654, %mul3A_655 : vector<16xf32>
        %swap3A_657 = arith.index_cast %add3A_606 : i32 to index
        %swap3A_658 = arith.constant 64 : index
        %swap3A_659 = tpu.vector_load %arg9[%swap3A_657, %swap3A_658] {strides = array<i32>} : memref<128x128xf32, #tpu.memory_space<vmem>>, vector<1x16xf32>,
        %swap3A_660 = vector.shape_cast %swap3A_659 : vector<1x16xf32> to vector<16xf32>
        %swap3A_661 = vector.shape_cast %mul3A_656 : vector<16xf32> to vector<1x16xf32>
        tpu.vector_store %arg9[%swap3A_657, %swap3A_658], %swap3A_661 {strides = array<i32>} : memref<128x128xf32, #tpu.memory_space<vmem>>, vector<1x16xf32>,
        %get3A_662 = arith.index_cast %add3A_606 : i32 to index
        %get3A_663 = arith.constant 80 : index
        %get3A_664 = tpu.vector_load %arg9[%get3A_662, %get3A_663] {strides = array<i32>} : memref<128x128xf32, #tpu.memory_space<vmem>>, vector<1x16xf32>,
        %get3A_665 = vector.shape_cast %get3A_664 : vector<1x16xf32> to vector<16xf32>
        %mul3A_666 = vector.broadcast %squeeze3A_602 : f32 to vector<16xf32>
        %mul3A_667 = arith.mulf %get3A_665, %mul3A_666 : vector<16xf32>
        %swap3A_668 = arith.index_cast %add3A_606 : i32 to index
        %swap3A_669 = arith.constant 80 : index
        %swap3A_670 = tpu.vector_load %arg9[%swap3A_668, %swap3A_669] {strides = array<i32>} : memref<128x128xf32, #tpu.memory_space<vmem>>, vector<1x16xf32>,
        %swap3A_671 = vector.shape_cast %swap3A_670 : vector<1x16xf32> to vector<16xf32>
        %swap3A_672 = vector.shape_cast %mul3A_667 : vector<16xf32> to vector<1x16xf32>
        tpu.vector_store %arg9[%swap3A_668, %swap3A_669], %swap3A_672 {strides = array<i32>} : memref<128x128xf32, #tpu.memory_space<vmem>>, vector<1x16xf32>,
        %get3A_673 = arith.index_cast %add3A_606 : i32 to index
        %get3A_674 = arith.constant 96 : index
        %get3A_675 = tpu.vector_load %arg9[%get3A_673, %get3A_674] {strides = array<i32>} : memref<128x128xf32, #tpu.memory_space<vmem>>, vector<1x16xf32>,
        %get3A_676 = vector.shape_cast %get3A_675 : vector<1x16xf32> to vector<16xf32>
        %mul3A_677 = vector.broadcast %squeeze3A_602 : f32 to vector<16xf32>
        %mul3A_678 = arith.mulf %get3A_676, %mul3A_677 : vector<16xf32>
        %swap3A_679 = arith.index_cast %add3A_606 : i32 to index
        %swap3A_680 = arith.constant 96 : index
        %swap3A_681 = tpu.vector_load %arg9[%swap3A_679, %swap3A_680] {strides = array<i32>} : memref<128x128xf32, #tpu.memory_space<vmem>>, vector<1x16xf32>,
        %swap3A_682 = vector.shape_cast %swap3A_681 : vector<1x16xf32> to vector<16xf32>
        %swap3A_683 = vector.shape_cast %mul3A_678 : vector<16xf32> to vector<1x16xf32>
        tpu.vector_store %arg9[%swap3A_679, %swap3A_680], %swap3A_683 {strides = array<i32>} : memref<128x128xf32, #tpu.memory_space<vmem>>, vector<1x16xf32>,
        %get3A_684 = arith.index_cast %add3A_606 : i32 to index
        %get3A_685 = arith.constant 112 : index
        %get3A_686 = tpu.vector_load %arg9[%get3A_684, %get3A_685] {strides = array<i32>} : memref<128x128xf32, #tpu.memory_space<vmem>>, vector<1x16xf32>,
        %get3A_687 = vector.shape_cast %get3A_686 : vector<1x16xf32> to vector<16xf32>
        %mul3A_688 = vector.broadcast %squeeze3A_602 : f32 to vector<16xf32>
        %mul3A_689 = arith.mulf %get3A_687, %mul3A_688 : vector<16xf32>
        %swap3A_690 = arith.index_cast %add3A_606 : i32 to index
        %swap3A_691 = arith.constant 112 : index
        %swap3A_692 = tpu.vector_load %arg9[%swap3A_690, %swap3A_691] {strides = array<i32>} : memref<128x128xf32, #tpu.memory_space<vmem>>, vector<1x16xf32>,
        %swap3A_693 = vector.shape_cast %swap3A_692 : vector<1x16xf32> to vector<16xf32>
        %swap3A_694 = vector.shape_cast %mul3A_689 : vector<16xf32> to vector<1x16xf32>
        tpu.vector_store %arg9[%swap3A_690, %swap3A_691], %swap3A_694 {strides = array<i32>} : memref<128x128xf32, #tpu.memory_space<vmem>>, vector<1x16xf32>,
        %slice3A_695 = vector.extract_strided_slice %get3A_133 {offsets = [6], sizes = [1], strides = [1]} : vector<16xf32> to vector<1xf32>
        %squeeze3A_696 = vector.extract %slice3A_695[0] : f32 from vector<1xf32>
        %mul3A_697 = arith.constant 16 : i32
        %mul3A_698 = arith.muli %scan3A_128, %mul3A_697 : i32
        %add3A_699 = arith.constant 6 : i32
        %add3A_700 = arith.addi %mul3A_698, %add3A_699 : i32
        %get3A_701 = arith.index_cast %add3A_700 : i32 to index
        %get3A_702 = arith.constant 0 : index
        %get3A_703 = tpu.vector_load %arg9[%get3A_701, %get3A_702] {strides = array<i32>} : memref<128x128xf32, #tpu.memory_space<vmem>>, vector<1x16xf32>,
        %get3A_704 = vector.shape_cast %get3A_703 : vector<1x16xf32> to vector<16xf32>
        %mul3A_705 = vector.broadcast %squeeze3A_696 : f32 to vector<16xf32>
        %mul3A_706 = arith.mulf %get3A_704, %mul3A_705 : vector<16xf32>
        %swap3A_707 = arith.index_cast %add3A_700 : i32 to index
        %swap3A_708 = arith.constant 0 : index
        %swap3A_709 = tpu.vector_load %arg9[%swap3A_707, %swap3A_708] {strides = array<i32>} : memref<128x128xf32, #tpu.memory_space<vmem>>, vector<1x16xf32>,
        %swap3A_710 = vector.shape_cast %swap3A_709 : vector<1x16xf32> to vector<16xf32>
        %swap3A_711 = vector.shape_cast %mul3A_706 : vector<16xf32> to vector<1x16xf32>
        tpu.vector_store %arg9[%swap3A_707, %swap3A_708], %swap3A_711 {strides = array<i32>} : memref<128x128xf32, #tpu.memory_space<vmem>>, vector<1x16xf32>,
        %get3A_712 = arith.index_cast %add3A_700 : i32 to index
        %get3A_713 = arith.constant 16 : index
        %get3A_714 = tpu.vector_load %arg9[%get3A_712, %get3A_713] {strides = array<i32>} : memref<128x128xf32, #tpu.memory_space<vmem>>, vector<1x16xf32>,
        %get3A_715 = vector.shape_cast %get3A_714 : vector<1x16xf32> to vector<16xf32>
        %mul3A_716 = vector.broadcast %squeeze3A_696 : f32 to vector<16xf32>
        %mul3A_717 = arith.mulf %get3A_715, %mul3A_716 : vector<16xf32>
        %swap3A_718 = arith.index_cast %add3A_700 : i32 to index
        %swap3A_719 = arith.constant 16 : index
        %swap3A_720 = tpu.vector_load %arg9[%swap3A_718, %swap3A_719] {strides = array<i32>} : memref<128x128xf32, #tpu.memory_space<vmem>>, vector<1x16xf32>,
        %swap3A_721 = vector.shape_cast %swap3A_720 : vector<1x16xf32> to vector<16xf32>
        %swap3A_722 = vector.shape_cast %mul3A_717 : vector<16xf32> to vector<1x16xf32>
        tpu.vector_store %arg9[%swap3A_718, %swap3A_719], %swap3A_722 {strides = array<i32>} : memref<128x128xf32, #tpu.memory_space<vmem>>, vector<1x16xf32>,
        %get3A_723 = arith.index_cast %add3A_700 : i32 to index
        %get3A_724 = arith.constant 32 : index
        %get3A_725 = tpu.vector_load %arg9[%get3A_723, %get3A_724] {strides = array<i32>} : memref<128x128xf32, #tpu.memory_space<vmem>>, vector<1x16xf32>,
        %get3A_726 = vector.shape_cast %get3A_725 : vector<1x16xf32> to vector<16xf32>
        %mul3A_727 = vector.broadcast %squeeze3A_696 : f32 to vector<16xf32>
        %mul3A_728 = arith.mulf %get3A_726, %mul3A_727 : vector<16xf32>
        %swap3A_729 = arith.index_cast %add3A_700 : i32 to index
        %swap3A_730 = arith.constant 32 : index
        %swap3A_731 = tpu.vector_load %arg9[%swap3A_729, %swap3A_730] {strides = array<i32>} : memref<128x128xf32, #tpu.memory_space<vmem>>, vector<1x16xf32>,
        %swap3A_732 = vector.shape_cast %swap3A_731 : vector<1x16xf32> to vector<16xf32>
        %swap3A_733 = vector.shape_cast %mul3A_728 : vector<16xf32> to vector<1x16xf32>
        tpu.vector_store %arg9[%swap3A_729, %swap3A_730], %swap3A_733 {strides = array<i32>} : memref<128x128xf32, #tpu.memory_space<vmem>>, vector<1x16xf32>,
        %get3A_734 = arith.index_cast %add3A_700 : i32 to index
        %get3A_735 = arith.constant 48 : index
        %get3A_736 = tpu.vector_load %arg9[%get3A_734, %get3A_735] {strides = array<i32>} : memref<128x128xf32, #tpu.memory_space<vmem>>, vector<1x16xf32>,
        %get3A_737 = vector.shape_cast %get3A_736 : vector<1x16xf32> to vector<16xf32>
        %mul3A_738 = vector.broadcast %squeeze3A_696 : f32 to vector<16xf32>
        %mul3A_739 = arith.mulf %get3A_737, %mul3A_738 : vector<16xf32>
        %swap3A_740 = arith.index_cast %add3A_700 : i32 to index
        %swap3A_741 = arith.constant 48 : index
        %swap3A_742 = tpu.vector_load %arg9[%swap3A_740, %swap3A_741] {strides = array<i32>} : memref<128x128xf32, #tpu.memory_space<vmem>>, vector<1x16xf32>,
        %swap3A_743 = vector.shape_cast %swap3A_742 : vector<1x16xf32> to vector<16xf32>
        %swap3A_744 = vector.shape_cast %mul3A_739 : vector<16xf32> to vector<1x16xf32>
        tpu.vector_store %arg9[%swap3A_740, %swap3A_741], %swap3A_744 {strides = array<i32>} : memref<128x128xf32, #tpu.memory_space<vmem>>, vector<1x16xf32>,
        %get3A_745 = arith.index_cast %add3A_700 : i32 to index
        %get3A_746 = arith.constant 64 : index
        %get3A_747 = tpu.vector_load %arg9[%get3A_745, %get3A_746] {strides = array<i32>} : memref<128x128xf32, #tpu.memory_space<vmem>>, vector<1x16xf32>,
        %get3A_748 = vector.shape_cast %get3A_747 : vector<1x16xf32> to vector<16xf32>
        %mul3A_749 = vector.broadcast %squeeze3A_696 : f32 to vector<16xf32>
        %mul3A_750 = arith.mulf %get3A_748, %mul3A_749 : vector<16xf32>
        %swap3A_751 = arith.index_cast %add3A_700 : i32 to index
        %swap3A_752 = arith.constant 64 : index
        %swap3A_753 = tpu.vector_load %arg9[%swap3A_751, %swap3A_752] {strides = array<i32>} : memref<128x128xf32, #tpu.memory_space<vmem>>, vector<1x16xf32>,
        %swap3A_754 = vector.shape_cast %swap3A_753 : vector<1x16xf32> to vector<16xf32>
        %swap3A_755 = vector.shape_cast %mul3A_750 : vector<16xf32> to vector<1x16xf32>
        tpu.vector_store %arg9[%swap3A_751, %swap3A_752], %swap3A_755 {strides = array<i32>} : memref<128x128xf32, #tpu.memory_space<vmem>>, vector<1x16xf32>,
        %get3A_756 = arith.index_cast %add3A_700 : i32 to index
        %get3A_757 = arith.constant 80 : index
        %get3A_758 = tpu.vector_load %arg9[%get3A_756, %get3A_757] {strides = array<i32>} : memref<128x128xf32, #tpu.memory_space<vmem>>, vector<1x16xf32>,
        %get3A_759 = vector.shape_cast %get3A_758 : vector<1x16xf32> to vector<16xf32>
        %mul3A_760 = vector.broadcast %squeeze3A_696 : f32 to vector<16xf32>
        %mul3A_761 = arith.mulf %get3A_759, %mul3A_760 : vector<16xf32>
        %swap3A_762 = arith.index_cast %add3A_700 : i32 to index
        %swap3A_763 = arith.constant 80 : index
        %swap3A_764 = tpu.vector_load %arg9[%swap3A_762, %swap3A_763] {strides = array<i32>} : memref<128x128xf32, #tpu.memory_space<vmem>>, vector<1x16xf32>,
        %swap3A_765 = vector.shape_cast %swap3A_764 : vector<1x16xf32> to vector<16xf32>
        %swap3A_766 = vector.shape_cast %mul3A_761 : vector<16xf32> to vector<1x16xf32>
        tpu.vector_store %arg9[%swap3A_762, %swap3A_763], %swap3A_766 {strides = array<i32>} : memref<128x128xf32, #tpu.memory_space<vmem>>, vector<1x16xf32>,
        %get3A_767 = arith.index_cast %add3A_700 : i32 to index
        %get3A_768 = arith.constant 96 : index
        %get3A_769 = tpu.vector_load %arg9[%get3A_767, %get3A_768] {strides = array<i32>} : memref<128x128xf32, #tpu.memory_space<vmem>>, vector<1x16xf32>,
        %get3A_770 = vector.shape_cast %get3A_769 : vector<1x16xf32> to vector<16xf32>
        %mul3A_771 = vector.broadcast %squeeze3A_696 : f32 to vector<16xf32>
        %mul3A_772 = arith.mulf %get3A_770, %mul3A_771 : vector<16xf32>
        %swap3A_773 = arith.index_cast %add3A_700 : i32 to index
        %swap3A_774 = arith.constant 96 : index
        %swap3A_775 = tpu.vector_load %arg9[%swap3A_773, %swap3A_774] {strides = array<i32>} : memref<128x128xf32, #tpu.memory_space<vmem>>, vector<1x16xf32>,
        %swap3A_776 = vector.shape_cast %swap3A_775 : vector<1x16xf32> to vector<16xf32>
        %swap3A_777 = vector.shape_cast %mul3A_772 : vector<16xf32> to vector<1x16xf32>
        tpu.vector_store %arg9[%swap3A_773, %swap3A_774], %swap3A_777 {strides = array<i32>} : memref<128x128xf32, #tpu.memory_space<vmem>>, vector<1x16xf32>,
        %get3A_778 = arith.index_cast %add3A_700 : i32 to index
        %get3A_779 = arith.constant 112 : index
        %get3A_780 = tpu.vector_load %arg9[%get3A_778, %get3A_779] {strides = array<i32>} : memref<128x128xf32, #tpu.memory_space<vmem>>, vector<1x16xf32>,
        %get3A_781 = vector.shape_cast %get3A_780 : vector<1x16xf32> to vector<16xf32>
        %mul3A_782 = vector.broadcast %squeeze3A_696 : f32 to vector<16xf32>
        %mul3A_783 = arith.mulf %get3A_781, %mul3A_782 : vector<16xf32>
        %swap3A_784 = arith.index_cast %add3A_700 : i32 to index
        %swap3A_785 = arith.constant 112 : index
        %swap3A_786 = tpu.vector_load %arg9[%swap3A_784, %swap3A_785] {strides = array<i32>} : memref<128x128xf32, #tpu.memory_space<vmem>>, vector<1x16xf32>,
        %swap3A_787 = vector.shape_cast %swap3A_786 : vector<1x16xf32> to vector<16xf32>
        %swap3A_788 = vector.shape_cast %mul3A_783 : vector<16xf32> to vector<1x16xf32>
        tpu.vector_store %arg9[%swap3A_784, %swap3A_785], %swap3A_788 {strides = array<i32>} : memref<128x128xf32, #tpu.memory_space<vmem>>, vector<1x16xf32>,
        %slice3A_789 = vector.extract_strided_slice %get3A_133 {offsets = [7], sizes = [1], strides = [1]} : vector<16xf32> to vector<1xf32>
        %squeeze3A_790 = vector.extract %slice3A_789[0] : f32 from vector<1xf32>
        %mul3A_791 = arith.constant 16 : i32
        %mul3A_792 = arith.muli %scan3A_128, %mul3A_791 : i32
        %add3A_793 = arith.constant 7 : i32
        %add3A_794 = arith.addi %mul3A_792, %add3A_793 : i32
        %get3A_795 = arith.index_cast %add3A_794 : i32 to index
        %get3A_796 = arith.constant 0 : index
        %get3A_797 = tpu.vector_load %arg9[%get3A_795, %get3A_796] {strides = array<i32>} : memref<128x128xf32, #tpu.memory_space<vmem>>, vector<1x16xf32>,
        %get3A_798 = vector.shape_cast %get3A_797 : vector<1x16xf32> to vector<16xf32>
        %mul3A_799 = vector.broadcast %squeeze3A_790 : f32 to vector<16xf32>
        %mul3A_800 = arith.mulf %get3A_798, %mul3A_799 : vector<16xf32>
        %swap3A_801 = arith.index_cast %add3A_794 : i32 to index
        %swap3A_802 = arith.constant 0 : index
        %swap3A_803 = tpu.vector_load %arg9[%swap3A_801, %swap3A_802] {strides = array<i32>} : memref<128x128xf32, #tpu.memory_space<vmem>>, vector<1x16xf32>,
        %swap3A_804 = vector.shape_cast %swap3A_803 : vector<1x16xf32> to vector<16xf32>
        %swap3A_805 = vector.shape_cast %mul3A_800 : vector<16xf32> to vector<1x16xf32>
        tpu.vector_store %arg9[%swap3A_801, %swap3A_802], %swap3A_805 {strides = array<i32>} : memref<128x128xf32, #tpu.memory_space<vmem>>, vector<1x16xf32>,
        %get3A_806 = arith.index_cast %add3A_794 : i32 to index
        %get3A_807 = arith.constant 16 : index
        %get3A_808 = tpu.vector_load %arg9[%get3A_806, %get3A_807] {strides = array<i32>} : memref<128x128xf32, #tpu.memory_space<vmem>>, vector<1x16xf32>,
        %get3A_809 = vector.shape_cast %get3A_808 : vector<1x16xf32> to vector<16xf32>
        %mul3A_810 = vector.broadcast %squeeze3A_790 : f32 to vector<16xf32>
        %mul3A_811 = arith.mulf %get3A_809, %mul3A_810 : vector<16xf32>
        %swap3A_812 = arith.index_cast %add3A_794 : i32 to index
        %swap3A_813 = arith.constant 16 : index
        %swap3A_814 = tpu.vector_load %arg9[%swap3A_812, %swap3A_813] {strides = array<i32>} : memref<128x128xf32, #tpu.memory_space<vmem>>, vector<1x16xf32>,
        %swap3A_815 = vector.shape_cast %swap3A_814 : vector<1x16xf32> to vector<16xf32>
        %swap3A_816 = vector.shape_cast %mul3A_811 : vector<16xf32> to vector<1x16xf32>
        tpu.vector_store %arg9[%swap3A_812, %swap3A_813], %swap3A_816 {strides = array<i32>} : memref<128x128xf32, #tpu.memory_space<vmem>>, vector<1x16xf32>,
        %get3A_817 = arith.index_cast %add3A_794 : i32 to index
        %get3A_818 = arith.constant 32 : index
        %get3A_819 = tpu.vector_load %arg9[%get3A_817, %get3A_818] {strides = array<i32>} : memref<128x128xf32, #tpu.memory_space<vmem>>, vector<1x16xf32>,
        %get3A_820 = vector.shape_cast %get3A_819 : vector<1x16xf32> to vector<16xf32>
        %mul3A_821 = vector.broadcast %squeeze3A_790 : f32 to vector<16xf32>
        %mul3A_822 = arith.mulf %get3A_820, %mul3A_821 : vector<16xf32>
        %swap3A_823 = arith.index_cast %add3A_794 : i32 to index
        %swap3A_824 = arith.constant 32 : index
        %swap3A_825 = tpu.vector_load %arg9[%swap3A_823, %swap3A_824] {strides = array<i32>} : memref<128x128xf32, #tpu.memory_space<vmem>>, vector<1x16xf32>,
        %swap3A_826 = vector.shape_cast %swap3A_825 : vector<1x16xf32> to vector<16xf32>
        %swap3A_827 = vector.shape_cast %mul3A_822 : vector<16xf32> to vector<1x16xf32>
        tpu.vector_store %arg9[%swap3A_823, %swap3A_824], %swap3A_827 {strides = array<i32>} : memref<128x128xf32, #tpu.memory_space<vmem>>, vector<1x16xf32>,
        %get3A_828 = arith.index_cast %add3A_794 : i32 to index
        %get3A_829 = arith.constant 48 : index
        %get3A_830 = tpu.vector_load %arg9[%get3A_828, %get3A_829] {strides = array<i32>} : memref<128x128xf32, #tpu.memory_space<vmem>>, vector<1x16xf32>,
        %get3A_831 = vector.shape_cast %get3A_830 : vector<1x16xf32> to vector<16xf32>
        %mul3A_832 = vector.broadcast %squeeze3A_790 : f32 to vector<16xf32>
        %mul3A_833 = arith.mulf %get3A_831, %mul3A_832 : vector<16xf32>
        %swap3A_834 = arith.index_cast %add3A_794 : i32 to index
        %swap3A_835 = arith.constant 48 : index
        %swap3A_836 = tpu.vector_load %arg9[%swap3A_834, %swap3A_835] {strides = array<i32>} : memref<128x128xf32, #tpu.memory_space<vmem>>, vector<1x16xf32>,
        %swap3A_837 = vector.shape_cast %swap3A_836 : vector<1x16xf32> to vector<16xf32>
        %swap3A_838 = vector.shape_cast %mul3A_833 : vector<16xf32> to vector<1x16xf32>
        tpu.vector_store %arg9[%swap3A_834, %swap3A_835], %swap3A_838 {strides = array<i32>} : memref<128x128xf32, #tpu.memory_space<vmem>>, vector<1x16xf32>,
        %get3A_839 = arith.index_cast %add3A_794 : i32 to index
        %get3A_840 = arith.constant 64 : index
        %get3A_841 = tpu.vector_load %arg9[%get3A_839, %get3A_840] {strides = array<i32>} : memref<128x128xf32, #tpu.memory_space<vmem>>, vector<1x16xf32>,
        %get3A_842 = vector.shape_cast %get3A_841 : vector<1x16xf32> to vector<16xf32>
        %mul3A_843 = vector.broadcast %squeeze3A_790 : f32 to vector<16xf32>
        %mul3A_844 = arith.mulf %get3A_842, %mul3A_843 : vector<16xf32>
        %swap3A_845 = arith.index_cast %add3A_794 : i32 to index
        %swap3A_846 = arith.constant 64 : index
        %swap3A_847 = tpu.vector_load %arg9[%swap3A_845, %swap3A_846] {strides = array<i32>} : memref<128x128xf32, #tpu.memory_space<vmem>>, vector<1x16xf32>,
        %swap3A_848 = vector.shape_cast %swap3A_847 : vector<1x16xf32> to vector<16xf32>
        %swap3A_849 = vector.shape_cast %mul3A_844 : vector<16xf32> to vector<1x16xf32>
        tpu.vector_store %arg9[%swap3A_845, %swap3A_846], %swap3A_849 {strides = array<i32>} : memref<128x128xf32, #tpu.memory_space<vmem>>, vector<1x16xf32>,
        %get3A_850 = arith.index_cast %add3A_794 : i32 to index
        %get3A_851 = arith.constant 80 : index
        %get3A_852 = tpu.vector_load %arg9[%get3A_850, %get3A_851] {strides = array<i32>} : memref<128x128xf32, #tpu.memory_space<vmem>>, vector<1x16xf32>,
        %get3A_853 = vector.shape_cast %get3A_852 : vector<1x16xf32> to vector<16xf32>
        %mul3A_854 = vector.broadcast %squeeze3A_790 : f32 to vector<16xf32>
        %mul3A_855 = arith.mulf %get3A_853, %mul3A_854 : vector<16xf32>
        %swap3A_856 = arith.index_cast %add3A_794 : i32 to index
        %swap3A_857 = arith.constant 80 : index
        %swap3A_858 = tpu.vector_load %arg9[%swap3A_856, %swap3A_857] {strides = array<i32>} : memref<128x128xf32, #tpu.memory_space<vmem>>, vector<1x16xf32>,
        %swap3A_859 = vector.shape_cast %swap3A_858 : vector<1x16xf32> to vector<16xf32>
        %swap3A_860 = vector.shape_cast %mul3A_855 : vector<16xf32> to vector<1x16xf32>
        tpu.vector_store %arg9[%swap3A_856, %swap3A_857], %swap3A_860 {strides = array<i32>} : memref<128x128xf32, #tpu.memory_space<vmem>>, vector<1x16xf32>,
        %get3A_861 = arith.index_cast %add3A_794 : i32 to index
        %get3A_862 = arith.constant 96 : index
        %get3A_863 = tpu.vector_load %arg9[%get3A_861, %get3A_862] {strides = array<i32>} : memref<128x128xf32, #tpu.memory_space<vmem>>, vector<1x16xf32>,
        %get3A_864 = vector.shape_cast %get3A_863 : vector<1x16xf32> to vector<16xf32>
        %mul3A_865 = vector.broadcast %squeeze3A_790 : f32 to vector<16xf32>
        %mul3A_866 = arith.mulf %get3A_864, %mul3A_865 : vector<16xf32>
        %swap3A_867 = arith.index_cast %add3A_794 : i32 to index
        %swap3A_868 = arith.constant 96 : index
        %swap3A_869 = tpu.vector_load %arg9[%swap3A_867, %swap3A_868] {strides = array<i32>} : memref<128x128xf32, #tpu.memory_space<vmem>>, vector<1x16xf32>,
        %swap3A_870 = vector.shape_cast %swap3A_869 : vector<1x16xf32> to vector<16xf32>
        %swap3A_871 = vector.shape_cast %mul3A_866 : vector<16xf32> to vector<1x16xf32>
        tpu.vector_store %arg9[%swap3A_867, %swap3A_868], %swap3A_871 {strides = array<i32>} : memref<128x128xf32, #tpu.memory_space<vmem>>, vector<1x16xf32>,
        %get3A_872 = arith.index_cast %add3A_794 : i32 to index
        %get3A_873 = arith.constant 112 : index
        %get3A_874 = tpu.vector_load %arg9[%get3A_872, %get3A_873] {strides = array<i32>} : memref<128x128xf32, #tpu.memory_space<vmem>>, vector<1x16xf32>,
        %get3A_875 = vector.shape_cast %get3A_874 : vector<1x16xf32> to vector<16xf32>
        %mul3A_876 = vector.broadcast %squeeze3A_790 : f32 to vector<16xf32>
        %mul3A_877 = arith.mulf %get3A_875, %mul3A_876 : vector<16xf32>
        %swap3A_878 = arith.index_cast %add3A_794 : i32 to index
        %swap3A_879 = arith.constant 112 : index
        %swap3A_880 = tpu.vector_load %arg9[%swap3A_878, %swap3A_879] {strides = array<i32>} : memref<128x128xf32, #tpu.memory_space<vmem>>, vector<1x16xf32>,
        %swap3A_881 = vector.shape_cast %swap3A_880 : vector<1x16xf32> to vector<16xf32>
        %swap3A_882 = vector.shape_cast %mul3A_877 : vector<16xf32> to vector<1x16xf32>
        tpu.vector_store %arg9[%swap3A_878, %swap3A_879], %swap3A_882 {strides = array<i32>} : memref<128x128xf32, #tpu.memory_space<vmem>>, vector<1x16xf32>,
        %slice3A_883 = vector.extract_strided_slice %get3A_133 {offsets = [8], sizes = [1], strides = [1]} : vector<16xf32> to vector<1xf32>
        %squeeze3A_884 = vector.extract %slice3A_883[0] : f32 from vector<1xf32>
        %mul3A_885 = arith.constant 16 : i32
        %mul3A_886 = arith.muli %scan3A_128, %mul3A_885 : i32
        %add3A_887 = arith.constant 8 : i32
        %add3A_888 = arith.addi %mul3A_886, %add3A_887 : i32
        %get3A_889 = arith.index_cast %add3A_888 : i32 to index
        %get3A_890 = arith.constant 0 : index
        %get3A_891 = tpu.vector_load %arg9[%get3A_889, %get3A_890] {strides = array<i32>} : memref<128x128xf32, #tpu.memory_space<vmem>>, vector<1x16xf32>,
        %get3A_892 = vector.shape_cast %get3A_891 : vector<1x16xf32> to vector<16xf32>
        %mul3A_893 = vector.broadcast %squeeze3A_884 : f32 to vector<16xf32>
        %mul3A_894 = arith.mulf %get3A_892, %mul3A_893 : vector<16xf32>
        %swap3A_895 = arith.index_cast %add3A_888 : i32 to index
        %swap3A_896 = arith.constant 0 : index
        %swap3A_897 = tpu.vector_load %arg9[%swap3A_895, %swap3A_896] {strides = array<i32>} : memref<128x128xf32, #tpu.memory_space<vmem>>, vector<1x16xf32>,
        %swap3A_898 = vector.shape_cast %swap3A_897 : vector<1x16xf32> to vector<16xf32>
        %swap3A_899 = vector.shape_cast %mul3A_894 : vector<16xf32> to vector<1x16xf32>
        tpu.vector_store %arg9[%swap3A_895, %swap3A_896], %swap3A_899 {strides = array<i32>} : memref<128x128xf32, #tpu.memory_space<vmem>>, vector<1x16xf32>,
        %get3A_900 = arith.index_cast %add3A_888 : i32 to index
        %get3A_901 = arith.constant 16 : index
        %get3A_902 = tpu.vector_load %arg9[%get3A_900, %get3A_901] {strides = array<i32>} : memref<128x128xf32, #tpu.memory_space<vmem>>, vector<1x16xf32>,
        %get3A_903 = vector.shape_cast %get3A_902 : vector<1x16xf32> to vector<16xf32>
        %mul3A_904 = vector.broadcast %squeeze3A_884 : f32 to vector<16xf32>
        %mul3A_905 = arith.mulf %get3A_903, %mul3A_904 : vector<16xf32>
        %swap3A_906 = arith.index_cast %add3A_888 : i32 to index
        %swap3A_907 = arith.constant 16 : index
        %swap3A_908 = tpu.vector_load %arg9[%swap3A_906, %swap3A_907] {strides = array<i32>} : memref<128x128xf32, #tpu.memory_space<vmem>>, vector<1x16xf32>,
        %swap3A_909 = vector.shape_cast %swap3A_908 : vector<1x16xf32> to vector<16xf32>
        %swap3A_910 = vector.shape_cast %mul3A_905 : vector<16xf32> to vector<1x16xf32>
        tpu.vector_store %arg9[%swap3A_906, %swap3A_907], %swap3A_910 {strides = array<i32>} : memref<128x128xf32, #tpu.memory_space<vmem>>, vector<1x16xf32>,
        %get3A_911 = arith.index_cast %add3A_888 : i32 to index
        %get3A_912 = arith.constant 32 : index
        %get3A_913 = tpu.vector_load %arg9[%get3A_911, %get3A_912] {strides = array<i32>} : memref<128x128xf32, #tpu.memory_space<vmem>>, vector<1x16xf32>,
        %get3A_914 = vector.shape_cast %get3A_913 : vector<1x16xf32> to vector<16xf32>
        %mul3A_915 = vector.broadcast %squeeze3A_884 : f32 to vector<16xf32>
        %mul3A_916 = arith.mulf %get3A_914, %mul3A_915 : vector<16xf32>
        %swap3A_917 = arith.index_cast %add3A_888 : i32 to index
        %swap3A_918 = arith.constant 32 : index
        %swap3A_919 = tpu.vector_load %arg9[%swap3A_917, %swap3A_918] {strides = array<i32>} : memref<128x128xf32, #tpu.memory_space<vmem>>, vector<1x16xf32>,
        %swap3A_920 = vector.shape_cast %swap3A_919 : vector<1x16xf32> to vector<16xf32>
        %swap3A_921 = vector.shape_cast %mul3A_916 : vector<16xf32> to vector<1x16xf32>
        tpu.vector_store %arg9[%swap3A_917, %swap3A_918], %swap3A_921 {strides = array<i32>} : memref<128x128xf32, #tpu.memory_space<vmem>>, vector<1x16xf32>,
        %get3A_922 = arith.index_cast %add3A_888 : i32 to index
        %get3A_923 = arith.constant 48 : index
        %get3A_924 = tpu.vector_load %arg9[%get3A_922, %get3A_923] {strides = array<i32>} : memref<128x128xf32, #tpu.memory_space<vmem>>, vector<1x16xf32>,
        %get3A_925 = vector.shape_cast %get3A_924 : vector<1x16xf32> to vector<16xf32>
        %mul3A_926 = vector.broadcast %squeeze3A_884 : f32 to vector<16xf32>
        %mul3A_927 = arith.mulf %get3A_925, %mul3A_926 : vector<16xf32>
        %swap3A_928 = arith.index_cast %add3A_888 : i32 to index
        %swap3A_929 = arith.constant 48 : index
        %swap3A_930 = tpu.vector_load %arg9[%swap3A_928, %swap3A_929] {strides = array<i32>} : memref<128x128xf32, #tpu.memory_space<vmem>>, vector<1x16xf32>,
        %swap3A_931 = vector.shape_cast %swap3A_930 : vector<1x16xf32> to vector<16xf32>
        %swap3A_932 = vector.shape_cast %mul3A_927 : vector<16xf32> to vector<1x16xf32>
        tpu.vector_store %arg9[%swap3A_928, %swap3A_929], %swap3A_932 {strides = array<i32>} : memref<128x128xf32, #tpu.memory_space<vmem>>, vector<1x16xf32>,
        %get3A_933 = arith.index_cast %add3A_888 : i32 to index
        %get3A_934 = arith.constant 64 : index
        %get3A_935 = tpu.vector_load %arg9[%get3A_933, %get3A_934] {strides = array<i32>} : memref<128x128xf32, #tpu.memory_space<vmem>>, vector<1x16xf32>,
        %get3A_936 = vector.shape_cast %get3A_935 : vector<1x16xf32> to vector<16xf32>
        %mul3A_937 = vector.broadcast %squeeze3A_884 : f32 to vector<16xf32>
        %mul3A_938 = arith.mulf %get3A_936, %mul3A_937 : vector<16xf32>
        %swap3A_939 = arith.index_cast %add3A_888 : i32 to index
        %swap3A_940 = arith.constant 64 : index
        %swap3A_941 = tpu.vector_load %arg9[%swap3A_939, %swap3A_940] {strides = array<i32>} : memref<128x128xf32, #tpu.memory_space<vmem>>, vector<1x16xf32>,
        %swap3A_942 = vector.shape_cast %swap3A_941 : vector<1x16xf32> to vector<16xf32>
        %swap3A_943 = vector.shape_cast %mul3A_938 : vector<16xf32> to vector<1x16xf32>
        tpu.vector_store %arg9[%swap3A_939, %swap3A_940], %swap3A_943 {strides = array<i32>} : memref<128x128xf32, #tpu.memory_space<vmem>>, vector<1x16xf32>,
        %get3A_944 = arith.index_cast %add3A_888 : i32 to index
        %get3A_945 = arith.constant 80 : index
        %get3A_946 = tpu.vector_load %arg9[%get3A_944, %get3A_945] {strides = array<i32>} : memref<128x128xf32, #tpu.memory_space<vmem>>, vector<1x16xf32>,
        %get3A_947 = vector.shape_cast %get3A_946 : vector<1x16xf32> to vector<16xf32>
        %mul3A_948 = vector.broadcast %squeeze3A_884 : f32 to vector<16xf32>
        %mul3A_949 = arith.mulf %get3A_947, %mul3A_948 : vector<16xf32>
        %swap3A_950 = arith.index_cast %add3A_888 : i32 to index
        %swap3A_951 = arith.constant 80 : index
        %swap3A_952 = tpu.vector_load %arg9[%swap3A_950, %swap3A_951] {strides = array<i32>} : memref<128x128xf32, #tpu.memory_space<vmem>>, vector<1x16xf32>,
        %swap3A_953 = vector.shape_cast %swap3A_952 : vector<1x16xf32> to vector<16xf32>
        %swap3A_954 = vector.shape_cast %mul3A_949 : vector<16xf32> to vector<1x16xf32>
        tpu.vector_store %arg9[%swap3A_950, %swap3A_951], %swap3A_954 {strides = array<i32>} : memref<128x128xf32, #tpu.memory_space<vmem>>, vector<1x16xf32>,
        %get3A_955 = arith.index_cast %add3A_888 : i32 to index
        %get3A_956 = arith.constant 96 : index
        %get3A_957 = tpu.vector_load %arg9[%get3A_955, %get3A_956] {strides = array<i32>} : memref<128x128xf32, #tpu.memory_space<vmem>>, vector<1x16xf32>,
        %get3A_958 = vector.shape_cast %get3A_957 : vector<1x16xf32> to vector<16xf32>
        %mul3A_959 = vector.broadcast %squeeze3A_884 : f32 to vector<16xf32>
        %mul3A_960 = arith.mulf %get3A_958, %mul3A_959 : vector<16xf32>
        %swap3A_961 = arith.index_cast %add3A_888 : i32 to index
        %swap3A_962 = arith.constant 96 : index
        %swap3A_963 = tpu.vector_load %arg9[%swap3A_961, %swap3A_962] {strides = array<i32>} : memref<128x128xf32, #tpu.memory_space<vmem>>, vector<1x16xf32>,
        %swap3A_964 = vector.shape_cast %swap3A_963 : vector<1x16xf32> to vector<16xf32>
        %swap3A_965 = vector.shape_cast %mul3A_960 : vector<16xf32> to vector<1x16xf32>
        tpu.vector_store %arg9[%swap3A_961, %swap3A_962], %swap3A_965 {strides = array<i32>} : memref<128x128xf32, #tpu.memory_space<vmem>>, vector<1x16xf32>,
        %get3A_966 = arith.index_cast %add3A_888 : i32 to index
        %get3A_967 = arith.constant 112 : index
        %get3A_968 = tpu.vector_load %arg9[%get3A_966, %get3A_967] {strides = array<i32>} : memref<128x128xf32, #tpu.memory_space<vmem>>, vector<1x16xf32>,
        %get3A_969 = vector.shape_cast %get3A_968 : vector<1x16xf32> to vector<16xf32>
        %mul3A_970 = vector.broadcast %squeeze3A_884 : f32 to vector<16xf32>
        %mul3A_971 = arith.mulf %get3A_969, %mul3A_970 : vector<16xf32>
        %swap3A_972 = arith.index_cast %add3A_888 : i32 to index
        %swap3A_973 = arith.constant 112 : index
        %swap3A_974 = tpu.vector_load %arg9[%swap3A_972, %swap3A_973] {strides = array<i32>} : memref<128x128xf32, #tpu.memory_space<vmem>>, vector<1x16xf32>,
        %swap3A_975 = vector.shape_cast %swap3A_974 : vector<1x16xf32> to vector<16xf32>
        %swap3A_976 = vector.shape_cast %mul3A_971 : vector<16xf32> to vector<1x16xf32>
        tpu.vector_store %arg9[%swap3A_972, %swap3A_973], %swap3A_976 {strides = array<i32>} : memref<128x128xf32, #tpu.memory_space<vmem>>, vector<1x16xf32>,
        %slice3A_977 = vector.extract_strided_slice %get3A_133 {offsets = [9], sizes = [1], strides = [1]} : vector<16xf32> to vector<1xf32>
        %squeeze3A_978 = vector.extract %slice3A_977[0] : f32 from vector<1xf32>
        %mul3A_979 = arith.constant 16 : i32
        %mul3A_980 = arith.muli %scan3A_128, %mul3A_979 : i32
        %add3A_981 = arith.constant 9 : i32
        %add3A_982 = arith.addi %mul3A_980, %add3A_981 : i32
        %get3A_983 = arith.index_cast %add3A_982 : i32 to index
        %get3A_984 = arith.constant 0 : index
        %get3A_985 = tpu.vector_load %arg9[%get3A_983, %get3A_984] {strides = array<i32>} : memref<128x128xf32, #tpu.memory_space<vmem>>, vector<1x16xf32>,
        %get3A_986 = vector.shape_cast %get3A_985 : vector<1x16xf32> to vector<16xf32>
        %mul3A_987 = vector.broadcast %squeeze3A_978 : f32 to vector<16xf32>
        %mul3A_988 = arith.mulf %get3A_986, %mul3A_987 : vector<16xf32>
        %swap3A_989 = arith.index_cast %add3A_982 : i32 to index
        %swap3A_990 = arith.constant 0 : index
        %swap3A_991 = tpu.vector_load %arg9[%swap3A_989, %swap3A_990] {strides = array<i32>} : memref<128x128xf32, #tpu.memory_space<vmem>>, vector<1x16xf32>,
        %swap3A_992 = vector.shape_cast %swap3A_991 : vector<1x16xf32> to vector<16xf32>
        %swap3A_993 = vector.shape_cast %mul3A_988 : vector<16xf32> to vector<1x16xf32>
        tpu.vector_store %arg9[%swap3A_989, %swap3A_990], %swap3A_993 {strides = array<i32>} : memref<128x128xf32, #tpu.memory_space<vmem>>, vector<1x16xf32>,
        %get3A_994 = arith.index_cast %add3A_982 : i32 to index
        %get3A_995 = arith.constant 16 : index
        %get3A_996 = tpu.vector_load %arg9[%get3A_994, %get3A_995] {strides = array<i32>} : memref<128x128xf32, #tpu.memory_space<vmem>>, vector<1x16xf32>,
        %get3A_997 = vector.shape_cast %get3A_996 : vector<1x16xf32> to vector<16xf32>
        %mul3A_998 = vector.broadcast %squeeze3A_978 : f32 to vector<16xf32>
        %mul3A_999 = arith.mulf %get3A_997, %mul3A_998 : vector<16xf32>
        %swap3A_1000 = arith.index_cast %add3A_982 : i32 to index
        %swap3A_1001 = arith.constant 16 : index
        %swap3A_1002 = tpu.vector_load %arg9[%swap3A_1000, %swap3A_1001] {strides = array<i32>} : memref<128x128xf32, #tpu.memory_space<vmem>>, vector<1x16xf32>,
        %swap3A_1003 = vector.shape_cast %swap3A_1002 : vector<1x16xf32> to vector<16xf32>
        %swap3A_1004 = vector.shape_cast %mul3A_999 : vector<16xf32> to vector<1x16xf32>
        tpu.vector_store %arg9[%swap3A_1000, %swap3A_1001], %swap3A_1004 {strides = array<i32>} : memref<128x128xf32, #tpu.memory_space<vmem>>, vector<1x16xf32>,
        %get3A_1005 = arith.index_cast %add3A_982 : i32 to index
        %get3A_1006 = arith.constant 32 : index
        %get3A_1007 = tpu.vector_load %arg9[%get3A_1005, %get3A_1006] {strides = array<i32>} : memref<128x128xf32, #tpu.memory_space<vmem>>, vector<1x16xf32>,
        %get3A_1008 = vector.shape_cast %get3A_1007 : vector<1x16xf32> to vector<16xf32>
        %mul3A_1009 = vector.broadcast %squeeze3A_978 : f32 to vector<16xf32>
        %mul3A_1010 = arith.mulf %get3A_1008, %mul3A_1009 : vector<16xf32>
        %swap3A_1011 = arith.index_cast %add3A_982 : i32 to index
        %swap3A_1012 = arith.constant 32 : index
        %swap3A_1013 = tpu.vector_load %arg9[%swap3A_1011, %swap3A_1012] {strides = array<i32>} : memref<128x128xf32, #tpu.memory_space<vmem>>, vector<1x16xf32>,
        %swap3A_1014 = vector.shape_cast %swap3A_1013 : vector<1x16xf32> to vector<16xf32>
        %swap3A_1015 = vector.shape_cast %mul3A_1010 : vector<16xf32> to vector<1x16xf32>
        tpu.vector_store %arg9[%swap3A_1011, %swap3A_1012], %swap3A_1015 {strides = array<i32>} : memref<128x128xf32, #tpu.memory_space<vmem>>, vector<1x16xf32>,
        %get3A_1016 = arith.index_cast %add3A_982 : i32 to index
        %get3A_1017 = arith.constant 48 : index
        %get3A_1018 = tpu.vector_load %arg9[%get3A_1016, %get3A_1017] {strides = array<i32>} : memref<128x128xf32, #tpu.memory_space<vmem>>, vector<1x16xf32>,
        %get3A_1019 = vector.shape_cast %get3A_1018 : vector<1x16xf32> to vector<16xf32>
        %mul3A_1020 = vector.broadcast %squeeze3A_978 : f32 to vector<16xf32>
        %mul3A_1021 = arith.mulf %get3A_1019, %mul3A_1020 : vector<16xf32>
        %swap3A_1022 = arith.index_cast %add3A_982 : i32 to index
        %swap3A_1023 = arith.constant 48 : index
        %swap3A_1024 = tpu.vector_load %arg9[%swap3A_1022, %swap3A_1023] {strides = array<i32>} : memref<128x128xf32, #tpu.memory_space<vmem>>, vector<1x16xf32>,
        %swap3A_1025 = vector.shape_cast %swap3A_1024 : vector<1x16xf32> to vector<16xf32>
        %swap3A_1026 = vector.shape_cast %mul3A_1021 : vector<16xf32> to vector<1x16xf32>
        tpu.vector_store %arg9[%swap3A_1022, %swap3A_1023], %swap3A_1026 {strides = array<i32>} : memref<128x128xf32, #tpu.memory_space<vmem>>, vector<1x16xf32>,
        %get3A_1027 = arith.index_cast %add3A_982 : i32 to index
        %get3A_1028 = arith.constant 64 : index
        %get3A_1029 = tpu.vector_load %arg9[%get3A_1027, %get3A_1028] {strides = array<i32>} : memref<128x128xf32, #tpu.memory_space<vmem>>, vector<1x16xf32>,
        %get3A_1030 = vector.shape_cast %get3A_1029 : vector<1x16xf32> to vector<16xf32>
        %mul3A_1031 = vector.broadcast %squeeze3A_978 : f32 to vector<16xf32>
        %mul3A_1032 = arith.mulf %get3A_1030, %mul3A_1031 : vector<16xf32>
        %swap3A_1033 = arith.index_cast %add3A_982 : i32 to index
        %swap3A_1034 = arith.constant 64 : index
        %swap3A_1035 = tpu.vector_load %arg9[%swap3A_1033, %swap3A_1034] {strides = array<i32>} : memref<128x128xf32, #tpu.memory_space<vmem>>, vector<1x16xf32>,
        %swap3A_1036 = vector.shape_cast %swap3A_1035 : vector<1x16xf32> to vector<16xf32>
        %swap3A_1037 = vector.shape_cast %mul3A_1032 : vector<16xf32> to vector<1x16xf32>
        tpu.vector_store %arg9[%swap3A_1033, %swap3A_1034], %swap3A_1037 {strides = array<i32>} : memref<128x128xf32, #tpu.memory_space<vmem>>, vector<1x16xf32>,
        %get3A_1038 = arith.index_cast %add3A_982 : i32 to index
        %get3A_1039 = arith.constant 80 : index
        %get3A_1040 = tpu.vector_load %arg9[%get3A_1038, %get3A_1039] {strides = array<i32>} : memref<128x128xf32, #tpu.memory_space<vmem>>, vector<1x16xf32>,
        %get3A_1041 = vector.shape_cast %get3A_1040 : vector<1x16xf32> to vector<16xf32>
        %mul3A_1042 = vector.broadcast %squeeze3A_978 : f32 to vector<16xf32>
        %mul3A_1043 = arith.mulf %get3A_1041, %mul3A_1042 : vector<16xf32>
        %swap3A_1044 = arith.index_cast %add3A_982 : i32 to index
        %swap3A_1045 = arith.constant 80 : index
        %swap3A_1046 = tpu.vector_load %arg9[%swap3A_1044, %swap3A_1045] {strides = array<i32>} : memref<128x128xf32, #tpu.memory_space<vmem>>, vector<1x16xf32>,
        %swap3A_1047 = vector.shape_cast %swap3A_1046 : vector<1x16xf32> to vector<16xf32>
        %swap3A_1048 = vector.shape_cast %mul3A_1043 : vector<16xf32> to vector<1x16xf32>
        tpu.vector_store %arg9[%swap3A_1044, %swap3A_1045], %swap3A_1048 {strides = array<i32>} : memref<128x128xf32, #tpu.memory_space<vmem>>, vector<1x16xf32>,
        %get3A_1049 = arith.index_cast %add3A_982 : i32 to index
        %get3A_1050 = arith.constant 96 : index
        %get3A_1051 = tpu.vector_load %arg9[%get3A_1049, %get3A_1050] {strides = array<i32>} : memref<128x128xf32, #tpu.memory_space<vmem>>, vector<1x16xf32>,
        %get3A_1052 = vector.shape_cast %get3A_1051 : vector<1x16xf32> to vector<16xf32>
        %mul3A_1053 = vector.broadcast %squeeze3A_978 : f32 to vector<16xf32>
        %mul3A_1054 = arith.mulf %get3A_1052, %mul3A_1053 : vector<16xf32>
        %swap3A_1055 = arith.index_cast %add3A_982 : i32 to index
        %swap3A_1056 = arith.constant 96 : index
        %swap3A_1057 = tpu.vector_load %arg9[%swap3A_1055, %swap3A_1056] {strides = array<i32>} : memref<128x128xf32, #tpu.memory_space<vmem>>, vector<1x16xf32>,
        %swap3A_1058 = vector.shape_cast %swap3A_1057 : vector<1x16xf32> to vector<16xf32>
        %swap3A_1059 = vector.shape_cast %mul3A_1054 : vector<16xf32> to vector<1x16xf32>
        tpu.vector_store %arg9[%swap3A_1055, %swap3A_1056], %swap3A_1059 {strides = array<i32>} : memref<128x128xf32, #tpu.memory_space<vmem>>, vector<1x16xf32>,
        %get3A_1060 = arith.index_cast %add3A_982 : i32 to index
        %get3A_1061 = arith.constant 112 : index
        %get3A_1062 = tpu.vector_load %arg9[%get3A_1060, %get3A_1061] {strides = array<i32>} : memref<128x128xf32, #tpu.memory_space<vmem>>, vector<1x16xf32>,
        %get3A_1063 = vector.shape_cast %get3A_1062 : vector<1x16xf32> to vector<16xf32>
        %mul3A_1064 = vector.broadcast %squeeze3A_978 : f32 to vector<16xf32>
        %mul3A_1065 = arith.mulf %get3A_1063, %mul3A_1064 : vector<16xf32>
        %swap3A_1066 = arith.index_cast %add3A_982 : i32 to index
        %swap3A_1067 = arith.constant 112 : index
        %swap3A_1068 = tpu.vector_load %arg9[%swap3A_1066, %swap3A_1067] {strides = array<i32>} : memref<128x128xf32, #tpu.memory_space<vmem>>, vector<1x16xf32>,
        %swap3A_1069 = vector.shape_cast %swap3A_1068 : vector<1x16xf32> to vector<16xf32>
        %swap3A_1070 = vector.shape_cast %mul3A_1065 : vector<16xf32> to vector<1x16xf32>
        tpu.vector_store %arg9[%swap3A_1066, %swap3A_1067], %swap3A_1070 {strides = array<i32>} : memref<128x128xf32, #tpu.memory_space<vmem>>, vector<1x16xf32>,
        %slice3A_1071 = vector.extract_strided_slice %get3A_133 {offsets = [10], sizes = [1], strides = [1]} : vector<16xf32> to vector<1xf32>
        %squeeze3A_1072 = vector.extract %slice3A_1071[0] : f32 from vector<1xf32>
        %mul3A_1073 = arith.constant 16 : i32
        %mul3A_1074 = arith.muli %scan3A_128, %mul3A_1073 : i32
        %add3A_1075 = arith.constant 10 : i32
        %add3A_1076 = arith.addi %mul3A_1074, %add3A_1075 : i32
        %get3A_1077 = arith.index_cast %add3A_1076 : i32 to index
        %get3A_1078 = arith.constant 0 : index
        %get3A_1079 = tpu.vector_load %arg9[%get3A_1077, %get3A_1078] {strides = array<i32>} : memref<128x128xf32, #tpu.memory_space<vmem>>, vector<1x16xf32>,
        %get3A_1080 = vector.shape_cast %get3A_1079 : vector<1x16xf32> to vector<16xf32>
        %mul3A_1081 = vector.broadcast %squeeze3A_1072 : f32 to vector<16xf32>
        %mul3A_1082 = arith.mulf %get3A_1080, %mul3A_1081 : vector<16xf32>
        %swap3A_1083 = arith.index_cast %add3A_1076 : i32 to index
        %swap3A_1084 = arith.constant 0 : index
        %swap3A_1085 = tpu.vector_load %arg9[%swap3A_1083, %swap3A_1084] {strides = array<i32>} : memref<128x128xf32, #tpu.memory_space<vmem>>, vector<1x16xf32>,
        %swap3A_1086 = vector.shape_cast %swap3A_1085 : vector<1x16xf32> to vector<16xf32>
        %swap3A_1087 = vector.shape_cast %mul3A_1082 : vector<16xf32> to vector<1x16xf32>
        tpu.vector_store %arg9[%swap3A_1083, %swap3A_1084], %swap3A_1087 {strides = array<i32>} : memref<128x128xf32, #tpu.memory_space<vmem>>, vector<1x16xf32>,
        %get3A_1088 = arith.index_cast %add3A_1076 : i32 to index
        %get3A_1089 = arith.constant 16 : index
        %get3A_1090 = tpu.vector_load %arg9[%get3A_1088, %get3A_1089] {strides = array<i32>} : memref<128x128xf32, #tpu.memory_space<vmem>>, vector<1x16xf32>,
        %get3A_1091 = vector.shape_cast %get3A_1090 : vector<1x16xf32> to vector<16xf32>
        %mul3A_1092 = vector.broadcast %squeeze3A_1072 : f32 to vector<16xf32>
        %mul3A_1093 = arith.mulf %get3A_1091, %mul3A_1092 : vector<16xf32>
        %swap3A_1094 = arith.index_cast %add3A_1076 : i32 to index
        %swap3A_1095 = arith.constant 16 : index
        %swap3A_1096 = tpu.vector_load %arg9[%swap3A_1094, %swap3A_1095] {strides = array<i32>} : memref<128x128xf32, #tpu.memory_space<vmem>>, vector<1x16xf32>,
        %swap3A_1097 = vector.shape_cast %swap3A_1096 : vector<1x16xf32> to vector<16xf32>
        %swap3A_1098 = vector.shape_cast %mul3A_1093 : vector<16xf32> to vector<1x16xf32>
        tpu.vector_store %arg9[%swap3A_1094, %swap3A_1095], %swap3A_1098 {strides = array<i32>} : memref<128x128xf32, #tpu.memory_space<vmem>>, vector<1x16xf32>,
        %get3A_1099 = arith.index_cast %add3A_1076 : i32 to index
        %get3A_1100 = arith.constant 32 : index
        %get3A_1101 = tpu.vector_load %arg9[%get3A_1099, %get3A_1100] {strides = array<i32>} : memref<128x128xf32, #tpu.memory_space<vmem>>, vector<1x16xf32>,
        %get3A_1102 = vector.shape_cast %get3A_1101 : vector<1x16xf32> to vector<16xf32>
        %mul3A_1103 = vector.broadcast %squeeze3A_1072 : f32 to vector<16xf32>
        %mul3A_1104 = arith.mulf %get3A_1102, %mul3A_1103 : vector<16xf32>
        %swap3A_1105 = arith.index_cast %add3A_1076 : i32 to index
        %swap3A_1106 = arith.constant 32 : index
        %swap3A_1107 = tpu.vector_load %arg9[%swap3A_1105, %swap3A_1106] {strides = array<i32>} : memref<128x128xf32, #tpu.memory_space<vmem>>, vector<1x16xf32>,
        %swap3A_1108 = vector.shape_cast %swap3A_1107 : vector<1x16xf32> to vector<16xf32>
        %swap3A_1109 = vector.shape_cast %mul3A_1104 : vector<16xf32> to vector<1x16xf32>
        tpu.vector_store %arg9[%swap3A_1105, %swap3A_1106], %swap3A_1109 {strides = array<i32>} : memref<128x128xf32, #tpu.memory_space<vmem>>, vector<1x16xf32>,
        %get3A_1110 = arith.index_cast %add3A_1076 : i32 to index
        %get3A_1111 = arith.constant 48 : index
        %get3A_1112 = tpu.vector_load %arg9[%get3A_1110, %get3A_1111] {strides = array<i32>} : memref<128x128xf32, #tpu.memory_space<vmem>>, vector<1x16xf32>,
        %get3A_1113 = vector.shape_cast %get3A_1112 : vector<1x16xf32> to vector<16xf32>
        %mul3A_1114 = vector.broadcast %squeeze3A_1072 : f32 to vector<16xf32>
        %mul3A_1115 = arith.mulf %get3A_1113, %mul3A_1114 : vector<16xf32>
        %swap3A_1116 = arith.index_cast %add3A_1076 : i32 to index
        %swap3A_1117 = arith.constant 48 : index
        %swap3A_1118 = tpu.vector_load %arg9[%swap3A_1116, %swap3A_1117] {strides = array<i32>} : memref<128x128xf32, #tpu.memory_space<vmem>>, vector<1x16xf32>,
        %swap3A_1119 = vector.shape_cast %swap3A_1118 : vector<1x16xf32> to vector<16xf32>
        %swap3A_1120 = vector.shape_cast %mul3A_1115 : vector<16xf32> to vector<1x16xf32>
        tpu.vector_store %arg9[%swap3A_1116, %swap3A_1117], %swap3A_1120 {strides = array<i32>} : memref<128x128xf32, #tpu.memory_space<vmem>>, vector<1x16xf32>,
        %get3A_1121 = arith.index_cast %add3A_1076 : i32 to index
        %get3A_1122 = arith.constant 64 : index
        %get3A_1123 = tpu.vector_load %arg9[%get3A_1121, %get3A_1122] {strides = array<i32>} : memref<128x128xf32, #tpu.memory_space<vmem>>, vector<1x16xf32>,
        %get3A_1124 = vector.shape_cast %get3A_1123 : vector<1x16xf32> to vector<16xf32>
        %mul3A_1125 = vector.broadcast %squeeze3A_1072 : f32 to vector<16xf32>
        %mul3A_1126 = arith.mulf %get3A_1124, %mul3A_1125 : vector<16xf32>
        %swap3A_1127 = arith.index_cast %add3A_1076 : i32 to index
        %swap3A_1128 = arith.constant 64 : index
        %swap3A_1129 = tpu.vector_load %arg9[%swap3A_1127, %swap3A_1128] {strides = array<i32>} : memref<128x128xf32, #tpu.memory_space<vmem>>, vector<1x16xf32>,
        %swap3A_1130 = vector.shape_cast %swap3A_1129 : vector<1x16xf32> to vector<16xf32>
        %swap3A_1131 = vector.shape_cast %mul3A_1126 : vector<16xf32> to vector<1x16xf32>
        tpu.vector_store %arg9[%swap3A_1127, %swap3A_1128], %swap3A_1131 {strides = array<i32>} : memref<128x128xf32, #tpu.memory_space<vmem>>, vector<1x16xf32>,
        %get3A_1132 = arith.index_cast %add3A_1076 : i32 to index
        %get3A_1133 = arith.constant 80 : index
        %get3A_1134 = tpu.vector_load %arg9[%get3A_1132, %get3A_1133] {strides = array<i32>} : memref<128x128xf32, #tpu.memory_space<vmem>>, vector<1x16xf32>,
        %get3A_1135 = vector.shape_cast %get3A_1134 : vector<1x16xf32> to vector<16xf32>
        %mul3A_1136 = vector.broadcast %squeeze3A_1072 : f32 to vector<16xf32>
        %mul3A_1137 = arith.mulf %get3A_1135, %mul3A_1136 : vector<16xf32>
        %swap3A_1138 = arith.index_cast %add3A_1076 : i32 to index
        %swap3A_1139 = arith.constant 80 : index
        %swap3A_1140 = tpu.vector_load %arg9[%swap3A_1138, %swap3A_1139] {strides = array<i32>} : memref<128x128xf32, #tpu.memory_space<vmem>>, vector<1x16xf32>,
        %swap3A_1141 = vector.shape_cast %swap3A_1140 : vector<1x16xf32> to vector<16xf32>
        %swap3A_1142 = vector.shape_cast %mul3A_1137 : vector<16xf32> to vector<1x16xf32>
        tpu.vector_store %arg9[%swap3A_1138, %swap3A_1139], %swap3A_1142 {strides = array<i32>} : memref<128x128xf32, #tpu.memory_space<vmem>>, vector<1x16xf32>,
        %get3A_1143 = arith.index_cast %add3A_1076 : i32 to index
        %get3A_1144 = arith.constant 96 : index
        %get3A_1145 = tpu.vector_load %arg9[%get3A_1143, %get3A_1144] {strides = array<i32>} : memref<128x128xf32, #tpu.memory_space<vmem>>, vector<1x16xf32>,
        %get3A_1146 = vector.shape_cast %get3A_1145 : vector<1x16xf32> to vector<16xf32>
        %mul3A_1147 = vector.broadcast %squeeze3A_1072 : f32 to vector<16xf32>
        %mul3A_1148 = arith.mulf %get3A_1146, %mul3A_1147 : vector<16xf32>
        %swap3A_1149 = arith.index_cast %add3A_1076 : i32 to index
        %swap3A_1150 = arith.constant 96 : index
        %swap3A_1151 = tpu.vector_load %arg9[%swap3A_1149, %swap3A_1150] {strides = array<i32>} : memref<128x128xf32, #tpu.memory_space<vmem>>, vector<1x16xf32>,
        %swap3A_1152 = vector.shape_cast %swap3A_1151 : vector<1x16xf32> to vector<16xf32>
        %swap3A_1153 = vector.shape_cast %mul3A_1148 : vector<16xf32> to vector<1x16xf32>
        tpu.vector_store %arg9[%swap3A_1149, %swap3A_1150], %swap3A_1153 {strides = array<i32>} : memref<128x128xf32, #tpu.memory_space<vmem>>, vector<1x16xf32>,
        %get3A_1154 = arith.index_cast %add3A_1076 : i32 to index
        %get3A_1155 = arith.constant 112 : index
        %get3A_1156 = tpu.vector_load %arg9[%get3A_1154, %get3A_1155] {strides = array<i32>} : memref<128x128xf32, #tpu.memory_space<vmem>>, vector<1x16xf32>,
        %get3A_1157 = vector.shape_cast %get3A_1156 : vector<1x16xf32> to vector<16xf32>
        %mul3A_1158 = vector.broadcast %squeeze3A_1072 : f32 to vector<16xf32>
        %mul3A_1159 = arith.mulf %get3A_1157, %mul3A_1158 : vector<16xf32>
        %swap3A_1160 = arith.index_cast %add3A_1076 : i32 to index
        %swap3A_1161 = arith.constant 112 : index
        %swap3A_1162 = tpu.vector_load %arg9[%swap3A_1160, %swap3A_1161] {strides = array<i32>} : memref<128x128xf32, #tpu.memory_space<vmem>>, vector<1x16xf32>,
        %swap3A_1163 = vector.shape_cast %swap3A_1162 : vector<1x16xf32> to vector<16xf32>
        %swap3A_1164 = vector.shape_cast %mul3A_1159 : vector<16xf32> to vector<1x16xf32>
        tpu.vector_store %arg9[%swap3A_1160, %swap3A_1161], %swap3A_1164 {strides = array<i32>} : memref<128x128xf32, #tpu.memory_space<vmem>>, vector<1x16xf32>,
        %slice3A_1165 = vector.extract_strided_slice %get3A_133 {offsets = [11], sizes = [1], strides = [1]} : vector<16xf32> to vector<1xf32>
        %squeeze3A_1166 = vector.extract %slice3A_1165[0] : f32 from vector<1xf32>
        %mul3A_1167 = arith.constant 16 : i32
        %mul3A_1168 = arith.muli %scan3A_128, %mul3A_1167 : i32
        %add3A_1169 = arith.constant 11 : i32
        %add3A_1170 = arith.addi %mul3A_1168, %add3A_1169 : i32
        %get3A_1171 = arith.index_cast %add3A_1170 : i32 to index
        %get3A_1172 = arith.constant 0 : index
        %get3A_1173 = tpu.vector_load %arg9[%get3A_1171, %get3A_1172] {strides = array<i32>} : memref<128x128xf32, #tpu.memory_space<vmem>>, vector<1x16xf32>,
        %get3A_1174 = vector.shape_cast %get3A_1173 : vector<1x16xf32> to vector<16xf32>
        %mul3A_1175 = vector.broadcast %squeeze3A_1166 : f32 to vector<16xf32>
        %mul3A_1176 = arith.mulf %get3A_1174, %mul3A_1175 : vector<16xf32>
        %swap3A_1177 = arith.index_cast %add3A_1170 : i32 to index
        %swap3A_1178 = arith.constant 0 : index
        %swap3A_1179 = tpu.vector_load %arg9[%swap3A_1177, %swap3A_1178] {strides = array<i32>} : memref<128x128xf32, #tpu.memory_space<vmem>>, vector<1x16xf32>,
        %swap3A_1180 = vector.shape_cast %swap3A_1179 : vector<1x16xf32> to vector<16xf32>
        %swap3A_1181 = vector.shape_cast %mul3A_1176 : vector<16xf32> to vector<1x16xf32>
        tpu.vector_store %arg9[%swap3A_1177, %swap3A_1178], %swap3A_1181 {strides = array<i32>} : memref<128x128xf32, #tpu.memory_space<vmem>>, vector<1x16xf32>,
        %get3A_1182 = arith.index_cast %add3A_1170 : i32 to index
        %get3A_1183 = arith.constant 16 : index
        %get3A_1184 = tpu.vector_load %arg9[%get3A_1182, %get3A_1183] {strides = array<i32>} : memref<128x128xf32, #tpu.memory_space<vmem>>, vector<1x16xf32>,
        %get3A_1185 = vector.shape_cast %get3A_1184 : vector<1x16xf32> to vector<16xf32>
        %mul3A_1186 = vector.broadcast %squeeze3A_1166 : f32 to vector<16xf32>
        %mul3A_1187 = arith.mulf %get3A_1185, %mul3A_1186 : vector<16xf32>
        %swap3A_1188 = arith.index_cast %add3A_1170 : i32 to index
        %swap3A_1189 = arith.constant 16 : index
        %swap3A_1190 = tpu.vector_load %arg9[%swap3A_1188, %swap3A_1189] {strides = array<i32>} : memref<128x128xf32, #tpu.memory_space<vmem>>, vector<1x16xf32>,
        %swap3A_1191 = vector.shape_cast %swap3A_1190 : vector<1x16xf32> to vector<16xf32>
        %swap3A_1192 = vector.shape_cast %mul3A_1187 : vector<16xf32> to vector<1x16xf32>
        tpu.vector_store %arg9[%swap3A_1188, %swap3A_1189], %swap3A_1192 {strides = array<i32>} : memref<128x128xf32, #tpu.memory_space<vmem>>, vector<1x16xf32>,
        %get3A_1193 = arith.index_cast %add3A_1170 : i32 to index
        %get3A_1194 = arith.constant 32 : index
        %get3A_1195 = tpu.vector_load %arg9[%get3A_1193, %get3A_1194] {strides = array<i32>} : memref<128x128xf32, #tpu.memory_space<vmem>>, vector<1x16xf32>,
        %get3A_1196 = vector.shape_cast %get3A_1195 : vector<1x16xf32> to vector<16xf32>
        %mul3A_1197 = vector.broadcast %squeeze3A_1166 : f32 to vector<16xf32>
        %mul3A_1198 = arith.mulf %get3A_1196, %mul3A_1197 : vector<16xf32>
        %swap3A_1199 = arith.index_cast %add3A_1170 : i32 to index
        %swap3A_1200 = arith.constant 32 : index
        %swap3A_1201 = tpu.vector_load %arg9[%swap3A_1199, %swap3A_1200] {strides = array<i32>} : memref<128x128xf32, #tpu.memory_space<vmem>>, vector<1x16xf32>,
        %swap3A_1202 = vector.shape_cast %swap3A_1201 : vector<1x16xf32> to vector<16xf32>
        %swap3A_1203 = vector.shape_cast %mul3A_1198 : vector<16xf32> to vector<1x16xf32>
        tpu.vector_store %arg9[%swap3A_1199, %swap3A_1200], %swap3A_1203 {strides = array<i32>} : memref<128x128xf32, #tpu.memory_space<vmem>>, vector<1x16xf32>,
        %get3A_1204 = arith.index_cast %add3A_1170 : i32 to index
        %get3A_1205 = arith.constant 48 : index
        %get3A_1206 = tpu.vector_load %arg9[%get3A_1204, %get3A_1205] {strides = array<i32>} : memref<128x128xf32, #tpu.memory_space<vmem>>, vector<1x16xf32>,
        %get3A_1207 = vector.shape_cast %get3A_1206 : vector<1x16xf32> to vector<16xf32>
        %mul3A_1208 = vector.broadcast %squeeze3A_1166 : f32 to vector<16xf32>
        %mul3A_1209 = arith.mulf %get3A_1207, %mul3A_1208 : vector<16xf32>
        %swap3A_1210 = arith.index_cast %add3A_1170 : i32 to index
        %swap3A_1211 = arith.constant 48 : index
        %swap3A_1212 = tpu.vector_load %arg9[%swap3A_1210, %swap3A_1211] {strides = array<i32>} : memref<128x128xf32, #tpu.memory_space<vmem>>, vector<1x16xf32>,
        %swap3A_1213 = vector.shape_cast %swap3A_1212 : vector<1x16xf32> to vector<16xf32>
        %swap3A_1214 = vector.shape_cast %mul3A_1209 : vector<16xf32> to vector<1x16xf32>
        tpu.vector_store %arg9[%swap3A_1210, %swap3A_1211], %swap3A_1214 {strides = array<i32>} : memref<128x128xf32, #tpu.memory_space<vmem>>, vector<1x16xf32>,
        %get3A_1215 = arith.index_cast %add3A_1170 : i32 to index
        %get3A_1216 = arith.constant 64 : index
        %get3A_1217 = tpu.vector_load %arg9[%get3A_1215, %get3A_1216] {strides = array<i32>} : memref<128x128xf32, #tpu.memory_space<vmem>>, vector<1x16xf32>,
        %get3A_1218 = vector.shape_cast %get3A_1217 : vector<1x16xf32> to vector<16xf32>
        %mul3A_1219 = vector.broadcast %squeeze3A_1166 : f32 to vector<16xf32>
        %mul3A_1220 = arith.mulf %get3A_1218, %mul3A_1219 : vector<16xf32>
        %swap3A_1221 = arith.index_cast %add3A_1170 : i32 to index
        %swap3A_1222 = arith.constant 64 : index
        %swap3A_1223 = tpu.vector_load %arg9[%swap3A_1221, %swap3A_1222] {strides = array<i32>} : memref<128x128xf32, #tpu.memory_space<vmem>>, vector<1x16xf32>,
        %swap3A_1224 = vector.shape_cast %swap3A_1223 : vector<1x16xf32> to vector<16xf32>
        %swap3A_1225 = vector.shape_cast %mul3A_1220 : vector<16xf32> to vector<1x16xf32>
        tpu.vector_store %arg9[%swap3A_1221, %swap3A_1222], %swap3A_1225 {strides = array<i32>} : memref<128x128xf32, #tpu.memory_space<vmem>>, vector<1x16xf32>,
        %get3A_1226 = arith.index_cast %add3A_1170 : i32 to index
        %get3A_1227 = arith.constant 80 : index
        %get3A_1228 = tpu.vector_load %arg9[%get3A_1226, %get3A_1227] {strides = array<i32>} : memref<128x128xf32, #tpu.memory_space<vmem>>, vector<1x16xf32>,
        %get3A_1229 = vector.shape_cast %get3A_1228 : vector<1x16xf32> to vector<16xf32>
        %mul3A_1230 = vector.broadcast %squeeze3A_1166 : f32 to vector<16xf32>
        %mul3A_1231 = arith.mulf %get3A_1229, %mul3A_1230 : vector<16xf32>
        %swap3A_1232 = arith.index_cast %add3A_1170 : i32 to index
        %swap3A_1233 = arith.constant 80 : index
        %swap3A_1234 = tpu.vector_load %arg9[%swap3A_1232, %swap3A_1233] {strides = array<i32>} : memref<128x128xf32, #tpu.memory_space<vmem>>, vector<1x16xf32>,
        %swap3A_1235 = vector.shape_cast %swap3A_1234 : vector<1x16xf32> to vector<16xf32>
        %swap3A_1236 = vector.shape_cast %mul3A_1231 : vector<16xf32> to vector<1x16xf32>
        tpu.vector_store %arg9[%swap3A_1232, %swap3A_1233], %swap3A_1236 {strides = array<i32>} : memref<128x128xf32, #tpu.memory_space<vmem>>, vector<1x16xf32>,
        %get3A_1237 = arith.index_cast %add3A_1170 : i32 to index
        %get3A_1238 = arith.constant 96 : index
        %get3A_1239 = tpu.vector_load %arg9[%get3A_1237, %get3A_1238] {strides = array<i32>} : memref<128x128xf32, #tpu.memory_space<vmem>>, vector<1x16xf32>,
        %get3A_1240 = vector.shape_cast %get3A_1239 : vector<1x16xf32> to vector<16xf32>
        %mul3A_1241 = vector.broadcast %squeeze3A_1166 : f32 to vector<16xf32>
        %mul3A_1242 = arith.mulf %get3A_1240, %mul3A_1241 : vector<16xf32>
        %swap3A_1243 = arith.index_cast %add3A_1170 : i32 to index
        %swap3A_1244 = arith.constant 96 : index
        %swap3A_1245 = tpu.vector_load %arg9[%swap3A_1243, %swap3A_1244] {strides = array<i32>} : memref<128x128xf32, #tpu.memory_space<vmem>>, vector<1x16xf32>,
        %swap3A_1246 = vector.shape_cast %swap3A_1245 : vector<1x16xf32> to vector<16xf32>
        %swap3A_1247 = vector.shape_cast %mul3A_1242 : vector<16xf32> to vector<1x16xf32>
        tpu.vector_store %arg9[%swap3A_1243, %swap3A_1244], %swap3A_1247 {strides = array<i32>} : memref<128x128xf32, #tpu.memory_space<vmem>>, vector<1x16xf32>,
        %get3A_1248 = arith.index_cast %add3A_1170 : i32 to index
        %get3A_1249 = arith.constant 112 : index
        %get3A_1250 = tpu.vector_load %arg9[%get3A_1248, %get3A_1249] {strides = array<i32>} : memref<128x128xf32, #tpu.memory_space<vmem>>, vector<1x16xf32>,
        %get3A_1251 = vector.shape_cast %get3A_1250 : vector<1x16xf32> to vector<16xf32>
        %mul3A_1252 = vector.broadcast %squeeze3A_1166 : f32 to vector<16xf32>
        %mul3A_1253 = arith.mulf %get3A_1251, %mul3A_1252 : vector<16xf32>
        %swap3A_1254 = arith.index_cast %add3A_1170 : i32 to index
        %swap3A_1255 = arith.constant 112 : index
        %swap3A_1256 = tpu.vector_load %arg9[%swap3A_1254, %swap3A_1255] {strides = array<i32>} : memref<128x128xf32, #tpu.memory_space<vmem>>, vector<1x16xf32>,
        %swap3A_1257 = vector.shape_cast %swap3A_1256 : vector<1x16xf32> to vector<16xf32>
        %swap3A_1258 = vector.shape_cast %mul3A_1253 : vector<16xf32> to vector<1x16xf32>
        tpu.vector_store %arg9[%swap3A_1254, %swap3A_1255], %swap3A_1258 {strides = array<i32>} : memref<128x128xf32, #tpu.memory_space<vmem>>, vector<1x16xf32>,
        %slice3A_1259 = vector.extract_strided_slice %get3A_133 {offsets = [12], sizes = [1], strides = [1]} : vector<16xf32> to vector<1xf32>
        %squeeze3A_1260 = vector.extract %slice3A_1259[0] : f32 from vector<1xf32>
        %mul3A_1261 = arith.constant 16 : i32
        %mul3A_1262 = arith.muli %scan3A_128, %mul3A_1261 : i32
        %add3A_1263 = arith.constant 12 : i32
        %add3A_1264 = arith.addi %mul3A_1262, %add3A_1263 : i32
        %get3A_1265 = arith.index_cast %add3A_1264 : i32 to index
        %get3A_1266 = arith.constant 0 : index
        %get3A_1267 = tpu.vector_load %arg9[%get3A_1265, %get3A_1266] {strides = array<i32>} : memref<128x128xf32, #tpu.memory_space<vmem>>, vector<1x16xf32>,
        %get3A_1268 = vector.shape_cast %get3A_1267 : vector<1x16xf32> to vector<16xf32>
        %mul3A_1269 = vector.broadcast %squeeze3A_1260 : f32 to vector<16xf32>
        %mul3A_1270 = arith.mulf %get3A_1268, %mul3A_1269 : vector<16xf32>
        %swap3A_1271 = arith.index_cast %add3A_1264 : i32 to index
        %swap3A_1272 = arith.constant 0 : index
        %swap3A_1273 = tpu.vector_load %arg9[%swap3A_1271, %swap3A_1272] {strides = array<i32>} : memref<128x128xf32, #tpu.memory_space<vmem>>, vector<1x16xf32>,
        %swap3A_1274 = vector.shape_cast %swap3A_1273 : vector<1x16xf32> to vector<16xf32>
        %swap3A_1275 = vector.shape_cast %mul3A_1270 : vector<16xf32> to vector<1x16xf32>
        tpu.vector_store %arg9[%swap3A_1271, %swap3A_1272], %swap3A_1275 {strides = array<i32>} : memref<128x128xf32, #tpu.memory_space<vmem>>, vector<1x16xf32>,
        %get3A_1276 = arith.index_cast %add3A_1264 : i32 to index
        %get3A_1277 = arith.constant 16 : index
        %get3A_1278 = tpu.vector_load %arg9[%get3A_1276, %get3A_1277] {strides = array<i32>} : memref<128x128xf32, #tpu.memory_space<vmem>>, vector<1x16xf32>,
        %get3A_1279 = vector.shape_cast %get3A_1278 : vector<1x16xf32> to vector<16xf32>
        %mul3A_1280 = vector.broadcast %squeeze3A_1260 : f32 to vector<16xf32>
        %mul3A_1281 = arith.mulf %get3A_1279, %mul3A_1280 : vector<16xf32>
        %swap3A_1282 = arith.index_cast %add3A_1264 : i32 to index
        %swap3A_1283 = arith.constant 16 : index
        %swap3A_1284 = tpu.vector_load %arg9[%swap3A_1282, %swap3A_1283] {strides = array<i32>} : memref<128x128xf32, #tpu.memory_space<vmem>>, vector<1x16xf32>,
        %swap3A_1285 = vector.shape_cast %swap3A_1284 : vector<1x16xf32> to vector<16xf32>
        %swap3A_1286 = vector.shape_cast %mul3A_1281 : vector<16xf32> to vector<1x16xf32>
        tpu.vector_store %arg9[%swap3A_1282, %swap3A_1283], %swap3A_1286 {strides = array<i32>} : memref<128x128xf32, #tpu.memory_space<vmem>>, vector<1x16xf32>,
        %get3A_1287 = arith.index_cast %add3A_1264 : i32 to index
        %get3A_1288 = arith.constant 32 : index
        %get3A_1289 = tpu.vector_load %arg9[%get3A_1287, %get3A_1288] {strides = array<i32>} : memref<128x128xf32, #tpu.memory_space<vmem>>, vector<1x16xf32>,
        %get3A_1290 = vector.shape_cast %get3A_1289 : vector<1x16xf32> to vector<16xf32>
        %mul3A_1291 = vector.broadcast %squeeze3A_1260 : f32 to vector<16xf32>
        %mul3A_1292 = arith.mulf %get3A_1290, %mul3A_1291 : vector<16xf32>
        %swap3A_1293 = arith.index_cast %add3A_1264 : i32 to index
        %swap3A_1294 = arith.constant 32 : index
        %swap3A_1295 = tpu.vector_load %arg9[%swap3A_1293, %swap3A_1294] {strides = array<i32>} : memref<128x128xf32, #tpu.memory_space<vmem>>, vector<1x16xf32>,
        %swap3A_1296 = vector.shape_cast %swap3A_1295 : vector<1x16xf32> to vector<16xf32>
        %swap3A_1297 = vector.shape_cast %mul3A_1292 : vector<16xf32> to vector<1x16xf32>
        tpu.vector_store %arg9[%swap3A_1293, %swap3A_1294], %swap3A_1297 {strides = array<i32>} : memref<128x128xf32, #tpu.memory_space<vmem>>, vector<1x16xf32>,
        %get3A_1298 = arith.index_cast %add3A_1264 : i32 to index
        %get3A_1299 = arith.constant 48 : index
        %get3A_1300 = tpu.vector_load %arg9[%get3A_1298, %get3A_1299] {strides = array<i32>} : memref<128x128xf32, #tpu.memory_space<vmem>>, vector<1x16xf32>,
        %get3A_1301 = vector.shape_cast %get3A_1300 : vector<1x16xf32> to vector<16xf32>
        %mul3A_1302 = vector.broadcast %squeeze3A_1260 : f32 to vector<16xf32>
        %mul3A_1303 = arith.mulf %get3A_1301, %mul3A_1302 : vector<16xf32>
        %swap3A_1304 = arith.index_cast %add3A_1264 : i32 to index
        %swap3A_1305 = arith.constant 48 : index
        %swap3A_1306 = tpu.vector_load %arg9[%swap3A_1304, %swap3A_1305] {strides = array<i32>} : memref<128x128xf32, #tpu.memory_space<vmem>>, vector<1x16xf32>,
        %swap3A_1307 = vector.shape_cast %swap3A_1306 : vector<1x16xf32> to vector<16xf32>
        %swap3A_1308 = vector.shape_cast %mul3A_1303 : vector<16xf32> to vector<1x16xf32>
        tpu.vector_store %arg9[%swap3A_1304, %swap3A_1305], %swap3A_1308 {strides = array<i32>} : memref<128x128xf32, #tpu.memory_space<vmem>>, vector<1x16xf32>,
        %get3A_1309 = arith.index_cast %add3A_1264 : i32 to index
        %get3A_1310 = arith.constant 64 : index
        %get3A_1311 = tpu.vector_load %arg9[%get3A_1309, %get3A_1310] {strides = array<i32>} : memref<128x128xf32, #tpu.memory_space<vmem>>, vector<1x16xf32>,
        %get3A_1312 = vector.shape_cast %get3A_1311 : vector<1x16xf32> to vector<16xf32>
        %mul3A_1313 = vector.broadcast %squeeze3A_1260 : f32 to vector<16xf32>
        %mul3A_1314 = arith.mulf %get3A_1312, %mul3A_1313 : vector<16xf32>
        %swap3A_1315 = arith.index_cast %add3A_1264 : i32 to index
        %swap3A_1316 = arith.constant 64 : index
        %swap3A_1317 = tpu.vector_load %arg9[%swap3A_1315, %swap3A_1316] {strides = array<i32>} : memref<128x128xf32, #tpu.memory_space<vmem>>, vector<1x16xf32>,
        %swap3A_1318 = vector.shape_cast %swap3A_1317 : vector<1x16xf32> to vector<16xf32>
        %swap3A_1319 = vector.shape_cast %mul3A_1314 : vector<16xf32> to vector<1x16xf32>
        tpu.vector_store %arg9[%swap3A_1315, %swap3A_1316], %swap3A_1319 {strides = array<i32>} : memref<128x128xf32, #tpu.memory_space<vmem>>, vector<1x16xf32>,
        %get3A_1320 = arith.index_cast %add3A_1264 : i32 to index
        %get3A_1321 = arith.constant 80 : index
        %get3A_1322 = tpu.vector_load %arg9[%get3A_1320, %get3A_1321] {strides = array<i32>} : memref<128x128xf32, #tpu.memory_space<vmem>>, vector<1x16xf32>,
        %get3A_1323 = vector.shape_cast %get3A_1322 : vector<1x16xf32> to vector<16xf32>
        %mul3A_1324 = vector.broadcast %squeeze3A_1260 : f32 to vector<16xf32>
        %mul3A_1325 = arith.mulf %get3A_1323, %mul3A_1324 : vector<16xf32>
        %swap3A_1326 = arith.index_cast %add3A_1264 : i32 to index
        %swap3A_1327 = arith.constant 80 : index
        %swap3A_1328 = tpu.vector_load %arg9[%swap3A_1326, %swap3A_1327] {strides = array<i32>} : memref<128x128xf32, #tpu.memory_space<vmem>>, vector<1x16xf32>,
        %swap3A_1329 = vector.shape_cast %swap3A_1328 : vector<1x16xf32> to vector<16xf32>
        %swap3A_1330 = vector.shape_cast %mul3A_1325 : vector<16xf32> to vector<1x16xf32>
        tpu.vector_store %arg9[%swap3A_1326, %swap3A_1327], %swap3A_1330 {strides = array<i32>} : memref<128x128xf32, #tpu.memory_space<vmem>>, vector<1x16xf32>,
        %get3A_1331 = arith.index_cast %add3A_1264 : i32 to index
        %get3A_1332 = arith.constant 96 : index
        %get3A_1333 = tpu.vector_load %arg9[%get3A_1331, %get3A_1332] {strides = array<i32>} : memref<128x128xf32, #tpu.memory_space<vmem>>, vector<1x16xf32>,
        %get3A_1334 = vector.shape_cast %get3A_1333 : vector<1x16xf32> to vector<16xf32>
        %mul3A_1335 = vector.broadcast %squeeze3A_1260 : f32 to vector<16xf32>
        %mul3A_1336 = arith.mulf %get3A_1334, %mul3A_1335 : vector<16xf32>
        %swap3A_1337 = arith.index_cast %add3A_1264 : i32 to index
        %swap3A_1338 = arith.constant 96 : index
        %swap3A_1339 = tpu.vector_load %arg9[%swap3A_1337, %swap3A_1338] {strides = array<i32>} : memref<128x128xf32, #tpu.memory_space<vmem>>, vector<1x16xf32>,
        %swap3A_1340 = vector.shape_cast %swap3A_1339 : vector<1x16xf32> to vector<16xf32>
        %swap3A_1341 = vector.shape_cast %mul3A_1336 : vector<16xf32> to vector<1x16xf32>
        tpu.vector_store %arg9[%swap3A_1337, %swap3A_1338], %swap3A_1341 {strides = array<i32>} : memref<128x128xf32, #tpu.memory_space<vmem>>, vector<1x16xf32>,
        %get3A_1342 = arith.index_cast %add3A_1264 : i32 to index
        %get3A_1343 = arith.constant 112 : index
        %get3A_1344 = tpu.vector_load %arg9[%get3A_1342, %get3A_1343] {strides = array<i32>} : memref<128x128xf32, #tpu.memory_space<vmem>>, vector<1x16xf32>,
        %get3A_1345 = vector.shape_cast %get3A_1344 : vector<1x16xf32> to vector<16xf32>
        %mul3A_1346 = vector.broadcast %squeeze3A_1260 : f32 to vector<16xf32>
        %mul3A_1347 = arith.mulf %get3A_1345, %mul3A_1346 : vector<16xf32>
        %swap3A_1348 = arith.index_cast %add3A_1264 : i32 to index
        %swap3A_1349 = arith.constant 112 : index
        %swap3A_1350 = tpu.vector_load %arg9[%swap3A_1348, %swap3A_1349] {strides = array<i32>} : memref<128x128xf32, #tpu.memory_space<vmem>>, vector<1x16xf32>,
        %swap3A_1351 = vector.shape_cast %swap3A_1350 : vector<1x16xf32> to vector<16xf32>
        %swap3A_1352 = vector.shape_cast %mul3A_1347 : vector<16xf32> to vector<1x16xf32>
        tpu.vector_store %arg9[%swap3A_1348, %swap3A_1349], %swap3A_1352 {strides = array<i32>} : memref<128x128xf32, #tpu.memory_space<vmem>>, vector<1x16xf32>,
        %slice3A_1353 = vector.extract_strided_slice %get3A_133 {offsets = [13], sizes = [1], strides = [1]} : vector<16xf32> to vector<1xf32>
        %squeeze3A_1354 = vector.extract %slice3A_1353[0] : f32 from vector<1xf32>
        %mul3A_1355 = arith.constant 16 : i32
        %mul3A_1356 = arith.muli %scan3A_128, %mul3A_1355 : i32
        %add3A_1357 = arith.constant 13 : i32
        %add3A_1358 = arith.addi %mul3A_1356, %add3A_1357 : i32
        %get3A_1359 = arith.index_cast %add3A_1358 : i32 to index
        %get3A_1360 = arith.constant 0 : index
        %get3A_1361 = tpu.vector_load %arg9[%get3A_1359, %get3A_1360] {strides = array<i32>} : memref<128x128xf32, #tpu.memory_space<vmem>>, vector<1x16xf32>,
        %get3A_1362 = vector.shape_cast %get3A_1361 : vector<1x16xf32> to vector<16xf32>
        %mul3A_1363 = vector.broadcast %squeeze3A_1354 : f32 to vector<16xf32>
        %mul3A_1364 = arith.mulf %get3A_1362, %mul3A_1363 : vector<16xf32>
        %swap3A_1365 = arith.index_cast %add3A_1358 : i32 to index
        %swap3A_1366 = arith.constant 0 : index
        %swap3A_1367 = tpu.vector_load %arg9[%swap3A_1365, %swap3A_1366] {strides = array<i32>} : memref<128x128xf32, #tpu.memory_space<vmem>>, vector<1x16xf32>,
        %swap3A_1368 = vector.shape_cast %swap3A_1367 : vector<1x16xf32> to vector<16xf32>
        %swap3A_1369 = vector.shape_cast %mul3A_1364 : vector<16xf32> to vector<1x16xf32>
        tpu.vector_store %arg9[%swap3A_1365, %swap3A_1366], %swap3A_1369 {strides = array<i32>} : memref<128x128xf32, #tpu.memory_space<vmem>>, vector<1x16xf32>,
        %get3A_1370 = arith.index_cast %add3A_1358 : i32 to index
        %get3A_1371 = arith.constant 16 : index
        %get3A_1372 = tpu.vector_load %arg9[%get3A_1370, %get3A_1371] {strides = array<i32>} : memref<128x128xf32, #tpu.memory_space<vmem>>, vector<1x16xf32>,
        %get3A_1373 = vector.shape_cast %get3A_1372 : vector<1x16xf32> to vector<16xf32>
        %mul3A_1374 = vector.broadcast %squeeze3A_1354 : f32 to vector<16xf32>
        %mul3A_1375 = arith.mulf %get3A_1373, %mul3A_1374 : vector<16xf32>
        %swap3A_1376 = arith.index_cast %add3A_1358 : i32 to index
        %swap3A_1377 = arith.constant 16 : index
        %swap3A_1378 = tpu.vector_load %arg9[%swap3A_1376, %swap3A_1377] {strides = array<i32>} : memref<128x128xf32, #tpu.memory_space<vmem>>, vector<1x16xf32>,
        %swap3A_1379 = vector.shape_cast %swap3A_1378 : vector<1x16xf32> to vector<16xf32>
        %swap3A_1380 = vector.shape_cast %mul3A_1375 : vector<16xf32> to vector<1x16xf32>
        tpu.vector_store %arg9[%swap3A_1376, %swap3A_1377], %swap3A_1380 {strides = array<i32>} : memref<128x128xf32, #tpu.memory_space<vmem>>, vector<1x16xf32>,
        %get3A_1381 = arith.index_cast %add3A_1358 : i32 to index
        %get3A_1382 = arith.constant 32 : index
        %get3A_1383 = tpu.vector_load %arg9[%get3A_1381, %get3A_1382] {strides = array<i32>} : memref<128x128xf32, #tpu.memory_space<vmem>>, vector<1x16xf32>,
        %get3A_1384 = vector.shape_cast %get3A_1383 : vector<1x16xf32> to vector<16xf32>
        %mul3A_1385 = vector.broadcast %squeeze3A_1354 : f32 to vector<16xf32>
        %mul3A_1386 = arith.mulf %get3A_1384, %mul3A_1385 : vector<16xf32>
        %swap3A_1387 = arith.index_cast %add3A_1358 : i32 to index
        %swap3A_1388 = arith.constant 32 : index
        %swap3A_1389 = tpu.vector_load %arg9[%swap3A_1387, %swap3A_1388] {strides = array<i32>} : memref<128x128xf32, #tpu.memory_space<vmem>>, vector<1x16xf32>,
        %swap3A_1390 = vector.shape_cast %swap3A_1389 : vector<1x16xf32> to vector<16xf32>
        %swap3A_1391 = vector.shape_cast %mul3A_1386 : vector<16xf32> to vector<1x16xf32>
        tpu.vector_store %arg9[%swap3A_1387, %swap3A_1388], %swap3A_1391 {strides = array<i32>} : memref<128x128xf32, #tpu.memory_space<vmem>>, vector<1x16xf32>,
        %get3A_1392 = arith.index_cast %add3A_1358 : i32 to index
        %get3A_1393 = arith.constant 48 : index
        %get3A_1394 = tpu.vector_load %arg9[%get3A_1392, %get3A_1393] {strides = array<i32>} : memref<128x128xf32, #tpu.memory_space<vmem>>, vector<1x16xf32>,
        %get3A_1395 = vector.shape_cast %get3A_1394 : vector<1x16xf32> to vector<16xf32>
        %mul3A_1396 = vector.broadcast %squeeze3A_1354 : f32 to vector<16xf32>
        %mul3A_1397 = arith.mulf %get3A_1395, %mul3A_1396 : vector<16xf32>
        %swap3A_1398 = arith.index_cast %add3A_1358 : i32 to index
        %swap3A_1399 = arith.constant 48 : index
        %swap3A_1400 = tpu.vector_load %arg9[%swap3A_1398, %swap3A_1399] {strides = array<i32>} : memref<128x128xf32, #tpu.memory_space<vmem>>, vector<1x16xf32>,
        %swap3A_1401 = vector.shape_cast %swap3A_1400 : vector<1x16xf32> to vector<16xf32>
        %swap3A_1402 = vector.shape_cast %mul3A_1397 : vector<16xf32> to vector<1x16xf32>
        tpu.vector_store %arg9[%swap3A_1398, %swap3A_1399], %swap3A_1402 {strides = array<i32>} : memref<128x128xf32, #tpu.memory_space<vmem>>, vector<1x16xf32>,
        %get3A_1403 = arith.index_cast %add3A_1358 : i32 to index
        %get3A_1404 = arith.constant 64 : index
        %get3A_1405 = tpu.vector_load %arg9[%get3A_1403, %get3A_1404] {strides = array<i32>} : memref<128x128xf32, #tpu.memory_space<vmem>>, vector<1x16xf32>,
        %get3A_1406 = vector.shape_cast %get3A_1405 : vector<1x16xf32> to vector<16xf32>
        %mul3A_1407 = vector.broadcast %squeeze3A_1354 : f32 to vector<16xf32>
        %mul3A_1408 = arith.mulf %get3A_1406, %mul3A_1407 : vector<16xf32>
        %swap3A_1409 = arith.index_cast %add3A_1358 : i32 to index
        %swap3A_1410 = arith.constant 64 : index
        %swap3A_1411 = tpu.vector_load %arg9[%swap3A_1409, %swap3A_1410] {strides = array<i32>} : memref<128x128xf32, #tpu.memory_space<vmem>>, vector<1x16xf32>,
        %swap3A_1412 = vector.shape_cast %swap3A_1411 : vector<1x16xf32> to vector<16xf32>
        %swap3A_1413 = vector.shape_cast %mul3A_1408 : vector<16xf32> to vector<1x16xf32>
        tpu.vector_store %arg9[%swap3A_1409, %swap3A_1410], %swap3A_1413 {strides = array<i32>} : memref<128x128xf32, #tpu.memory_space<vmem>>, vector<1x16xf32>,
        %get3A_1414 = arith.index_cast %add3A_1358 : i32 to index
        %get3A_1415 = arith.constant 80 : index
        %get3A_1416 = tpu.vector_load %arg9[%get3A_1414, %get3A_1415] {strides = array<i32>} : memref<128x128xf32, #tpu.memory_space<vmem>>, vector<1x16xf32>,
        %get3A_1417 = vector.shape_cast %get3A_1416 : vector<1x16xf32> to vector<16xf32>
        %mul3A_1418 = vector.broadcast %squeeze3A_1354 : f32 to vector<16xf32>
        %mul3A_1419 = arith.mulf %get3A_1417, %mul3A_1418 : vector<16xf32>
        %swap3A_1420 = arith.index_cast %add3A_1358 : i32 to index
        %swap3A_1421 = arith.constant 80 : index
        %swap3A_1422 = tpu.vector_load %arg9[%swap3A_1420, %swap3A_1421] {strides = array<i32>} : memref<128x128xf32, #tpu.memory_space<vmem>>, vector<1x16xf32>,
        %swap3A_1423 = vector.shape_cast %swap3A_1422 : vector<1x16xf32> to vector<16xf32>
        %swap3A_1424 = vector.shape_cast %mul3A_1419 : vector<16xf32> to vector<1x16xf32>
        tpu.vector_store %arg9[%swap3A_1420, %swap3A_1421], %swap3A_1424 {strides = array<i32>} : memref<128x128xf32, #tpu.memory_space<vmem>>, vector<1x16xf32>,
        %get3A_1425 = arith.index_cast %add3A_1358 : i32 to index
        %get3A_1426 = arith.constant 96 : index
        %get3A_1427 = tpu.vector_load %arg9[%get3A_1425, %get3A_1426] {strides = array<i32>} : memref<128x128xf32, #tpu.memory_space<vmem>>, vector<1x16xf32>,
        %get3A_1428 = vector.shape_cast %get3A_1427 : vector<1x16xf32> to vector<16xf32>
        %mul3A_1429 = vector.broadcast %squeeze3A_1354 : f32 to vector<16xf32>
        %mul3A_1430 = arith.mulf %get3A_1428, %mul3A_1429 : vector<16xf32>
        %swap3A_1431 = arith.index_cast %add3A_1358 : i32 to index
        %swap3A_1432 = arith.constant 96 : index
        %swap3A_1433 = tpu.vector_load %arg9[%swap3A_1431, %swap3A_1432] {strides = array<i32>} : memref<128x128xf32, #tpu.memory_space<vmem>>, vector<1x16xf32>,
        %swap3A_1434 = vector.shape_cast %swap3A_1433 : vector<1x16xf32> to vector<16xf32>
        %swap3A_1435 = vector.shape_cast %mul3A_1430 : vector<16xf32> to vector<1x16xf32>
        tpu.vector_store %arg9[%swap3A_1431, %swap3A_1432], %swap3A_1435 {strides = array<i32>} : memref<128x128xf32, #tpu.memory_space<vmem>>, vector<1x16xf32>,
        %get3A_1436 = arith.index_cast %add3A_1358 : i32 to index
        %get3A_1437 = arith.constant 112 : index
        %get3A_1438 = tpu.vector_load %arg9[%get3A_1436, %get3A_1437] {strides = array<i32>} : memref<128x128xf32, #tpu.memory_space<vmem>>, vector<1x16xf32>,
        %get3A_1439 = vector.shape_cast %get3A_1438 : vector<1x16xf32> to vector<16xf32>
        %mul3A_1440 = vector.broadcast %squeeze3A_1354 : f32 to vector<16xf32>
        %mul3A_1441 = arith.mulf %get3A_1439, %mul3A_1440 : vector<16xf32>
        %swap3A_1442 = arith.index_cast %add3A_1358 : i32 to index
        %swap3A_1443 = arith.constant 112 : index
        %swap3A_1444 = tpu.vector_load %arg9[%swap3A_1442, %swap3A_1443] {strides = array<i32>} : memref<128x128xf32, #tpu.memory_space<vmem>>, vector<1x16xf32>,
        %swap3A_1445 = vector.shape_cast %swap3A_1444 : vector<1x16xf32> to vector<16xf32>
        %swap3A_1446 = vector.shape_cast %mul3A_1441 : vector<16xf32> to vector<1x16xf32>
        tpu.vector_store %arg9[%swap3A_1442, %swap3A_1443], %swap3A_1446 {strides = array<i32>} : memref<128x128xf32, #tpu.memory_space<vmem>>, vector<1x16xf32>,
        %slice3A_1447 = vector.extract_strided_slice %get3A_133 {offsets = [14], sizes = [1], strides = [1]} : vector<16xf32> to vector<1xf32>
        %squeeze3A_1448 = vector.extract %slice3A_1447[0] : f32 from vector<1xf32>
        %mul3A_1449 = arith.constant 16 : i32
        %mul3A_1450 = arith.muli %scan3A_128, %mul3A_1449 : i32
        %add3A_1451 = arith.constant 14 : i32
        %add3A_1452 = arith.addi %mul3A_1450, %add3A_1451 : i32
        %get3A_1453 = arith.index_cast %add3A_1452 : i32 to index
        %get3A_1454 = arith.constant 0 : index
        %get3A_1455 = tpu.vector_load %arg9[%get3A_1453, %get3A_1454] {strides = array<i32>} : memref<128x128xf32, #tpu.memory_space<vmem>>, vector<1x16xf32>,
        %get3A_1456 = vector.shape_cast %get3A_1455 : vector<1x16xf32> to vector<16xf32>
        %mul3A_1457 = vector.broadcast %squeeze3A_1448 : f32 to vector<16xf32>
        %mul3A_1458 = arith.mulf %get3A_1456, %mul3A_1457 : vector<16xf32>
        %swap3A_1459 = arith.index_cast %add3A_1452 : i32 to index
        %swap3A_1460 = arith.constant 0 : index
        %swap3A_1461 = tpu.vector_load %arg9[%swap3A_1459, %swap3A_1460] {strides = array<i32>} : memref<128x128xf32, #tpu.memory_space<vmem>>, vector<1x16xf32>,
        %swap3A_1462 = vector.shape_cast %swap3A_1461 : vector<1x16xf32> to vector<16xf32>
        %swap3A_1463 = vector.shape_cast %mul3A_1458 : vector<16xf32> to vector<1x16xf32>
        tpu.vector_store %arg9[%swap3A_1459, %swap3A_1460], %swap3A_1463 {strides = array<i32>} : memref<128x128xf32, #tpu.memory_space<vmem>>, vector<1x16xf32>,
        %get3A_1464 = arith.index_cast %add3A_1452 : i32 to index
        %get3A_1465 = arith.constant 16 : index
        %get3A_1466 = tpu.vector_load %arg9[%get3A_1464, %get3A_1465] {strides = array<i32>} : memref<128x128xf32, #tpu.memory_space<vmem>>, vector<1x16xf32>,
        %get3A_1467 = vector.shape_cast %get3A_1466 : vector<1x16xf32> to vector<16xf32>
        %mul3A_1468 = vector.broadcast %squeeze3A_1448 : f32 to vector<16xf32>
        %mul3A_1469 = arith.mulf %get3A_1467, %mul3A_1468 : vector<16xf32>
        %swap3A_1470 = arith.index_cast %add3A_1452 : i32 to index
        %swap3A_1471 = arith.constant 16 : index
        %swap3A_1472 = tpu.vector_load %arg9[%swap3A_1470, %swap3A_1471] {strides = array<i32>} : memref<128x128xf32, #tpu.memory_space<vmem>>, vector<1x16xf32>,
        %swap3A_1473 = vector.shape_cast %swap3A_1472 : vector<1x16xf32> to vector<16xf32>
        %swap3A_1474 = vector.shape_cast %mul3A_1469 : vector<16xf32> to vector<1x16xf32>
        tpu.vector_store %arg9[%swap3A_1470, %swap3A_1471], %swap3A_1474 {strides = array<i32>} : memref<128x128xf32, #tpu.memory_space<vmem>>, vector<1x16xf32>,
        %get3A_1475 = arith.index_cast %add3A_1452 : i32 to index
        %get3A_1476 = arith.constant 32 : index
        %get3A_1477 = tpu.vector_load %arg9[%get3A_1475, %get3A_1476] {strides = array<i32>} : memref<128x128xf32, #tpu.memory_space<vmem>>, vector<1x16xf32>,
        %get3A_1478 = vector.shape_cast %get3A_1477 : vector<1x16xf32> to vector<16xf32>
        %mul3A_1479 = vector.broadcast %squeeze3A_1448 : f32 to vector<16xf32>
        %mul3A_1480 = arith.mulf %get3A_1478, %mul3A_1479 : vector<16xf32>
        %swap3A_1481 = arith.index_cast %add3A_1452 : i32 to index
        %swap3A_1482 = arith.constant 32 : index
        %swap3A_1483 = tpu.vector_load %arg9[%swap3A_1481, %swap3A_1482] {strides = array<i32>} : memref<128x128xf32, #tpu.memory_space<vmem>>, vector<1x16xf32>,
        %swap3A_1484 = vector.shape_cast %swap3A_1483 : vector<1x16xf32> to vector<16xf32>
        %swap3A_1485 = vector.shape_cast %mul3A_1480 : vector<16xf32> to vector<1x16xf32>
        tpu.vector_store %arg9[%swap3A_1481, %swap3A_1482], %swap3A_1485 {strides = array<i32>} : memref<128x128xf32, #tpu.memory_space<vmem>>, vector<1x16xf32>,
        %get3A_1486 = arith.index_cast %add3A_1452 : i32 to index
        %get3A_1487 = arith.constant 48 : index
        %get3A_1488 = tpu.vector_load %arg9[%get3A_1486, %get3A_1487] {strides = array<i32>} : memref<128x128xf32, #tpu.memory_space<vmem>>, vector<1x16xf32>,
        %get3A_1489 = vector.shape_cast %get3A_1488 : vector<1x16xf32> to vector<16xf32>
        %mul3A_1490 = vector.broadcast %squeeze3A_1448 : f32 to vector<16xf32>
        %mul3A_1491 = arith.mulf %get3A_1489, %mul3A_1490 : vector<16xf32>
        %swap3A_1492 = arith.index_cast %add3A_1452 : i32 to index
        %swap3A_1493 = arith.constant 48 : index
        %swap3A_1494 = tpu.vector_load %arg9[%swap3A_1492, %swap3A_1493] {strides = array<i32>} : memref<128x128xf32, #tpu.memory_space<vmem>>, vector<1x16xf32>,
        %swap3A_1495 = vector.shape_cast %swap3A_1494 : vector<1x16xf32> to vector<16xf32>
        %swap3A_1496 = vector.shape_cast %mul3A_1491 : vector<16xf32> to vector<1x16xf32>
        tpu.vector_store %arg9[%swap3A_1492, %swap3A_1493], %swap3A_1496 {strides = array<i32>} : memref<128x128xf32, #tpu.memory_space<vmem>>, vector<1x16xf32>,
        %get3A_1497 = arith.index_cast %add3A_1452 : i32 to index
        %get3A_1498 = arith.constant 64 : index
        %get3A_1499 = tpu.vector_load %arg9[%get3A_1497, %get3A_1498] {strides = array<i32>} : memref<128x128xf32, #tpu.memory_space<vmem>>, vector<1x16xf32>,
        %get3A_1500 = vector.shape_cast %get3A_1499 : vector<1x16xf32> to vector<16xf32>
        %mul3A_1501 = vector.broadcast %squeeze3A_1448 : f32 to vector<16xf32>
        %mul3A_1502 = arith.mulf %get3A_1500, %mul3A_1501 : vector<16xf32>
        %swap3A_1503 = arith.index_cast %add3A_1452 : i32 to index
        %swap3A_1504 = arith.constant 64 : index
        %swap3A_1505 = tpu.vector_load %arg9[%swap3A_1503, %swap3A_1504] {strides = array<i32>} : memref<128x128xf32, #tpu.memory_space<vmem>>, vector<1x16xf32>,
        %swap3A_1506 = vector.shape_cast %swap3A_1505 : vector<1x16xf32> to vector<16xf32>
        %swap3A_1507 = vector.shape_cast %mul3A_1502 : vector<16xf32> to vector<1x16xf32>
        tpu.vector_store %arg9[%swap3A_1503, %swap3A_1504], %swap3A_1507 {strides = array<i32>} : memref<128x128xf32, #tpu.memory_space<vmem>>, vector<1x16xf32>,
        %get3A_1508 = arith.index_cast %add3A_1452 : i32 to index
        %get3A_1509 = arith.constant 80 : index
        %get3A_1510 = tpu.vector_load %arg9[%get3A_1508, %get3A_1509] {strides = array<i32>} : memref<128x128xf32, #tpu.memory_space<vmem>>, vector<1x16xf32>,
        %get3A_1511 = vector.shape_cast %get3A_1510 : vector<1x16xf32> to vector<16xf32>
        %mul3A_1512 = vector.broadcast %squeeze3A_1448 : f32 to vector<16xf32>
        %mul3A_1513 = arith.mulf %get3A_1511, %mul3A_1512 : vector<16xf32>
        %swap3A_1514 = arith.index_cast %add3A_1452 : i32 to index
        %swap3A_1515 = arith.constant 80 : index
        %swap3A_1516 = tpu.vector_load %arg9[%swap3A_1514, %swap3A_1515] {strides = array<i32>} : memref<128x128xf32, #tpu.memory_space<vmem>>, vector<1x16xf32>,
        %swap3A_1517 = vector.shape_cast %swap3A_1516 : vector<1x16xf32> to vector<16xf32>
        %swap3A_1518 = vector.shape_cast %mul3A_1513 : vector<16xf32> to vector<1x16xf32>
        tpu.vector_store %arg9[%swap3A_1514, %swap3A_1515], %swap3A_1518 {strides = array<i32>} : memref<128x128xf32, #tpu.memory_space<vmem>>, vector<1x16xf32>,
        %get3A_1519 = arith.index_cast %add3A_1452 : i32 to index
        %get3A_1520 = arith.constant 96 : index
        %get3A_1521 = tpu.vector_load %arg9[%get3A_1519, %get3A_1520] {strides = array<i32>} : memref<128x128xf32, #tpu.memory_space<vmem>>, vector<1x16xf32>,
        %get3A_1522 = vector.shape_cast %get3A_1521 : vector<1x16xf32> to vector<16xf32>
        %mul3A_1523 = vector.broadcast %squeeze3A_1448 : f32 to vector<16xf32>
        %mul3A_1524 = arith.mulf %get3A_1522, %mul3A_1523 : vector<16xf32>
        %swap3A_1525 = arith.index_cast %add3A_1452 : i32 to index
        %swap3A_1526 = arith.constant 96 : index
        %swap3A_1527 = tpu.vector_load %arg9[%swap3A_1525, %swap3A_1526] {strides = array<i32>} : memref<128x128xf32, #tpu.memory_space<vmem>>, vector<1x16xf32>,
        %swap3A_1528 = vector.shape_cast %swap3A_1527 : vector<1x16xf32> to vector<16xf32>
        %swap3A_1529 = vector.shape_cast %mul3A_1524 : vector<16xf32> to vector<1x16xf32>
        tpu.vector_store %arg9[%swap3A_1525, %swap3A_1526], %swap3A_1529 {strides = array<i32>} : memref<128x128xf32, #tpu.memory_space<vmem>>, vector<1x16xf32>,
        %get3A_1530 = arith.index_cast %add3A_1452 : i32 to index
        %get3A_1531 = arith.constant 112 : index
        %get3A_1532 = tpu.vector_load %arg9[%get3A_1530, %get3A_1531] {strides = array<i32>} : memref<128x128xf32, #tpu.memory_space<vmem>>, vector<1x16xf32>,
        %get3A_1533 = vector.shape_cast %get3A_1532 : vector<1x16xf32> to vector<16xf32>
        %mul3A_1534 = vector.broadcast %squeeze3A_1448 : f32 to vector<16xf32>
        %mul3A_1535 = arith.mulf %get3A_1533, %mul3A_1534 : vector<16xf32>
        %swap3A_1536 = arith.index_cast %add3A_1452 : i32 to index
        %swap3A_1537 = arith.constant 112 : index
        %swap3A_1538 = tpu.vector_load %arg9[%swap3A_1536, %swap3A_1537] {strides = array<i32>} : memref<128x128xf32, #tpu.memory_space<vmem>>, vector<1x16xf32>,
        %swap3A_1539 = vector.shape_cast %swap3A_1538 : vector<1x16xf32> to vector<16xf32>
        %swap3A_1540 = vector.shape_cast %mul3A_1535 : vector<16xf32> to vector<1x16xf32>
        tpu.vector_store %arg9[%swap3A_1536, %swap3A_1537], %swap3A_1540 {strides = array<i32>} : memref<128x128xf32, #tpu.memory_space<vmem>>, vector<1x16xf32>,
        %slice3A_1541 = vector.extract_strided_slice %get3A_133 {offsets = [15], sizes = [1], strides = [1]} : vector<16xf32> to vector<1xf32>
        %squeeze3A_1542 = vector.extract %slice3A_1541[0] : f32 from vector<1xf32>
        %mul3A_1543 = arith.constant 16 : i32
        %mul3A_1544 = arith.muli %scan3A_128, %mul3A_1543 : i32
        %add3A_1545 = arith.constant 15 : i32
        %add3A_1546 = arith.addi %mul3A_1544, %add3A_1545 : i32
        %get3A_1547 = arith.index_cast %add3A_1546 : i32 to index
        %get3A_1548 = arith.constant 0 : index
        %get3A_1549 = tpu.vector_load %arg9[%get3A_1547, %get3A_1548] {strides = array<i32>} : memref<128x128xf32, #tpu.memory_space<vmem>>, vector<1x16xf32>,
        %get3A_1550 = vector.shape_cast %get3A_1549 : vector<1x16xf32> to vector<16xf32>
        %mul3A_1551 = vector.broadcast %squeeze3A_1542 : f32 to vector<16xf32>
        %mul3A_1552 = arith.mulf %get3A_1550, %mul3A_1551 : vector<16xf32>
        %swap3A_1553 = arith.index_cast %add3A_1546 : i32 to index
        %swap3A_1554 = arith.constant 0 : index
        %swap3A_1555 = tpu.vector_load %arg9[%swap3A_1553, %swap3A_1554] {strides = array<i32>} : memref<128x128xf32, #tpu.memory_space<vmem>>, vector<1x16xf32>,
        %swap3A_1556 = vector.shape_cast %swap3A_1555 : vector<1x16xf32> to vector<16xf32>
        %swap3A_1557 = vector.shape_cast %mul3A_1552 : vector<16xf32> to vector<1x16xf32>
        tpu.vector_store %arg9[%swap3A_1553, %swap3A_1554], %swap3A_1557 {strides = array<i32>} : memref<128x128xf32, #tpu.memory_space<vmem>>, vector<1x16xf32>,
        %get3A_1558 = arith.index_cast %add3A_1546 : i32 to index
        %get3A_1559 = arith.constant 16 : index
        %get3A_1560 = tpu.vector_load %arg9[%get3A_1558, %get3A_1559] {strides = array<i32>} : memref<128x128xf32, #tpu.memory_space<vmem>>, vector<1x16xf32>,
        %get3A_1561 = vector.shape_cast %get3A_1560 : vector<1x16xf32> to vector<16xf32>
        %mul3A_1562 = vector.broadcast %squeeze3A_1542 : f32 to vector<16xf32>
        %mul3A_1563 = arith.mulf %get3A_1561, %mul3A_1562 : vector<16xf32>
        %swap3A_1564 = arith.index_cast %add3A_1546 : i32 to index
        %swap3A_1565 = arith.constant 16 : index
        %swap3A_1566 = tpu.vector_load %arg9[%swap3A_1564, %swap3A_1565] {strides = array<i32>} : memref<128x128xf32, #tpu.memory_space<vmem>>, vector<1x16xf32>,
        %swap3A_1567 = vector.shape_cast %swap3A_1566 : vector<1x16xf32> to vector<16xf32>
        %swap3A_1568 = vector.shape_cast %mul3A_1563 : vector<16xf32> to vector<1x16xf32>
        tpu.vector_store %arg9[%swap3A_1564, %swap3A_1565], %swap3A_1568 {strides = array<i32>} : memref<128x128xf32, #tpu.memory_space<vmem>>, vector<1x16xf32>,
        %get3A_1569 = arith.index_cast %add3A_1546 : i32 to index
        %get3A_1570 = arith.constant 32 : index
        %get3A_1571 = tpu.vector_load %arg9[%get3A_1569, %get3A_1570] {strides = array<i32>} : memref<128x128xf32, #tpu.memory_space<vmem>>, vector<1x16xf32>,
        %get3A_1572 = vector.shape_cast %get3A_1571 : vector<1x16xf32> to vector<16xf32>
        %mul3A_1573 = vector.broadcast %squeeze3A_1542 : f32 to vector<16xf32>
        %mul3A_1574 = arith.mulf %get3A_1572, %mul3A_1573 : vector<16xf32>
        %swap3A_1575 = arith.index_cast %add3A_1546 : i32 to index
        %swap3A_1576 = arith.constant 32 : index
        %swap3A_1577 = tpu.vector_load %arg9[%swap3A_1575, %swap3A_1576] {strides = array<i32>} : memref<128x128xf32, #tpu.memory_space<vmem>>, vector<1x16xf32>,
        %swap3A_1578 = vector.shape_cast %swap3A_1577 : vector<1x16xf32> to vector<16xf32>
        %swap3A_1579 = vector.shape_cast %mul3A_1574 : vector<16xf32> to vector<1x16xf32>
        tpu.vector_store %arg9[%swap3A_1575, %swap3A_1576], %swap3A_1579 {strides = array<i32>} : memref<128x128xf32, #tpu.memory_space<vmem>>, vector<1x16xf32>,
        %get3A_1580 = arith.index_cast %add3A_1546 : i32 to index
        %get3A_1581 = arith.constant 48 : index
        %get3A_1582 = tpu.vector_load %arg9[%get3A_1580, %get3A_1581] {strides = array<i32>} : memref<128x128xf32, #tpu.memory_space<vmem>>, vector<1x16xf32>,
        %get3A_1583 = vector.shape_cast %get3A_1582 : vector<1x16xf32> to vector<16xf32>
        %mul3A_1584 = vector.broadcast %squeeze3A_1542 : f32 to vector<16xf32>
        %mul3A_1585 = arith.mulf %get3A_1583, %mul3A_1584 : vector<16xf32>
        %swap3A_1586 = arith.index_cast %add3A_1546 : i32 to index
        %swap3A_1587 = arith.constant 48 : index
        %swap3A_1588 = tpu.vector_load %arg9[%swap3A_1586, %swap3A_1587] {strides = array<i32>} : memref<128x128xf32, #tpu.memory_space<vmem>>, vector<1x16xf32>,
        %swap3A_1589 = vector.shape_cast %swap3A_1588 : vector<1x16xf32> to vector<16xf32>
        %swap3A_1590 = vector.shape_cast %mul3A_1585 : vector<16xf32> to vector<1x16xf32>
        tpu.vector_store %arg9[%swap3A_1586, %swap3A_1587], %swap3A_1590 {strides = array<i32>} : memref<128x128xf32, #tpu.memory_space<vmem>>, vector<1x16xf32>,
        %get3A_1591 = arith.index_cast %add3A_1546 : i32 to index
        %get3A_1592 = arith.constant 64 : index
        %get3A_1593 = tpu.vector_load %arg9[%get3A_1591, %get3A_1592] {strides = array<i32>} : memref<128x128xf32, #tpu.memory_space<vmem>>, vector<1x16xf32>,
        %get3A_1594 = vector.shape_cast %get3A_1593 : vector<1x16xf32> to vector<16xf32>
        %mul3A_1595 = vector.broadcast %squeeze3A_1542 : f32 to vector<16xf32>
        %mul3A_1596 = arith.mulf %get3A_1594, %mul3A_1595 : vector<16xf32>
        %swap3A_1597 = arith.index_cast %add3A_1546 : i32 to index
        %swap3A_1598 = arith.constant 64 : index
        %swap3A_1599 = tpu.vector_load %arg9[%swap3A_1597, %swap3A_1598] {strides = array<i32>} : memref<128x128xf32, #tpu.memory_space<vmem>>, vector<1x16xf32>,
        %swap3A_1600 = vector.shape_cast %swap3A_1599 : vector<1x16xf32> to vector<16xf32>
        %swap3A_1601 = vector.shape_cast %mul3A_1596 : vector<16xf32> to vector<1x16xf32>
        tpu.vector_store %arg9[%swap3A_1597, %swap3A_1598], %swap3A_1601 {strides = array<i32>} : memref<128x128xf32, #tpu.memory_space<vmem>>, vector<1x16xf32>,
        %get3A_1602 = arith.index_cast %add3A_1546 : i32 to index
        %get3A_1603 = arith.constant 80 : index
        %get3A_1604 = tpu.vector_load %arg9[%get3A_1602, %get3A_1603] {strides = array<i32>} : memref<128x128xf32, #tpu.memory_space<vmem>>, vector<1x16xf32>,
        %get3A_1605 = vector.shape_cast %get3A_1604 : vector<1x16xf32> to vector<16xf32>
        %mul3A_1606 = vector.broadcast %squeeze3A_1542 : f32 to vector<16xf32>
        %mul3A_1607 = arith.mulf %get3A_1605, %mul3A_1606 : vector<16xf32>
        %swap3A_1608 = arith.index_cast %add3A_1546 : i32 to index
        %swap3A_1609 = arith.constant 80 : index
        %swap3A_1610 = tpu.vector_load %arg9[%swap3A_1608, %swap3A_1609] {strides = array<i32>} : memref<128x128xf32, #tpu.memory_space<vmem>>, vector<1x16xf32>,
        %swap3A_1611 = vector.shape_cast %swap3A_1610 : vector<1x16xf32> to vector<16xf32>
        %swap3A_1612 = vector.shape_cast %mul3A_1607 : vector<16xf32> to vector<1x16xf32>
        tpu.vector_store %arg9[%swap3A_1608, %swap3A_1609], %swap3A_1612 {strides = array<i32>} : memref<128x128xf32, #tpu.memory_space<vmem>>, vector<1x16xf32>,
        %get3A_1613 = arith.index_cast %add3A_1546 : i32 to index
        %get3A_1614 = arith.constant 96 : index
        %get3A_1615 = tpu.vector_load %arg9[%get3A_1613, %get3A_1614] {strides = array<i32>} : memref<128x128xf32, #tpu.memory_space<vmem>>, vector<1x16xf32>,
        %get3A_1616 = vector.shape_cast %get3A_1615 : vector<1x16xf32> to vector<16xf32>
        %mul3A_1617 = vector.broadcast %squeeze3A_1542 : f32 to vector<16xf32>
        %mul3A_1618 = arith.mulf %get3A_1616, %mul3A_1617 : vector<16xf32>
        %swap3A_1619 = arith.index_cast %add3A_1546 : i32 to index
        %swap3A_1620 = arith.constant 96 : index
        %swap3A_1621 = tpu.vector_load %arg9[%swap3A_1619, %swap3A_1620] {strides = array<i32>} : memref<128x128xf32, #tpu.memory_space<vmem>>, vector<1x16xf32>,
        %swap3A_1622 = vector.shape_cast %swap3A_1621 : vector<1x16xf32> to vector<16xf32>
        %swap3A_1623 = vector.shape_cast %mul3A_1618 : vector<16xf32> to vector<1x16xf32>
        tpu.vector_store %arg9[%swap3A_1619, %swap3A_1620], %swap3A_1623 {strides = array<i32>} : memref<128x128xf32, #tpu.memory_space<vmem>>, vector<1x16xf32>,
        %get3A_1624 = arith.index_cast %add3A_1546 : i32 to index
        %get3A_1625 = arith.constant 112 : index
        %get3A_1626 = tpu.vector_load %arg9[%get3A_1624, %get3A_1625] {strides = array<i32>} : memref<128x128xf32, #tpu.memory_space<vmem>>, vector<1x16xf32>,
        %get3A_1627 = vector.shape_cast %get3A_1626 : vector<1x16xf32> to vector<16xf32>
        %mul3A_1628 = vector.broadcast %squeeze3A_1542 : f32 to vector<16xf32>
        %mul3A_1629 = arith.mulf %get3A_1627, %mul3A_1628 : vector<16xf32>
        %swap3A_1630 = arith.index_cast %add3A_1546 : i32 to index
        %swap3A_1631 = arith.constant 112 : index
        %swap3A_1632 = tpu.vector_load %arg9[%swap3A_1630, %swap3A_1631] {strides = array<i32>} : memref<128x128xf32, #tpu.memory_space<vmem>>, vector<1x16xf32>,
        %swap3A_1633 = vector.shape_cast %swap3A_1632 : vector<1x16xf32> to vector<16xf32>
        %swap3A_1634 = vector.shape_cast %mul3A_1629 : vector<16xf32> to vector<1x16xf32>
        tpu.vector_store %arg9[%swap3A_1630, %swap3A_1631], %swap3A_1634 {strides = array<i32>} : memref<128x128xf32, #tpu.memory_space<vmem>>, vector<1x16xf32>,
        %scan3A_1635 = arith.constant 0 : i32
        scf.yield %scan3A_1635 : i32
      }
      %scan3A_126 = arith.constant 8 : i32
      "tpu.region"() ({
        %run_scoped3A = tpu.sem_alloc : memref<!tpu.dma_semaphore, #tpu.memory_space<semaphore_mem>>
        %dma_start3A_128 = arith.constant 0 : i32
        %dma_start3A_129 = arith.constant 0 : i32
        %dma_start3A_130 = tpu.memref_slice %arg10[%dma_start3A_128, %dma_start3A_129] : memref<10240x128xf32, #tpu.memory_space<vmem_shared>> -> memref<10240x128xf32, #tpu.memory_space<vmem_shared>>
        tpu.enqueue_indirect_dma source(%arg9 : memref<128x128xf32, #tpu.memory_space<vmem>>) target(%dma_start3A_130 : memref<10240x128xf32, #tpu.memory_space<vmem_shared>>) offsets(%arg7 : memref<128xi32, #tpu.memory_space<vmem>>) semaphore(%run_scoped3A : memref<!tpu.dma_semaphore, #tpu.memory_space<semaphore_mem>>) {add = true}
        %dma_wait3A_131 = arith.constant 0 : i32
        %dma_wait3A_132 = arith.constant 0 : i32
        %dma_wait3A_133 = tpu.memref_slice %arg10[%dma_wait3A_131, %dma_wait3A_132] : memref<10240x128xf32, #tpu.memory_space<vmem_shared>> -> memref<10240x128xf32, #tpu.memory_space<vmem_shared>>
        tpu.wait_indirect_dma semaphore(%run_scoped3A : memref<!tpu.dma_semaphore, #tpu.memory_space<semaphore_mem>>) src(%arg9 : memref<128x128xf32, #tpu.memory_space<vmem>>) dst(%dma_wait3A_133 : memref<10240x128xf32, #tpu.memory_space<vmem_shared>>)
        tpu.yield
      }) : () -> ()
      %while3A_127 = arith.constant 0 : i32
      scf.yield %while3A_127 : i32
    }
    %while3A_81 = arith.constant 1 : i32
    %while3A_82 = scf.for %while3A_88 = %while3A_78 to %while3A_74 step %while3A_81 iter_args(%while3A_89 = %while3A_80) -> (i32)  : i32 {
      %mul3A_90 = arith.constant 128 : i32
      %mul3A_91 = arith.muli %while3A_88, %mul3A_90 : i32
      %dma_start3A = arith.constant 0 : i32
      %dma_start3A_92 = tpu.memref_slice %arg3[%dma_start3A, %mul3A_91] : memref<2x320000xi32, #tpu.memory_space<hbm>> -> memref<1x128xi32, #tpu.memory_space<hbm>>
      %dma_start3A_93 = tpu.memref_squeeze %dma_start3A_92 : memref<1x128xi32, #tpu.memory_space<hbm>> -> memref<128xi32, #tpu.memory_space<hbm>>
      %dma_start3A_94 = tpu.memref_slice %arg3[%dma_start3A, %mul3A_91] : memref<2x320000xi32, #tpu.memory_space<hbm>> -> memref<1x128xi32, #tpu.memory_space<hbm>>
      %dma_start3A_95 = tpu.memref_squeeze %dma_start3A_94 : memref<1x128xi32, #tpu.memory_space<hbm>> -> memref<128xi32, #tpu.memory_space<hbm>>
      tpu.enqueue_dma source(%dma_start3A_95 : memref<128xi32, #tpu.memory_space<hbm>>) target(%arg6 : memref<128xi32, #tpu.memory_space<vmem>>) target_semaphore(%arg12 : memref<!tpu.dma_semaphore, #tpu.memory_space<semaphore_mem>>)
      %dma_start3A_96 = arith.constant 1 : i32
      %dma_start3A_97 = tpu.memref_slice %arg3[%dma_start3A_96, %mul3A_91] : memref<2x320000xi32, #tpu.memory_space<hbm>> -> memref<1x128xi32, #tpu.memory_space<hbm>>
      %dma_start3A_98 = tpu.memref_squeeze %dma_start3A_97 : memref<1x128xi32, #tpu.memory_space<hbm>> -> memref<128xi32, #tpu.memory_space<hbm>>
      %dma_start3A_99 = tpu.memref_slice %arg3[%dma_start3A_96, %mul3A_91] : memref<2x320000xi32, #tpu.memory_space<hbm>> -> memref<1x128xi32, #tpu.memory_space<hbm>>
      %dma_start3A_100 = tpu.memref_squeeze %dma_start3A_99 : memref<1x128xi32, #tpu.memory_space<hbm>> -> memref<128xi32, #tpu.memory_space<hbm>>
      tpu.enqueue_dma source(%dma_start3A_100 : memref<128xi32, #tpu.memory_space<hbm>>) target(%arg7 : memref<128xi32, #tpu.memory_space<vmem>>) target_semaphore(%arg13 : memref<!tpu.dma_semaphore, #tpu.memory_space<semaphore_mem>>)
      %dma_start3A_101 = tpu.memref_slice %arg4[%mul3A_91] : memref<320000xf32, #tpu.memory_space<hbm>> -> memref<128xf32, #tpu.memory_space<hbm>>
      %dma_start3A_102 = tpu.memref_slice %arg4[%mul3A_91] : memref<320000xf32, #tpu.memory_space<hbm>> -> memref<128xf32, #tpu.memory_space<hbm>>
      tpu.enqueue_dma source(%dma_start3A_102 : memref<128xf32, #tpu.memory_space<hbm>>) target(%arg8 : memref<128xf32, #tpu.memory_space<vmem>>) target_semaphore(%arg14 : memref<!tpu.dma_semaphore, #tpu.memory_space<semaphore_mem>>)
      %dma_wait3A = arith.constant 0 : i32
      %dma_wait3A_103 = tpu.memref_slice %arg3[%dma_wait3A, %mul3A_91] : memref<2x320000xi32, #tpu.memory_space<hbm>> -> memref<1x128xi32, #tpu.memory_space<hbm>>
      %dma_wait3A_104 = tpu.memref_squeeze %dma_wait3A_103 : memref<1x128xi32, #tpu.memory_space<hbm>> -> memref<128xi32, #tpu.memory_space<hbm>>
      %dma_wait3A_105 = tpu.memref_slice %arg3[%dma_wait3A, %mul3A_91] : memref<2x320000xi32, #tpu.memory_space<hbm>> -> memref<1x128xi32, #tpu.memory_space<hbm>>
      %dma_wait3A_106 = tpu.memref_squeeze %dma_wait3A_105 : memref<1x128xi32, #tpu.memory_space<hbm>> -> memref<128xi32, #tpu.memory_space<hbm>>
      tpu.wait_dma2 semaphore(%arg12 : memref<!tpu.dma_semaphore, #tpu.memory_space<semaphore_mem>>) src(%dma_wait3A_106 : memref<128xi32, #tpu.memory_space<hbm>>) dst(%arg6 : memref<128xi32, #tpu.memory_space<vmem>>)
      %dma_start3A_107 = arith.constant 0 : i32
      %dma_start3A_108 = arith.constant 0 : i32
      %dma_start3A_109 = tpu.memref_slice %arg2[%dma_start3A_107, %dma_start3A_108] : memref<10000x128xf32, #tpu.memory_space<hbm>> -> memref<10000x128xf32, #tpu.memory_space<hbm>>
      tpu.enqueue_indirect_dma source(%dma_start3A_109 : memref<10000x128xf32, #tpu.memory_space<hbm>>) target(%arg9 : memref<128x128xf32, #tpu.memory_space<vmem>>) offsets(%arg6 : memref<128xi32, #tpu.memory_space<vmem>>) semaphore(%arg11 : memref<!tpu.dma_semaphore, #tpu.memory_space<semaphore_mem>>)
      %dma_wait3A_110 = arith.constant 1 : i32
      %dma_wait3A_111 = tpu.memref_slice %arg3[%dma_wait3A_110, %mul3A_91] : memref<2x320000xi32, #tpu.memory_space<hbm>> -> memref<1x128xi32, #tpu.memory_space<hbm>>
      %dma_wait3A_112 = tpu.memref_squeeze %dma_wait3A_111 : memref<1x128xi32, #tpu.memory_space<hbm>> -> memref<128xi32, #tpu.memory_space<hbm>>
      %dma_wait3A_113 = tpu.memref_slice %arg3[%dma_wait3A_110, %mul3A_91] : memref<2x320000xi32, #tpu.memory_space<hbm>> -> memref<1x128xi32, #tpu.memory_space<hbm>>
      %dma_wait3A_114 = tpu.memref_squeeze %dma_wait3A_113 : memref<1x128xi32, #tpu.memory_space<hbm>> -> memref<128xi32, #tpu.memory_space<hbm>>
      tpu.wait_dma2 semaphore(%arg13 : memref<!tpu.dma_semaphore, #tpu.memory_space<semaphore_mem>>) src(%dma_wait3A_114 : memref<128xi32, #tpu.memory_space<hbm>>) dst(%arg7 : memref<128xi32, #tpu.memory_space<vmem>>)
      %dma_wait3A_115 = tpu.memref_slice %arg4[%mul3A_91] : memref<320000xf32, #tpu.memory_space<hbm>> -> memref<128xf32, #tpu.memory_space<hbm>>
      %dma_wait3A_116 = tpu.memref_slice %arg4[%mul3A_91] : memref<320000xf32, #tpu.memory_space<hbm>> -> memref<128xf32, #tpu.memory_space<hbm>>
      tpu.wait_dma2 semaphore(%arg14 : memref<!tpu.dma_semaphore, #tpu.memory_space<semaphore_mem>>) src(%dma_wait3A_116 : memref<128xf32, #tpu.memory_space<hbm>>) dst(%arg8 : memref<128xf32, #tpu.memory_space<vmem>>)
      %dma_wait3A_117 = arith.constant 0 : i32
      %dma_wait3A_118 = arith.constant 0 : i32
      %dma_wait3A_119 = tpu.memref_slice %arg2[%dma_wait3A_117, %dma_wait3A_118] : memref<10000x128xf32, #tpu.memory_space<hbm>> -> memref<10000x128xf32, #tpu.memory_space<hbm>>
      tpu.wait_indirect_dma semaphore(%arg11 : memref<!tpu.dma_semaphore, #tpu.memory_space<semaphore_mem>>) src(%dma_wait3A_119 : memref<10000x128xf32, #tpu.memory_space<hbm>>) dst(%arg9 : memref<128x128xf32, #tpu.memory_space<vmem>>)
      %scan3A_120 = arith.constant 0 : i32
      %scan3A_121 = arith.constant 0 : i32
      %scan3A_122 = arith.constant 8 : i32
      %scan3A_123 = arith.addi %scan3A_121, %scan3A_122 : i32
      %scan3A_124 = arith.constant 1 : i32
      %scan3A_125 = scf.for %scan3A_128 = %scan3A_121 to %scan3A_123 step %scan3A_124 iter_args(%scan3A_129 = %scan3A_120) -> (i32)  : i32 {
        %mul3A_130 = arith.constant 16 : i32
        %mul3A_131 = arith.muli %scan3A_128, %mul3A_130 : i32
        %get3A = arith.index_cast %mul3A_131 : i32 to index
        %get3A_132 = tpu.vector_load %arg8[%get3A] {strides = array<i32>} : memref<128xf32, #tpu.memory_space<vmem>>, vector<16xf32>,
        %get3A_133 = vector.shape_cast %get3A_132 : vector<16xf32> to vector<16xf32>
        %slice3A = vector.extract_strided_slice %get3A_133 {offsets = [0], sizes = [1], strides = [1]} : vector<16xf32> to vector<1xf32>
        %squeeze3A = vector.extract %slice3A[0] : f32 from vector<1xf32>
        %mul3A_134 = arith.constant 16 : i32
        %mul3A_135 = arith.muli %scan3A_128, %mul3A_134 : i32
        %add3A_136 = arith.constant 0 : i32
        %add3A_137 = arith.addi %mul3A_135, %add3A_136 : i32
        %get3A_138 = arith.index_cast %add3A_137 : i32 to index
        %get3A_139 = arith.constant 0 : index
        %get3A_140 = tpu.vector_load %arg9[%get3A_138, %get3A_139] {strides = array<i32>} : memref<128x128xf32, #tpu.memory_space<vmem>>, vector<1x16xf32>,
        %get3A_141 = vector.shape_cast %get3A_140 : vector<1x16xf32> to vector<16xf32>
        %mul3A_142 = vector.broadcast %squeeze3A : f32 to vector<16xf32>
        %mul3A_143 = arith.mulf %get3A_141, %mul3A_142 : vector<16xf32>
        %swap3A = arith.index_cast %add3A_137 : i32 to index
        %swap3A_144 = arith.constant 0 : index
        %swap3A_145 = tpu.vector_load %arg9[%swap3A, %swap3A_144] {strides = array<i32>} : memref<128x128xf32, #tpu.memory_space<vmem>>, vector<1x16xf32>,
        %swap3A_146 = vector.shape_cast %swap3A_145 : vector<1x16xf32> to vector<16xf32>
        %swap3A_147 = vector.shape_cast %mul3A_143 : vector<16xf32> to vector<1x16xf32>
        tpu.vector_store %arg9[%swap3A, %swap3A_144], %swap3A_147 {strides = array<i32>} : memref<128x128xf32, #tpu.memory_space<vmem>>, vector<1x16xf32>,
        %get3A_148 = arith.index_cast %add3A_137 : i32 to index
        %get3A_149 = arith.constant 16 : index
        %get3A_150 = tpu.vector_load %arg9[%get3A_148, %get3A_149] {strides = array<i32>} : memref<128x128xf32, #tpu.memory_space<vmem>>, vector<1x16xf32>,
        %get3A_151 = vector.shape_cast %get3A_150 : vector<1x16xf32> to vector<16xf32>
        %mul3A_152 = vector.broadcast %squeeze3A : f32 to vector<16xf32>
        %mul3A_153 = arith.mulf %get3A_151, %mul3A_152 : vector<16xf32>
        %swap3A_154 = arith.index_cast %add3A_137 : i32 to index
        %swap3A_155 = arith.constant 16 : index
        %swap3A_156 = tpu.vector_load %arg9[%swap3A_154, %swap3A_155] {strides = array<i32>} : memref<128x128xf32, #tpu.memory_space<vmem>>, vector<1x16xf32>,
        %swap3A_157 = vector.shape_cast %swap3A_156 : vector<1x16xf32> to vector<16xf32>
        %swap3A_158 = vector.shape_cast %mul3A_153 : vector<16xf32> to vector<1x16xf32>
        tpu.vector_store %arg9[%swap3A_154, %swap3A_155], %swap3A_158 {strides = array<i32>} : memref<128x128xf32, #tpu.memory_space<vmem>>, vector<1x16xf32>,
        %get3A_159 = arith.index_cast %add3A_137 : i32 to index
        %get3A_160 = arith.constant 32 : index
        %get3A_161 = tpu.vector_load %arg9[%get3A_159, %get3A_160] {strides = array<i32>} : memref<128x128xf32, #tpu.memory_space<vmem>>, vector<1x16xf32>,
        %get3A_162 = vector.shape_cast %get3A_161 : vector<1x16xf32> to vector<16xf32>
        %mul3A_163 = vector.broadcast %squeeze3A : f32 to vector<16xf32>
        %mul3A_164 = arith.mulf %get3A_162, %mul3A_163 : vector<16xf32>
        %swap3A_165 = arith.index_cast %add3A_137 : i32 to index
        %swap3A_166 = arith.constant 32 : index
        %swap3A_167 = tpu.vector_load %arg9[%swap3A_165, %swap3A_166] {strides = array<i32>} : memref<128x128xf32, #tpu.memory_space<vmem>>, vector<1x16xf32>,
        %swap3A_168 = vector.shape_cast %swap3A_167 : vector<1x16xf32> to vector<16xf32>
        %swap3A_169 = vector.shape_cast %mul3A_164 : vector<16xf32> to vector<1x16xf32>
        tpu.vector_store %arg9[%swap3A_165, %swap3A_166], %swap3A_169 {strides = array<i32>} : memref<128x128xf32, #tpu.memory_space<vmem>>, vector<1x16xf32>,
        %get3A_170 = arith.index_cast %add3A_137 : i32 to index
        %get3A_171 = arith.constant 48 : index
        %get3A_172 = tpu.vector_load %arg9[%get3A_170, %get3A_171] {strides = array<i32>} : memref<128x128xf32, #tpu.memory_space<vmem>>, vector<1x16xf32>,
        %get3A_173 = vector.shape_cast %get3A_172 : vector<1x16xf32> to vector<16xf32>
        %mul3A_174 = vector.broadcast %squeeze3A : f32 to vector<16xf32>
        %mul3A_175 = arith.mulf %get3A_173, %mul3A_174 : vector<16xf32>
        %swap3A_176 = arith.index_cast %add3A_137 : i32 to index
        %swap3A_177 = arith.constant 48 : index
        %swap3A_178 = tpu.vector_load %arg9[%swap3A_176, %swap3A_177] {strides = array<i32>} : memref<128x128xf32, #tpu.memory_space<vmem>>, vector<1x16xf32>,
        %swap3A_179 = vector.shape_cast %swap3A_178 : vector<1x16xf32> to vector<16xf32>
        %swap3A_180 = vector.shape_cast %mul3A_175 : vector<16xf32> to vector<1x16xf32>
        tpu.vector_store %arg9[%swap3A_176, %swap3A_177], %swap3A_180 {strides = array<i32>} : memref<128x128xf32, #tpu.memory_space<vmem>>, vector<1x16xf32>,
        %get3A_181 = arith.index_cast %add3A_137 : i32 to index
        %get3A_182 = arith.constant 64 : index
        %get3A_183 = tpu.vector_load %arg9[%get3A_181, %get3A_182] {strides = array<i32>} : memref<128x128xf32, #tpu.memory_space<vmem>>, vector<1x16xf32>,
        %get3A_184 = vector.shape_cast %get3A_183 : vector<1x16xf32> to vector<16xf32>
        %mul3A_185 = vector.broadcast %squeeze3A : f32 to vector<16xf32>
        %mul3A_186 = arith.mulf %get3A_184, %mul3A_185 : vector<16xf32>
        %swap3A_187 = arith.index_cast %add3A_137 : i32 to index
        %swap3A_188 = arith.constant 64 : index
        %swap3A_189 = tpu.vector_load %arg9[%swap3A_187, %swap3A_188] {strides = array<i32>} : memref<128x128xf32, #tpu.memory_space<vmem>>, vector<1x16xf32>,
        %swap3A_190 = vector.shape_cast %swap3A_189 : vector<1x16xf32> to vector<16xf32>
        %swap3A_191 = vector.shape_cast %mul3A_186 : vector<16xf32> to vector<1x16xf32>
        tpu.vector_store %arg9[%swap3A_187, %swap3A_188], %swap3A_191 {strides = array<i32>} : memref<128x128xf32, #tpu.memory_space<vmem>>, vector<1x16xf32>,
        %get3A_192 = arith.index_cast %add3A_137 : i32 to index
        %get3A_193 = arith.constant 80 : index
        %get3A_194 = tpu.vector_load %arg9[%get3A_192, %get3A_193] {strides = array<i32>} : memref<128x128xf32, #tpu.memory_space<vmem>>, vector<1x16xf32>,
        %get3A_195 = vector.shape_cast %get3A_194 : vector<1x16xf32> to vector<16xf32>
        %mul3A_196 = vector.broadcast %squeeze3A : f32 to vector<16xf32>
        %mul3A_197 = arith.mulf %get3A_195, %mul3A_196 : vector<16xf32>
        %swap3A_198 = arith.index_cast %add3A_137 : i32 to index
        %swap3A_199 = arith.constant 80 : index
        %swap3A_200 = tpu.vector_load %arg9[%swap3A_198, %swap3A_199] {strides = array<i32>} : memref<128x128xf32, #tpu.memory_space<vmem>>, vector<1x16xf32>,
        %swap3A_201 = vector.shape_cast %swap3A_200 : vector<1x16xf32> to vector<16xf32>
        %swap3A_202 = vector.shape_cast %mul3A_197 : vector<16xf32> to vector<1x16xf32>
        tpu.vector_store %arg9[%swap3A_198, %swap3A_199], %swap3A_202 {strides = array<i32>} : memref<128x128xf32, #tpu.memory_space<vmem>>, vector<1x16xf32>,
        %get3A_203 = arith.index_cast %add3A_137 : i32 to index
        %get3A_204 = arith.constant 96 : index
        %get3A_205 = tpu.vector_load %arg9[%get3A_203, %get3A_204] {strides = array<i32>} : memref<128x128xf32, #tpu.memory_space<vmem>>, vector<1x16xf32>,
        %get3A_206 = vector.shape_cast %get3A_205 : vector<1x16xf32> to vector<16xf32>
        %mul3A_207 = vector.broadcast %squeeze3A : f32 to vector<16xf32>
        %mul3A_208 = arith.mulf %get3A_206, %mul3A_207 : vector<16xf32>
        %swap3A_209 = arith.index_cast %add3A_137 : i32 to index
        %swap3A_210 = arith.constant 96 : index
        %swap3A_211 = tpu.vector_load %arg9[%swap3A_209, %swap3A_210] {strides = array<i32>} : memref<128x128xf32, #tpu.memory_space<vmem>>, vector<1x16xf32>,
        %swap3A_212 = vector.shape_cast %swap3A_211 : vector<1x16xf32> to vector<16xf32>
        %swap3A_213 = vector.shape_cast %mul3A_208 : vector<16xf32> to vector<1x16xf32>
        tpu.vector_store %arg9[%swap3A_209, %swap3A_210], %swap3A_213 {strides = array<i32>} : memref<128x128xf32, #tpu.memory_space<vmem>>, vector<1x16xf32>,
        %get3A_214 = arith.index_cast %add3A_137 : i32 to index
        %get3A_215 = arith.constant 112 : index
        %get3A_216 = tpu.vector_load %arg9[%get3A_214, %get3A_215] {strides = array<i32>} : memref<128x128xf32, #tpu.memory_space<vmem>>, vector<1x16xf32>,
        %get3A_217 = vector.shape_cast %get3A_216 : vector<1x16xf32> to vector<16xf32>
        %mul3A_218 = vector.broadcast %squeeze3A : f32 to vector<16xf32>
        %mul3A_219 = arith.mulf %get3A_217, %mul3A_218 : vector<16xf32>
        %swap3A_220 = arith.index_cast %add3A_137 : i32 to index
        %swap3A_221 = arith.constant 112 : index
        %swap3A_222 = tpu.vector_load %arg9[%swap3A_220, %swap3A_221] {strides = array<i32>} : memref<128x128xf32, #tpu.memory_space<vmem>>, vector<1x16xf32>,
        %swap3A_223 = vector.shape_cast %swap3A_222 : vector<1x16xf32> to vector<16xf32>
        %swap3A_224 = vector.shape_cast %mul3A_219 : vector<16xf32> to vector<1x16xf32>
        tpu.vector_store %arg9[%swap3A_220, %swap3A_221], %swap3A_224 {strides = array<i32>} : memref<128x128xf32, #tpu.memory_space<vmem>>, vector<1x16xf32>,
        %slice3A_225 = vector.extract_strided_slice %get3A_133 {offsets = [1], sizes = [1], strides = [1]} : vector<16xf32> to vector<1xf32>
        %squeeze3A_226 = vector.extract %slice3A_225[0] : f32 from vector<1xf32>
        %mul3A_227 = arith.constant 16 : i32
        %mul3A_228 = arith.muli %scan3A_128, %mul3A_227 : i32
        %add3A_229 = arith.constant 1 : i32
        %add3A_230 = arith.addi %mul3A_228, %add3A_229 : i32
        %get3A_231 = arith.index_cast %add3A_230 : i32 to index
        %get3A_232 = arith.constant 0 : index
        %get3A_233 = tpu.vector_load %arg9[%get3A_231, %get3A_232] {strides = array<i32>} : memref<128x128xf32, #tpu.memory_space<vmem>>, vector<1x16xf32>,
        %get3A_234 = vector.shape_cast %get3A_233 : vector<1x16xf32> to vector<16xf32>
        %mul3A_235 = vector.broadcast %squeeze3A_226 : f32 to vector<16xf32>
        %mul3A_236 = arith.mulf %get3A_234, %mul3A_235 : vector<16xf32>
        %swap3A_237 = arith.index_cast %add3A_230 : i32 to index
        %swap3A_238 = arith.constant 0 : index
        %swap3A_239 = tpu.vector_load %arg9[%swap3A_237, %swap3A_238] {strides = array<i32>} : memref<128x128xf32, #tpu.memory_space<vmem>>, vector<1x16xf32>,
        %swap3A_240 = vector.shape_cast %swap3A_239 : vector<1x16xf32> to vector<16xf32>
        %swap3A_241 = vector.shape_cast %mul3A_236 : vector<16xf32> to vector<1x16xf32>
        tpu.vector_store %arg9[%swap3A_237, %swap3A_238], %swap3A_241 {strides = array<i32>} : memref<128x128xf32, #tpu.memory_space<vmem>>, vector<1x16xf32>,
        %get3A_242 = arith.index_cast %add3A_230 : i32 to index
        %get3A_243 = arith.constant 16 : index
        %get3A_244 = tpu.vector_load %arg9[%get3A_242, %get3A_243] {strides = array<i32>} : memref<128x128xf32, #tpu.memory_space<vmem>>, vector<1x16xf32>,
        %get3A_245 = vector.shape_cast %get3A_244 : vector<1x16xf32> to vector<16xf32>
        %mul3A_246 = vector.broadcast %squeeze3A_226 : f32 to vector<16xf32>
        %mul3A_247 = arith.mulf %get3A_245, %mul3A_246 : vector<16xf32>
        %swap3A_248 = arith.index_cast %add3A_230 : i32 to index
        %swap3A_249 = arith.constant 16 : index
        %swap3A_250 = tpu.vector_load %arg9[%swap3A_248, %swap3A_249] {strides = array<i32>} : memref<128x128xf32, #tpu.memory_space<vmem>>, vector<1x16xf32>,
        %swap3A_251 = vector.shape_cast %swap3A_250 : vector<1x16xf32> to vector<16xf32>
        %swap3A_252 = vector.shape_cast %mul3A_247 : vector<16xf32> to vector<1x16xf32>
        tpu.vector_store %arg9[%swap3A_248, %swap3A_249], %swap3A_252 {strides = array<i32>} : memref<128x128xf32, #tpu.memory_space<vmem>>, vector<1x16xf32>,
        %get3A_253 = arith.index_cast %add3A_230 : i32 to index
        %get3A_254 = arith.constant 32 : index
        %get3A_255 = tpu.vector_load %arg9[%get3A_253, %get3A_254] {strides = array<i32>} : memref<128x128xf32, #tpu.memory_space<vmem>>, vector<1x16xf32>,
        %get3A_256 = vector.shape_cast %get3A_255 : vector<1x16xf32> to vector<16xf32>
        %mul3A_257 = vector.broadcast %squeeze3A_226 : f32 to vector<16xf32>
        %mul3A_258 = arith.mulf %get3A_256, %mul3A_257 : vector<16xf32>
        %swap3A_259 = arith.index_cast %add3A_230 : i32 to index
        %swap3A_260 = arith.constant 32 : index
        %swap3A_261 = tpu.vector_load %arg9[%swap3A_259, %swap3A_260] {strides = array<i32>} : memref<128x128xf32, #tpu.memory_space<vmem>>, vector<1x16xf32>,
        %swap3A_262 = vector.shape_cast %swap3A_261 : vector<1x16xf32> to vector<16xf32>
        %swap3A_263 = vector.shape_cast %mul3A_258 : vector<16xf32> to vector<1x16xf32>
        tpu.vector_store %arg9[%swap3A_259, %swap3A_260], %swap3A_263 {strides = array<i32>} : memref<128x128xf32, #tpu.memory_space<vmem>>, vector<1x16xf32>,
        %get3A_264 = arith.index_cast %add3A_230 : i32 to index
        %get3A_265 = arith.constant 48 : index
        %get3A_266 = tpu.vector_load %arg9[%get3A_264, %get3A_265] {strides = array<i32>} : memref<128x128xf32, #tpu.memory_space<vmem>>, vector<1x16xf32>,
        %get3A_267 = vector.shape_cast %get3A_266 : vector<1x16xf32> to vector<16xf32>
        %mul3A_268 = vector.broadcast %squeeze3A_226 : f32 to vector<16xf32>
        %mul3A_269 = arith.mulf %get3A_267, %mul3A_268 : vector<16xf32>
        %swap3A_270 = arith.index_cast %add3A_230 : i32 to index
        %swap3A_271 = arith.constant 48 : index
        %swap3A_272 = tpu.vector_load %arg9[%swap3A_270, %swap3A_271] {strides = array<i32>} : memref<128x128xf32, #tpu.memory_space<vmem>>, vector<1x16xf32>,
        %swap3A_273 = vector.shape_cast %swap3A_272 : vector<1x16xf32> to vector<16xf32>
        %swap3A_274 = vector.shape_cast %mul3A_269 : vector<16xf32> to vector<1x16xf32>
        tpu.vector_store %arg9[%swap3A_270, %swap3A_271], %swap3A_274 {strides = array<i32>} : memref<128x128xf32, #tpu.memory_space<vmem>>, vector<1x16xf32>,
        %get3A_275 = arith.index_cast %add3A_230 : i32 to index
        %get3A_276 = arith.constant 64 : index
        %get3A_277 = tpu.vector_load %arg9[%get3A_275, %get3A_276] {strides = array<i32>} : memref<128x128xf32, #tpu.memory_space<vmem>>, vector<1x16xf32>,
        %get3A_278 = vector.shape_cast %get3A_277 : vector<1x16xf32> to vector<16xf32>
        %mul3A_279 = vector.broadcast %squeeze3A_226 : f32 to vector<16xf32>
        %mul3A_280 = arith.mulf %get3A_278, %mul3A_279 : vector<16xf32>
        %swap3A_281 = arith.index_cast %add3A_230 : i32 to index
        %swap3A_282 = arith.constant 64 : index
        %swap3A_283 = tpu.vector_load %arg9[%swap3A_281, %swap3A_282] {strides = array<i32>} : memref<128x128xf32, #tpu.memory_space<vmem>>, vector<1x16xf32>,
        %swap3A_284 = vector.shape_cast %swap3A_283 : vector<1x16xf32> to vector<16xf32>
        %swap3A_285 = vector.shape_cast %mul3A_280 : vector<16xf32> to vector<1x16xf32>
        tpu.vector_store %arg9[%swap3A_281, %swap3A_282], %swap3A_285 {strides = array<i32>} : memref<128x128xf32, #tpu.memory_space<vmem>>, vector<1x16xf32>,
        %get3A_286 = arith.index_cast %add3A_230 : i32 to index
        %get3A_287 = arith.constant 80 : index
        %get3A_288 = tpu.vector_load %arg9[%get3A_286, %get3A_287] {strides = array<i32>} : memref<128x128xf32, #tpu.memory_space<vmem>>, vector<1x16xf32>,
        %get3A_289 = vector.shape_cast %get3A_288 : vector<1x16xf32> to vector<16xf32>
        %mul3A_290 = vector.broadcast %squeeze3A_226 : f32 to vector<16xf32>
        %mul3A_291 = arith.mulf %get3A_289, %mul3A_290 : vector<16xf32>
        %swap3A_292 = arith.index_cast %add3A_230 : i32 to index
        %swap3A_293 = arith.constant 80 : index
        %swap3A_294 = tpu.vector_load %arg9[%swap3A_292, %swap3A_293] {strides = array<i32>} : memref<128x128xf32, #tpu.memory_space<vmem>>, vector<1x16xf32>,
        %swap3A_295 = vector.shape_cast %swap3A_294 : vector<1x16xf32> to vector<16xf32>
        %swap3A_296 = vector.shape_cast %mul3A_291 : vector<16xf32> to vector<1x16xf32>
        tpu.vector_store %arg9[%swap3A_292, %swap3A_293], %swap3A_296 {strides = array<i32>} : memref<128x128xf32, #tpu.memory_space<vmem>>, vector<1x16xf32>,
        %get3A_297 = arith.index_cast %add3A_230 : i32 to index
        %get3A_298 = arith.constant 96 : index
        %get3A_299 = tpu.vector_load %arg9[%get3A_297, %get3A_298] {strides = array<i32>} : memref<128x128xf32, #tpu.memory_space<vmem>>, vector<1x16xf32>,
        %get3A_300 = vector.shape_cast %get3A_299 : vector<1x16xf32> to vector<16xf32>
        %mul3A_301 = vector.broadcast %squeeze3A_226 : f32 to vector<16xf32>
        %mul3A_302 = arith.mulf %get3A_300, %mul3A_301 : vector<16xf32>
        %swap3A_303 = arith.index_cast %add3A_230 : i32 to index
        %swap3A_304 = arith.constant 96 : index
        %swap3A_305 = tpu.vector_load %arg9[%swap3A_303, %swap3A_304] {strides = array<i32>} : memref<128x128xf32, #tpu.memory_space<vmem>>, vector<1x16xf32>,
        %swap3A_306 = vector.shape_cast %swap3A_305 : vector<1x16xf32> to vector<16xf32>
        %swap3A_307 = vector.shape_cast %mul3A_302 : vector<16xf32> to vector<1x16xf32>
        tpu.vector_store %arg9[%swap3A_303, %swap3A_304], %swap3A_307 {strides = array<i32>} : memref<128x128xf32, #tpu.memory_space<vmem>>, vector<1x16xf32>,
        %get3A_308 = arith.index_cast %add3A_230 : i32 to index
        %get3A_309 = arith.constant 112 : index
        %get3A_310 = tpu.vector_load %arg9[%get3A_308, %get3A_309] {strides = array<i32>} : memref<128x128xf32, #tpu.memory_space<vmem>>, vector<1x16xf32>,
        %get3A_311 = vector.shape_cast %get3A_310 : vector<1x16xf32> to vector<16xf32>
        %mul3A_312 = vector.broadcast %squeeze3A_226 : f32 to vector<16xf32>
        %mul3A_313 = arith.mulf %get3A_311, %mul3A_312 : vector<16xf32>
        %swap3A_314 = arith.index_cast %add3A_230 : i32 to index
        %swap3A_315 = arith.constant 112 : index
        %swap3A_316 = tpu.vector_load %arg9[%swap3A_314, %swap3A_315] {strides = array<i32>} : memref<128x128xf32, #tpu.memory_space<vmem>>, vector<1x16xf32>,
        %swap3A_317 = vector.shape_cast %swap3A_316 : vector<1x16xf32> to vector<16xf32>
        %swap3A_318 = vector.shape_cast %mul3A_313 : vector<16xf32> to vector<1x16xf32>
        tpu.vector_store %arg9[%swap3A_314, %swap3A_315], %swap3A_318 {strides = array<i32>} : memref<128x128xf32, #tpu.memory_space<vmem>>, vector<1x16xf32>,
        %slice3A_319 = vector.extract_strided_slice %get3A_133 {offsets = [2], sizes = [1], strides = [1]} : vector<16xf32> to vector<1xf32>
        %squeeze3A_320 = vector.extract %slice3A_319[0] : f32 from vector<1xf32>
        %mul3A_321 = arith.constant 16 : i32
        %mul3A_322 = arith.muli %scan3A_128, %mul3A_321 : i32
        %add3A_323 = arith.constant 2 : i32
        %add3A_324 = arith.addi %mul3A_322, %add3A_323 : i32
        %get3A_325 = arith.index_cast %add3A_324 : i32 to index
        %get3A_326 = arith.constant 0 : index
        %get3A_327 = tpu.vector_load %arg9[%get3A_325, %get3A_326] {strides = array<i32>} : memref<128x128xf32, #tpu.memory_space<vmem>>, vector<1x16xf32>,
        %get3A_328 = vector.shape_cast %get3A_327 : vector<1x16xf32> to vector<16xf32>
        %mul3A_329 = vector.broadcast %squeeze3A_320 : f32 to vector<16xf32>
        %mul3A_330 = arith.mulf %get3A_328, %mul3A_329 : vector<16xf32>
        %swap3A_331 = arith.index_cast %add3A_324 : i32 to index
        %swap3A_332 = arith.constant 0 : index
        %swap3A_333 = tpu.vector_load %arg9[%swap3A_331, %swap3A_332] {strides = array<i32>} : memref<128x128xf32, #tpu.memory_space<vmem>>, vector<1x16xf32>,
        %swap3A_334 = vector.shape_cast %swap3A_333 : vector<1x16xf32> to vector<16xf32>
        %swap3A_335 = vector.shape_cast %mul3A_330 : vector<16xf32> to vector<1x16xf32>
        tpu.vector_store %arg9[%swap3A_331, %swap3A_332], %swap3A_335 {strides = array<i32>} : memref<128x128xf32, #tpu.memory_space<vmem>>, vector<1x16xf32>,
        %get3A_336 = arith.index_cast %add3A_324 : i32 to index
        %get3A_337 = arith.constant 16 : index
        %get3A_338 = tpu.vector_load %arg9[%get3A_336, %get3A_337] {strides = array<i32>} : memref<128x128xf32, #tpu.memory_space<vmem>>, vector<1x16xf32>,
        %get3A_339 = vector.shape_cast %get3A_338 : vector<1x16xf32> to vector<16xf32>
        %mul3A_340 = vector.broadcast %squeeze3A_320 : f32 to vector<16xf32>
        %mul3A_341 = arith.mulf %get3A_339, %mul3A_340 : vector<16xf32>
        %swap3A_342 = arith.index_cast %add3A_324 : i32 to index
        %swap3A_343 = arith.constant 16 : index
        %swap3A_344 = tpu.vector_load %arg9[%swap3A_342, %swap3A_343] {strides = array<i32>} : memref<128x128xf32, #tpu.memory_space<vmem>>, vector<1x16xf32>,
        %swap3A_345 = vector.shape_cast %swap3A_344 : vector<1x16xf32> to vector<16xf32>
        %swap3A_346 = vector.shape_cast %mul3A_341 : vector<16xf32> to vector<1x16xf32>
        tpu.vector_store %arg9[%swap3A_342, %swap3A_343], %swap3A_346 {strides = array<i32>} : memref<128x128xf32, #tpu.memory_space<vmem>>, vector<1x16xf32>,
        %get3A_347 = arith.index_cast %add3A_324 : i32 to index
        %get3A_348 = arith.constant 32 : index
        %get3A_349 = tpu.vector_load %arg9[%get3A_347, %get3A_348] {strides = array<i32>} : memref<128x128xf32, #tpu.memory_space<vmem>>, vector<1x16xf32>,
        %get3A_350 = vector.shape_cast %get3A_349 : vector<1x16xf32> to vector<16xf32>
        %mul3A_351 = vector.broadcast %squeeze3A_320 : f32 to vector<16xf32>
        %mul3A_352 = arith.mulf %get3A_350, %mul3A_351 : vector<16xf32>
        %swap3A_353 = arith.index_cast %add3A_324 : i32 to index
        %swap3A_354 = arith.constant 32 : index
        %swap3A_355 = tpu.vector_load %arg9[%swap3A_353, %swap3A_354] {strides = array<i32>} : memref<128x128xf32, #tpu.memory_space<vmem>>, vector<1x16xf32>,
        %swap3A_356 = vector.shape_cast %swap3A_355 : vector<1x16xf32> to vector<16xf32>
        %swap3A_357 = vector.shape_cast %mul3A_352 : vector<16xf32> to vector<1x16xf32>
        tpu.vector_store %arg9[%swap3A_353, %swap3A_354], %swap3A_357 {strides = array<i32>} : memref<128x128xf32, #tpu.memory_space<vmem>>, vector<1x16xf32>,
        %get3A_358 = arith.index_cast %add3A_324 : i32 to index
        %get3A_359 = arith.constant 48 : index
        %get3A_360 = tpu.vector_load %arg9[%get3A_358, %get3A_359] {strides = array<i32>} : memref<128x128xf32, #tpu.memory_space<vmem>>, vector<1x16xf32>,
        %get3A_361 = vector.shape_cast %get3A_360 : vector<1x16xf32> to vector<16xf32>
        %mul3A_362 = vector.broadcast %squeeze3A_320 : f32 to vector<16xf32>
        %mul3A_363 = arith.mulf %get3A_361, %mul3A_362 : vector<16xf32>
        %swap3A_364 = arith.index_cast %add3A_324 : i32 to index
        %swap3A_365 = arith.constant 48 : index
        %swap3A_366 = tpu.vector_load %arg9[%swap3A_364, %swap3A_365] {strides = array<i32>} : memref<128x128xf32, #tpu.memory_space<vmem>>, vector<1x16xf32>,
        %swap3A_367 = vector.shape_cast %swap3A_366 : vector<1x16xf32> to vector<16xf32>
        %swap3A_368 = vector.shape_cast %mul3A_363 : vector<16xf32> to vector<1x16xf32>
        tpu.vector_store %arg9[%swap3A_364, %swap3A_365], %swap3A_368 {strides = array<i32>} : memref<128x128xf32, #tpu.memory_space<vmem>>, vector<1x16xf32>,
        %get3A_369 = arith.index_cast %add3A_324 : i32 to index
        %get3A_370 = arith.constant 64 : index
        %get3A_371 = tpu.vector_load %arg9[%get3A_369, %get3A_370] {strides = array<i32>} : memref<128x128xf32, #tpu.memory_space<vmem>>, vector<1x16xf32>,
        %get3A_372 = vector.shape_cast %get3A_371 : vector<1x16xf32> to vector<16xf32>
        %mul3A_373 = vector.broadcast %squeeze3A_320 : f32 to vector<16xf32>
        %mul3A_374 = arith.mulf %get3A_372, %mul3A_373 : vector<16xf32>
        %swap3A_375 = arith.index_cast %add3A_324 : i32 to index
        %swap3A_376 = arith.constant 64 : index
        %swap3A_377 = tpu.vector_load %arg9[%swap3A_375, %swap3A_376] {strides = array<i32>} : memref<128x128xf32, #tpu.memory_space<vmem>>, vector<1x16xf32>,
        %swap3A_378 = vector.shape_cast %swap3A_377 : vector<1x16xf32> to vector<16xf32>
        %swap3A_379 = vector.shape_cast %mul3A_374 : vector<16xf32> to vector<1x16xf32>
        tpu.vector_store %arg9[%swap3A_375, %swap3A_376], %swap3A_379 {strides = array<i32>} : memref<128x128xf32, #tpu.memory_space<vmem>>, vector<1x16xf32>,
        %get3A_380 = arith.index_cast %add3A_324 : i32 to index
        %get3A_381 = arith.constant 80 : index
        %get3A_382 = tpu.vector_load %arg9[%get3A_380, %get3A_381] {strides = array<i32>} : memref<128x128xf32, #tpu.memory_space<vmem>>, vector<1x16xf32>,
        %get3A_383 = vector.shape_cast %get3A_382 : vector<1x16xf32> to vector<16xf32>
        %mul3A_384 = vector.broadcast %squeeze3A_320 : f32 to vector<16xf32>
        %mul3A_385 = arith.mulf %get3A_383, %mul3A_384 : vector<16xf32>
        %swap3A_386 = arith.index_cast %add3A_324 : i32 to index
        %swap3A_387 = arith.constant 80 : index
        %swap3A_388 = tpu.vector_load %arg9[%swap3A_386, %swap3A_387] {strides = array<i32>} : memref<128x128xf32, #tpu.memory_space<vmem>>, vector<1x16xf32>,
        %swap3A_389 = vector.shape_cast %swap3A_388 : vector<1x16xf32> to vector<16xf32>
        %swap3A_390 = vector.shape_cast %mul3A_385 : vector<16xf32> to vector<1x16xf32>
        tpu.vector_store %arg9[%swap3A_386, %swap3A_387], %swap3A_390 {strides = array<i32>} : memref<128x128xf32, #tpu.memory_space<vmem>>, vector<1x16xf32>,
        %get3A_391 = arith.index_cast %add3A_324 : i32 to index
        %get3A_392 = arith.constant 96 : index
        %get3A_393 = tpu.vector_load %arg9[%get3A_391, %get3A_392] {strides = array<i32>} : memref<128x128xf32, #tpu.memory_space<vmem>>, vector<1x16xf32>,
        %get3A_394 = vector.shape_cast %get3A_393 : vector<1x16xf32> to vector<16xf32>
        %mul3A_395 = vector.broadcast %squeeze3A_320 : f32 to vector<16xf32>
        %mul3A_396 = arith.mulf %get3A_394, %mul3A_395 : vector<16xf32>
        %swap3A_397 = arith.index_cast %add3A_324 : i32 to index
        %swap3A_398 = arith.constant 96 : index
        %swap3A_399 = tpu.vector_load %arg9[%swap3A_397, %swap3A_398] {strides = array<i32>} : memref<128x128xf32, #tpu.memory_space<vmem>>, vector<1x16xf32>,
        %swap3A_400 = vector.shape_cast %swap3A_399 : vector<1x16xf32> to vector<16xf32>
        %swap3A_401 = vector.shape_cast %mul3A_396 : vector<16xf32> to vector<1x16xf32>
        tpu.vector_store %arg9[%swap3A_397, %swap3A_398], %swap3A_401 {strides = array<i32>} : memref<128x128xf32, #tpu.memory_space<vmem>>, vector<1x16xf32>,
        %get3A_402 = arith.index_cast %add3A_324 : i32 to index
        %get3A_403 = arith.constant 112 : index
        %get3A_404 = tpu.vector_load %arg9[%get3A_402, %get3A_403] {strides = array<i32>} : memref<128x128xf32, #tpu.memory_space<vmem>>, vector<1x16xf32>,
        %get3A_405 = vector.shape_cast %get3A_404 : vector<1x16xf32> to vector<16xf32>
        %mul3A_406 = vector.broadcast %squeeze3A_320 : f32 to vector<16xf32>
        %mul3A_407 = arith.mulf %get3A_405, %mul3A_406 : vector<16xf32>
        %swap3A_408 = arith.index_cast %add3A_324 : i32 to index
        %swap3A_409 = arith.constant 112 : index
        %swap3A_410 = tpu.vector_load %arg9[%swap3A_408, %swap3A_409] {strides = array<i32>} : memref<128x128xf32, #tpu.memory_space<vmem>>, vector<1x16xf32>,
        %swap3A_411 = vector.shape_cast %swap3A_410 : vector<1x16xf32> to vector<16xf32>
        %swap3A_412 = vector.shape_cast %mul3A_407 : vector<16xf32> to vector<1x16xf32>
        tpu.vector_store %arg9[%swap3A_408, %swap3A_409], %swap3A_412 {strides = array<i32>} : memref<128x128xf32, #tpu.memory_space<vmem>>, vector<1x16xf32>,
        %slice3A_413 = vector.extract_strided_slice %get3A_133 {offsets = [3], sizes = [1], strides = [1]} : vector<16xf32> to vector<1xf32>
        %squeeze3A_414 = vector.extract %slice3A_413[0] : f32 from vector<1xf32>
        %mul3A_415 = arith.constant 16 : i32
        %mul3A_416 = arith.muli %scan3A_128, %mul3A_415 : i32
        %add3A_417 = arith.constant 3 : i32
        %add3A_418 = arith.addi %mul3A_416, %add3A_417 : i32
        %get3A_419 = arith.index_cast %add3A_418 : i32 to index
        %get3A_420 = arith.constant 0 : index
        %get3A_421 = tpu.vector_load %arg9[%get3A_419, %get3A_420] {strides = array<i32>} : memref<128x128xf32, #tpu.memory_space<vmem>>, vector<1x16xf32>,
        %get3A_422 = vector.shape_cast %get3A_421 : vector<1x16xf32> to vector<16xf32>
        %mul3A_423 = vector.broadcast %squeeze3A_414 : f32 to vector<16xf32>
        %mul3A_424 = arith.mulf %get3A_422, %mul3A_423 : vector<16xf32>
        %swap3A_425 = arith.index_cast %add3A_418 : i32 to index
        %swap3A_426 = arith.constant 0 : index
        %swap3A_427 = tpu.vector_load %arg9[%swap3A_425, %swap3A_426] {strides = array<i32>} : memref<128x128xf32, #tpu.memory_space<vmem>>, vector<1x16xf32>,
        %swap3A_428 = vector.shape_cast %swap3A_427 : vector<1x16xf32> to vector<16xf32>
        %swap3A_429 = vector.shape_cast %mul3A_424 : vector<16xf32> to vector<1x16xf32>
        tpu.vector_store %arg9[%swap3A_425, %swap3A_426], %swap3A_429 {strides = array<i32>} : memref<128x128xf32, #tpu.memory_space<vmem>>, vector<1x16xf32>,
        %get3A_430 = arith.index_cast %add3A_418 : i32 to index
        %get3A_431 = arith.constant 16 : index
        %get3A_432 = tpu.vector_load %arg9[%get3A_430, %get3A_431] {strides = array<i32>} : memref<128x128xf32, #tpu.memory_space<vmem>>, vector<1x16xf32>,
        %get3A_433 = vector.shape_cast %get3A_432 : vector<1x16xf32> to vector<16xf32>
        %mul3A_434 = vector.broadcast %squeeze3A_414 : f32 to vector<16xf32>
        %mul3A_435 = arith.mulf %get3A_433, %mul3A_434 : vector<16xf32>
        %swap3A_436 = arith.index_cast %add3A_418 : i32 to index
        %swap3A_437 = arith.constant 16 : index
        %swap3A_438 = tpu.vector_load %arg9[%swap3A_436, %swap3A_437] {strides = array<i32>} : memref<128x128xf32, #tpu.memory_space<vmem>>, vector<1x16xf32>,
        %swap3A_439 = vector.shape_cast %swap3A_438 : vector<1x16xf32> to vector<16xf32>
        %swap3A_440 = vector.shape_cast %mul3A_435 : vector<16xf32> to vector<1x16xf32>
        tpu.vector_store %arg9[%swap3A_436, %swap3A_437], %swap3A_440 {strides = array<i32>} : memref<128x128xf32, #tpu.memory_space<vmem>>, vector<1x16xf32>,
        %get3A_441 = arith.index_cast %add3A_418 : i32 to index
        %get3A_442 = arith.constant 32 : index
        %get3A_443 = tpu.vector_load %arg9[%get3A_441, %get3A_442] {strides = array<i32>} : memref<128x128xf32, #tpu.memory_space<vmem>>, vector<1x16xf32>,
        %get3A_444 = vector.shape_cast %get3A_443 : vector<1x16xf32> to vector<16xf32>
        %mul3A_445 = vector.broadcast %squeeze3A_414 : f32 to vector<16xf32>
        %mul3A_446 = arith.mulf %get3A_444, %mul3A_445 : vector<16xf32>
        %swap3A_447 = arith.index_cast %add3A_418 : i32 to index
        %swap3A_448 = arith.constant 32 : index
        %swap3A_449 = tpu.vector_load %arg9[%swap3A_447, %swap3A_448] {strides = array<i32>} : memref<128x128xf32, #tpu.memory_space<vmem>>, vector<1x16xf32>,
        %swap3A_450 = vector.shape_cast %swap3A_449 : vector<1x16xf32> to vector<16xf32>
        %swap3A_451 = vector.shape_cast %mul3A_446 : vector<16xf32> to vector<1x16xf32>
        tpu.vector_store %arg9[%swap3A_447, %swap3A_448], %swap3A_451 {strides = array<i32>} : memref<128x128xf32, #tpu.memory_space<vmem>>, vector<1x16xf32>,
        %get3A_452 = arith.index_cast %add3A_418 : i32 to index
        %get3A_453 = arith.constant 48 : index
        %get3A_454 = tpu.vector_load %arg9[%get3A_452, %get3A_453] {strides = array<i32>} : memref<128x128xf32, #tpu.memory_space<vmem>>, vector<1x16xf32>,
        %get3A_455 = vector.shape_cast %get3A_454 : vector<1x16xf32> to vector<16xf32>
        %mul3A_456 = vector.broadcast %squeeze3A_414 : f32 to vector<16xf32>
        %mul3A_457 = arith.mulf %get3A_455, %mul3A_456 : vector<16xf32>
        %swap3A_458 = arith.index_cast %add3A_418 : i32 to index
        %swap3A_459 = arith.constant 48 : index
        %swap3A_460 = tpu.vector_load %arg9[%swap3A_458, %swap3A_459] {strides = array<i32>} : memref<128x128xf32, #tpu.memory_space<vmem>>, vector<1x16xf32>,
        %swap3A_461 = vector.shape_cast %swap3A_460 : vector<1x16xf32> to vector<16xf32>
        %swap3A_462 = vector.shape_cast %mul3A_457 : vector<16xf32> to vector<1x16xf32>
        tpu.vector_store %arg9[%swap3A_458, %swap3A_459], %swap3A_462 {strides = array<i32>} : memref<128x128xf32, #tpu.memory_space<vmem>>, vector<1x16xf32>,
        %get3A_463 = arith.index_cast %add3A_418 : i32 to index
        %get3A_464 = arith.constant 64 : index
        %get3A_465 = tpu.vector_load %arg9[%get3A_463, %get3A_464] {strides = array<i32>} : memref<128x128xf32, #tpu.memory_space<vmem>>, vector<1x16xf32>,
        %get3A_466 = vector.shape_cast %get3A_465 : vector<1x16xf32> to vector<16xf32>
        %mul3A_467 = vector.broadcast %squeeze3A_414 : f32 to vector<16xf32>
        %mul3A_468 = arith.mulf %get3A_466, %mul3A_467 : vector<16xf32>
        %swap3A_469 = arith.index_cast %add3A_418 : i32 to index
        %swap3A_470 = arith.constant 64 : index
        %swap3A_471 = tpu.vector_load %arg9[%swap3A_469, %swap3A_470] {strides = array<i32>} : memref<128x128xf32, #tpu.memory_space<vmem>>, vector<1x16xf32>,
        %swap3A_472 = vector.shape_cast %swap3A_471 : vector<1x16xf32> to vector<16xf32>
        %swap3A_473 = vector.shape_cast %mul3A_468 : vector<16xf32> to vector<1x16xf32>
        tpu.vector_store %arg9[%swap3A_469, %swap3A_470], %swap3A_473 {strides = array<i32>} : memref<128x128xf32, #tpu.memory_space<vmem>>, vector<1x16xf32>,
        %get3A_474 = arith.index_cast %add3A_418 : i32 to index
        %get3A_475 = arith.constant 80 : index
        %get3A_476 = tpu.vector_load %arg9[%get3A_474, %get3A_475] {strides = array<i32>} : memref<128x128xf32, #tpu.memory_space<vmem>>, vector<1x16xf32>,
        %get3A_477 = vector.shape_cast %get3A_476 : vector<1x16xf32> to vector<16xf32>
        %mul3A_478 = vector.broadcast %squeeze3A_414 : f32 to vector<16xf32>
        %mul3A_479 = arith.mulf %get3A_477, %mul3A_478 : vector<16xf32>
        %swap3A_480 = arith.index_cast %add3A_418 : i32 to index
        %swap3A_481 = arith.constant 80 : index
        %swap3A_482 = tpu.vector_load %arg9[%swap3A_480, %swap3A_481] {strides = array<i32>} : memref<128x128xf32, #tpu.memory_space<vmem>>, vector<1x16xf32>,
        %swap3A_483 = vector.shape_cast %swap3A_482 : vector<1x16xf32> to vector<16xf32>
        %swap3A_484 = vector.shape_cast %mul3A_479 : vector<16xf32> to vector<1x16xf32>
        tpu.vector_store %arg9[%swap3A_480, %swap3A_481], %swap3A_484 {strides = array<i32>} : memref<128x128xf32, #tpu.memory_space<vmem>>, vector<1x16xf32>,
        %get3A_485 = arith.index_cast %add3A_418 : i32 to index
        %get3A_486 = arith.constant 96 : index
        %get3A_487 = tpu.vector_load %arg9[%get3A_485, %get3A_486] {strides = array<i32>} : memref<128x128xf32, #tpu.memory_space<vmem>>, vector<1x16xf32>,
        %get3A_488 = vector.shape_cast %get3A_487 : vector<1x16xf32> to vector<16xf32>
        %mul3A_489 = vector.broadcast %squeeze3A_414 : f32 to vector<16xf32>
        %mul3A_490 = arith.mulf %get3A_488, %mul3A_489 : vector<16xf32>
        %swap3A_491 = arith.index_cast %add3A_418 : i32 to index
        %swap3A_492 = arith.constant 96 : index
        %swap3A_493 = tpu.vector_load %arg9[%swap3A_491, %swap3A_492] {strides = array<i32>} : memref<128x128xf32, #tpu.memory_space<vmem>>, vector<1x16xf32>,
        %swap3A_494 = vector.shape_cast %swap3A_493 : vector<1x16xf32> to vector<16xf32>
        %swap3A_495 = vector.shape_cast %mul3A_490 : vector<16xf32> to vector<1x16xf32>
        tpu.vector_store %arg9[%swap3A_491, %swap3A_492], %swap3A_495 {strides = array<i32>} : memref<128x128xf32, #tpu.memory_space<vmem>>, vector<1x16xf32>,
        %get3A_496 = arith.index_cast %add3A_418 : i32 to index
        %get3A_497 = arith.constant 112 : index
        %get3A_498 = tpu.vector_load %arg9[%get3A_496, %get3A_497] {strides = array<i32>} : memref<128x128xf32, #tpu.memory_space<vmem>>, vector<1x16xf32>,
        %get3A_499 = vector.shape_cast %get3A_498 : vector<1x16xf32> to vector<16xf32>
        %mul3A_500 = vector.broadcast %squeeze3A_414 : f32 to vector<16xf32>
        %mul3A_501 = arith.mulf %get3A_499, %mul3A_500 : vector<16xf32>
        %swap3A_502 = arith.index_cast %add3A_418 : i32 to index
        %swap3A_503 = arith.constant 112 : index
        %swap3A_504 = tpu.vector_load %arg9[%swap3A_502, %swap3A_503] {strides = array<i32>} : memref<128x128xf32, #tpu.memory_space<vmem>>, vector<1x16xf32>,
        %swap3A_505 = vector.shape_cast %swap3A_504 : vector<1x16xf32> to vector<16xf32>
        %swap3A_506 = vector.shape_cast %mul3A_501 : vector<16xf32> to vector<1x16xf32>
        tpu.vector_store %arg9[%swap3A_502, %swap3A_503], %swap3A_506 {strides = array<i32>} : memref<128x128xf32, #tpu.memory_space<vmem>>, vector<1x16xf32>,
        %slice3A_507 = vector.extract_strided_slice %get3A_133 {offsets = [4], sizes = [1], strides = [1]} : vector<16xf32> to vector<1xf32>
        %squeeze3A_508 = vector.extract %slice3A_507[0] : f32 from vector<1xf32>
        %mul3A_509 = arith.constant 16 : i32
        %mul3A_510 = arith.muli %scan3A_128, %mul3A_509 : i32
        %add3A_511 = arith.constant 4 : i32
        %add3A_512 = arith.addi %mul3A_510, %add3A_511 : i32
        %get3A_513 = arith.index_cast %add3A_512 : i32 to index
        %get3A_514 = arith.constant 0 : index
        %get3A_515 = tpu.vector_load %arg9[%get3A_513, %get3A_514] {strides = array<i32>} : memref<128x128xf32, #tpu.memory_space<vmem>>, vector<1x16xf32>,
        %get3A_516 = vector.shape_cast %get3A_515 : vector<1x16xf32> to vector<16xf32>
        %mul3A_517 = vector.broadcast %squeeze3A_508 : f32 to vector<16xf32>
        %mul3A_518 = arith.mulf %get3A_516, %mul3A_517 : vector<16xf32>
        %swap3A_519 = arith.index_cast %add3A_512 : i32 to index
        %swap3A_520 = arith.constant 0 : index
        %swap3A_521 = tpu.vector_load %arg9[%swap3A_519, %swap3A_520] {strides = array<i32>} : memref<128x128xf32, #tpu.memory_space<vmem>>, vector<1x16xf32>,
        %swap3A_522 = vector.shape_cast %swap3A_521 : vector<1x16xf32> to vector<16xf32>
        %swap3A_523 = vector.shape_cast %mul3A_518 : vector<16xf32> to vector<1x16xf32>
        tpu.vector_store %arg9[%swap3A_519, %swap3A_520], %swap3A_523 {strides = array<i32>} : memref<128x128xf32, #tpu.memory_space<vmem>>, vector<1x16xf32>,
        %get3A_524 = arith.index_cast %add3A_512 : i32 to index
        %get3A_525 = arith.constant 16 : index
        %get3A_526 = tpu.vector_load %arg9[%get3A_524, %get3A_525] {strides = array<i32>} : memref<128x128xf32, #tpu.memory_space<vmem>>, vector<1x16xf32>,
        %get3A_527 = vector.shape_cast %get3A_526 : vector<1x16xf32> to vector<16xf32>
        %mul3A_528 = vector.broadcast %squeeze3A_508 : f32 to vector<16xf32>
        %mul3A_529 = arith.mulf %get3A_527, %mul3A_528 : vector<16xf32>
        %swap3A_530 = arith.index_cast %add3A_512 : i32 to index
        %swap3A_531 = arith.constant 16 : index
        %swap3A_532 = tpu.vector_load %arg9[%swap3A_530, %swap3A_531] {strides = array<i32>} : memref<128x128xf32, #tpu.memory_space<vmem>>, vector<1x16xf32>,
        %swap3A_533 = vector.shape_cast %swap3A_532 : vector<1x16xf32> to vector<16xf32>
        %swap3A_534 = vector.shape_cast %mul3A_529 : vector<16xf32> to vector<1x16xf32>
        tpu.vector_store %arg9[%swap3A_530, %swap3A_531], %swap3A_534 {strides = array<i32>} : memref<128x128xf32, #tpu.memory_space<vmem>>, vector<1x16xf32>,
        %get3A_535 = arith.index_cast %add3A_512 : i32 to index
        %get3A_536 = arith.constant 32 : index
        %get3A_537 = tpu.vector_load %arg9[%get3A_535, %get3A_536] {strides = array<i32>} : memref<128x128xf32, #tpu.memory_space<vmem>>, vector<1x16xf32>,
        %get3A_538 = vector.shape_cast %get3A_537 : vector<1x16xf32> to vector<16xf32>
        %mul3A_539 = vector.broadcast %squeeze3A_508 : f32 to vector<16xf32>
        %mul3A_540 = arith.mulf %get3A_538, %mul3A_539 : vector<16xf32>
        %swap3A_541 = arith.index_cast %add3A_512 : i32 to index
        %swap3A_542 = arith.constant 32 : index
        %swap3A_543 = tpu.vector_load %arg9[%swap3A_541, %swap3A_542] {strides = array<i32>} : memref<128x128xf32, #tpu.memory_space<vmem>>, vector<1x16xf32>,
        %swap3A_544 = vector.shape_cast %swap3A_543 : vector<1x16xf32> to vector<16xf32>
        %swap3A_545 = vector.shape_cast %mul3A_540 : vector<16xf32> to vector<1x16xf32>
        tpu.vector_store %arg9[%swap3A_541, %swap3A_542], %swap3A_545 {strides = array<i32>} : memref<128x128xf32, #tpu.memory_space<vmem>>, vector<1x16xf32>,
        %get3A_546 = arith.index_cast %add3A_512 : i32 to index
        %get3A_547 = arith.constant 48 : index
        %get3A_548 = tpu.vector_load %arg9[%get3A_546, %get3A_547] {strides = array<i32>} : memref<128x128xf32, #tpu.memory_space<vmem>>, vector<1x16xf32>,
        %get3A_549 = vector.shape_cast %get3A_548 : vector<1x16xf32> to vector<16xf32>
        %mul3A_550 = vector.broadcast %squeeze3A_508 : f32 to vector<16xf32>
        %mul3A_551 = arith.mulf %get3A_549, %mul3A_550 : vector<16xf32>
        %swap3A_552 = arith.index_cast %add3A_512 : i32 to index
        %swap3A_553 = arith.constant 48 : index
        %swap3A_554 = tpu.vector_load %arg9[%swap3A_552, %swap3A_553] {strides = array<i32>} : memref<128x128xf32, #tpu.memory_space<vmem>>, vector<1x16xf32>,
        %swap3A_555 = vector.shape_cast %swap3A_554 : vector<1x16xf32> to vector<16xf32>
        %swap3A_556 = vector.shape_cast %mul3A_551 : vector<16xf32> to vector<1x16xf32>
        tpu.vector_store %arg9[%swap3A_552, %swap3A_553], %swap3A_556 {strides = array<i32>} : memref<128x128xf32, #tpu.memory_space<vmem>>, vector<1x16xf32>,
        %get3A_557 = arith.index_cast %add3A_512 : i32 to index
        %get3A_558 = arith.constant 64 : index
        %get3A_559 = tpu.vector_load %arg9[%get3A_557, %get3A_558] {strides = array<i32>} : memref<128x128xf32, #tpu.memory_space<vmem>>, vector<1x16xf32>,
        %get3A_560 = vector.shape_cast %get3A_559 : vector<1x16xf32> to vector<16xf32>
        %mul3A_561 = vector.broadcast %squeeze3A_508 : f32 to vector<16xf32>
        %mul3A_562 = arith.mulf %get3A_560, %mul3A_561 : vector<16xf32>
        %swap3A_563 = arith.index_cast %add3A_512 : i32 to index
        %swap3A_564 = arith.constant 64 : index
        %swap3A_565 = tpu.vector_load %arg9[%swap3A_563, %swap3A_564] {strides = array<i32>} : memref<128x128xf32, #tpu.memory_space<vmem>>, vector<1x16xf32>,
        %swap3A_566 = vector.shape_cast %swap3A_565 : vector<1x16xf32> to vector<16xf32>
        %swap3A_567 = vector.shape_cast %mul3A_562 : vector<16xf32> to vector<1x16xf32>
        tpu.vector_store %arg9[%swap3A_563, %swap3A_564], %swap3A_567 {strides = array<i32>} : memref<128x128xf32, #tpu.memory_space<vmem>>, vector<1x16xf32>,
        %get3A_568 = arith.index_cast %add3A_512 : i32 to index
        %get3A_569 = arith.constant 80 : index
        %get3A_570 = tpu.vector_load %arg9[%get3A_568, %get3A_569] {strides = array<i32>} : memref<128x128xf32, #tpu.memory_space<vmem>>, vector<1x16xf32>,
        %get3A_571 = vector.shape_cast %get3A_570 : vector<1x16xf32> to vector<16xf32>
        %mul3A_572 = vector.broadcast %squeeze3A_508 : f32 to vector<16xf32>
        %mul3A_573 = arith.mulf %get3A_571, %mul3A_572 : vector<16xf32>
        %swap3A_574 = arith.index_cast %add3A_512 : i32 to index
        %swap3A_575 = arith.constant 80 : index
        %swap3A_576 = tpu.vector_load %arg9[%swap3A_574, %swap3A_575] {strides = array<i32>} : memref<128x128xf32, #tpu.memory_space<vmem>>, vector<1x16xf32>,
        %swap3A_577 = vector.shape_cast %swap3A_576 : vector<1x16xf32> to vector<16xf32>
        %swap3A_578 = vector.shape_cast %mul3A_573 : vector<16xf32> to vector<1x16xf32>
        tpu.vector_store %arg9[%swap3A_574, %swap3A_575], %swap3A_578 {strides = array<i32>} : memref<128x128xf32, #tpu.memory_space<vmem>>, vector<1x16xf32>,
        %get3A_579 = arith.index_cast %add3A_512 : i32 to index
        %get3A_580 = arith.constant 96 : index
        %get3A_581 = tpu.vector_load %arg9[%get3A_579, %get3A_580] {strides = array<i32>} : memref<128x128xf32, #tpu.memory_space<vmem>>, vector<1x16xf32>,
        %get3A_582 = vector.shape_cast %get3A_581 : vector<1x16xf32> to vector<16xf32>
        %mul3A_583 = vector.broadcast %squeeze3A_508 : f32 to vector<16xf32>
        %mul3A_584 = arith.mulf %get3A_582, %mul3A_583 : vector<16xf32>
        %swap3A_585 = arith.index_cast %add3A_512 : i32 to index
        %swap3A_586 = arith.constant 96 : index
        %swap3A_587 = tpu.vector_load %arg9[%swap3A_585, %swap3A_586] {strides = array<i32>} : memref<128x128xf32, #tpu.memory_space<vmem>>, vector<1x16xf32>,
        %swap3A_588 = vector.shape_cast %swap3A_587 : vector<1x16xf32> to vector<16xf32>
        %swap3A_589 = vector.shape_cast %mul3A_584 : vector<16xf32> to vector<1x16xf32>
        tpu.vector_store %arg9[%swap3A_585, %swap3A_586], %swap3A_589 {strides = array<i32>} : memref<128x128xf32, #tpu.memory_space<vmem>>, vector<1x16xf32>,
        %get3A_590 = arith.index_cast %add3A_512 : i32 to index
        %get3A_591 = arith.constant 112 : index
        %get3A_592 = tpu.vector_load %arg9[%get3A_590, %get3A_591] {strides = array<i32>} : memref<128x128xf32, #tpu.memory_space<vmem>>, vector<1x16xf32>,
        %get3A_593 = vector.shape_cast %get3A_592 : vector<1x16xf32> to vector<16xf32>
        %mul3A_594 = vector.broadcast %squeeze3A_508 : f32 to vector<16xf32>
        %mul3A_595 = arith.mulf %get3A_593, %mul3A_594 : vector<16xf32>
        %swap3A_596 = arith.index_cast %add3A_512 : i32 to index
        %swap3A_597 = arith.constant 112 : index
        %swap3A_598 = tpu.vector_load %arg9[%swap3A_596, %swap3A_597] {strides = array<i32>} : memref<128x128xf32, #tpu.memory_space<vmem>>, vector<1x16xf32>,
        %swap3A_599 = vector.shape_cast %swap3A_598 : vector<1x16xf32> to vector<16xf32>
        %swap3A_600 = vector.shape_cast %mul3A_595 : vector<16xf32> to vector<1x16xf32>
        tpu.vector_store %arg9[%swap3A_596, %swap3A_597], %swap3A_600 {strides = array<i32>} : memref<128x128xf32, #tpu.memory_space<vmem>>, vector<1x16xf32>,
        %slice3A_601 = vector.extract_strided_slice %get3A_133 {offsets = [5], sizes = [1], strides = [1]} : vector<16xf32> to vector<1xf32>
        %squeeze3A_602 = vector.extract %slice3A_601[0] : f32 from vector<1xf32>
        %mul3A_603 = arith.constant 16 : i32
        %mul3A_604 = arith.muli %scan3A_128, %mul3A_603 : i32
        %add3A_605 = arith.constant 5 : i32
        %add3A_606 = arith.addi %mul3A_604, %add3A_605 : i32
        %get3A_607 = arith.index_cast %add3A_606 : i32 to index
        %get3A_608 = arith.constant 0 : index
        %get3A_609 = tpu.vector_load %arg9[%get3A_607, %get3A_608] {strides = array<i32>} : memref<128x128xf32, #tpu.memory_space<vmem>>, vector<1x16xf32>,
        %get3A_610 = vector.shape_cast %get3A_609 : vector<1x16xf32> to vector<16xf32>
        %mul3A_611 = vector.broadcast %squeeze3A_602 : f32 to vector<16xf32>
        %mul3A_612 = arith.mulf %get3A_610, %mul3A_611 : vector<16xf32>
        %swap3A_613 = arith.index_cast %add3A_606 : i32 to index
        %swap3A_614 = arith.constant 0 : index
        %swap3A_615 = tpu.vector_load %arg9[%swap3A_613, %swap3A_614] {strides = array<i32>} : memref<128x128xf32, #tpu.memory_space<vmem>>, vector<1x16xf32>,
        %swap3A_616 = vector.shape_cast %swap3A_615 : vector<1x16xf32> to vector<16xf32>
        %swap3A_617 = vector.shape_cast %mul3A_612 : vector<16xf32> to vector<1x16xf32>
        tpu.vector_store %arg9[%swap3A_613, %swap3A_614], %swap3A_617 {strides = array<i32>} : memref<128x128xf32, #tpu.memory_space<vmem>>, vector<1x16xf32>,
        %get3A_618 = arith.index_cast %add3A_606 : i32 to index
        %get3A_619 = arith.constant 16 : index
        %get3A_620 = tpu.vector_load %arg9[%get3A_618, %get3A_619] {strides = array<i32>} : memref<128x128xf32, #tpu.memory_space<vmem>>, vector<1x16xf32>,
        %get3A_621 = vector.shape_cast %get3A_620 : vector<1x16xf32> to vector<16xf32>
        %mul3A_622 = vector.broadcast %squeeze3A_602 : f32 to vector<16xf32>
        %mul3A_623 = arith.mulf %get3A_621, %mul3A_622 : vector<16xf32>
        %swap3A_624 = arith.index_cast %add3A_606 : i32 to index
        %swap3A_625 = arith.constant 16 : index
        %swap3A_626 = tpu.vector_load %arg9[%swap3A_624, %swap3A_625] {strides = array<i32>} : memref<128x128xf32, #tpu.memory_space<vmem>>, vector<1x16xf32>,
        %swap3A_627 = vector.shape_cast %swap3A_626 : vector<1x16xf32> to vector<16xf32>
        %swap3A_628 = vector.shape_cast %mul3A_623 : vector<16xf32> to vector<1x16xf32>
        tpu.vector_store %arg9[%swap3A_624, %swap3A_625], %swap3A_628 {strides = array<i32>} : memref<128x128xf32, #tpu.memory_space<vmem>>, vector<1x16xf32>,
        %get3A_629 = arith.index_cast %add3A_606 : i32 to index
        %get3A_630 = arith.constant 32 : index
        %get3A_631 = tpu.vector_load %arg9[%get3A_629, %get3A_630] {strides = array<i32>} : memref<128x128xf32, #tpu.memory_space<vmem>>, vector<1x16xf32>,
        %get3A_632 = vector.shape_cast %get3A_631 : vector<1x16xf32> to vector<16xf32>
        %mul3A_633 = vector.broadcast %squeeze3A_602 : f32 to vector<16xf32>
        %mul3A_634 = arith.mulf %get3A_632, %mul3A_633 : vector<16xf32>
        %swap3A_635 = arith.index_cast %add3A_606 : i32 to index
        %swap3A_636 = arith.constant 32 : index
        %swap3A_637 = tpu.vector_load %arg9[%swap3A_635, %swap3A_636] {strides = array<i32>} : memref<128x128xf32, #tpu.memory_space<vmem>>, vector<1x16xf32>,
        %swap3A_638 = vector.shape_cast %swap3A_637 : vector<1x16xf32> to vector<16xf32>
        %swap3A_639 = vector.shape_cast %mul3A_634 : vector<16xf32> to vector<1x16xf32>
        tpu.vector_store %arg9[%swap3A_635, %swap3A_636], %swap3A_639 {strides = array<i32>} : memref<128x128xf32, #tpu.memory_space<vmem>>, vector<1x16xf32>,
        %get3A_640 = arith.index_cast %add3A_606 : i32 to index
        %get3A_641 = arith.constant 48 : index
        %get3A_642 = tpu.vector_load %arg9[%get3A_640, %get3A_641] {strides = array<i32>} : memref<128x128xf32, #tpu.memory_space<vmem>>, vector<1x16xf32>,
        %get3A_643 = vector.shape_cast %get3A_642 : vector<1x16xf32> to vector<16xf32>
        %mul3A_644 = vector.broadcast %squeeze3A_602 : f32 to vector<16xf32>
        %mul3A_645 = arith.mulf %get3A_643, %mul3A_644 : vector<16xf32>
        %swap3A_646 = arith.index_cast %add3A_606 : i32 to index
        %swap3A_647 = arith.constant 48 : index
        %swap3A_648 = tpu.vector_load %arg9[%swap3A_646, %swap3A_647] {strides = array<i32>} : memref<128x128xf32, #tpu.memory_space<vmem>>, vector<1x16xf32>,
        %swap3A_649 = vector.shape_cast %swap3A_648 : vector<1x16xf32> to vector<16xf32>
        %swap3A_650 = vector.shape_cast %mul3A_645 : vector<16xf32> to vector<1x16xf32>
        tpu.vector_store %arg9[%swap3A_646, %swap3A_647], %swap3A_650 {strides = array<i32>} : memref<128x128xf32, #tpu.memory_space<vmem>>, vector<1x16xf32>,
        %get3A_651 = arith.index_cast %add3A_606 : i32 to index
        %get3A_652 = arith.constant 64 : index
        %get3A_653 = tpu.vector_load %arg9[%get3A_651, %get3A_652] {strides = array<i32>} : memref<128x128xf32, #tpu.memory_space<vmem>>, vector<1x16xf32>,
        %get3A_654 = vector.shape_cast %get3A_653 : vector<1x16xf32> to vector<16xf32>
        %mul3A_655 = vector.broadcast %squeeze3A_602 : f32 to vector<16xf32>
        %mul3A_656 = arith.mulf %get3A_654, %mul3A_655 : vector<16xf32>
        %swap3A_657 = arith.index_cast %add3A_606 : i32 to index
        %swap3A_658 = arith.constant 64 : index
        %swap3A_659 = tpu.vector_load %arg9[%swap3A_657, %swap3A_658] {strides = array<i32>} : memref<128x128xf32, #tpu.memory_space<vmem>>, vector<1x16xf32>,
        %swap3A_660 = vector.shape_cast %swap3A_659 : vector<1x16xf32> to vector<16xf32>
        %swap3A_661 = vector.shape_cast %mul3A_656 : vector<16xf32> to vector<1x16xf32>
        tpu.vector_store %arg9[%swap3A_657, %swap3A_658], %swap3A_661 {strides = array<i32>} : memref<128x128xf32, #tpu.memory_space<vmem>>, vector<1x16xf32>,
        %get3A_662 = arith.index_cast %add3A_606 : i32 to index
        %get3A_663 = arith.constant 80 : index
        %get3A_664 = tpu.vector_load %arg9[%get3A_662, %get3A_663] {strides = array<i32>} : memref<128x128xf32, #tpu.memory_space<vmem>>, vector<1x16xf32>,
        %get3A_665 = vector.shape_cast %get3A_664 : vector<1x16xf32> to vector<16xf32>
        %mul3A_666 = vector.broadcast %squeeze3A_602 : f32 to vector<16xf32>
        %mul3A_667 = arith.mulf %get3A_665, %mul3A_666 : vector<16xf32>
        %swap3A_668 = arith.index_cast %add3A_606 : i32 to index
        %swap3A_669 = arith.constant 80 : index
        %swap3A_670 = tpu.vector_load %arg9[%swap3A_668, %swap3A_669] {strides = array<i32>} : memref<128x128xf32, #tpu.memory_space<vmem>>, vector<1x16xf32>,
        %swap3A_671 = vector.shape_cast %swap3A_670 : vector<1x16xf32> to vector<16xf32>
        %swap3A_672 = vector.shape_cast %mul3A_667 : vector<16xf32> to vector<1x16xf32>
        tpu.vector_store %arg9[%swap3A_668, %swap3A_669], %swap3A_672 {strides = array<i32>} : memref<128x128xf32, #tpu.memory_space<vmem>>, vector<1x16xf32>,
        %get3A_673 = arith.index_cast %add3A_606 : i32 to index
        %get3A_674 = arith.constant 96 : index
        %get3A_675 = tpu.vector_load %arg9[%get3A_673, %get3A_674] {strides = array<i32>} : memref<128x128xf32, #tpu.memory_space<vmem>>, vector<1x16xf32>,
        %get3A_676 = vector.shape_cast %get3A_675 : vector<1x16xf32> to vector<16xf32>
        %mul3A_677 = vector.broadcast %squeeze3A_602 : f32 to vector<16xf32>
        %mul3A_678 = arith.mulf %get3A_676, %mul3A_677 : vector<16xf32>
        %swap3A_679 = arith.index_cast %add3A_606 : i32 to index
        %swap3A_680 = arith.constant 96 : index
        %swap3A_681 = tpu.vector_load %arg9[%swap3A_679, %swap3A_680] {strides = array<i32>} : memref<128x128xf32, #tpu.memory_space<vmem>>, vector<1x16xf32>,
        %swap3A_682 = vector.shape_cast %swap3A_681 : vector<1x16xf32> to vector<16xf32>
        %swap3A_683 = vector.shape_cast %mul3A_678 : vector<16xf32> to vector<1x16xf32>
        tpu.vector_store %arg9[%swap3A_679, %swap3A_680], %swap3A_683 {strides = array<i32>} : memref<128x128xf32, #tpu.memory_space<vmem>>, vector<1x16xf32>,
        %get3A_684 = arith.index_cast %add3A_606 : i32 to index
        %get3A_685 = arith.constant 112 : index
        %get3A_686 = tpu.vector_load %arg9[%get3A_684, %get3A_685] {strides = array<i32>} : memref<128x128xf32, #tpu.memory_space<vmem>>, vector<1x16xf32>,
        %get3A_687 = vector.shape_cast %get3A_686 : vector<1x16xf32> to vector<16xf32>
        %mul3A_688 = vector.broadcast %squeeze3A_602 : f32 to vector<16xf32>
        %mul3A_689 = arith.mulf %get3A_687, %mul3A_688 : vector<16xf32>
        %swap3A_690 = arith.index_cast %add3A_606 : i32 to index
        %swap3A_691 = arith.constant 112 : index
        %swap3A_692 = tpu.vector_load %arg9[%swap3A_690, %swap3A_691] {strides = array<i32>} : memref<128x128xf32, #tpu.memory_space<vmem>>, vector<1x16xf32>,
        %swap3A_693 = vector.shape_cast %swap3A_692 : vector<1x16xf32> to vector<16xf32>
        %swap3A_694 = vector.shape_cast %mul3A_689 : vector<16xf32> to vector<1x16xf32>
        tpu.vector_store %arg9[%swap3A_690, %swap3A_691], %swap3A_694 {strides = array<i32>} : memref<128x128xf32, #tpu.memory_space<vmem>>, vector<1x16xf32>,
        %slice3A_695 = vector.extract_strided_slice %get3A_133 {offsets = [6], sizes = [1], strides = [1]} : vector<16xf32> to vector<1xf32>
        %squeeze3A_696 = vector.extract %slice3A_695[0] : f32 from vector<1xf32>
        %mul3A_697 = arith.constant 16 : i32
        %mul3A_698 = arith.muli %scan3A_128, %mul3A_697 : i32
        %add3A_699 = arith.constant 6 : i32
        %add3A_700 = arith.addi %mul3A_698, %add3A_699 : i32
        %get3A_701 = arith.index_cast %add3A_700 : i32 to index
        %get3A_702 = arith.constant 0 : index
        %get3A_703 = tpu.vector_load %arg9[%get3A_701, %get3A_702] {strides = array<i32>} : memref<128x128xf32, #tpu.memory_space<vmem>>, vector<1x16xf32>,
        %get3A_704 = vector.shape_cast %get3A_703 : vector<1x16xf32> to vector<16xf32>
        %mul3A_705 = vector.broadcast %squeeze3A_696 : f32 to vector<16xf32>
        %mul3A_706 = arith.mulf %get3A_704, %mul3A_705 : vector<16xf32>
        %swap3A_707 = arith.index_cast %add3A_700 : i32 to index
        %swap3A_708 = arith.constant 0 : index
        %swap3A_709 = tpu.vector_load %arg9[%swap3A_707, %swap3A_708] {strides = array<i32>} : memref<128x128xf32, #tpu.memory_space<vmem>>, vector<1x16xf32>,
        %swap3A_710 = vector.shape_cast %swap3A_709 : vector<1x16xf32> to vector<16xf32>
        %swap3A_711 = vector.shape_cast %mul3A_706 : vector<16xf32> to vector<1x16xf32>
        tpu.vector_store %arg9[%swap3A_707, %swap3A_708], %swap3A_711 {strides = array<i32>} : memref<128x128xf32, #tpu.memory_space<vmem>>, vector<1x16xf32>,
        %get3A_712 = arith.index_cast %add3A_700 : i32 to index
        %get3A_713 = arith.constant 16 : index
        %get3A_714 = tpu.vector_load %arg9[%get3A_712, %get3A_713] {strides = array<i32>} : memref<128x128xf32, #tpu.memory_space<vmem>>, vector<1x16xf32>,
        %get3A_715 = vector.shape_cast %get3A_714 : vector<1x16xf32> to vector<16xf32>
        %mul3A_716 = vector.broadcast %squeeze3A_696 : f32 to vector<16xf32>
        %mul3A_717 = arith.mulf %get3A_715, %mul3A_716 : vector<16xf32>
        %swap3A_718 = arith.index_cast %add3A_700 : i32 to index
        %swap3A_719 = arith.constant 16 : index
        %swap3A_720 = tpu.vector_load %arg9[%swap3A_718, %swap3A_719] {strides = array<i32>} : memref<128x128xf32, #tpu.memory_space<vmem>>, vector<1x16xf32>,
        %swap3A_721 = vector.shape_cast %swap3A_720 : vector<1x16xf32> to vector<16xf32>
        %swap3A_722 = vector.shape_cast %mul3A_717 : vector<16xf32> to vector<1x16xf32>
        tpu.vector_store %arg9[%swap3A_718, %swap3A_719], %swap3A_722 {strides = array<i32>} : memref<128x128xf32, #tpu.memory_space<vmem>>, vector<1x16xf32>,
        %get3A_723 = arith.index_cast %add3A_700 : i32 to index
        %get3A_724 = arith.constant 32 : index
        %get3A_725 = tpu.vector_load %arg9[%get3A_723, %get3A_724] {strides = array<i32>} : memref<128x128xf32, #tpu.memory_space<vmem>>, vector<1x16xf32>,
        %get3A_726 = vector.shape_cast %get3A_725 : vector<1x16xf32> to vector<16xf32>
        %mul3A_727 = vector.broadcast %squeeze3A_696 : f32 to vector<16xf32>
        %mul3A_728 = arith.mulf %get3A_726, %mul3A_727 : vector<16xf32>
        %swap3A_729 = arith.index_cast %add3A_700 : i32 to index
        %swap3A_730 = arith.constant 32 : index
        %swap3A_731 = tpu.vector_load %arg9[%swap3A_729, %swap3A_730] {strides = array<i32>} : memref<128x128xf32, #tpu.memory_space<vmem>>, vector<1x16xf32>,
        %swap3A_732 = vector.shape_cast %swap3A_731 : vector<1x16xf32> to vector<16xf32>
        %swap3A_733 = vector.shape_cast %mul3A_728 : vector<16xf32> to vector<1x16xf32>
        tpu.vector_store %arg9[%swap3A_729, %swap3A_730], %swap3A_733 {strides = array<i32>} : memref<128x128xf32, #tpu.memory_space<vmem>>, vector<1x16xf32>,
        %get3A_734 = arith.index_cast %add3A_700 : i32 to index
        %get3A_735 = arith.constant 48 : index
        %get3A_736 = tpu.vector_load %arg9[%get3A_734, %get3A_735] {strides = array<i32>} : memref<128x128xf32, #tpu.memory_space<vmem>>, vector<1x16xf32>,
        %get3A_737 = vector.shape_cast %get3A_736 : vector<1x16xf32> to vector<16xf32>
        %mul3A_738 = vector.broadcast %squeeze3A_696 : f32 to vector<16xf32>
        %mul3A_739 = arith.mulf %get3A_737, %mul3A_738 : vector<16xf32>
        %swap3A_740 = arith.index_cast %add3A_700 : i32 to index
        %swap3A_741 = arith.constant 48 : index
        %swap3A_742 = tpu.vector_load %arg9[%swap3A_740, %swap3A_741] {strides = array<i32>} : memref<128x128xf32, #tpu.memory_space<vmem>>, vector<1x16xf32>,
        %swap3A_743 = vector.shape_cast %swap3A_742 : vector<1x16xf32> to vector<16xf32>
        %swap3A_744 = vector.shape_cast %mul3A_739 : vector<16xf32> to vector<1x16xf32>
        tpu.vector_store %arg9[%swap3A_740, %swap3A_741], %swap3A_744 {strides = array<i32>} : memref<128x128xf32, #tpu.memory_space<vmem>>, vector<1x16xf32>,
        %get3A_745 = arith.index_cast %add3A_700 : i32 to index
        %get3A_746 = arith.constant 64 : index
        %get3A_747 = tpu.vector_load %arg9[%get3A_745, %get3A_746] {strides = array<i32>} : memref<128x128xf32, #tpu.memory_space<vmem>>, vector<1x16xf32>,
        %get3A_748 = vector.shape_cast %get3A_747 : vector<1x16xf32> to vector<16xf32>
        %mul3A_749 = vector.broadcast %squeeze3A_696 : f32 to vector<16xf32>
        %mul3A_750 = arith.mulf %get3A_748, %mul3A_749 : vector<16xf32>
        %swap3A_751 = arith.index_cast %add3A_700 : i32 to index
        %swap3A_752 = arith.constant 64 : index
        %swap3A_753 = tpu.vector_load %arg9[%swap3A_751, %swap3A_752] {strides = array<i32>} : memref<128x128xf32, #tpu.memory_space<vmem>>, vector<1x16xf32>,
        %swap3A_754 = vector.shape_cast %swap3A_753 : vector<1x16xf32> to vector<16xf32>
        %swap3A_755 = vector.shape_cast %mul3A_750 : vector<16xf32> to vector<1x16xf32>
        tpu.vector_store %arg9[%swap3A_751, %swap3A_752], %swap3A_755 {strides = array<i32>} : memref<128x128xf32, #tpu.memory_space<vmem>>, vector<1x16xf32>,
        %get3A_756 = arith.index_cast %add3A_700 : i32 to index
        %get3A_757 = arith.constant 80 : index
        %get3A_758 = tpu.vector_load %arg9[%get3A_756, %get3A_757] {strides = array<i32>} : memref<128x128xf32, #tpu.memory_space<vmem>>, vector<1x16xf32>,
        %get3A_759 = vector.shape_cast %get3A_758 : vector<1x16xf32> to vector<16xf32>
        %mul3A_760 = vector.broadcast %squeeze3A_696 : f32 to vector<16xf32>
        %mul3A_761 = arith.mulf %get3A_759, %mul3A_760 : vector<16xf32>
        %swap3A_762 = arith.index_cast %add3A_700 : i32 to index
        %swap3A_763 = arith.constant 80 : index
        %swap3A_764 = tpu.vector_load %arg9[%swap3A_762, %swap3A_763] {strides = array<i32>} : memref<128x128xf32, #tpu.memory_space<vmem>>, vector<1x16xf32>,
        %swap3A_765 = vector.shape_cast %swap3A_764 : vector<1x16xf32> to vector<16xf32>
        %swap3A_766 = vector.shape_cast %mul3A_761 : vector<16xf32> to vector<1x16xf32>
        tpu.vector_store %arg9[%swap3A_762, %swap3A_763], %swap3A_766 {strides = array<i32>} : memref<128x128xf32, #tpu.memory_space<vmem>>, vector<1x16xf32>,
        %get3A_767 = arith.index_cast %add3A_700 : i32 to index
        %get3A_768 = arith.constant 96 : index
        %get3A_769 = tpu.vector_load %arg9[%get3A_767, %get3A_768] {strides = array<i32>} : memref<128x128xf32, #tpu.memory_space<vmem>>, vector<1x16xf32>,
        %get3A_770 = vector.shape_cast %get3A_769 : vector<1x16xf32> to vector<16xf32>
        %mul3A_771 = vector.broadcast %squeeze3A_696 : f32 to vector<16xf32>
        %mul3A_772 = arith.mulf %get3A_770, %mul3A_771 : vector<16xf32>
        %swap3A_773 = arith.index_cast %add3A_700 : i32 to index
        %swap3A_774 = arith.constant 96 : index
        %swap3A_775 = tpu.vector_load %arg9[%swap3A_773, %swap3A_774] {strides = array<i32>} : memref<128x128xf32, #tpu.memory_space<vmem>>, vector<1x16xf32>,
        %swap3A_776 = vector.shape_cast %swap3A_775 : vector<1x16xf32> to vector<16xf32>
        %swap3A_777 = vector.shape_cast %mul3A_772 : vector<16xf32> to vector<1x16xf32>
        tpu.vector_store %arg9[%swap3A_773, %swap3A_774], %swap3A_777 {strides = array<i32>} : memref<128x128xf32, #tpu.memory_space<vmem>>, vector<1x16xf32>,
        %get3A_778 = arith.index_cast %add3A_700 : i32 to index
        %get3A_779 = arith.constant 112 : index
        %get3A_780 = tpu.vector_load %arg9[%get3A_778, %get3A_779] {strides = array<i32>} : memref<128x128xf32, #tpu.memory_space<vmem>>, vector<1x16xf32>,
        %get3A_781 = vector.shape_cast %get3A_780 : vector<1x16xf32> to vector<16xf32>
        %mul3A_782 = vector.broadcast %squeeze3A_696 : f32 to vector<16xf32>
        %mul3A_783 = arith.mulf %get3A_781, %mul3A_782 : vector<16xf32>
        %swap3A_784 = arith.index_cast %add3A_700 : i32 to index
        %swap3A_785 = arith.constant 112 : index
        %swap3A_786 = tpu.vector_load %arg9[%swap3A_784, %swap3A_785] {strides = array<i32>} : memref<128x128xf32, #tpu.memory_space<vmem>>, vector<1x16xf32>,
        %swap3A_787 = vector.shape_cast %swap3A_786 : vector<1x16xf32> to vector<16xf32>
        %swap3A_788 = vector.shape_cast %mul3A_783 : vector<16xf32> to vector<1x16xf32>
        tpu.vector_store %arg9[%swap3A_784, %swap3A_785], %swap3A_788 {strides = array<i32>} : memref<128x128xf32, #tpu.memory_space<vmem>>, vector<1x16xf32>,
        %slice3A_789 = vector.extract_strided_slice %get3A_133 {offsets = [7], sizes = [1], strides = [1]} : vector<16xf32> to vector<1xf32>
        %squeeze3A_790 = vector.extract %slice3A_789[0] : f32 from vector<1xf32>
        %mul3A_791 = arith.constant 16 : i32
        %mul3A_792 = arith.muli %scan3A_128, %mul3A_791 : i32
        %add3A_793 = arith.constant 7 : i32
        %add3A_794 = arith.addi %mul3A_792, %add3A_793 : i32
        %get3A_795 = arith.index_cast %add3A_794 : i32 to index
        %get3A_796 = arith.constant 0 : index
        %get3A_797 = tpu.vector_load %arg9[%get3A_795, %get3A_796] {strides = array<i32>} : memref<128x128xf32, #tpu.memory_space<vmem>>, vector<1x16xf32>,
        %get3A_798 = vector.shape_cast %get3A_797 : vector<1x16xf32> to vector<16xf32>
        %mul3A_799 = vector.broadcast %squeeze3A_790 : f32 to vector<16xf32>
        %mul3A_800 = arith.mulf %get3A_798, %mul3A_799 : vector<16xf32>
        %swap3A_801 = arith.index_cast %add3A_794 : i32 to index
        %swap3A_802 = arith.constant 0 : index
        %swap3A_803 = tpu.vector_load %arg9[%swap3A_801, %swap3A_802] {strides = array<i32>} : memref<128x128xf32, #tpu.memory_space<vmem>>, vector<1x16xf32>,
        %swap3A_804 = vector.shape_cast %swap3A_803 : vector<1x16xf32> to vector<16xf32>
        %swap3A_805 = vector.shape_cast %mul3A_800 : vector<16xf32> to vector<1x16xf32>
        tpu.vector_store %arg9[%swap3A_801, %swap3A_802], %swap3A_805 {strides = array<i32>} : memref<128x128xf32, #tpu.memory_space<vmem>>, vector<1x16xf32>,
        %get3A_806 = arith.index_cast %add3A_794 : i32 to index
        %get3A_807 = arith.constant 16 : index
        %get3A_808 = tpu.vector_load %arg9[%get3A_806, %get3A_807] {strides = array<i32>} : memref<128x128xf32, #tpu.memory_space<vmem>>, vector<1x16xf32>,
        %get3A_809 = vector.shape_cast %get3A_808 : vector<1x16xf32> to vector<16xf32>
        %mul3A_810 = vector.broadcast %squeeze3A_790 : f32 to vector<16xf32>
        %mul3A_811 = arith.mulf %get3A_809, %mul3A_810 : vector<16xf32>
        %swap3A_812 = arith.index_cast %add3A_794 : i32 to index
        %swap3A_813 = arith.constant 16 : index
        %swap3A_814 = tpu.vector_load %arg9[%swap3A_812, %swap3A_813] {strides = array<i32>} : memref<128x128xf32, #tpu.memory_space<vmem>>, vector<1x16xf32>,
        %swap3A_815 = vector.shape_cast %swap3A_814 : vector<1x16xf32> to vector<16xf32>
        %swap3A_816 = vector.shape_cast %mul3A_811 : vector<16xf32> to vector<1x16xf32>
        tpu.vector_store %arg9[%swap3A_812, %swap3A_813], %swap3A_816 {strides = array<i32>} : memref<128x128xf32, #tpu.memory_space<vmem>>, vector<1x16xf32>,
        %get3A_817 = arith.index_cast %add3A_794 : i32 to index
        %get3A_818 = arith.constant 32 : index
        %get3A_819 = tpu.vector_load %arg9[%get3A_817, %get3A_818] {strides = array<i32>} : memref<128x128xf32, #tpu.memory_space<vmem>>, vector<1x16xf32>,
        %get3A_820 = vector.shape_cast %get3A_819 : vector<1x16xf32> to vector<16xf32>
        %mul3A_821 = vector.broadcast %squeeze3A_790 : f32 to vector<16xf32>
        %mul3A_822 = arith.mulf %get3A_820, %mul3A_821 : vector<16xf32>
        %swap3A_823 = arith.index_cast %add3A_794 : i32 to index
        %swap3A_824 = arith.constant 32 : index
        %swap3A_825 = tpu.vector_load %arg9[%swap3A_823, %swap3A_824] {strides = array<i32>} : memref<128x128xf32, #tpu.memory_space<vmem>>, vector<1x16xf32>,
        %swap3A_826 = vector.shape_cast %swap3A_825 : vector<1x16xf32> to vector<16xf32>
        %swap3A_827 = vector.shape_cast %mul3A_822 : vector<16xf32> to vector<1x16xf32>
        tpu.vector_store %arg9[%swap3A_823, %swap3A_824], %swap3A_827 {strides = array<i32>} : memref<128x128xf32, #tpu.memory_space<vmem>>, vector<1x16xf32>,
        %get3A_828 = arith.index_cast %add3A_794 : i32 to index
        %get3A_829 = arith.constant 48 : index
        %get3A_830 = tpu.vector_load %arg9[%get3A_828, %get3A_829] {strides = array<i32>} : memref<128x128xf32, #tpu.memory_space<vmem>>, vector<1x16xf32>,
        %get3A_831 = vector.shape_cast %get3A_830 : vector<1x16xf32> to vector<16xf32>
        %mul3A_832 = vector.broadcast %squeeze3A_790 : f32 to vector<16xf32>
        %mul3A_833 = arith.mulf %get3A_831, %mul3A_832 : vector<16xf32>
        %swap3A_834 = arith.index_cast %add3A_794 : i32 to index
        %swap3A_835 = arith.constant 48 : index
        %swap3A_836 = tpu.vector_load %arg9[%swap3A_834, %swap3A_835] {strides = array<i32>} : memref<128x128xf32, #tpu.memory_space<vmem>>, vector<1x16xf32>,
        %swap3A_837 = vector.shape_cast %swap3A_836 : vector<1x16xf32> to vector<16xf32>
        %swap3A_838 = vector.shape_cast %mul3A_833 : vector<16xf32> to vector<1x16xf32>
        tpu.vector_store %arg9[%swap3A_834, %swap3A_835], %swap3A_838 {strides = array<i32>} : memref<128x128xf32, #tpu.memory_space<vmem>>, vector<1x16xf32>,
        %get3A_839 = arith.index_cast %add3A_794 : i32 to index
        %get3A_840 = arith.constant 64 : index
        %get3A_841 = tpu.vector_load %arg9[%get3A_839, %get3A_840] {strides = array<i32>} : memref<128x128xf32, #tpu.memory_space<vmem>>, vector<1x16xf32>,
        %get3A_842 = vector.shape_cast %get3A_841 : vector<1x16xf32> to vector<16xf32>
        %mul3A_843 = vector.broadcast %squeeze3A_790 : f32 to vector<16xf32>
        %mul3A_844 = arith.mulf %get3A_842, %mul3A_843 : vector<16xf32>
        %swap3A_845 = arith.index_cast %add3A_794 : i32 to index
        %swap3A_846 = arith.constant 64 : index
        %swap3A_847 = tpu.vector_load %arg9[%swap3A_845, %swap3A_846] {strides = array<i32>} : memref<128x128xf32, #tpu.memory_space<vmem>>, vector<1x16xf32>,
        %swap3A_848 = vector.shape_cast %swap3A_847 : vector<1x16xf32> to vector<16xf32>
        %swap3A_849 = vector.shape_cast %mul3A_844 : vector<16xf32> to vector<1x16xf32>
        tpu.vector_store %arg9[%swap3A_845, %swap3A_846], %swap3A_849 {strides = array<i32>} : memref<128x128xf32, #tpu.memory_space<vmem>>, vector<1x16xf32>,
        %get3A_850 = arith.index_cast %add3A_794 : i32 to index
        %get3A_851 = arith.constant 80 : index
        %get3A_852 = tpu.vector_load %arg9[%get3A_850, %get3A_851] {strides = array<i32>} : memref<128x128xf32, #tpu.memory_space<vmem>>, vector<1x16xf32>,
        %get3A_853 = vector.shape_cast %get3A_852 : vector<1x16xf32> to vector<16xf32>
        %mul3A_854 = vector.broadcast %squeeze3A_790 : f32 to vector<16xf32>
        %mul3A_855 = arith.mulf %get3A_853, %mul3A_854 : vector<16xf32>
        %swap3A_856 = arith.index_cast %add3A_794 : i32 to index
        %swap3A_857 = arith.constant 80 : index
        %swap3A_858 = tpu.vector_load %arg9[%swap3A_856, %swap3A_857] {strides = array<i32>} : memref<128x128xf32, #tpu.memory_space<vmem>>, vector<1x16xf32>,
        %swap3A_859 = vector.shape_cast %swap3A_858 : vector<1x16xf32> to vector<16xf32>
        %swap3A_860 = vector.shape_cast %mul3A_855 : vector<16xf32> to vector<1x16xf32>
        tpu.vector_store %arg9[%swap3A_856, %swap3A_857], %swap3A_860 {strides = array<i32>} : memref<128x128xf32, #tpu.memory_space<vmem>>, vector<1x16xf32>,
        %get3A_861 = arith.index_cast %add3A_794 : i32 to index
        %get3A_862 = arith.constant 96 : index
        %get3A_863 = tpu.vector_load %arg9[%get3A_861, %get3A_862] {strides = array<i32>} : memref<128x128xf32, #tpu.memory_space<vmem>>, vector<1x16xf32>,
        %get3A_864 = vector.shape_cast %get3A_863 : vector<1x16xf32> to vector<16xf32>
        %mul3A_865 = vector.broadcast %squeeze3A_790 : f32 to vector<16xf32>
        %mul3A_866 = arith.mulf %get3A_864, %mul3A_865 : vector<16xf32>
        %swap3A_867 = arith.index_cast %add3A_794 : i32 to index
        %swap3A_868 = arith.constant 96 : index
        %swap3A_869 = tpu.vector_load %arg9[%swap3A_867, %swap3A_868] {strides = array<i32>} : memref<128x128xf32, #tpu.memory_space<vmem>>, vector<1x16xf32>,
        %swap3A_870 = vector.shape_cast %swap3A_869 : vector<1x16xf32> to vector<16xf32>
        %swap3A_871 = vector.shape_cast %mul3A_866 : vector<16xf32> to vector<1x16xf32>
        tpu.vector_store %arg9[%swap3A_867, %swap3A_868], %swap3A_871 {strides = array<i32>} : memref<128x128xf32, #tpu.memory_space<vmem>>, vector<1x16xf32>,
        %get3A_872 = arith.index_cast %add3A_794 : i32 to index
        %get3A_873 = arith.constant 112 : index
        %get3A_874 = tpu.vector_load %arg9[%get3A_872, %get3A_873] {strides = array<i32>} : memref<128x128xf32, #tpu.memory_space<vmem>>, vector<1x16xf32>,
        %get3A_875 = vector.shape_cast %get3A_874 : vector<1x16xf32> to vector<16xf32>
        %mul3A_876 = vector.broadcast %squeeze3A_790 : f32 to vector<16xf32>
        %mul3A_877 = arith.mulf %get3A_875, %mul3A_876 : vector<16xf32>
        %swap3A_878 = arith.index_cast %add3A_794 : i32 to index
        %swap3A_879 = arith.constant 112 : index
        %swap3A_880 = tpu.vector_load %arg9[%swap3A_878, %swap3A_879] {strides = array<i32>} : memref<128x128xf32, #tpu.memory_space<vmem>>, vector<1x16xf32>,
        %swap3A_881 = vector.shape_cast %swap3A_880 : vector<1x16xf32> to vector<16xf32>
        %swap3A_882 = vector.shape_cast %mul3A_877 : vector<16xf32> to vector<1x16xf32>
        tpu.vector_store %arg9[%swap3A_878, %swap3A_879], %swap3A_882 {strides = array<i32>} : memref<128x128xf32, #tpu.memory_space<vmem>>, vector<1x16xf32>,
        %slice3A_883 = vector.extract_strided_slice %get3A_133 {offsets = [8], sizes = [1], strides = [1]} : vector<16xf32> to vector<1xf32>
        %squeeze3A_884 = vector.extract %slice3A_883[0] : f32 from vector<1xf32>
        %mul3A_885 = arith.constant 16 : i32
        %mul3A_886 = arith.muli %scan3A_128, %mul3A_885 : i32
        %add3A_887 = arith.constant 8 : i32
        %add3A_888 = arith.addi %mul3A_886, %add3A_887 : i32
        %get3A_889 = arith.index_cast %add3A_888 : i32 to index
        %get3A_890 = arith.constant 0 : index
        %get3A_891 = tpu.vector_load %arg9[%get3A_889, %get3A_890] {strides = array<i32>} : memref<128x128xf32, #tpu.memory_space<vmem>>, vector<1x16xf32>,
        %get3A_892 = vector.shape_cast %get3A_891 : vector<1x16xf32> to vector<16xf32>
        %mul3A_893 = vector.broadcast %squeeze3A_884 : f32 to vector<16xf32>
        %mul3A_894 = arith.mulf %get3A_892, %mul3A_893 : vector<16xf32>
        %swap3A_895 = arith.index_cast %add3A_888 : i32 to index
        %swap3A_896 = arith.constant 0 : index
        %swap3A_897 = tpu.vector_load %arg9[%swap3A_895, %swap3A_896] {strides = array<i32>} : memref<128x128xf32, #tpu.memory_space<vmem>>, vector<1x16xf32>,
        %swap3A_898 = vector.shape_cast %swap3A_897 : vector<1x16xf32> to vector<16xf32>
        %swap3A_899 = vector.shape_cast %mul3A_894 : vector<16xf32> to vector<1x16xf32>
        tpu.vector_store %arg9[%swap3A_895, %swap3A_896], %swap3A_899 {strides = array<i32>} : memref<128x128xf32, #tpu.memory_space<vmem>>, vector<1x16xf32>,
        %get3A_900 = arith.index_cast %add3A_888 : i32 to index
        %get3A_901 = arith.constant 16 : index
        %get3A_902 = tpu.vector_load %arg9[%get3A_900, %get3A_901] {strides = array<i32>} : memref<128x128xf32, #tpu.memory_space<vmem>>, vector<1x16xf32>,
        %get3A_903 = vector.shape_cast %get3A_902 : vector<1x16xf32> to vector<16xf32>
        %mul3A_904 = vector.broadcast %squeeze3A_884 : f32 to vector<16xf32>
        %mul3A_905 = arith.mulf %get3A_903, %mul3A_904 : vector<16xf32>
        %swap3A_906 = arith.index_cast %add3A_888 : i32 to index
        %swap3A_907 = arith.constant 16 : index
        %swap3A_908 = tpu.vector_load %arg9[%swap3A_906, %swap3A_907] {strides = array<i32>} : memref<128x128xf32, #tpu.memory_space<vmem>>, vector<1x16xf32>,
        %swap3A_909 = vector.shape_cast %swap3A_908 : vector<1x16xf32> to vector<16xf32>
        %swap3A_910 = vector.shape_cast %mul3A_905 : vector<16xf32> to vector<1x16xf32>
        tpu.vector_store %arg9[%swap3A_906, %swap3A_907], %swap3A_910 {strides = array<i32>} : memref<128x128xf32, #tpu.memory_space<vmem>>, vector<1x16xf32>,
        %get3A_911 = arith.index_cast %add3A_888 : i32 to index
        %get3A_912 = arith.constant 32 : index
        %get3A_913 = tpu.vector_load %arg9[%get3A_911, %get3A_912] {strides = array<i32>} : memref<128x128xf32, #tpu.memory_space<vmem>>, vector<1x16xf32>,
        %get3A_914 = vector.shape_cast %get3A_913 : vector<1x16xf32> to vector<16xf32>
        %mul3A_915 = vector.broadcast %squeeze3A_884 : f32 to vector<16xf32>
        %mul3A_916 = arith.mulf %get3A_914, %mul3A_915 : vector<16xf32>
        %swap3A_917 = arith.index_cast %add3A_888 : i32 to index
        %swap3A_918 = arith.constant 32 : index
        %swap3A_919 = tpu.vector_load %arg9[%swap3A_917, %swap3A_918] {strides = array<i32>} : memref<128x128xf32, #tpu.memory_space<vmem>>, vector<1x16xf32>,
        %swap3A_920 = vector.shape_cast %swap3A_919 : vector<1x16xf32> to vector<16xf32>
        %swap3A_921 = vector.shape_cast %mul3A_916 : vector<16xf32> to vector<1x16xf32>
        tpu.vector_store %arg9[%swap3A_917, %swap3A_918], %swap3A_921 {strides = array<i32>} : memref<128x128xf32, #tpu.memory_space<vmem>>, vector<1x16xf32>,
        %get3A_922 = arith.index_cast %add3A_888 : i32 to index
        %get3A_923 = arith.constant 48 : index
        %get3A_924 = tpu.vector_load %arg9[%get3A_922, %get3A_923] {strides = array<i32>} : memref<128x128xf32, #tpu.memory_space<vmem>>, vector<1x16xf32>,
        %get3A_925 = vector.shape_cast %get3A_924 : vector<1x16xf32> to vector<16xf32>
        %mul3A_926 = vector.broadcast %squeeze3A_884 : f32 to vector<16xf32>
        %mul3A_927 = arith.mulf %get3A_925, %mul3A_926 : vector<16xf32>
        %swap3A_928 = arith.index_cast %add3A_888 : i32 to index
        %swap3A_929 = arith.constant 48 : index
        %swap3A_930 = tpu.vector_load %arg9[%swap3A_928, %swap3A_929] {strides = array<i32>} : memref<128x128xf32, #tpu.memory_space<vmem>>, vector<1x16xf32>,
        %swap3A_931 = vector.shape_cast %swap3A_930 : vector<1x16xf32> to vector<16xf32>
        %swap3A_932 = vector.shape_cast %mul3A_927 : vector<16xf32> to vector<1x16xf32>
        tpu.vector_store %arg9[%swap3A_928, %swap3A_929], %swap3A_932 {strides = array<i32>} : memref<128x128xf32, #tpu.memory_space<vmem>>, vector<1x16xf32>,
        %get3A_933 = arith.index_cast %add3A_888 : i32 to index
        %get3A_934 = arith.constant 64 : index
        %get3A_935 = tpu.vector_load %arg9[%get3A_933, %get3A_934] {strides = array<i32>} : memref<128x128xf32, #tpu.memory_space<vmem>>, vector<1x16xf32>,
        %get3A_936 = vector.shape_cast %get3A_935 : vector<1x16xf32> to vector<16xf32>
        %mul3A_937 = vector.broadcast %squeeze3A_884 : f32 to vector<16xf32>
        %mul3A_938 = arith.mulf %get3A_936, %mul3A_937 : vector<16xf32>
        %swap3A_939 = arith.index_cast %add3A_888 : i32 to index
        %swap3A_940 = arith.constant 64 : index
        %swap3A_941 = tpu.vector_load %arg9[%swap3A_939, %swap3A_940] {strides = array<i32>} : memref<128x128xf32, #tpu.memory_space<vmem>>, vector<1x16xf32>,
        %swap3A_942 = vector.shape_cast %swap3A_941 : vector<1x16xf32> to vector<16xf32>
        %swap3A_943 = vector.shape_cast %mul3A_938 : vector<16xf32> to vector<1x16xf32>
        tpu.vector_store %arg9[%swap3A_939, %swap3A_940], %swap3A_943 {strides = array<i32>} : memref<128x128xf32, #tpu.memory_space<vmem>>, vector<1x16xf32>,
        %get3A_944 = arith.index_cast %add3A_888 : i32 to index
        %get3A_945 = arith.constant 80 : index
        %get3A_946 = tpu.vector_load %arg9[%get3A_944, %get3A_945] {strides = array<i32>} : memref<128x128xf32, #tpu.memory_space<vmem>>, vector<1x16xf32>,
        %get3A_947 = vector.shape_cast %get3A_946 : vector<1x16xf32> to vector<16xf32>
        %mul3A_948 = vector.broadcast %squeeze3A_884 : f32 to vector<16xf32>
        %mul3A_949 = arith.mulf %get3A_947, %mul3A_948 : vector<16xf32>
        %swap3A_950 = arith.index_cast %add3A_888 : i32 to index
        %swap3A_951 = arith.constant 80 : index
        %swap3A_952 = tpu.vector_load %arg9[%swap3A_950, %swap3A_951] {strides = array<i32>} : memref<128x128xf32, #tpu.memory_space<vmem>>, vector<1x16xf32>,
        %swap3A_953 = vector.shape_cast %swap3A_952 : vector<1x16xf32> to vector<16xf32>
        %swap3A_954 = vector.shape_cast %mul3A_949 : vector<16xf32> to vector<1x16xf32>
        tpu.vector_store %arg9[%swap3A_950, %swap3A_951], %swap3A_954 {strides = array<i32>} : memref<128x128xf32, #tpu.memory_space<vmem>>, vector<1x16xf32>,
        %get3A_955 = arith.index_cast %add3A_888 : i32 to index
        %get3A_956 = arith.constant 96 : index
        %get3A_957 = tpu.vector_load %arg9[%get3A_955, %get3A_956] {strides = array<i32>} : memref<128x128xf32, #tpu.memory_space<vmem>>, vector<1x16xf32>,
        %get3A_958 = vector.shape_cast %get3A_957 : vector<1x16xf32> to vector<16xf32>
        %mul3A_959 = vector.broadcast %squeeze3A_884 : f32 to vector<16xf32>
        %mul3A_960 = arith.mulf %get3A_958, %mul3A_959 : vector<16xf32>
        %swap3A_961 = arith.index_cast %add3A_888 : i32 to index
        %swap3A_962 = arith.constant 96 : index
        %swap3A_963 = tpu.vector_load %arg9[%swap3A_961, %swap3A_962] {strides = array<i32>} : memref<128x128xf32, #tpu.memory_space<vmem>>, vector<1x16xf32>,
        %swap3A_964 = vector.shape_cast %swap3A_963 : vector<1x16xf32> to vector<16xf32>
        %swap3A_965 = vector.shape_cast %mul3A_960 : vector<16xf32> to vector<1x16xf32>
        tpu.vector_store %arg9[%swap3A_961, %swap3A_962], %swap3A_965 {strides = array<i32>} : memref<128x128xf32, #tpu.memory_space<vmem>>, vector<1x16xf32>,
        %get3A_966 = arith.index_cast %add3A_888 : i32 to index
        %get3A_967 = arith.constant 112 : index
        %get3A_968 = tpu.vector_load %arg9[%get3A_966, %get3A_967] {strides = array<i32>} : memref<128x128xf32, #tpu.memory_space<vmem>>, vector<1x16xf32>,
        %get3A_969 = vector.shape_cast %get3A_968 : vector<1x16xf32> to vector<16xf32>
        %mul3A_970 = vector.broadcast %squeeze3A_884 : f32 to vector<16xf32>
        %mul3A_971 = arith.mulf %get3A_969, %mul3A_970 : vector<16xf32>
        %swap3A_972 = arith.index_cast %add3A_888 : i32 to index
        %swap3A_973 = arith.constant 112 : index
        %swap3A_974 = tpu.vector_load %arg9[%swap3A_972, %swap3A_973] {strides = array<i32>} : memref<128x128xf32, #tpu.memory_space<vmem>>, vector<1x16xf32>,
        %swap3A_975 = vector.shape_cast %swap3A_974 : vector<1x16xf32> to vector<16xf32>
        %swap3A_976 = vector.shape_cast %mul3A_971 : vector<16xf32> to vector<1x16xf32>
        tpu.vector_store %arg9[%swap3A_972, %swap3A_973], %swap3A_976 {strides = array<i32>} : memref<128x128xf32, #tpu.memory_space<vmem>>, vector<1x16xf32>,
        %slice3A_977 = vector.extract_strided_slice %get3A_133 {offsets = [9], sizes = [1], strides = [1]} : vector<16xf32> to vector<1xf32>
        %squeeze3A_978 = vector.extract %slice3A_977[0] : f32 from vector<1xf32>
        %mul3A_979 = arith.constant 16 : i32
        %mul3A_980 = arith.muli %scan3A_128, %mul3A_979 : i32
        %add3A_981 = arith.constant 9 : i32
        %add3A_982 = arith.addi %mul3A_980, %add3A_981 : i32
        %get3A_983 = arith.index_cast %add3A_982 : i32 to index
        %get3A_984 = arith.constant 0 : index
        %get3A_985 = tpu.vector_load %arg9[%get3A_983, %get3A_984] {strides = array<i32>} : memref<128x128xf32, #tpu.memory_space<vmem>>, vector<1x16xf32>,
        %get3A_986 = vector.shape_cast %get3A_985 : vector<1x16xf32> to vector<16xf32>
        %mul3A_987 = vector.broadcast %squeeze3A_978 : f32 to vector<16xf32>
        %mul3A_988 = arith.mulf %get3A_986, %mul3A_987 : vector<16xf32>
        %swap3A_989 = arith.index_cast %add3A_982 : i32 to index
        %swap3A_990 = arith.constant 0 : index
        %swap3A_991 = tpu.vector_load %arg9[%swap3A_989, %swap3A_990] {strides = array<i32>} : memref<128x128xf32, #tpu.memory_space<vmem>>, vector<1x16xf32>,
        %swap3A_992 = vector.shape_cast %swap3A_991 : vector<1x16xf32> to vector<16xf32>
        %swap3A_993 = vector.shape_cast %mul3A_988 : vector<16xf32> to vector<1x16xf32>
        tpu.vector_store %arg9[%swap3A_989, %swap3A_990], %swap3A_993 {strides = array<i32>} : memref<128x128xf32, #tpu.memory_space<vmem>>, vector<1x16xf32>,
        %get3A_994 = arith.index_cast %add3A_982 : i32 to index
        %get3A_995 = arith.constant 16 : index
        %get3A_996 = tpu.vector_load %arg9[%get3A_994, %get3A_995] {strides = array<i32>} : memref<128x128xf32, #tpu.memory_space<vmem>>, vector<1x16xf32>,
        %get3A_997 = vector.shape_cast %get3A_996 : vector<1x16xf32> to vector<16xf32>
        %mul3A_998 = vector.broadcast %squeeze3A_978 : f32 to vector<16xf32>
        %mul3A_999 = arith.mulf %get3A_997, %mul3A_998 : vector<16xf32>
        %swap3A_1000 = arith.index_cast %add3A_982 : i32 to index
        %swap3A_1001 = arith.constant 16 : index
        %swap3A_1002 = tpu.vector_load %arg9[%swap3A_1000, %swap3A_1001] {strides = array<i32>} : memref<128x128xf32, #tpu.memory_space<vmem>>, vector<1x16xf32>,
        %swap3A_1003 = vector.shape_cast %swap3A_1002 : vector<1x16xf32> to vector<16xf32>
        %swap3A_1004 = vector.shape_cast %mul3A_999 : vector<16xf32> to vector<1x16xf32>
        tpu.vector_store %arg9[%swap3A_1000, %swap3A_1001], %swap3A_1004 {strides = array<i32>} : memref<128x128xf32, #tpu.memory_space<vmem>>, vector<1x16xf32>,
        %get3A_1005 = arith.index_cast %add3A_982 : i32 to index
        %get3A_1006 = arith.constant 32 : index
        %get3A_1007 = tpu.vector_load %arg9[%get3A_1005, %get3A_1006] {strides = array<i32>} : memref<128x128xf32, #tpu.memory_space<vmem>>, vector<1x16xf32>,
        %get3A_1008 = vector.shape_cast %get3A_1007 : vector<1x16xf32> to vector<16xf32>
        %mul3A_1009 = vector.broadcast %squeeze3A_978 : f32 to vector<16xf32>
        %mul3A_1010 = arith.mulf %get3A_1008, %mul3A_1009 : vector<16xf32>
        %swap3A_1011 = arith.index_cast %add3A_982 : i32 to index
        %swap3A_1012 = arith.constant 32 : index
        %swap3A_1013 = tpu.vector_load %arg9[%swap3A_1011, %swap3A_1012] {strides = array<i32>} : memref<128x128xf32, #tpu.memory_space<vmem>>, vector<1x16xf32>,
        %swap3A_1014 = vector.shape_cast %swap3A_1013 : vector<1x16xf32> to vector<16xf32>
        %swap3A_1015 = vector.shape_cast %mul3A_1010 : vector<16xf32> to vector<1x16xf32>
        tpu.vector_store %arg9[%swap3A_1011, %swap3A_1012], %swap3A_1015 {strides = array<i32>} : memref<128x128xf32, #tpu.memory_space<vmem>>, vector<1x16xf32>,
        %get3A_1016 = arith.index_cast %add3A_982 : i32 to index
        %get3A_1017 = arith.constant 48 : index
        %get3A_1018 = tpu.vector_load %arg9[%get3A_1016, %get3A_1017] {strides = array<i32>} : memref<128x128xf32, #tpu.memory_space<vmem>>, vector<1x16xf32>,
        %get3A_1019 = vector.shape_cast %get3A_1018 : vector<1x16xf32> to vector<16xf32>
        %mul3A_1020 = vector.broadcast %squeeze3A_978 : f32 to vector<16xf32>
        %mul3A_1021 = arith.mulf %get3A_1019, %mul3A_1020 : vector<16xf32>
        %swap3A_1022 = arith.index_cast %add3A_982 : i32 to index
        %swap3A_1023 = arith.constant 48 : index
        %swap3A_1024 = tpu.vector_load %arg9[%swap3A_1022, %swap3A_1023] {strides = array<i32>} : memref<128x128xf32, #tpu.memory_space<vmem>>, vector<1x16xf32>,
        %swap3A_1025 = vector.shape_cast %swap3A_1024 : vector<1x16xf32> to vector<16xf32>
        %swap3A_1026 = vector.shape_cast %mul3A_1021 : vector<16xf32> to vector<1x16xf32>
        tpu.vector_store %arg9[%swap3A_1022, %swap3A_1023], %swap3A_1026 {strides = array<i32>} : memref<128x128xf32, #tpu.memory_space<vmem>>, vector<1x16xf32>,
        %get3A_1027 = arith.index_cast %add3A_982 : i32 to index
        %get3A_1028 = arith.constant 64 : index
        %get3A_1029 = tpu.vector_load %arg9[%get3A_1027, %get3A_1028] {strides = array<i32>} : memref<128x128xf32, #tpu.memory_space<vmem>>, vector<1x16xf32>,
        %get3A_1030 = vector.shape_cast %get3A_1029 : vector<1x16xf32> to vector<16xf32>
        %mul3A_1031 = vector.broadcast %squeeze3A_978 : f32 to vector<16xf32>
        %mul3A_1032 = arith.mulf %get3A_1030, %mul3A_1031 : vector<16xf32>
        %swap3A_1033 = arith.index_cast %add3A_982 : i32 to index
        %swap3A_1034 = arith.constant 64 : index
        %swap3A_1035 = tpu.vector_load %arg9[%swap3A_1033, %swap3A_1034] {strides = array<i32>} : memref<128x128xf32, #tpu.memory_space<vmem>>, vector<1x16xf32>,
        %swap3A_1036 = vector.shape_cast %swap3A_1035 : vector<1x16xf32> to vector<16xf32>
        %swap3A_1037 = vector.shape_cast %mul3A_1032 : vector<16xf32> to vector<1x16xf32>
        tpu.vector_store %arg9[%swap3A_1033, %swap3A_1034], %swap3A_1037 {strides = array<i32>} : memref<128x128xf32, #tpu.memory_space<vmem>>, vector<1x16xf32>,
        %get3A_1038 = arith.index_cast %add3A_982 : i32 to index
        %get3A_1039 = arith.constant 80 : index
        %get3A_1040 = tpu.vector_load %arg9[%get3A_1038, %get3A_1039] {strides = array<i32>} : memref<128x128xf32, #tpu.memory_space<vmem>>, vector<1x16xf32>,
        %get3A_1041 = vector.shape_cast %get3A_1040 : vector<1x16xf32> to vector<16xf32>
        %mul3A_1042 = vector.broadcast %squeeze3A_978 : f32 to vector<16xf32>
        %mul3A_1043 = arith.mulf %get3A_1041, %mul3A_1042 : vector<16xf32>
        %swap3A_1044 = arith.index_cast %add3A_982 : i32 to index
        %swap3A_1045 = arith.constant 80 : index
        %swap3A_1046 = tpu.vector_load %arg9[%swap3A_1044, %swap3A_1045] {strides = array<i32>} : memref<128x128xf32, #tpu.memory_space<vmem>>, vector<1x16xf32>,
        %swap3A_1047 = vector.shape_cast %swap3A_1046 : vector<1x16xf32> to vector<16xf32>
        %swap3A_1048 = vector.shape_cast %mul3A_1043 : vector<16xf32> to vector<1x16xf32>
        tpu.vector_store %arg9[%swap3A_1044, %swap3A_1045], %swap3A_1048 {strides = array<i32>} : memref<128x128xf32, #tpu.memory_space<vmem>>, vector<1x16xf32>,
        %get3A_1049 = arith.index_cast %add3A_982 : i32 to index
        %get3A_1050 = arith.constant 96 : index
        %get3A_1051 = tpu.vector_load %arg9[%get3A_1049, %get3A_1050] {strides = array<i32>} : memref<128x128xf32, #tpu.memory_space<vmem>>, vector<1x16xf32>,
        %get3A_1052 = vector.shape_cast %get3A_1051 : vector<1x16xf32> to vector<16xf32>
        %mul3A_1053 = vector.broadcast %squeeze3A_978 : f32 to vector<16xf32>
        %mul3A_1054 = arith.mulf %get3A_1052, %mul3A_1053 : vector<16xf32>
        %swap3A_1055 = arith.index_cast %add3A_982 : i32 to index
        %swap3A_1056 = arith.constant 96 : index
        %swap3A_1057 = tpu.vector_load %arg9[%swap3A_1055, %swap3A_1056] {strides = array<i32>} : memref<128x128xf32, #tpu.memory_space<vmem>>, vector<1x16xf32>,
        %swap3A_1058 = vector.shape_cast %swap3A_1057 : vector<1x16xf32> to vector<16xf32>
        %swap3A_1059 = vector.shape_cast %mul3A_1054 : vector<16xf32> to vector<1x16xf32>
        tpu.vector_store %arg9[%swap3A_1055, %swap3A_1056], %swap3A_1059 {strides = array<i32>} : memref<128x128xf32, #tpu.memory_space<vmem>>, vector<1x16xf32>,
        %get3A_1060 = arith.index_cast %add3A_982 : i32 to index
        %get3A_1061 = arith.constant 112 : index
        %get3A_1062 = tpu.vector_load %arg9[%get3A_1060, %get3A_1061] {strides = array<i32>} : memref<128x128xf32, #tpu.memory_space<vmem>>, vector<1x16xf32>,
        %get3A_1063 = vector.shape_cast %get3A_1062 : vector<1x16xf32> to vector<16xf32>
        %mul3A_1064 = vector.broadcast %squeeze3A_978 : f32 to vector<16xf32>
        %mul3A_1065 = arith.mulf %get3A_1063, %mul3A_1064 : vector<16xf32>
        %swap3A_1066 = arith.index_cast %add3A_982 : i32 to index
        %swap3A_1067 = arith.constant 112 : index
        %swap3A_1068 = tpu.vector_load %arg9[%swap3A_1066, %swap3A_1067] {strides = array<i32>} : memref<128x128xf32, #tpu.memory_space<vmem>>, vector<1x16xf32>,
        %swap3A_1069 = vector.shape_cast %swap3A_1068 : vector<1x16xf32> to vector<16xf32>
        %swap3A_1070 = vector.shape_cast %mul3A_1065 : vector<16xf32> to vector<1x16xf32>
        tpu.vector_store %arg9[%swap3A_1066, %swap3A_1067], %swap3A_1070 {strides = array<i32>} : memref<128x128xf32, #tpu.memory_space<vmem>>, vector<1x16xf32>,
        %slice3A_1071 = vector.extract_strided_slice %get3A_133 {offsets = [10], sizes = [1], strides = [1]} : vector<16xf32> to vector<1xf32>
        %squeeze3A_1072 = vector.extract %slice3A_1071[0] : f32 from vector<1xf32>
        %mul3A_1073 = arith.constant 16 : i32
        %mul3A_1074 = arith.muli %scan3A_128, %mul3A_1073 : i32
        %add3A_1075 = arith.constant 10 : i32
        %add3A_1076 = arith.addi %mul3A_1074, %add3A_1075 : i32
        %get3A_1077 = arith.index_cast %add3A_1076 : i32 to index
        %get3A_1078 = arith.constant 0 : index
        %get3A_1079 = tpu.vector_load %arg9[%get3A_1077, %get3A_1078] {strides = array<i32>} : memref<128x128xf32, #tpu.memory_space<vmem>>, vector<1x16xf32>,
        %get3A_1080 = vector.shape_cast %get3A_1079 : vector<1x16xf32> to vector<16xf32>
        %mul3A_1081 = vector.broadcast %squeeze3A_1072 : f32 to vector<16xf32>
        %mul3A_1082 = arith.mulf %get3A_1080, %mul3A_1081 : vector<16xf32>
        %swap3A_1083 = arith.index_cast %add3A_1076 : i32 to index
        %swap3A_1084 = arith.constant 0 : index
        %swap3A_1085 = tpu.vector_load %arg9[%swap3A_1083, %swap3A_1084] {strides = array<i32>} : memref<128x128xf32, #tpu.memory_space<vmem>>, vector<1x16xf32>,
        %swap3A_1086 = vector.shape_cast %swap3A_1085 : vector<1x16xf32> to vector<16xf32>
        %swap3A_1087 = vector.shape_cast %mul3A_1082 : vector<16xf32> to vector<1x16xf32>
        tpu.vector_store %arg9[%swap3A_1083, %swap3A_1084], %swap3A_1087 {strides = array<i32>} : memref<128x128xf32, #tpu.memory_space<vmem>>, vector<1x16xf32>,
        %get3A_1088 = arith.index_cast %add3A_1076 : i32 to index
        %get3A_1089 = arith.constant 16 : index
        %get3A_1090 = tpu.vector_load %arg9[%get3A_1088, %get3A_1089] {strides = array<i32>} : memref<128x128xf32, #tpu.memory_space<vmem>>, vector<1x16xf32>,
        %get3A_1091 = vector.shape_cast %get3A_1090 : vector<1x16xf32> to vector<16xf32>
        %mul3A_1092 = vector.broadcast %squeeze3A_1072 : f32 to vector<16xf32>
        %mul3A_1093 = arith.mulf %get3A_1091, %mul3A_1092 : vector<16xf32>
        %swap3A_1094 = arith.index_cast %add3A_1076 : i32 to index
        %swap3A_1095 = arith.constant 16 : index
        %swap3A_1096 = tpu.vector_load %arg9[%swap3A_1094, %swap3A_1095] {strides = array<i32>} : memref<128x128xf32, #tpu.memory_space<vmem>>, vector<1x16xf32>,
        %swap3A_1097 = vector.shape_cast %swap3A_1096 : vector<1x16xf32> to vector<16xf32>
        %swap3A_1098 = vector.shape_cast %mul3A_1093 : vector<16xf32> to vector<1x16xf32>
        tpu.vector_store %arg9[%swap3A_1094, %swap3A_1095], %swap3A_1098 {strides = array<i32>} : memref<128x128xf32, #tpu.memory_space<vmem>>, vector<1x16xf32>,
        %get3A_1099 = arith.index_cast %add3A_1076 : i32 to index
        %get3A_1100 = arith.constant 32 : index
        %get3A_1101 = tpu.vector_load %arg9[%get3A_1099, %get3A_1100] {strides = array<i32>} : memref<128x128xf32, #tpu.memory_space<vmem>>, vector<1x16xf32>,
        %get3A_1102 = vector.shape_cast %get3A_1101 : vector<1x16xf32> to vector<16xf32>
        %mul3A_1103 = vector.broadcast %squeeze3A_1072 : f32 to vector<16xf32>
        %mul3A_1104 = arith.mulf %get3A_1102, %mul3A_1103 : vector<16xf32>
        %swap3A_1105 = arith.index_cast %add3A_1076 : i32 to index
        %swap3A_1106 = arith.constant 32 : index
        %swap3A_1107 = tpu.vector_load %arg9[%swap3A_1105, %swap3A_1106] {strides = array<i32>} : memref<128x128xf32, #tpu.memory_space<vmem>>, vector<1x16xf32>,
        %swap3A_1108 = vector.shape_cast %swap3A_1107 : vector<1x16xf32> to vector<16xf32>
        %swap3A_1109 = vector.shape_cast %mul3A_1104 : vector<16xf32> to vector<1x16xf32>
        tpu.vector_store %arg9[%swap3A_1105, %swap3A_1106], %swap3A_1109 {strides = array<i32>} : memref<128x128xf32, #tpu.memory_space<vmem>>, vector<1x16xf32>,
        %get3A_1110 = arith.index_cast %add3A_1076 : i32 to index
        %get3A_1111 = arith.constant 48 : index
        %get3A_1112 = tpu.vector_load %arg9[%get3A_1110, %get3A_1111] {strides = array<i32>} : memref<128x128xf32, #tpu.memory_space<vmem>>, vector<1x16xf32>,
        %get3A_1113 = vector.shape_cast %get3A_1112 : vector<1x16xf32> to vector<16xf32>
        %mul3A_1114 = vector.broadcast %squeeze3A_1072 : f32 to vector<16xf32>
        %mul3A_1115 = arith.mulf %get3A_1113, %mul3A_1114 : vector<16xf32>
        %swap3A_1116 = arith.index_cast %add3A_1076 : i32 to index
        %swap3A_1117 = arith.constant 48 : index
        %swap3A_1118 = tpu.vector_load %arg9[%swap3A_1116, %swap3A_1117] {strides = array<i32>} : memref<128x128xf32, #tpu.memory_space<vmem>>, vector<1x16xf32>,
        %swap3A_1119 = vector.shape_cast %swap3A_1118 : vector<1x16xf32> to vector<16xf32>
        %swap3A_1120 = vector.shape_cast %mul3A_1115 : vector<16xf32> to vector<1x16xf32>
        tpu.vector_store %arg9[%swap3A_1116, %swap3A_1117], %swap3A_1120 {strides = array<i32>} : memref<128x128xf32, #tpu.memory_space<vmem>>, vector<1x16xf32>,
        %get3A_1121 = arith.index_cast %add3A_1076 : i32 to index
        %get3A_1122 = arith.constant 64 : index
        %get3A_1123 = tpu.vector_load %arg9[%get3A_1121, %get3A_1122] {strides = array<i32>} : memref<128x128xf32, #tpu.memory_space<vmem>>, vector<1x16xf32>,
        %get3A_1124 = vector.shape_cast %get3A_1123 : vector<1x16xf32> to vector<16xf32>
        %mul3A_1125 = vector.broadcast %squeeze3A_1072 : f32 to vector<16xf32>
        %mul3A_1126 = arith.mulf %get3A_1124, %mul3A_1125 : vector<16xf32>
        %swap3A_1127 = arith.index_cast %add3A_1076 : i32 to index
        %swap3A_1128 = arith.constant 64 : index
        %swap3A_1129 = tpu.vector_load %arg9[%swap3A_1127, %swap3A_1128] {strides = array<i32>} : memref<128x128xf32, #tpu.memory_space<vmem>>, vector<1x16xf32>,
        %swap3A_1130 = vector.shape_cast %swap3A_1129 : vector<1x16xf32> to vector<16xf32>
        %swap3A_1131 = vector.shape_cast %mul3A_1126 : vector<16xf32> to vector<1x16xf32>
        tpu.vector_store %arg9[%swap3A_1127, %swap3A_1128], %swap3A_1131 {strides = array<i32>} : memref<128x128xf32, #tpu.memory_space<vmem>>, vector<1x16xf32>,
        %get3A_1132 = arith.index_cast %add3A_1076 : i32 to index
        %get3A_1133 = arith.constant 80 : index
        %get3A_1134 = tpu.vector_load %arg9[%get3A_1132, %get3A_1133] {strides = array<i32>} : memref<128x128xf32, #tpu.memory_space<vmem>>, vector<1x16xf32>,
        %get3A_1135 = vector.shape_cast %get3A_1134 : vector<1x16xf32> to vector<16xf32>
        %mul3A_1136 = vector.broadcast %squeeze3A_1072 : f32 to vector<16xf32>
        %mul3A_1137 = arith.mulf %get3A_1135, %mul3A_1136 : vector<16xf32>
        %swap3A_1138 = arith.index_cast %add3A_1076 : i32 to index
        %swap3A_1139 = arith.constant 80 : index
        %swap3A_1140 = tpu.vector_load %arg9[%swap3A_1138, %swap3A_1139] {strides = array<i32>} : memref<128x128xf32, #tpu.memory_space<vmem>>, vector<1x16xf32>,
        %swap3A_1141 = vector.shape_cast %swap3A_1140 : vector<1x16xf32> to vector<16xf32>
        %swap3A_1142 = vector.shape_cast %mul3A_1137 : vector<16xf32> to vector<1x16xf32>
        tpu.vector_store %arg9[%swap3A_1138, %swap3A_1139], %swap3A_1142 {strides = array<i32>} : memref<128x128xf32, #tpu.memory_space<vmem>>, vector<1x16xf32>,
        %get3A_1143 = arith.index_cast %add3A_1076 : i32 to index
        %get3A_1144 = arith.constant 96 : index
        %get3A_1145 = tpu.vector_load %arg9[%get3A_1143, %get3A_1144] {strides = array<i32>} : memref<128x128xf32, #tpu.memory_space<vmem>>, vector<1x16xf32>,
        %get3A_1146 = vector.shape_cast %get3A_1145 : vector<1x16xf32> to vector<16xf32>
        %mul3A_1147 = vector.broadcast %squeeze3A_1072 : f32 to vector<16xf32>
        %mul3A_1148 = arith.mulf %get3A_1146, %mul3A_1147 : vector<16xf32>
        %swap3A_1149 = arith.index_cast %add3A_1076 : i32 to index
        %swap3A_1150 = arith.constant 96 : index
        %swap3A_1151 = tpu.vector_load %arg9[%swap3A_1149, %swap3A_1150] {strides = array<i32>} : memref<128x128xf32, #tpu.memory_space<vmem>>, vector<1x16xf32>,
        %swap3A_1152 = vector.shape_cast %swap3A_1151 : vector<1x16xf32> to vector<16xf32>
        %swap3A_1153 = vector.shape_cast %mul3A_1148 : vector<16xf32> to vector<1x16xf32>
        tpu.vector_store %arg9[%swap3A_1149, %swap3A_1150], %swap3A_1153 {strides = array<i32>} : memref<128x128xf32, #tpu.memory_space<vmem>>, vector<1x16xf32>,
        %get3A_1154 = arith.index_cast %add3A_1076 : i32 to index
        %get3A_1155 = arith.constant 112 : index
        %get3A_1156 = tpu.vector_load %arg9[%get3A_1154, %get3A_1155] {strides = array<i32>} : memref<128x128xf32, #tpu.memory_space<vmem>>, vector<1x16xf32>,
        %get3A_1157 = vector.shape_cast %get3A_1156 : vector<1x16xf32> to vector<16xf32>
        %mul3A_1158 = vector.broadcast %squeeze3A_1072 : f32 to vector<16xf32>
        %mul3A_1159 = arith.mulf %get3A_1157, %mul3A_1158 : vector<16xf32>
        %swap3A_1160 = arith.index_cast %add3A_1076 : i32 to index
        %swap3A_1161 = arith.constant 112 : index
        %swap3A_1162 = tpu.vector_load %arg9[%swap3A_1160, %swap3A_1161] {strides = array<i32>} : memref<128x128xf32, #tpu.memory_space<vmem>>, vector<1x16xf32>,
        %swap3A_1163 = vector.shape_cast %swap3A_1162 : vector<1x16xf32> to vector<16xf32>
        %swap3A_1164 = vector.shape_cast %mul3A_1159 : vector<16xf32> to vector<1x16xf32>
        tpu.vector_store %arg9[%swap3A_1160, %swap3A_1161], %swap3A_1164 {strides = array<i32>} : memref<128x128xf32, #tpu.memory_space<vmem>>, vector<1x16xf32>,
        %slice3A_1165 = vector.extract_strided_slice %get3A_133 {offsets = [11], sizes = [1], strides = [1]} : vector<16xf32> to vector<1xf32>
        %squeeze3A_1166 = vector.extract %slice3A_1165[0] : f32 from vector<1xf32>
        %mul3A_1167 = arith.constant 16 : i32
        %mul3A_1168 = arith.muli %scan3A_128, %mul3A_1167 : i32
        %add3A_1169 = arith.constant 11 : i32
        %add3A_1170 = arith.addi %mul3A_1168, %add3A_1169 : i32
        %get3A_1171 = arith.index_cast %add3A_1170 : i32 to index
        %get3A_1172 = arith.constant 0 : index
        %get3A_1173 = tpu.vector_load %arg9[%get3A_1171, %get3A_1172] {strides = array<i32>} : memref<128x128xf32, #tpu.memory_space<vmem>>, vector<1x16xf32>,
        %get3A_1174 = vector.shape_cast %get3A_1173 : vector<1x16xf32> to vector<16xf32>
        %mul3A_1175 = vector.broadcast %squeeze3A_1166 : f32 to vector<16xf32>
        %mul3A_1176 = arith.mulf %get3A_1174, %mul3A_1175 : vector<16xf32>
        %swap3A_1177 = arith.index_cast %add3A_1170 : i32 to index
        %swap3A_1178 = arith.constant 0 : index
        %swap3A_1179 = tpu.vector_load %arg9[%swap3A_1177, %swap3A_1178] {strides = array<i32>} : memref<128x128xf32, #tpu.memory_space<vmem>>, vector<1x16xf32>,
        %swap3A_1180 = vector.shape_cast %swap3A_1179 : vector<1x16xf32> to vector<16xf32>
        %swap3A_1181 = vector.shape_cast %mul3A_1176 : vector<16xf32> to vector<1x16xf32>
        tpu.vector_store %arg9[%swap3A_1177, %swap3A_1178], %swap3A_1181 {strides = array<i32>} : memref<128x128xf32, #tpu.memory_space<vmem>>, vector<1x16xf32>,
        %get3A_1182 = arith.index_cast %add3A_1170 : i32 to index
        %get3A_1183 = arith.constant 16 : index
        %get3A_1184 = tpu.vector_load %arg9[%get3A_1182, %get3A_1183] {strides = array<i32>} : memref<128x128xf32, #tpu.memory_space<vmem>>, vector<1x16xf32>,
        %get3A_1185 = vector.shape_cast %get3A_1184 : vector<1x16xf32> to vector<16xf32>
        %mul3A_1186 = vector.broadcast %squeeze3A_1166 : f32 to vector<16xf32>
        %mul3A_1187 = arith.mulf %get3A_1185, %mul3A_1186 : vector<16xf32>
        %swap3A_1188 = arith.index_cast %add3A_1170 : i32 to index
        %swap3A_1189 = arith.constant 16 : index
        %swap3A_1190 = tpu.vector_load %arg9[%swap3A_1188, %swap3A_1189] {strides = array<i32>} : memref<128x128xf32, #tpu.memory_space<vmem>>, vector<1x16xf32>,
        %swap3A_1191 = vector.shape_cast %swap3A_1190 : vector<1x16xf32> to vector<16xf32>
        %swap3A_1192 = vector.shape_cast %mul3A_1187 : vector<16xf32> to vector<1x16xf32>
        tpu.vector_store %arg9[%swap3A_1188, %swap3A_1189], %swap3A_1192 {strides = array<i32>} : memref<128x128xf32, #tpu.memory_space<vmem>>, vector<1x16xf32>,
        %get3A_1193 = arith.index_cast %add3A_1170 : i32 to index
        %get3A_1194 = arith.constant 32 : index
        %get3A_1195 = tpu.vector_load %arg9[%get3A_1193, %get3A_1194] {strides = array<i32>} : memref<128x128xf32, #tpu.memory_space<vmem>>, vector<1x16xf32>,
        %get3A_1196 = vector.shape_cast %get3A_1195 : vector<1x16xf32> to vector<16xf32>
        %mul3A_1197 = vector.broadcast %squeeze3A_1166 : f32 to vector<16xf32>
        %mul3A_1198 = arith.mulf %get3A_1196, %mul3A_1197 : vector<16xf32>
        %swap3A_1199 = arith.index_cast %add3A_1170 : i32 to index
        %swap3A_1200 = arith.constant 32 : index
        %swap3A_1201 = tpu.vector_load %arg9[%swap3A_1199, %swap3A_1200] {strides = array<i32>} : memref<128x128xf32, #tpu.memory_space<vmem>>, vector<1x16xf32>,
        %swap3A_1202 = vector.shape_cast %swap3A_1201 : vector<1x16xf32> to vector<16xf32>
        %swap3A_1203 = vector.shape_cast %mul3A_1198 : vector<16xf32> to vector<1x16xf32>
        tpu.vector_store %arg9[%swap3A_1199, %swap3A_1200], %swap3A_1203 {strides = array<i32>} : memref<128x128xf32, #tpu.memory_space<vmem>>, vector<1x16xf32>,
        %get3A_1204 = arith.index_cast %add3A_1170 : i32 to index
        %get3A_1205 = arith.constant 48 : index
        %get3A_1206 = tpu.vector_load %arg9[%get3A_1204, %get3A_1205] {strides = array<i32>} : memref<128x128xf32, #tpu.memory_space<vmem>>, vector<1x16xf32>,
        %get3A_1207 = vector.shape_cast %get3A_1206 : vector<1x16xf32> to vector<16xf32>
        %mul3A_1208 = vector.broadcast %squeeze3A_1166 : f32 to vector<16xf32>
        %mul3A_1209 = arith.mulf %get3A_1207, %mul3A_1208 : vector<16xf32>
        %swap3A_1210 = arith.index_cast %add3A_1170 : i32 to index
        %swap3A_1211 = arith.constant 48 : index
        %swap3A_1212 = tpu.vector_load %arg9[%swap3A_1210, %swap3A_1211] {strides = array<i32>} : memref<128x128xf32, #tpu.memory_space<vmem>>, vector<1x16xf32>,
        %swap3A_1213 = vector.shape_cast %swap3A_1212 : vector<1x16xf32> to vector<16xf32>
        %swap3A_1214 = vector.shape_cast %mul3A_1209 : vector<16xf32> to vector<1x16xf32>
        tpu.vector_store %arg9[%swap3A_1210, %swap3A_1211], %swap3A_1214 {strides = array<i32>} : memref<128x128xf32, #tpu.memory_space<vmem>>, vector<1x16xf32>,
        %get3A_1215 = arith.index_cast %add3A_1170 : i32 to index
        %get3A_1216 = arith.constant 64 : index
        %get3A_1217 = tpu.vector_load %arg9[%get3A_1215, %get3A_1216] {strides = array<i32>} : memref<128x128xf32, #tpu.memory_space<vmem>>, vector<1x16xf32>,
        %get3A_1218 = vector.shape_cast %get3A_1217 : vector<1x16xf32> to vector<16xf32>
        %mul3A_1219 = vector.broadcast %squeeze3A_1166 : f32 to vector<16xf32>
        %mul3A_1220 = arith.mulf %get3A_1218, %mul3A_1219 : vector<16xf32>
        %swap3A_1221 = arith.index_cast %add3A_1170 : i32 to index
        %swap3A_1222 = arith.constant 64 : index
        %swap3A_1223 = tpu.vector_load %arg9[%swap3A_1221, %swap3A_1222] {strides = array<i32>} : memref<128x128xf32, #tpu.memory_space<vmem>>, vector<1x16xf32>,
        %swap3A_1224 = vector.shape_cast %swap3A_1223 : vector<1x16xf32> to vector<16xf32>
        %swap3A_1225 = vector.shape_cast %mul3A_1220 : vector<16xf32> to vector<1x16xf32>
        tpu.vector_store %arg9[%swap3A_1221, %swap3A_1222], %swap3A_1225 {strides = array<i32>} : memref<128x128xf32, #tpu.memory_space<vmem>>, vector<1x16xf32>,
        %get3A_1226 = arith.index_cast %add3A_1170 : i32 to index
        %get3A_1227 = arith.constant 80 : index
        %get3A_1228 = tpu.vector_load %arg9[%get3A_1226, %get3A_1227] {strides = array<i32>} : memref<128x128xf32, #tpu.memory_space<vmem>>, vector<1x16xf32>,
        %get3A_1229 = vector.shape_cast %get3A_1228 : vector<1x16xf32> to vector<16xf32>
        %mul3A_1230 = vector.broadcast %squeeze3A_1166 : f32 to vector<16xf32>
        %mul3A_1231 = arith.mulf %get3A_1229, %mul3A_1230 : vector<16xf32>
        %swap3A_1232 = arith.index_cast %add3A_1170 : i32 to index
        %swap3A_1233 = arith.constant 80 : index
        %swap3A_1234 = tpu.vector_load %arg9[%swap3A_1232, %swap3A_1233] {strides = array<i32>} : memref<128x128xf32, #tpu.memory_space<vmem>>, vector<1x16xf32>,
        %swap3A_1235 = vector.shape_cast %swap3A_1234 : vector<1x16xf32> to vector<16xf32>
        %swap3A_1236 = vector.shape_cast %mul3A_1231 : vector<16xf32> to vector<1x16xf32>
        tpu.vector_store %arg9[%swap3A_1232, %swap3A_1233], %swap3A_1236 {strides = array<i32>} : memref<128x128xf32, #tpu.memory_space<vmem>>, vector<1x16xf32>,
        %get3A_1237 = arith.index_cast %add3A_1170 : i32 to index
        %get3A_1238 = arith.constant 96 : index
        %get3A_1239 = tpu.vector_load %arg9[%get3A_1237, %get3A_1238] {strides = array<i32>} : memref<128x128xf32, #tpu.memory_space<vmem>>, vector<1x16xf32>,
        %get3A_1240 = vector.shape_cast %get3A_1239 : vector<1x16xf32> to vector<16xf32>
        %mul3A_1241 = vector.broadcast %squeeze3A_1166 : f32 to vector<16xf32>
        %mul3A_1242 = arith.mulf %get3A_1240, %mul3A_1241 : vector<16xf32>
        %swap3A_1243 = arith.index_cast %add3A_1170 : i32 to index
        %swap3A_1244 = arith.constant 96 : index
        %swap3A_1245 = tpu.vector_load %arg9[%swap3A_1243, %swap3A_1244] {strides = array<i32>} : memref<128x128xf32, #tpu.memory_space<vmem>>, vector<1x16xf32>,
        %swap3A_1246 = vector.shape_cast %swap3A_1245 : vector<1x16xf32> to vector<16xf32>
        %swap3A_1247 = vector.shape_cast %mul3A_1242 : vector<16xf32> to vector<1x16xf32>
        tpu.vector_store %arg9[%swap3A_1243, %swap3A_1244], %swap3A_1247 {strides = array<i32>} : memref<128x128xf32, #tpu.memory_space<vmem>>, vector<1x16xf32>,
        %get3A_1248 = arith.index_cast %add3A_1170 : i32 to index
        %get3A_1249 = arith.constant 112 : index
        %get3A_1250 = tpu.vector_load %arg9[%get3A_1248, %get3A_1249] {strides = array<i32>} : memref<128x128xf32, #tpu.memory_space<vmem>>, vector<1x16xf32>,
        %get3A_1251 = vector.shape_cast %get3A_1250 : vector<1x16xf32> to vector<16xf32>
        %mul3A_1252 = vector.broadcast %squeeze3A_1166 : f32 to vector<16xf32>
        %mul3A_1253 = arith.mulf %get3A_1251, %mul3A_1252 : vector<16xf32>
        %swap3A_1254 = arith.index_cast %add3A_1170 : i32 to index
        %swap3A_1255 = arith.constant 112 : index
        %swap3A_1256 = tpu.vector_load %arg9[%swap3A_1254, %swap3A_1255] {strides = array<i32>} : memref<128x128xf32, #tpu.memory_space<vmem>>, vector<1x16xf32>,
        %swap3A_1257 = vector.shape_cast %swap3A_1256 : vector<1x16xf32> to vector<16xf32>
        %swap3A_1258 = vector.shape_cast %mul3A_1253 : vector<16xf32> to vector<1x16xf32>
        tpu.vector_store %arg9[%swap3A_1254, %swap3A_1255], %swap3A_1258 {strides = array<i32>} : memref<128x128xf32, #tpu.memory_space<vmem>>, vector<1x16xf32>,
        %slice3A_1259 = vector.extract_strided_slice %get3A_133 {offsets = [12], sizes = [1], strides = [1]} : vector<16xf32> to vector<1xf32>
        %squeeze3A_1260 = vector.extract %slice3A_1259[0] : f32 from vector<1xf32>
        %mul3A_1261 = arith.constant 16 : i32
        %mul3A_1262 = arith.muli %scan3A_128, %mul3A_1261 : i32
        %add3A_1263 = arith.constant 12 : i32
        %add3A_1264 = arith.addi %mul3A_1262, %add3A_1263 : i32
        %get3A_1265 = arith.index_cast %add3A_1264 : i32 to index
        %get3A_1266 = arith.constant 0 : index
        %get3A_1267 = tpu.vector_load %arg9[%get3A_1265, %get3A_1266] {strides = array<i32>} : memref<128x128xf32, #tpu.memory_space<vmem>>, vector<1x16xf32>,
        %get3A_1268 = vector.shape_cast %get3A_1267 : vector<1x16xf32> to vector<16xf32>
        %mul3A_1269 = vector.broadcast %squeeze3A_1260 : f32 to vector<16xf32>
        %mul3A_1270 = arith.mulf %get3A_1268, %mul3A_1269 : vector<16xf32>
        %swap3A_1271 = arith.index_cast %add3A_1264 : i32 to index
        %swap3A_1272 = arith.constant 0 : index
        %swap3A_1273 = tpu.vector_load %arg9[%swap3A_1271, %swap3A_1272] {strides = array<i32>} : memref<128x128xf32, #tpu.memory_space<vmem>>, vector<1x16xf32>,
        %swap3A_1274 = vector.shape_cast %swap3A_1273 : vector<1x16xf32> to vector<16xf32>
        %swap3A_1275 = vector.shape_cast %mul3A_1270 : vector<16xf32> to vector<1x16xf32>
        tpu.vector_store %arg9[%swap3A_1271, %swap3A_1272], %swap3A_1275 {strides = array<i32>} : memref<128x128xf32, #tpu.memory_space<vmem>>, vector<1x16xf32>,
        %get3A_1276 = arith.index_cast %add3A_1264 : i32 to index
        %get3A_1277 = arith.constant 16 : index
        %get3A_1278 = tpu.vector_load %arg9[%get3A_1276, %get3A_1277] {strides = array<i32>} : memref<128x128xf32, #tpu.memory_space<vmem>>, vector<1x16xf32>,
        %get3A_1279 = vector.shape_cast %get3A_1278 : vector<1x16xf32> to vector<16xf32>
        %mul3A_1280 = vector.broadcast %squeeze3A_1260 : f32 to vector<16xf32>
        %mul3A_1281 = arith.mulf %get3A_1279, %mul3A_1280 : vector<16xf32>
        %swap3A_1282 = arith.index_cast %add3A_1264 : i32 to index
        %swap3A_1283 = arith.constant 16 : index
        %swap3A_1284 = tpu.vector_load %arg9[%swap3A_1282, %swap3A_1283] {strides = array<i32>} : memref<128x128xf32, #tpu.memory_space<vmem>>, vector<1x16xf32>,
        %swap3A_1285 = vector.shape_cast %swap3A_1284 : vector<1x16xf32> to vector<16xf32>
        %swap3A_1286 = vector.shape_cast %mul3A_1281 : vector<16xf32> to vector<1x16xf32>
        tpu.vector_store %arg9[%swap3A_1282, %swap3A_1283], %swap3A_1286 {strides = array<i32>} : memref<128x128xf32, #tpu.memory_space<vmem>>, vector<1x16xf32>,
        %get3A_1287 = arith.index_cast %add3A_1264 : i32 to index
        %get3A_1288 = arith.constant 32 : index
        %get3A_1289 = tpu.vector_load %arg9[%get3A_1287, %get3A_1288] {strides = array<i32>} : memref<128x128xf32, #tpu.memory_space<vmem>>, vector<1x16xf32>,
        %get3A_1290 = vector.shape_cast %get3A_1289 : vector<1x16xf32> to vector<16xf32>
        %mul3A_1291 = vector.broadcast %squeeze3A_1260 : f32 to vector<16xf32>
        %mul3A_1292 = arith.mulf %get3A_1290, %mul3A_1291 : vector<16xf32>
        %swap3A_1293 = arith.index_cast %add3A_1264 : i32 to index
        %swap3A_1294 = arith.constant 32 : index
        %swap3A_1295 = tpu.vector_load %arg9[%swap3A_1293, %swap3A_1294] {strides = array<i32>} : memref<128x128xf32, #tpu.memory_space<vmem>>, vector<1x16xf32>,
        %swap3A_1296 = vector.shape_cast %swap3A_1295 : vector<1x16xf32> to vector<16xf32>
        %swap3A_1297 = vector.shape_cast %mul3A_1292 : vector<16xf32> to vector<1x16xf32>
        tpu.vector_store %arg9[%swap3A_1293, %swap3A_1294], %swap3A_1297 {strides = array<i32>} : memref<128x128xf32, #tpu.memory_space<vmem>>, vector<1x16xf32>,
        %get3A_1298 = arith.index_cast %add3A_1264 : i32 to index
        %get3A_1299 = arith.constant 48 : index
        %get3A_1300 = tpu.vector_load %arg9[%get3A_1298, %get3A_1299] {strides = array<i32>} : memref<128x128xf32, #tpu.memory_space<vmem>>, vector<1x16xf32>,
        %get3A_1301 = vector.shape_cast %get3A_1300 : vector<1x16xf32> to vector<16xf32>
        %mul3A_1302 = vector.broadcast %squeeze3A_1260 : f32 to vector<16xf32>
        %mul3A_1303 = arith.mulf %get3A_1301, %mul3A_1302 : vector<16xf32>
        %swap3A_1304 = arith.index_cast %add3A_1264 : i32 to index
        %swap3A_1305 = arith.constant 48 : index
        %swap3A_1306 = tpu.vector_load %arg9[%swap3A_1304, %swap3A_1305] {strides = array<i32>} : memref<128x128xf32, #tpu.memory_space<vmem>>, vector<1x16xf32>,
        %swap3A_1307 = vector.shape_cast %swap3A_1306 : vector<1x16xf32> to vector<16xf32>
        %swap3A_1308 = vector.shape_cast %mul3A_1303 : vector<16xf32> to vector<1x16xf32>
        tpu.vector_store %arg9[%swap3A_1304, %swap3A_1305], %swap3A_1308 {strides = array<i32>} : memref<128x128xf32, #tpu.memory_space<vmem>>, vector<1x16xf32>,
        %get3A_1309 = arith.index_cast %add3A_1264 : i32 to index
        %get3A_1310 = arith.constant 64 : index
        %get3A_1311 = tpu.vector_load %arg9[%get3A_1309, %get3A_1310] {strides = array<i32>} : memref<128x128xf32, #tpu.memory_space<vmem>>, vector<1x16xf32>,
        %get3A_1312 = vector.shape_cast %get3A_1311 : vector<1x16xf32> to vector<16xf32>
        %mul3A_1313 = vector.broadcast %squeeze3A_1260 : f32 to vector<16xf32>
        %mul3A_1314 = arith.mulf %get3A_1312, %mul3A_1313 : vector<16xf32>
        %swap3A_1315 = arith.index_cast %add3A_1264 : i32 to index
        %swap3A_1316 = arith.constant 64 : index
        %swap3A_1317 = tpu.vector_load %arg9[%swap3A_1315, %swap3A_1316] {strides = array<i32>} : memref<128x128xf32, #tpu.memory_space<vmem>>, vector<1x16xf32>,
        %swap3A_1318 = vector.shape_cast %swap3A_1317 : vector<1x16xf32> to vector<16xf32>
        %swap3A_1319 = vector.shape_cast %mul3A_1314 : vector<16xf32> to vector<1x16xf32>
        tpu.vector_store %arg9[%swap3A_1315, %swap3A_1316], %swap3A_1319 {strides = array<i32>} : memref<128x128xf32, #tpu.memory_space<vmem>>, vector<1x16xf32>,
        %get3A_1320 = arith.index_cast %add3A_1264 : i32 to index
        %get3A_1321 = arith.constant 80 : index
        %get3A_1322 = tpu.vector_load %arg9[%get3A_1320, %get3A_1321] {strides = array<i32>} : memref<128x128xf32, #tpu.memory_space<vmem>>, vector<1x16xf32>,
        %get3A_1323 = vector.shape_cast %get3A_1322 : vector<1x16xf32> to vector<16xf32>
        %mul3A_1324 = vector.broadcast %squeeze3A_1260 : f32 to vector<16xf32>
        %mul3A_1325 = arith.mulf %get3A_1323, %mul3A_1324 : vector<16xf32>
        %swap3A_1326 = arith.index_cast %add3A_1264 : i32 to index
        %swap3A_1327 = arith.constant 80 : index
        %swap3A_1328 = tpu.vector_load %arg9[%swap3A_1326, %swap3A_1327] {strides = array<i32>} : memref<128x128xf32, #tpu.memory_space<vmem>>, vector<1x16xf32>,
        %swap3A_1329 = vector.shape_cast %swap3A_1328 : vector<1x16xf32> to vector<16xf32>
        %swap3A_1330 = vector.shape_cast %mul3A_1325 : vector<16xf32> to vector<1x16xf32>
        tpu.vector_store %arg9[%swap3A_1326, %swap3A_1327], %swap3A_1330 {strides = array<i32>} : memref<128x128xf32, #tpu.memory_space<vmem>>, vector<1x16xf32>,
        %get3A_1331 = arith.index_cast %add3A_1264 : i32 to index
        %get3A_1332 = arith.constant 96 : index
        %get3A_1333 = tpu.vector_load %arg9[%get3A_1331, %get3A_1332] {strides = array<i32>} : memref<128x128xf32, #tpu.memory_space<vmem>>, vector<1x16xf32>,
        %get3A_1334 = vector.shape_cast %get3A_1333 : vector<1x16xf32> to vector<16xf32>
        %mul3A_1335 = vector.broadcast %squeeze3A_1260 : f32 to vector<16xf32>
        %mul3A_1336 = arith.mulf %get3A_1334, %mul3A_1335 : vector<16xf32>
        %swap3A_1337 = arith.index_cast %add3A_1264 : i32 to index
        %swap3A_1338 = arith.constant 96 : index
        %swap3A_1339 = tpu.vector_load %arg9[%swap3A_1337, %swap3A_1338] {strides = array<i32>} : memref<128x128xf32, #tpu.memory_space<vmem>>, vector<1x16xf32>,
        %swap3A_1340 = vector.shape_cast %swap3A_1339 : vector<1x16xf32> to vector<16xf32>
        %swap3A_1341 = vector.shape_cast %mul3A_1336 : vector<16xf32> to vector<1x16xf32>
        tpu.vector_store %arg9[%swap3A_1337, %swap3A_1338], %swap3A_1341 {strides = array<i32>} : memref<128x128xf32, #tpu.memory_space<vmem>>, vector<1x16xf32>,
        %get3A_1342 = arith.index_cast %add3A_1264 : i32 to index
        %get3A_1343 = arith.constant 112 : index
        %get3A_1344 = tpu.vector_load %arg9[%get3A_1342, %get3A_1343] {strides = array<i32>} : memref<128x128xf32, #tpu.memory_space<vmem>>, vector<1x16xf32>,
        %get3A_1345 = vector.shape_cast %get3A_1344 : vector<1x16xf32> to vector<16xf32>
        %mul3A_1346 = vector.broadcast %squeeze3A_1260 : f32 to vector<16xf32>
        %mul3A_1347 = arith.mulf %get3A_1345, %mul3A_1346 : vector<16xf32>
        %swap3A_1348 = arith.index_cast %add3A_1264 : i32 to index
        %swap3A_1349 = arith.constant 112 : index
        %swap3A_1350 = tpu.vector_load %arg9[%swap3A_1348, %swap3A_1349] {strides = array<i32>} : memref<128x128xf32, #tpu.memory_space<vmem>>, vector<1x16xf32>,
        %swap3A_1351 = vector.shape_cast %swap3A_1350 : vector<1x16xf32> to vector<16xf32>
        %swap3A_1352 = vector.shape_cast %mul3A_1347 : vector<16xf32> to vector<1x16xf32>
        tpu.vector_store %arg9[%swap3A_1348, %swap3A_1349], %swap3A_1352 {strides = array<i32>} : memref<128x128xf32, #tpu.memory_space<vmem>>, vector<1x16xf32>,
        %slice3A_1353 = vector.extract_strided_slice %get3A_133 {offsets = [13], sizes = [1], strides = [1]} : vector<16xf32> to vector<1xf32>
        %squeeze3A_1354 = vector.extract %slice3A_1353[0] : f32 from vector<1xf32>
        %mul3A_1355 = arith.constant 16 : i32
        %mul3A_1356 = arith.muli %scan3A_128, %mul3A_1355 : i32
        %add3A_1357 = arith.constant 13 : i32
        %add3A_1358 = arith.addi %mul3A_1356, %add3A_1357 : i32
        %get3A_1359 = arith.index_cast %add3A_1358 : i32 to index
        %get3A_1360 = arith.constant 0 : index
        %get3A_1361 = tpu.vector_load %arg9[%get3A_1359, %get3A_1360] {strides = array<i32>} : memref<128x128xf32, #tpu.memory_space<vmem>>, vector<1x16xf32>,
        %get3A_1362 = vector.shape_cast %get3A_1361 : vector<1x16xf32> to vector<16xf32>
        %mul3A_1363 = vector.broadcast %squeeze3A_1354 : f32 to vector<16xf32>
        %mul3A_1364 = arith.mulf %get3A_1362, %mul3A_1363 : vector<16xf32>
        %swap3A_1365 = arith.index_cast %add3A_1358 : i32 to index
        %swap3A_1366 = arith.constant 0 : index
        %swap3A_1367 = tpu.vector_load %arg9[%swap3A_1365, %swap3A_1366] {strides = array<i32>} : memref<128x128xf32, #tpu.memory_space<vmem>>, vector<1x16xf32>,
        %swap3A_1368 = vector.shape_cast %swap3A_1367 : vector<1x16xf32> to vector<16xf32>
        %swap3A_1369 = vector.shape_cast %mul3A_1364 : vector<16xf32> to vector<1x16xf32>
        tpu.vector_store %arg9[%swap3A_1365, %swap3A_1366], %swap3A_1369 {strides = array<i32>} : memref<128x128xf32, #tpu.memory_space<vmem>>, vector<1x16xf32>,
        %get3A_1370 = arith.index_cast %add3A_1358 : i32 to index
        %get3A_1371 = arith.constant 16 : index
        %get3A_1372 = tpu.vector_load %arg9[%get3A_1370, %get3A_1371] {strides = array<i32>} : memref<128x128xf32, #tpu.memory_space<vmem>>, vector<1x16xf32>,
        %get3A_1373 = vector.shape_cast %get3A_1372 : vector<1x16xf32> to vector<16xf32>
        %mul3A_1374 = vector.broadcast %squeeze3A_1354 : f32 to vector<16xf32>
        %mul3A_1375 = arith.mulf %get3A_1373, %mul3A_1374 : vector<16xf32>
        %swap3A_1376 = arith.index_cast %add3A_1358 : i32 to index
        %swap3A_1377 = arith.constant 16 : index
        %swap3A_1378 = tpu.vector_load %arg9[%swap3A_1376, %swap3A_1377] {strides = array<i32>} : memref<128x128xf32, #tpu.memory_space<vmem>>, vector<1x16xf32>,
        %swap3A_1379 = vector.shape_cast %swap3A_1378 : vector<1x16xf32> to vector<16xf32>
        %swap3A_1380 = vector.shape_cast %mul3A_1375 : vector<16xf32> to vector<1x16xf32>
        tpu.vector_store %arg9[%swap3A_1376, %swap3A_1377], %swap3A_1380 {strides = array<i32>} : memref<128x128xf32, #tpu.memory_space<vmem>>, vector<1x16xf32>,
        %get3A_1381 = arith.index_cast %add3A_1358 : i32 to index
        %get3A_1382 = arith.constant 32 : index
        %get3A_1383 = tpu.vector_load %arg9[%get3A_1381, %get3A_1382] {strides = array<i32>} : memref<128x128xf32, #tpu.memory_space<vmem>>, vector<1x16xf32>,
        %get3A_1384 = vector.shape_cast %get3A_1383 : vector<1x16xf32> to vector<16xf32>
        %mul3A_1385 = vector.broadcast %squeeze3A_1354 : f32 to vector<16xf32>
        %mul3A_1386 = arith.mulf %get3A_1384, %mul3A_1385 : vector<16xf32>
        %swap3A_1387 = arith.index_cast %add3A_1358 : i32 to index
        %swap3A_1388 = arith.constant 32 : index
        %swap3A_1389 = tpu.vector_load %arg9[%swap3A_1387, %swap3A_1388] {strides = array<i32>} : memref<128x128xf32, #tpu.memory_space<vmem>>, vector<1x16xf32>,
        %swap3A_1390 = vector.shape_cast %swap3A_1389 : vector<1x16xf32> to vector<16xf32>
        %swap3A_1391 = vector.shape_cast %mul3A_1386 : vector<16xf32> to vector<1x16xf32>
        tpu.vector_store %arg9[%swap3A_1387, %swap3A_1388], %swap3A_1391 {strides = array<i32>} : memref<128x128xf32, #tpu.memory_space<vmem>>, vector<1x16xf32>,
        %get3A_1392 = arith.index_cast %add3A_1358 : i32 to index
        %get3A_1393 = arith.constant 48 : index
        %get3A_1394 = tpu.vector_load %arg9[%get3A_1392, %get3A_1393] {strides = array<i32>} : memref<128x128xf32, #tpu.memory_space<vmem>>, vector<1x16xf32>,
        %get3A_1395 = vector.shape_cast %get3A_1394 : vector<1x16xf32> to vector<16xf32>
        %mul3A_1396 = vector.broadcast %squeeze3A_1354 : f32 to vector<16xf32>
        %mul3A_1397 = arith.mulf %get3A_1395, %mul3A_1396 : vector<16xf32>
        %swap3A_1398 = arith.index_cast %add3A_1358 : i32 to index
        %swap3A_1399 = arith.constant 48 : index
        %swap3A_1400 = tpu.vector_load %arg9[%swap3A_1398, %swap3A_1399] {strides = array<i32>} : memref<128x128xf32, #tpu.memory_space<vmem>>, vector<1x16xf32>,
        %swap3A_1401 = vector.shape_cast %swap3A_1400 : vector<1x16xf32> to vector<16xf32>
        %swap3A_1402 = vector.shape_cast %mul3A_1397 : vector<16xf32> to vector<1x16xf32>
        tpu.vector_store %arg9[%swap3A_1398, %swap3A_1399], %swap3A_1402 {strides = array<i32>} : memref<128x128xf32, #tpu.memory_space<vmem>>, vector<1x16xf32>,
        %get3A_1403 = arith.index_cast %add3A_1358 : i32 to index
        %get3A_1404 = arith.constant 64 : index
        %get3A_1405 = tpu.vector_load %arg9[%get3A_1403, %get3A_1404] {strides = array<i32>} : memref<128x128xf32, #tpu.memory_space<vmem>>, vector<1x16xf32>,
        %get3A_1406 = vector.shape_cast %get3A_1405 : vector<1x16xf32> to vector<16xf32>
        %mul3A_1407 = vector.broadcast %squeeze3A_1354 : f32 to vector<16xf32>
        %mul3A_1408 = arith.mulf %get3A_1406, %mul3A_1407 : vector<16xf32>
        %swap3A_1409 = arith.index_cast %add3A_1358 : i32 to index
        %swap3A_1410 = arith.constant 64 : index
        %swap3A_1411 = tpu.vector_load %arg9[%swap3A_1409, %swap3A_1410] {strides = array<i32>} : memref<128x128xf32, #tpu.memory_space<vmem>>, vector<1x16xf32>,
        %swap3A_1412 = vector.shape_cast %swap3A_1411 : vector<1x16xf32> to vector<16xf32>
        %swap3A_1413 = vector.shape_cast %mul3A_1408 : vector<16xf32> to vector<1x16xf32>
        tpu.vector_store %arg9[%swap3A_1409, %swap3A_1410], %swap3A_1413 {strides = array<i32>} : memref<128x128xf32, #tpu.memory_space<vmem>>, vector<1x16xf32>,
        %get3A_1414 = arith.index_cast %add3A_1358 : i32 to index
        %get3A_1415 = arith.constant 80 : index
        %get3A_1416 = tpu.vector_load %arg9[%get3A_1414, %get3A_1415] {strides = array<i32>} : memref<128x128xf32, #tpu.memory_space<vmem>>, vector<1x16xf32>,
        %get3A_1417 = vector.shape_cast %get3A_1416 : vector<1x16xf32> to vector<16xf32>
        %mul3A_1418 = vector.broadcast %squeeze3A_1354 : f32 to vector<16xf32>
        %mul3A_1419 = arith.mulf %get3A_1417, %mul3A_1418 : vector<16xf32>
        %swap3A_1420 = arith.index_cast %add3A_1358 : i32 to index
        %swap3A_1421 = arith.constant 80 : index
        %swap3A_1422 = tpu.vector_load %arg9[%swap3A_1420, %swap3A_1421] {strides = array<i32>} : memref<128x128xf32, #tpu.memory_space<vmem>>, vector<1x16xf32>,
        %swap3A_1423 = vector.shape_cast %swap3A_1422 : vector<1x16xf32> to vector<16xf32>
        %swap3A_1424 = vector.shape_cast %mul3A_1419 : vector<16xf32> to vector<1x16xf32>
        tpu.vector_store %arg9[%swap3A_1420, %swap3A_1421], %swap3A_1424 {strides = array<i32>} : memref<128x128xf32, #tpu.memory_space<vmem>>, vector<1x16xf32>,
        %get3A_1425 = arith.index_cast %add3A_1358 : i32 to index
        %get3A_1426 = arith.constant 96 : index
        %get3A_1427 = tpu.vector_load %arg9[%get3A_1425, %get3A_1426] {strides = array<i32>} : memref<128x128xf32, #tpu.memory_space<vmem>>, vector<1x16xf32>,
        %get3A_1428 = vector.shape_cast %get3A_1427 : vector<1x16xf32> to vector<16xf32>
        %mul3A_1429 = vector.broadcast %squeeze3A_1354 : f32 to vector<16xf32>
        %mul3A_1430 = arith.mulf %get3A_1428, %mul3A_1429 : vector<16xf32>
        %swap3A_1431 = arith.index_cast %add3A_1358 : i32 to index
        %swap3A_1432 = arith.constant 96 : index
        %swap3A_1433 = tpu.vector_load %arg9[%swap3A_1431, %swap3A_1432] {strides = array<i32>} : memref<128x128xf32, #tpu.memory_space<vmem>>, vector<1x16xf32>,
        %swap3A_1434 = vector.shape_cast %swap3A_1433 : vector<1x16xf32> to vector<16xf32>
        %swap3A_1435 = vector.shape_cast %mul3A_1430 : vector<16xf32> to vector<1x16xf32>
        tpu.vector_store %arg9[%swap3A_1431, %swap3A_1432], %swap3A_1435 {strides = array<i32>} : memref<128x128xf32, #tpu.memory_space<vmem>>, vector<1x16xf32>,
        %get3A_1436 = arith.index_cast %add3A_1358 : i32 to index
        %get3A_1437 = arith.constant 112 : index
        %get3A_1438 = tpu.vector_load %arg9[%get3A_1436, %get3A_1437] {strides = array<i32>} : memref<128x128xf32, #tpu.memory_space<vmem>>, vector<1x16xf32>,
        %get3A_1439 = vector.shape_cast %get3A_1438 : vector<1x16xf32> to vector<16xf32>
        %mul3A_1440 = vector.broadcast %squeeze3A_1354 : f32 to vector<16xf32>
        %mul3A_1441 = arith.mulf %get3A_1439, %mul3A_1440 : vector<16xf32>
        %swap3A_1442 = arith.index_cast %add3A_1358 : i32 to index
        %swap3A_1443 = arith.constant 112 : index
        %swap3A_1444 = tpu.vector_load %arg9[%swap3A_1442, %swap3A_1443] {strides = array<i32>} : memref<128x128xf32, #tpu.memory_space<vmem>>, vector<1x16xf32>,
        %swap3A_1445 = vector.shape_cast %swap3A_1444 : vector<1x16xf32> to vector<16xf32>
        %swap3A_1446 = vector.shape_cast %mul3A_1441 : vector<16xf32> to vector<1x16xf32>
        tpu.vector_store %arg9[%swap3A_1442, %swap3A_1443], %swap3A_1446 {strides = array<i32>} : memref<128x128xf32, #tpu.memory_space<vmem>>, vector<1x16xf32>,
        %slice3A_1447 = vector.extract_strided_slice %get3A_133 {offsets = [14], sizes = [1], strides = [1]} : vector<16xf32> to vector<1xf32>
        %squeeze3A_1448 = vector.extract %slice3A_1447[0] : f32 from vector<1xf32>
        %mul3A_1449 = arith.constant 16 : i32
        %mul3A_1450 = arith.muli %scan3A_128, %mul3A_1449 : i32
        %add3A_1451 = arith.constant 14 : i32
        %add3A_1452 = arith.addi %mul3A_1450, %add3A_1451 : i32
        %get3A_1453 = arith.index_cast %add3A_1452 : i32 to index
        %get3A_1454 = arith.constant 0 : index
        %get3A_1455 = tpu.vector_load %arg9[%get3A_1453, %get3A_1454] {strides = array<i32>} : memref<128x128xf32, #tpu.memory_space<vmem>>, vector<1x16xf32>,
        %get3A_1456 = vector.shape_cast %get3A_1455 : vector<1x16xf32> to vector<16xf32>
        %mul3A_1457 = vector.broadcast %squeeze3A_1448 : f32 to vector<16xf32>
        %mul3A_1458 = arith.mulf %get3A_1456, %mul3A_1457 : vector<16xf32>
        %swap3A_1459 = arith.index_cast %add3A_1452 : i32 to index
        %swap3A_1460 = arith.constant 0 : index
        %swap3A_1461 = tpu.vector_load %arg9[%swap3A_1459, %swap3A_1460] {strides = array<i32>} : memref<128x128xf32, #tpu.memory_space<vmem>>, vector<1x16xf32>,
        %swap3A_1462 = vector.shape_cast %swap3A_1461 : vector<1x16xf32> to vector<16xf32>
        %swap3A_1463 = vector.shape_cast %mul3A_1458 : vector<16xf32> to vector<1x16xf32>
        tpu.vector_store %arg9[%swap3A_1459, %swap3A_1460], %swap3A_1463 {strides = array<i32>} : memref<128x128xf32, #tpu.memory_space<vmem>>, vector<1x16xf32>,
        %get3A_1464 = arith.index_cast %add3A_1452 : i32 to index
        %get3A_1465 = arith.constant 16 : index
        %get3A_1466 = tpu.vector_load %arg9[%get3A_1464, %get3A_1465] {strides = array<i32>} : memref<128x128xf32, #tpu.memory_space<vmem>>, vector<1x16xf32>,
        %get3A_1467 = vector.shape_cast %get3A_1466 : vector<1x16xf32> to vector<16xf32>
        %mul3A_1468 = vector.broadcast %squeeze3A_1448 : f32 to vector<16xf32>
        %mul3A_1469 = arith.mulf %get3A_1467, %mul3A_1468 : vector<16xf32>
        %swap3A_1470 = arith.index_cast %add3A_1452 : i32 to index
        %swap3A_1471 = arith.constant 16 : index
        %swap3A_1472 = tpu.vector_load %arg9[%swap3A_1470, %swap3A_1471] {strides = array<i32>} : memref<128x128xf32, #tpu.memory_space<vmem>>, vector<1x16xf32>,
        %swap3A_1473 = vector.shape_cast %swap3A_1472 : vector<1x16xf32> to vector<16xf32>
        %swap3A_1474 = vector.shape_cast %mul3A_1469 : vector<16xf32> to vector<1x16xf32>
        tpu.vector_store %arg9[%swap3A_1470, %swap3A_1471], %swap3A_1474 {strides = array<i32>} : memref<128x128xf32, #tpu.memory_space<vmem>>, vector<1x16xf32>,
        %get3A_1475 = arith.index_cast %add3A_1452 : i32 to index
        %get3A_1476 = arith.constant 32 : index
        %get3A_1477 = tpu.vector_load %arg9[%get3A_1475, %get3A_1476] {strides = array<i32>} : memref<128x128xf32, #tpu.memory_space<vmem>>, vector<1x16xf32>,
        %get3A_1478 = vector.shape_cast %get3A_1477 : vector<1x16xf32> to vector<16xf32>
        %mul3A_1479 = vector.broadcast %squeeze3A_1448 : f32 to vector<16xf32>
        %mul3A_1480 = arith.mulf %get3A_1478, %mul3A_1479 : vector<16xf32>
        %swap3A_1481 = arith.index_cast %add3A_1452 : i32 to index
        %swap3A_1482 = arith.constant 32 : index
        %swap3A_1483 = tpu.vector_load %arg9[%swap3A_1481, %swap3A_1482] {strides = array<i32>} : memref<128x128xf32, #tpu.memory_space<vmem>>, vector<1x16xf32>,
        %swap3A_1484 = vector.shape_cast %swap3A_1483 : vector<1x16xf32> to vector<16xf32>
        %swap3A_1485 = vector.shape_cast %mul3A_1480 : vector<16xf32> to vector<1x16xf32>
        tpu.vector_store %arg9[%swap3A_1481, %swap3A_1482], %swap3A_1485 {strides = array<i32>} : memref<128x128xf32, #tpu.memory_space<vmem>>, vector<1x16xf32>,
        %get3A_1486 = arith.index_cast %add3A_1452 : i32 to index
        %get3A_1487 = arith.constant 48 : index
        %get3A_1488 = tpu.vector_load %arg9[%get3A_1486, %get3A_1487] {strides = array<i32>} : memref<128x128xf32, #tpu.memory_space<vmem>>, vector<1x16xf32>,
        %get3A_1489 = vector.shape_cast %get3A_1488 : vector<1x16xf32> to vector<16xf32>
        %mul3A_1490 = vector.broadcast %squeeze3A_1448 : f32 to vector<16xf32>
        %mul3A_1491 = arith.mulf %get3A_1489, %mul3A_1490 : vector<16xf32>
        %swap3A_1492 = arith.index_cast %add3A_1452 : i32 to index
        %swap3A_1493 = arith.constant 48 : index
        %swap3A_1494 = tpu.vector_load %arg9[%swap3A_1492, %swap3A_1493] {strides = array<i32>} : memref<128x128xf32, #tpu.memory_space<vmem>>, vector<1x16xf32>,
        %swap3A_1495 = vector.shape_cast %swap3A_1494 : vector<1x16xf32> to vector<16xf32>
        %swap3A_1496 = vector.shape_cast %mul3A_1491 : vector<16xf32> to vector<1x16xf32>
        tpu.vector_store %arg9[%swap3A_1492, %swap3A_1493], %swap3A_1496 {strides = array<i32>} : memref<128x128xf32, #tpu.memory_space<vmem>>, vector<1x16xf32>,
        %get3A_1497 = arith.index_cast %add3A_1452 : i32 to index
        %get3A_1498 = arith.constant 64 : index
        %get3A_1499 = tpu.vector_load %arg9[%get3A_1497, %get3A_1498] {strides = array<i32>} : memref<128x128xf32, #tpu.memory_space<vmem>>, vector<1x16xf32>,
        %get3A_1500 = vector.shape_cast %get3A_1499 : vector<1x16xf32> to vector<16xf32>
        %mul3A_1501 = vector.broadcast %squeeze3A_1448 : f32 to vector<16xf32>
        %mul3A_1502 = arith.mulf %get3A_1500, %mul3A_1501 : vector<16xf32>
        %swap3A_1503 = arith.index_cast %add3A_1452 : i32 to index
        %swap3A_1504 = arith.constant 64 : index
        %swap3A_1505 = tpu.vector_load %arg9[%swap3A_1503, %swap3A_1504] {strides = array<i32>} : memref<128x128xf32, #tpu.memory_space<vmem>>, vector<1x16xf32>,
        %swap3A_1506 = vector.shape_cast %swap3A_1505 : vector<1x16xf32> to vector<16xf32>
        %swap3A_1507 = vector.shape_cast %mul3A_1502 : vector<16xf32> to vector<1x16xf32>
        tpu.vector_store %arg9[%swap3A_1503, %swap3A_1504], %swap3A_1507 {strides = array<i32>} : memref<128x128xf32, #tpu.memory_space<vmem>>, vector<1x16xf32>,
        %get3A_1508 = arith.index_cast %add3A_1452 : i32 to index
        %get3A_1509 = arith.constant 80 : index
        %get3A_1510 = tpu.vector_load %arg9[%get3A_1508, %get3A_1509] {strides = array<i32>} : memref<128x128xf32, #tpu.memory_space<vmem>>, vector<1x16xf32>,
        %get3A_1511 = vector.shape_cast %get3A_1510 : vector<1x16xf32> to vector<16xf32>
        %mul3A_1512 = vector.broadcast %squeeze3A_1448 : f32 to vector<16xf32>
        %mul3A_1513 = arith.mulf %get3A_1511, %mul3A_1512 : vector<16xf32>
        %swap3A_1514 = arith.index_cast %add3A_1452 : i32 to index
        %swap3A_1515 = arith.constant 80 : index
        %swap3A_1516 = tpu.vector_load %arg9[%swap3A_1514, %swap3A_1515] {strides = array<i32>} : memref<128x128xf32, #tpu.memory_space<vmem>>, vector<1x16xf32>,
        %swap3A_1517 = vector.shape_cast %swap3A_1516 : vector<1x16xf32> to vector<16xf32>
        %swap3A_1518 = vector.shape_cast %mul3A_1513 : vector<16xf32> to vector<1x16xf32>
        tpu.vector_store %arg9[%swap3A_1514, %swap3A_1515], %swap3A_1518 {strides = array<i32>} : memref<128x128xf32, #tpu.memory_space<vmem>>, vector<1x16xf32>,
        %get3A_1519 = arith.index_cast %add3A_1452 : i32 to index
        %get3A_1520 = arith.constant 96 : index
        %get3A_1521 = tpu.vector_load %arg9[%get3A_1519, %get3A_1520] {strides = array<i32>} : memref<128x128xf32, #tpu.memory_space<vmem>>, vector<1x16xf32>,
        %get3A_1522 = vector.shape_cast %get3A_1521 : vector<1x16xf32> to vector<16xf32>
        %mul3A_1523 = vector.broadcast %squeeze3A_1448 : f32 to vector<16xf32>
        %mul3A_1524 = arith.mulf %get3A_1522, %mul3A_1523 : vector<16xf32>
        %swap3A_1525 = arith.index_cast %add3A_1452 : i32 to index
        %swap3A_1526 = arith.constant 96 : index
        %swap3A_1527 = tpu.vector_load %arg9[%swap3A_1525, %swap3A_1526] {strides = array<i32>} : memref<128x128xf32, #tpu.memory_space<vmem>>, vector<1x16xf32>,
        %swap3A_1528 = vector.shape_cast %swap3A_1527 : vector<1x16xf32> to vector<16xf32>
        %swap3A_1529 = vector.shape_cast %mul3A_1524 : vector<16xf32> to vector<1x16xf32>
        tpu.vector_store %arg9[%swap3A_1525, %swap3A_1526], %swap3A_1529 {strides = array<i32>} : memref<128x128xf32, #tpu.memory_space<vmem>>, vector<1x16xf32>,
        %get3A_1530 = arith.index_cast %add3A_1452 : i32 to index
        %get3A_1531 = arith.constant 112 : index
        %get3A_1532 = tpu.vector_load %arg9[%get3A_1530, %get3A_1531] {strides = array<i32>} : memref<128x128xf32, #tpu.memory_space<vmem>>, vector<1x16xf32>,
        %get3A_1533 = vector.shape_cast %get3A_1532 : vector<1x16xf32> to vector<16xf32>
        %mul3A_1534 = vector.broadcast %squeeze3A_1448 : f32 to vector<16xf32>
        %mul3A_1535 = arith.mulf %get3A_1533, %mul3A_1534 : vector<16xf32>
        %swap3A_1536 = arith.index_cast %add3A_1452 : i32 to index
        %swap3A_1537 = arith.constant 112 : index
        %swap3A_1538 = tpu.vector_load %arg9[%swap3A_1536, %swap3A_1537] {strides = array<i32>} : memref<128x128xf32, #tpu.memory_space<vmem>>, vector<1x16xf32>,
        %swap3A_1539 = vector.shape_cast %swap3A_1538 : vector<1x16xf32> to vector<16xf32>
        %swap3A_1540 = vector.shape_cast %mul3A_1535 : vector<16xf32> to vector<1x16xf32>
        tpu.vector_store %arg9[%swap3A_1536, %swap3A_1537], %swap3A_1540 {strides = array<i32>} : memref<128x128xf32, #tpu.memory_space<vmem>>, vector<1x16xf32>,
        %slice3A_1541 = vector.extract_strided_slice %get3A_133 {offsets = [15], sizes = [1], strides = [1]} : vector<16xf32> to vector<1xf32>
        %squeeze3A_1542 = vector.extract %slice3A_1541[0] : f32 from vector<1xf32>
        %mul3A_1543 = arith.constant 16 : i32
        %mul3A_1544 = arith.muli %scan3A_128, %mul3A_1543 : i32
        %add3A_1545 = arith.constant 15 : i32
        %add3A_1546 = arith.addi %mul3A_1544, %add3A_1545 : i32
        %get3A_1547 = arith.index_cast %add3A_1546 : i32 to index
        %get3A_1548 = arith.constant 0 : index
        %get3A_1549 = tpu.vector_load %arg9[%get3A_1547, %get3A_1548] {strides = array<i32>} : memref<128x128xf32, #tpu.memory_space<vmem>>, vector<1x16xf32>,
        %get3A_1550 = vector.shape_cast %get3A_1549 : vector<1x16xf32> to vector<16xf32>
        %mul3A_1551 = vector.broadcast %squeeze3A_1542 : f32 to vector<16xf32>
        %mul3A_1552 = arith.mulf %get3A_1550, %mul3A_1551 : vector<16xf32>
        %swap3A_1553 = arith.index_cast %add3A_1546 : i32 to index
        %swap3A_1554 = arith.constant 0 : index
        %swap3A_1555 = tpu.vector_load %arg9[%swap3A_1553, %swap3A_1554] {strides = array<i32>} : memref<128x128xf32, #tpu.memory_space<vmem>>, vector<1x16xf32>,
        %swap3A_1556 = vector.shape_cast %swap3A_1555 : vector<1x16xf32> to vector<16xf32>
        %swap3A_1557 = vector.shape_cast %mul3A_1552 : vector<16xf32> to vector<1x16xf32>
        tpu.vector_store %arg9[%swap3A_1553, %swap3A_1554], %swap3A_1557 {strides = array<i32>} : memref<128x128xf32, #tpu.memory_space<vmem>>, vector<1x16xf32>,
        %get3A_1558 = arith.index_cast %add3A_1546 : i32 to index
        %get3A_1559 = arith.constant 16 : index
        %get3A_1560 = tpu.vector_load %arg9[%get3A_1558, %get3A_1559] {strides = array<i32>} : memref<128x128xf32, #tpu.memory_space<vmem>>, vector<1x16xf32>,
        %get3A_1561 = vector.shape_cast %get3A_1560 : vector<1x16xf32> to vector<16xf32>
        %mul3A_1562 = vector.broadcast %squeeze3A_1542 : f32 to vector<16xf32>
        %mul3A_1563 = arith.mulf %get3A_1561, %mul3A_1562 : vector<16xf32>
        %swap3A_1564 = arith.index_cast %add3A_1546 : i32 to index
        %swap3A_1565 = arith.constant 16 : index
        %swap3A_1566 = tpu.vector_load %arg9[%swap3A_1564, %swap3A_1565] {strides = array<i32>} : memref<128x128xf32, #tpu.memory_space<vmem>>, vector<1x16xf32>,
        %swap3A_1567 = vector.shape_cast %swap3A_1566 : vector<1x16xf32> to vector<16xf32>
        %swap3A_1568 = vector.shape_cast %mul3A_1563 : vector<16xf32> to vector<1x16xf32>
        tpu.vector_store %arg9[%swap3A_1564, %swap3A_1565], %swap3A_1568 {strides = array<i32>} : memref<128x128xf32, #tpu.memory_space<vmem>>, vector<1x16xf32>,
        %get3A_1569 = arith.index_cast %add3A_1546 : i32 to index
        %get3A_1570 = arith.constant 32 : index
        %get3A_1571 = tpu.vector_load %arg9[%get3A_1569, %get3A_1570] {strides = array<i32>} : memref<128x128xf32, #tpu.memory_space<vmem>>, vector<1x16xf32>,
        %get3A_1572 = vector.shape_cast %get3A_1571 : vector<1x16xf32> to vector<16xf32>
        %mul3A_1573 = vector.broadcast %squeeze3A_1542 : f32 to vector<16xf32>
        %mul3A_1574 = arith.mulf %get3A_1572, %mul3A_1573 : vector<16xf32>
        %swap3A_1575 = arith.index_cast %add3A_1546 : i32 to index
        %swap3A_1576 = arith.constant 32 : index
        %swap3A_1577 = tpu.vector_load %arg9[%swap3A_1575, %swap3A_1576] {strides = array<i32>} : memref<128x128xf32, #tpu.memory_space<vmem>>, vector<1x16xf32>,
        %swap3A_1578 = vector.shape_cast %swap3A_1577 : vector<1x16xf32> to vector<16xf32>
        %swap3A_1579 = vector.shape_cast %mul3A_1574 : vector<16xf32> to vector<1x16xf32>
        tpu.vector_store %arg9[%swap3A_1575, %swap3A_1576], %swap3A_1579 {strides = array<i32>} : memref<128x128xf32, #tpu.memory_space<vmem>>, vector<1x16xf32>,
        %get3A_1580 = arith.index_cast %add3A_1546 : i32 to index
        %get3A_1581 = arith.constant 48 : index
        %get3A_1582 = tpu.vector_load %arg9[%get3A_1580, %get3A_1581] {strides = array<i32>} : memref<128x128xf32, #tpu.memory_space<vmem>>, vector<1x16xf32>,
        %get3A_1583 = vector.shape_cast %get3A_1582 : vector<1x16xf32> to vector<16xf32>
        %mul3A_1584 = vector.broadcast %squeeze3A_1542 : f32 to vector<16xf32>
        %mul3A_1585 = arith.mulf %get3A_1583, %mul3A_1584 : vector<16xf32>
        %swap3A_1586 = arith.index_cast %add3A_1546 : i32 to index
        %swap3A_1587 = arith.constant 48 : index
        %swap3A_1588 = tpu.vector_load %arg9[%swap3A_1586, %swap3A_1587] {strides = array<i32>} : memref<128x128xf32, #tpu.memory_space<vmem>>, vector<1x16xf32>,
        %swap3A_1589 = vector.shape_cast %swap3A_1588 : vector<1x16xf32> to vector<16xf32>
        %swap3A_1590 = vector.shape_cast %mul3A_1585 : vector<16xf32> to vector<1x16xf32>
        tpu.vector_store %arg9[%swap3A_1586, %swap3A_1587], %swap3A_1590 {strides = array<i32>} : memref<128x128xf32, #tpu.memory_space<vmem>>, vector<1x16xf32>,
        %get3A_1591 = arith.index_cast %add3A_1546 : i32 to index
        %get3A_1592 = arith.constant 64 : index
        %get3A_1593 = tpu.vector_load %arg9[%get3A_1591, %get3A_1592] {strides = array<i32>} : memref<128x128xf32, #tpu.memory_space<vmem>>, vector<1x16xf32>,
        %get3A_1594 = vector.shape_cast %get3A_1593 : vector<1x16xf32> to vector<16xf32>
        %mul3A_1595 = vector.broadcast %squeeze3A_1542 : f32 to vector<16xf32>
        %mul3A_1596 = arith.mulf %get3A_1594, %mul3A_1595 : vector<16xf32>
        %swap3A_1597 = arith.index_cast %add3A_1546 : i32 to index
        %swap3A_1598 = arith.constant 64 : index
        %swap3A_1599 = tpu.vector_load %arg9[%swap3A_1597, %swap3A_1598] {strides = array<i32>} : memref<128x128xf32, #tpu.memory_space<vmem>>, vector<1x16xf32>,
        %swap3A_1600 = vector.shape_cast %swap3A_1599 : vector<1x16xf32> to vector<16xf32>
        %swap3A_1601 = vector.shape_cast %mul3A_1596 : vector<16xf32> to vector<1x16xf32>
        tpu.vector_store %arg9[%swap3A_1597, %swap3A_1598], %swap3A_1601 {strides = array<i32>} : memref<128x128xf32, #tpu.memory_space<vmem>>, vector<1x16xf32>,
        %get3A_1602 = arith.index_cast %add3A_1546 : i32 to index
        %get3A_1603 = arith.constant 80 : index
        %get3A_1604 = tpu.vector_load %arg9[%get3A_1602, %get3A_1603] {strides = array<i32>} : memref<128x128xf32, #tpu.memory_space<vmem>>, vector<1x16xf32>,
        %get3A_1605 = vector.shape_cast %get3A_1604 : vector<1x16xf32> to vector<16xf32>
        %mul3A_1606 = vector.broadcast %squeeze3A_1542 : f32 to vector<16xf32>
        %mul3A_1607 = arith.mulf %get3A_1605, %mul3A_1606 : vector<16xf32>
        %swap3A_1608 = arith.index_cast %add3A_1546 : i32 to index
        %swap3A_1609 = arith.constant 80 : index
        %swap3A_1610 = tpu.vector_load %arg9[%swap3A_1608, %swap3A_1609] {strides = array<i32>} : memref<128x128xf32, #tpu.memory_space<vmem>>, vector<1x16xf32>,
        %swap3A_1611 = vector.shape_cast %swap3A_1610 : vector<1x16xf32> to vector<16xf32>
        %swap3A_1612 = vector.shape_cast %mul3A_1607 : vector<16xf32> to vector<1x16xf32>
        tpu.vector_store %arg9[%swap3A_1608, %swap3A_1609], %swap3A_1612 {strides = array<i32>} : memref<128x128xf32, #tpu.memory_space<vmem>>, vector<1x16xf32>,
        %get3A_1613 = arith.index_cast %add3A_1546 : i32 to index
        %get3A_1614 = arith.constant 96 : index
        %get3A_1615 = tpu.vector_load %arg9[%get3A_1613, %get3A_1614] {strides = array<i32>} : memref<128x128xf32, #tpu.memory_space<vmem>>, vector<1x16xf32>,
        %get3A_1616 = vector.shape_cast %get3A_1615 : vector<1x16xf32> to vector<16xf32>
        %mul3A_1617 = vector.broadcast %squeeze3A_1542 : f32 to vector<16xf32>
        %mul3A_1618 = arith.mulf %get3A_1616, %mul3A_1617 : vector<16xf32>
        %swap3A_1619 = arith.index_cast %add3A_1546 : i32 to index
        %swap3A_1620 = arith.constant 96 : index
        %swap3A_1621 = tpu.vector_load %arg9[%swap3A_1619, %swap3A_1620] {strides = array<i32>} : memref<128x128xf32, #tpu.memory_space<vmem>>, vector<1x16xf32>,
        %swap3A_1622 = vector.shape_cast %swap3A_1621 : vector<1x16xf32> to vector<16xf32>
        %swap3A_1623 = vector.shape_cast %mul3A_1618 : vector<16xf32> to vector<1x16xf32>
        tpu.vector_store %arg9[%swap3A_1619, %swap3A_1620], %swap3A_1623 {strides = array<i32>} : memref<128x128xf32, #tpu.memory_space<vmem>>, vector<1x16xf32>,
        %get3A_1624 = arith.index_cast %add3A_1546 : i32 to index
        %get3A_1625 = arith.constant 112 : index
        %get3A_1626 = tpu.vector_load %arg9[%get3A_1624, %get3A_1625] {strides = array<i32>} : memref<128x128xf32, #tpu.memory_space<vmem>>, vector<1x16xf32>,
        %get3A_1627 = vector.shape_cast %get3A_1626 : vector<1x16xf32> to vector<16xf32>
        %mul3A_1628 = vector.broadcast %squeeze3A_1542 : f32 to vector<16xf32>
        %mul3A_1629 = arith.mulf %get3A_1627, %mul3A_1628 : vector<16xf32>
        %swap3A_1630 = arith.index_cast %add3A_1546 : i32 to index
        %swap3A_1631 = arith.constant 112 : index
        %swap3A_1632 = tpu.vector_load %arg9[%swap3A_1630, %swap3A_1631] {strides = array<i32>} : memref<128x128xf32, #tpu.memory_space<vmem>>, vector<1x16xf32>,
        %swap3A_1633 = vector.shape_cast %swap3A_1632 : vector<1x16xf32> to vector<16xf32>
        %swap3A_1634 = vector.shape_cast %mul3A_1629 : vector<16xf32> to vector<1x16xf32>
        tpu.vector_store %arg9[%swap3A_1630, %swap3A_1631], %swap3A_1634 {strides = array<i32>} : memref<128x128xf32, #tpu.memory_space<vmem>>, vector<1x16xf32>,
        %scan3A_1635 = arith.constant 0 : i32
        scf.yield %scan3A_1635 : i32
      }
      %scan3A_126 = arith.constant 8 : i32
      "tpu.region"() ({
        %run_scoped3A = tpu.sem_alloc : memref<!tpu.dma_semaphore, #tpu.memory_space<semaphore_mem>>
        %dma_start3A_128 = arith.constant 0 : i32
        %dma_start3A_129 = arith.constant 0 : i32
        %dma_start3A_130 = tpu.memref_slice %arg10[%dma_start3A_128, %dma_start3A_129] : memref<10240x128xf32, #tpu.memory_space<vmem_shared>> -> memref<10240x128xf32, #tpu.memory_space<vmem_shared>>
        tpu.enqueue_indirect_dma source(%arg9 : memref<128x128xf32, #tpu.memory_space<vmem>>) target(%dma_start3A_130 : memref<10240x128xf32, #tpu.memory_space<vmem_shared>>) offsets(%arg7 : memref<128xi32, #tpu.memory_space<vmem>>) semaphore(%run_scoped3A : memref<!tpu.dma_semaphore, #tpu.memory_space<semaphore_mem>>) {add = true}
        %dma_wait3A_131 = arith.constant 0 : i32
        %dma_wait3A_132 = arith.constant 0 : i32
        %dma_wait3A_133 = tpu.memref_slice %arg10[%dma_wait3A_131, %dma_wait3A_132] : memref<10240x128xf32, #tpu.memory_space<vmem_shared>> -> memref<10240x128xf32, #tpu.memory_space<vmem_shared>>
        tpu.wait_indirect_dma semaphore(%run_scoped3A : memref<!tpu.dma_semaphore, #tpu.memory_space<semaphore_mem>>) src(%arg9 : memref<128x128xf32, #tpu.memory_space<vmem>>) dst(%dma_wait3A_133 : memref<10240x128xf32, #tpu.memory_space<vmem_shared>>)
        tpu.yield
      }) : () -> ()
      %while3A_127 = arith.constant 0 : i32
      scf.yield %while3A_127 : i32
    }
    %barrier3A_83 = arith.constant 0 : index
    tpu.barrier barrier_id(%barrier3A_83)
    %mul3A_84 = arith.constant 640 : i32
    %mul3A_85 = arith.muli %arg1, %mul3A_84 : i32
    %mul3A_86 = arith.constant 640 : i32
    %mul3A_87 = arith.muli %arg1, %mul3A_86 : i32
    "tpu.region"() ({
      %run_scoped3A = tpu.sem_alloc : memref<!tpu.dma_semaphore, #tpu.memory_space<semaphore_mem>>
      %dma_start3A = arith.constant 0 : i32
      %dma_start3A_88 = tpu.memref_slice %arg5[%arg0, %mul3A_87, %dma_start3A] : memref<2x10240x128xf32, #tpu.memory_space<hbm>> -> memref<1x640x128xf32, #tpu.memory_space<hbm>>
      %dma_start3A_89 = tpu.memref_squeeze %dma_start3A_88 : memref<1x640x128xf32, #tpu.memory_space<hbm>> -> memref<640x128xf32, #tpu.memory_space<hbm>>
      %dma_start3A_90 = arith.constant 0 : i32
      %dma_start3A_91 = tpu.memref_slice %arg10[%mul3A_85, %dma_start3A_90] : memref<10240x128xf32, #tpu.memory_space<vmem_shared>> -> memref<640x128xf32, #tpu.memory_space<vmem_shared>>
      tpu.enqueue_dma source(%dma_start3A_91 : memref<640x128xf32, #tpu.memory_space<vmem_shared>>) target(%dma_start3A_89 : memref<640x128xf32, #tpu.memory_space<hbm>>) target_semaphore(%run_scoped3A : memref<!tpu.dma_semaphore, #tpu.memory_space<semaphore_mem>>)
      %dma_wait3A = arith.constant 0 : i32
      %dma_wait3A_92 = tpu.memref_slice %arg5[%arg0, %mul3A_87, %dma_wait3A] : memref<2x10240x128xf32, #tpu.memory_space<hbm>> -> memref<1x640x128xf32, #tpu.memory_space<hbm>>
      %dma_wait3A_93 = tpu.memref_squeeze %dma_wait3A_92 : memref<1x640x128xf32, #tpu.memory_space<hbm>> -> memref<640x128xf32, #tpu.memory_space<hbm>>
      %dma_wait3A_94 = arith.constant 0 : i32
      %dma_wait3A_95 = tpu.memref_slice %arg10[%mul3A_85, %dma_wait3A_94] : memref<10240x128xf32, #tpu.memory_space<vmem_shared>> -> memref<640x128xf32, #tpu.memory_space<vmem_shared>>
      tpu.wait_dma2 semaphore(%run_scoped3A : memref<!tpu.dma_semaphore, #tpu.memory_space<semaphore_mem>>) src(%dma_wait3A_95 : memref<640x128xf32, #tpu.memory_space<vmem_shared>>) dst(%dma_wait3A_93 : memref<640x128xf32, #tpu.memory_space<hbm>>)
      tpu.yield
    }) : () -> ()
    return
  }
}

#map = affine_map<(d0, d1) -> (0)>
#map1 = affine_map<(d0, d1) -> (0, 0)>
module attributes {stable_mosaic.version = 14 : i64} {
  func.func @k(%arg0: i32, %arg1: i32, %arg2: memref<327680xi32, #tpu.memory_space<hbm>>, %arg3: memref<327680xf32, #tpu.memory_space<hbm>>, %arg4: memref<2x10240xf32, #tpu.memory_space<hbm>>, %arg5: memref<128xi32, #tpu.memory_space<vmem>>, %arg6: memref<128xi32, #tpu.memory_space<vmem>>, %arg7: memref<128xf32, #tpu.memory_space<vmem>>, %arg8: memref<128xf32, #tpu.memory_space<vmem>>, %arg9: memref<128xi32, #tpu.memory_space<vmem>>, %arg10: memref<128xi32, #tpu.memory_space<vmem>>, %arg11: memref<640xf32, #tpu.memory_space<vmem>>, %arg12: memref<10240xf32, #tpu.memory_space<vmem_shared>>, %arg13: memref<!tpu.dma_semaphore, #tpu.memory_space<semaphore_mem>>, %arg14: memref<!tpu.dma_semaphore, #tpu.memory_space<semaphore_mem>>, %arg15: memref<!tpu.dma_semaphore, #tpu.memory_space<semaphore_mem>>) attributes {dimension_semantics = [#tpu.dimension_semantics<core_parallel>, #tpu.dimension_semantics<subcore_parallel>], iteration_bounds = array<i64: 2, 16>, scalar_prefetch = 0 : i64, scratch_operands = 11 : i64, tpu.core_type = #tpu.core_type<sc_vector_subcore>, window_params = [{transform_indices = #map}, {transform_indices = #map}, {transform_indices = #map1}]} {
    %mul3A = arith.constant 2 : i32
    %mul3A_0 = arith.muli %arg1, %mul3A : i32
    %add3A = arith.addi %mul3A_0, %arg0 : i32
    %mul3A_1 = arith.constant 80 : i32
    %mul3A_2 = arith.muli %add3A, %mul3A_1 : i32
    %mul3A_3 = arith.constant 128 : i32
    %mul3A_4 = arith.muli %mul3A_2, %mul3A_3 : i32
    %scan3A = arith.constant 0 : i32
    %scan3A_5 = arith.constant 0 : i32
    %scan3A_6 = arith.constant 40 : i32
    %scan3A_7 = arith.addi %scan3A_5, %scan3A_6 : i32
    %scan3A_8 = arith.constant 1 : i32
    %scan3A_9 = scf.for %scan3A_39 = %scan3A_5 to %scan3A_7 step %scan3A_8 iter_args(%scan3A_40 = %scan3A) -> (i32)  : i32 {
      %broadcast_in_dim3A = arith.constant 0.000000e+00 : f32
      %broadcast_in_dim3A_41 = vector.broadcast %broadcast_in_dim3A : f32 to vector<16xf32>
      %mul3A_42 = arith.constant 16 : i32
      %mul3A_43 = arith.muli %scan3A_39, %mul3A_42 : i32
      %swap3A = arith.index_cast %mul3A_43 : i32 to index
      %swap3A_44 = tpu.vector_load %arg11[%swap3A] {strides = array<i32>} : memref<640xf32, #tpu.memory_space<vmem>>, vector<16xf32>,
      %swap3A_45 = vector.shape_cast %swap3A_44 : vector<16xf32> to vector<16xf32>
      %swap3A_46 = vector.shape_cast %broadcast_in_dim3A_41 : vector<16xf32> to vector<16xf32>
      tpu.vector_store %arg11[%swap3A], %swap3A_46 {strides = array<i32>} : memref<640xf32, #tpu.memory_space<vmem>>, vector<16xf32>,
      %scan3A_47 = arith.constant 0 : i32
      scf.yield %scan3A_47 : i32
    }
    %scan3A_10 = arith.constant 40 : i32
    %mul3A_11 = arith.constant 640 : i32
    %mul3A_12 = arith.muli %arg1, %mul3A_11 : i32
    "tpu.region"() ({
      %run_scoped3A = tpu.sem_alloc : memref<!tpu.dma_semaphore, #tpu.memory_space<semaphore_mem>>
      %dma_start3A_39 = tpu.memref_slice %arg12[%mul3A_12] : memref<10240xf32, #tpu.memory_space<vmem_shared>> -> memref<640xf32, #tpu.memory_space<vmem_shared>>
      %dma_start3A_40 = tpu.memref_slice %arg12[%mul3A_12] : memref<10240xf32, #tpu.memory_space<vmem_shared>> -> memref<640xf32, #tpu.memory_space<vmem_shared>>
      tpu.enqueue_dma source(%arg11 : memref<640xf32, #tpu.memory_space<vmem>>) target(%dma_start3A_40 : memref<640xf32, #tpu.memory_space<vmem_shared>>) target_semaphore(%run_scoped3A : memref<!tpu.dma_semaphore, #tpu.memory_space<semaphore_mem>>)
      %dma_wait3A = tpu.memref_slice %arg12[%mul3A_12] : memref<10240xf32, #tpu.memory_space<vmem_shared>> -> memref<640xf32, #tpu.memory_space<vmem_shared>>
      %dma_wait3A_41 = tpu.memref_slice %arg12[%mul3A_12] : memref<10240xf32, #tpu.memory_space<vmem_shared>> -> memref<640xf32, #tpu.memory_space<vmem_shared>>
      tpu.wait_dma2 semaphore(%run_scoped3A : memref<!tpu.dma_semaphore, #tpu.memory_space<semaphore_mem>>) src(%arg11 : memref<640xf32, #tpu.memory_space<vmem>>) dst(%dma_wait3A_41 : memref<640xf32, #tpu.memory_space<vmem_shared>>)
      tpu.yield
    }) : () -> ()
    "tpu.region"() ({
      %run_scoped3A = tpu.sem_alloc : memref<!tpu.dma_semaphore, #tpu.memory_space<semaphore_mem>>
      %dma_start3A_39 = tpu.memref_slice %arg2[%mul3A_4] : memref<327680xi32, #tpu.memory_space<hbm>> -> memref<128xi32, #tpu.memory_space<hbm>>
      %dma_start3A_40 = tpu.memref_slice %arg2[%mul3A_4] : memref<327680xi32, #tpu.memory_space<hbm>> -> memref<128xi32, #tpu.memory_space<hbm>>
      tpu.enqueue_dma source(%dma_start3A_40 : memref<128xi32, #tpu.memory_space<hbm>>) target(%arg5 : memref<128xi32, #tpu.memory_space<vmem>>) target_semaphore(%run_scoped3A : memref<!tpu.dma_semaphore, #tpu.memory_space<semaphore_mem>>)
      %dma_wait3A = tpu.memref_slice %arg2[%mul3A_4] : memref<327680xi32, #tpu.memory_space<hbm>> -> memref<128xi32, #tpu.memory_space<hbm>>
      %dma_wait3A_41 = tpu.memref_slice %arg2[%mul3A_4] : memref<327680xi32, #tpu.memory_space<hbm>> -> memref<128xi32, #tpu.memory_space<hbm>>
      tpu.wait_dma2 semaphore(%run_scoped3A : memref<!tpu.dma_semaphore, #tpu.memory_space<semaphore_mem>>) src(%dma_wait3A_41 : memref<128xi32, #tpu.memory_space<hbm>>) dst(%arg5 : memref<128xi32, #tpu.memory_space<vmem>>)
      tpu.yield
    }) : () -> ()
    "tpu.region"() ({
      %run_scoped3A = tpu.sem_alloc : memref<!tpu.dma_semaphore, #tpu.memory_space<semaphore_mem>>
      %dma_start3A_39 = tpu.memref_slice %arg3[%mul3A_4] : memref<327680xf32, #tpu.memory_space<hbm>> -> memref<128xf32, #tpu.memory_space<hbm>>
      %dma_start3A_40 = tpu.memref_slice %arg3[%mul3A_4] : memref<327680xf32, #tpu.memory_space<hbm>> -> memref<128xf32, #tpu.memory_space<hbm>>
      tpu.enqueue_dma source(%dma_start3A_40 : memref<128xf32, #tpu.memory_space<hbm>>) target(%arg7 : memref<128xf32, #tpu.memory_space<vmem>>) target_semaphore(%run_scoped3A : memref<!tpu.dma_semaphore, #tpu.memory_space<semaphore_mem>>)
      %dma_wait3A = tpu.memref_slice %arg3[%mul3A_4] : memref<327680xf32, #tpu.memory_space<hbm>> -> memref<128xf32, #tpu.memory_space<hbm>>
      %dma_wait3A_41 = tpu.memref_slice %arg3[%mul3A_4] : memref<327680xf32, #tpu.memory_space<hbm>> -> memref<128xf32, #tpu.memory_space<hbm>>
      tpu.wait_dma2 semaphore(%run_scoped3A : memref<!tpu.dma_semaphore, #tpu.memory_space<semaphore_mem>>) src(%dma_wait3A_41 : memref<128xf32, #tpu.memory_space<hbm>>) dst(%arg7 : memref<128xf32, #tpu.memory_space<vmem>>)
      tpu.yield
    }) : () -> ()
    %add3A_13 = arith.constant 128 : i32
    %add3A_14 = arith.addi %mul3A_4, %add3A_13 : i32
    %dma_start3A = tpu.memref_slice %arg2[%add3A_14] : memref<327680xi32, #tpu.memory_space<hbm>> -> memref<128xi32, #tpu.memory_space<hbm>>
    %dma_start3A_15 = tpu.memref_slice %arg2[%add3A_14] : memref<327680xi32, #tpu.memory_space<hbm>> -> memref<128xi32, #tpu.memory_space<hbm>>
    tpu.enqueue_dma source(%dma_start3A_15 : memref<128xi32, #tpu.memory_space<hbm>>) target(%arg6 : memref<128xi32, #tpu.memory_space<vmem>>) target_semaphore(%arg15 : memref<!tpu.dma_semaphore, #tpu.memory_space<semaphore_mem>>)
    %add3A_16 = arith.constant 128 : i32
    %add3A_17 = arith.addi %mul3A_4, %add3A_16 : i32
    %dma_start3A_18 = tpu.memref_slice %arg3[%add3A_17] : memref<327680xf32, #tpu.memory_space<hbm>> -> memref<128xf32, #tpu.memory_space<hbm>>
    %dma_start3A_19 = tpu.memref_slice %arg3[%add3A_17] : memref<327680xf32, #tpu.memory_space<hbm>> -> memref<128xf32, #tpu.memory_space<hbm>>
    tpu.enqueue_dma source(%dma_start3A_19 : memref<128xf32, #tpu.memory_space<hbm>>) target(%arg8 : memref<128xf32, #tpu.memory_space<vmem>>) target_semaphore(%arg15 : memref<!tpu.dma_semaphore, #tpu.memory_space<semaphore_mem>>)
    %scan3A_20 = arith.constant 0 : i32
    %scan3A_21 = arith.constant 0 : i32
    %scan3A_22 = arith.constant 8 : i32
    %scan3A_23 = arith.addi %scan3A_21, %scan3A_22 : i32
    %scan3A_24 = arith.constant 1 : i32
    %scan3A_25 = scf.for %scan3A_39 = %scan3A_21 to %scan3A_23 step %scan3A_24 iter_args(%scan3A_40 = %scan3A_20) -> (i32)  : i32 {
      %mul3A_41 = arith.constant 16 : i32
      %mul3A_42 = arith.muli %scan3A_39, %mul3A_41 : i32
      %get3A = arith.index_cast %mul3A_42 : i32 to index
      %get3A_43 = tpu.vector_load %arg5[%get3A] {strides = array<i32>} : memref<128xi32, #tpu.memory_space<vmem>>, vector<16xi32>,
      %get3A_44 = vector.shape_cast %get3A_43 : vector<16xi32> to vector<16xi32>
      %shift_right_logical3A = arith.constant 16 : i32
      %shift_right_logical3A_45 = vector.broadcast %shift_right_logical3A : i32 to vector<16xi32>
      %shift_right_logical3A_46 = arith.shrui %get3A_44, %shift_right_logical3A_45 : vector<16xi32>
      %mul3A_47 = arith.constant 16 : i32
      %mul3A_48 = arith.muli %scan3A_39, %mul3A_47 : i32
      %swap3A = arith.index_cast %mul3A_48 : i32 to index
      %swap3A_49 = tpu.vector_load %arg9[%swap3A] {strides = array<i32>} : memref<128xi32, #tpu.memory_space<vmem>>, vector<16xi32>,
      %swap3A_50 = vector.shape_cast %swap3A_49 : vector<16xi32> to vector<16xi32>
      %swap3A_51 = vector.shape_cast %shift_right_logical3A_46 : vector<16xi32> to vector<16xi32>
      tpu.vector_store %arg9[%swap3A], %swap3A_51 {strides = array<i32>} : memref<128xi32, #tpu.memory_space<vmem>>, vector<16xi32>,
      %scan3A_52 = arith.constant 0 : i32
      scf.yield %scan3A_52 : i32
    }
    %scan3A_26 = arith.constant 8 : i32
    %barrier3A = arith.constant 0 : index
    tpu.barrier barrier_id(%barrier3A)
    %scan3A_27 = arith.constant 0 : i32
    %scan3A_28 = arith.constant 0 : i32
    %scan3A_29 = arith.constant 40 : i32
    %scan3A_30 = arith.addi %scan3A_28, %scan3A_29 : i32
    %scan3A_31 = arith.constant 1 : i32
    %scan3A_32 = scf.for %scan3A_39 = %scan3A_28 to %scan3A_30 step %scan3A_31 iter_args(%scan3A_40 = %scan3A_27) -> (i32)  : i32 {
      %mul3A_41 = arith.constant 2 : i32
      %mul3A_42 = arith.muli %mul3A_41, %scan3A_39 : i32
      %mul3A_43 = arith.constant 2 : i32
      %mul3A_44 = arith.muli %mul3A_43, %scan3A_39 : i32
      %add3A_45 = arith.constant 1 : i32
      %add3A_46 = arith.addi %mul3A_44, %add3A_45 : i32
      %dma_start3A_47 = arith.constant 0 : i32
      %dma_start3A_48 = tpu.memref_slice %arg12[%dma_start3A_47] : memref<10240xf32, #tpu.memory_space<vmem_shared>> -> memref<10240xf32, #tpu.memory_space<vmem_shared>>
      tpu.enqueue_indirect_dma source(%arg7 : memref<128xf32, #tpu.memory_space<vmem>>) target(%dma_start3A_48 : memref<10240xf32, #tpu.memory_space<vmem_shared>>) offsets(%arg9 : memref<128xi32, #tpu.memory_space<vmem>>) semaphore(%arg13 : memref<!tpu.dma_semaphore, #tpu.memory_space<semaphore_mem>>) {add = true}
      %mul3A_49 = arith.constant 128 : i32
      %mul3A_50 = arith.muli %add3A_46, %mul3A_49 : i32
      %add3A_51 = arith.addi %mul3A_4, %mul3A_50 : i32
      %dma_wait3A = tpu.memref_slice %arg2[%add3A_51] : memref<327680xi32, #tpu.memory_space<hbm>> -> memref<128xi32, #tpu.memory_space<hbm>>
      %dma_wait3A_52 = tpu.memref_slice %arg2[%add3A_51] : memref<327680xi32, #tpu.memory_space<hbm>> -> memref<128xi32, #tpu.memory_space<hbm>>
      tpu.wait_dma2 semaphore(%arg15 : memref<!tpu.dma_semaphore, #tpu.memory_space<semaphore_mem>>) src(%dma_wait3A_52 : memref<128xi32, #tpu.memory_space<hbm>>) dst(%arg6 : memref<128xi32, #tpu.memory_space<vmem>>)
      %mul3A_53 = arith.constant 128 : i32
      %mul3A_54 = arith.muli %add3A_46, %mul3A_53 : i32
      %add3A_55 = arith.addi %mul3A_4, %mul3A_54 : i32
      %dma_wait3A_56 = tpu.memref_slice %arg3[%add3A_55] : memref<327680xf32, #tpu.memory_space<hbm>> -> memref<128xf32, #tpu.memory_space<hbm>>
      %dma_wait3A_57 = tpu.memref_slice %arg3[%add3A_55] : memref<327680xf32, #tpu.memory_space<hbm>> -> memref<128xf32, #tpu.memory_space<hbm>>
      tpu.wait_dma2 semaphore(%arg15 : memref<!tpu.dma_semaphore, #tpu.memory_space<semaphore_mem>>) src(%dma_wait3A_57 : memref<128xf32, #tpu.memory_space<hbm>>) dst(%arg8 : memref<128xf32, #tpu.memory_space<vmem>>)
      %scan3A_58 = arith.constant 0 : i32
      %scan3A_59 = arith.constant 0 : i32
      %scan3A_60 = arith.constant 8 : i32
      %scan3A_61 = arith.addi %scan3A_59, %scan3A_60 : i32
      %scan3A_62 = arith.constant 1 : i32
      %scan3A_63 = scf.for %scan3A_79 = %scan3A_59 to %scan3A_61 step %scan3A_62 iter_args(%scan3A_80 = %scan3A_58) -> (i32)  : i32 {
        %mul3A_81 = arith.constant 16 : i32
        %mul3A_82 = arith.muli %scan3A_79, %mul3A_81 : i32
        %get3A = arith.index_cast %mul3A_82 : i32 to index
        %get3A_83 = tpu.vector_load %arg6[%get3A] {strides = array<i32>} : memref<128xi32, #tpu.memory_space<vmem>>, vector<16xi32>,
        %get3A_84 = vector.shape_cast %get3A_83 : vector<16xi32> to vector<16xi32>
        %shift_right_logical3A = arith.constant 16 : i32
        %shift_right_logical3A_85 = vector.broadcast %shift_right_logical3A : i32 to vector<16xi32>
        %shift_right_logical3A_86 = arith.shrui %get3A_84, %shift_right_logical3A_85 : vector<16xi32>
        %mul3A_87 = arith.constant 16 : i32
        %mul3A_88 = arith.muli %scan3A_79, %mul3A_87 : i32
        %swap3A = arith.index_cast %mul3A_88 : i32 to index
        %swap3A_89 = tpu.vector_load %arg10[%swap3A] {strides = array<i32>} : memref<128xi32, #tpu.memory_space<vmem>>, vector<16xi32>,
        %swap3A_90 = vector.shape_cast %swap3A_89 : vector<16xi32> to vector<16xi32>
        %swap3A_91 = vector.shape_cast %shift_right_logical3A_86 : vector<16xi32> to vector<16xi32>
        tpu.vector_store %arg10[%swap3A], %swap3A_91 {strides = array<i32>} : memref<128xi32, #tpu.memory_space<vmem>>, vector<16xi32>,
        %scan3A_92 = arith.constant 0 : i32
        scf.yield %scan3A_92 : i32
      }
      %scan3A_64 = arith.constant 8 : i32
      %dma_start3A_65 = arith.constant 0 : i32
      %dma_start3A_66 = tpu.memref_slice %arg12[%dma_start3A_65] : memref<10240xf32, #tpu.memory_space<vmem_shared>> -> memref<10240xf32, #tpu.memory_space<vmem_shared>>
      tpu.enqueue_indirect_dma source(%arg8 : memref<128xf32, #tpu.memory_space<vmem>>) target(%dma_start3A_66 : memref<10240xf32, #tpu.memory_space<vmem_shared>>) offsets(%arg10 : memref<128xi32, #tpu.memory_space<vmem>>) semaphore(%arg13 : memref<!tpu.dma_semaphore, #tpu.memory_space<semaphore_mem>>) {add = true}
      %dma_wait3A_67 = arith.constant 0 : i32
      %dma_wait3A_68 = tpu.memref_slice %arg12[%dma_wait3A_67] : memref<10240xf32, #tpu.memory_space<vmem_shared>> -> memref<10240xf32, #tpu.memory_space<vmem_shared>>
      tpu.wait_indirect_dma semaphore(%arg13 : memref<!tpu.dma_semaphore, #tpu.memory_space<semaphore_mem>>) src(%arg7 : memref<128xf32, #tpu.memory_space<vmem>>) dst(%dma_wait3A_68 : memref<10240xf32, #tpu.memory_space<vmem_shared>>)
      %lt3A = arith.constant 39 : i32
      %lt3A_69 = arith.cmpi slt, %scan3A_39, %lt3A : i32
      %convert_element_type3A = arith.extui %lt3A_69 : i1 to i32
      %cond3A = arith.constant 0 : i32
      %cond3A_70 = arith.cmpi ne, %convert_element_type3A, %cond3A : i32
      scf.if %cond3A_70 {
        %add3A_79 = arith.constant 2 : i32
        %add3A_80 = arith.addi %mul3A_42, %add3A_79 : i32
        %mul3A_81 = arith.constant 128 : i32
        %mul3A_82 = arith.muli %add3A_80, %mul3A_81 : i32
        %add3A_83 = arith.addi %mul3A_4, %mul3A_82 : i32
        %dma_start3A_84 = tpu.memref_slice %arg2[%add3A_83] : memref<327680xi32, #tpu.memory_space<hbm>> -> memref<128xi32, #tpu.memory_space<hbm>>
        %dma_start3A_85 = tpu.memref_slice %arg2[%add3A_83] : memref<327680xi32, #tpu.memory_space<hbm>> -> memref<128xi32, #tpu.memory_space<hbm>>
        tpu.enqueue_dma source(%dma_start3A_85 : memref<128xi32, #tpu.memory_space<hbm>>) target(%arg5 : memref<128xi32, #tpu.memory_space<vmem>>) target_semaphore(%arg14 : memref<!tpu.dma_semaphore, #tpu.memory_space<semaphore_mem>>)
        %mul3A_86 = arith.constant 128 : i32
        %mul3A_87 = arith.muli %add3A_80, %mul3A_86 : i32
        %add3A_88 = arith.addi %mul3A_4, %mul3A_87 : i32
        %dma_start3A_89 = tpu.memref_slice %arg3[%add3A_88] : memref<327680xf32, #tpu.memory_space<hbm>> -> memref<128xf32, #tpu.memory_space<hbm>>
        %dma_start3A_90 = tpu.memref_slice %arg3[%add3A_88] : memref<327680xf32, #tpu.memory_space<hbm>> -> memref<128xf32, #tpu.memory_space<hbm>>
        tpu.enqueue_dma source(%dma_start3A_90 : memref<128xf32, #tpu.memory_space<hbm>>) target(%arg7 : memref<128xf32, #tpu.memory_space<vmem>>) target_semaphore(%arg14 : memref<!tpu.dma_semaphore, #tpu.memory_space<semaphore_mem>>)
      } else {
      }
      %dma_wait3A_71 = arith.constant 0 : i32
      %dma_wait3A_72 = tpu.memref_slice %arg12[%dma_wait3A_71] : memref<10240xf32, #tpu.memory_space<vmem_shared>> -> memref<10240xf32, #tpu.memory_space<vmem_shared>>
      tpu.wait_indirect_dma semaphore(%arg13 : memref<!tpu.dma_semaphore, #tpu.memory_space<semaphore_mem>>) src(%arg8 : memref<128xf32, #tpu.memory_space<vmem>>) dst(%dma_wait3A_72 : memref<10240xf32, #tpu.memory_space<vmem_shared>>)
      %lt3A_73 = arith.constant 39 : i32
      %lt3A_74 = arith.cmpi slt, %scan3A_39, %lt3A_73 : i32
      %convert_element_type3A_75 = arith.extui %lt3A_74 : i1 to i32
      %cond3A_76 = arith.constant 0 : i32
      %cond3A_77 = arith.cmpi ne, %convert_element_type3A_75, %cond3A_76 : i32
      scf.if %cond3A_77 {
        %add3A_79 = arith.constant 2 : i32
        %add3A_80 = arith.addi %mul3A_42, %add3A_79 : i32
        %mul3A_81 = arith.constant 128 : i32
        %mul3A_82 = arith.muli %add3A_80, %mul3A_81 : i32
        %add3A_83 = arith.addi %mul3A_4, %mul3A_82 : i32
        %dma_wait3A_84 = tpu.memref_slice %arg2[%add3A_83] : memref<327680xi32, #tpu.memory_space<hbm>> -> memref<128xi32, #tpu.memory_space<hbm>>
        %dma_wait3A_85 = tpu.memref_slice %arg2[%add3A_83] : memref<327680xi32, #tpu.memory_space<hbm>> -> memref<128xi32, #tpu.memory_space<hbm>>
        tpu.wait_dma2 semaphore(%arg14 : memref<!tpu.dma_semaphore, #tpu.memory_space<semaphore_mem>>) src(%dma_wait3A_85 : memref<128xi32, #tpu.memory_space<hbm>>) dst(%arg5 : memref<128xi32, #tpu.memory_space<vmem>>)
        %mul3A_86 = arith.constant 128 : i32
        %mul3A_87 = arith.muli %add3A_80, %mul3A_86 : i32
        %add3A_88 = arith.addi %mul3A_4, %mul3A_87 : i32
        %dma_wait3A_89 = tpu.memref_slice %arg3[%add3A_88] : memref<327680xf32, #tpu.memory_space<hbm>> -> memref<128xf32, #tpu.memory_space<hbm>>
        %dma_wait3A_90 = tpu.memref_slice %arg3[%add3A_88] : memref<327680xf32, #tpu.memory_space<hbm>> -> memref<128xf32, #tpu.memory_space<hbm>>
        tpu.wait_dma2 semaphore(%arg14 : memref<!tpu.dma_semaphore, #tpu.memory_space<semaphore_mem>>) src(%dma_wait3A_90 : memref<128xf32, #tpu.memory_space<hbm>>) dst(%arg7 : memref<128xf32, #tpu.memory_space<vmem>>)
        %scan3A_91 = arith.constant 0 : i32
        %scan3A_92 = arith.constant 0 : i32
        %scan3A_93 = arith.constant 8 : i32
        %scan3A_94 = arith.addi %scan3A_92, %scan3A_93 : i32
        %scan3A_95 = arith.constant 1 : i32
        %scan3A_96 = scf.for %scan3A_110 = %scan3A_92 to %scan3A_94 step %scan3A_95 iter_args(%scan3A_111 = %scan3A_91) -> (i32)  : i32 {
          %mul3A_112 = arith.constant 16 : i32
          %mul3A_113 = arith.muli %scan3A_110, %mul3A_112 : i32
          %get3A = arith.index_cast %mul3A_113 : i32 to index
          %get3A_114 = tpu.vector_load %arg5[%get3A] {strides = array<i32>} : memref<128xi32, #tpu.memory_space<vmem>>, vector<16xi32>,
          %get3A_115 = vector.shape_cast %get3A_114 : vector<16xi32> to vector<16xi32>
          %shift_right_logical3A = arith.constant 16 : i32
          %shift_right_logical3A_116 = vector.broadcast %shift_right_logical3A : i32 to vector<16xi32>
          %shift_right_logical3A_117 = arith.shrui %get3A_115, %shift_right_logical3A_116 : vector<16xi32>
          %mul3A_118 = arith.constant 16 : i32
          %mul3A_119 = arith.muli %scan3A_110, %mul3A_118 : i32
          %swap3A = arith.index_cast %mul3A_119 : i32 to index
          %swap3A_120 = tpu.vector_load %arg9[%swap3A] {strides = array<i32>} : memref<128xi32, #tpu.memory_space<vmem>>, vector<16xi32>,
          %swap3A_121 = vector.shape_cast %swap3A_120 : vector<16xi32> to vector<16xi32>
          %swap3A_122 = vector.shape_cast %shift_right_logical3A_117 : vector<16xi32> to vector<16xi32>
          tpu.vector_store %arg9[%swap3A], %swap3A_122 {strides = array<i32>} : memref<128xi32, #tpu.memory_space<vmem>>, vector<16xi32>,
          %scan3A_123 = arith.constant 0 : i32
          scf.yield %scan3A_123 : i32
        }
        %scan3A_97 = arith.constant 8 : i32
        %add3A_98 = arith.constant 2 : i32
        %add3A_99 = arith.addi %add3A_46, %add3A_98 : i32
        %mul3A_100 = arith.constant 128 : i32
        %mul3A_101 = arith.muli %add3A_99, %mul3A_100 : i32
        %add3A_102 = arith.addi %mul3A_4, %mul3A_101 : i32
        %dma_start3A_103 = tpu.memref_slice %arg2[%add3A_102] : memref<327680xi32, #tpu.memory_space<hbm>> -> memref<128xi32, #tpu.memory_space<hbm>>
        %dma_start3A_104 = tpu.memref_slice %arg2[%add3A_102] : memref<327680xi32, #tpu.memory_space<hbm>> -> memref<128xi32, #tpu.memory_space<hbm>>
        tpu.enqueue_dma source(%dma_start3A_104 : memref<128xi32, #tpu.memory_space<hbm>>) target(%arg6 : memref<128xi32, #tpu.memory_space<vmem>>) target_semaphore(%arg15 : memref<!tpu.dma_semaphore, #tpu.memory_space<semaphore_mem>>)
        %mul3A_105 = arith.constant 128 : i32
        %mul3A_106 = arith.muli %add3A_99, %mul3A_105 : i32
        %add3A_107 = arith.addi %mul3A_4, %mul3A_106 : i32
        %dma_start3A_108 = tpu.memref_slice %arg3[%add3A_107] : memref<327680xf32, #tpu.memory_space<hbm>> -> memref<128xf32, #tpu.memory_space<hbm>>
        %dma_start3A_109 = tpu.memref_slice %arg3[%add3A_107] : memref<327680xf32, #tpu.memory_space<hbm>> -> memref<128xf32, #tpu.memory_space<hbm>>
        tpu.enqueue_dma source(%dma_start3A_109 : memref<128xf32, #tpu.memory_space<hbm>>) target(%arg8 : memref<128xf32, #tpu.memory_space<vmem>>) target_semaphore(%arg15 : memref<!tpu.dma_semaphore, #tpu.memory_space<semaphore_mem>>)
      } else {
      }
      %scan3A_78 = arith.constant 0 : i32
      scf.yield %scan3A_78 : i32
    }
    %scan3A_33 = arith.constant 40 : i32
    %barrier3A_34 = arith.constant 0 : index
    tpu.barrier barrier_id(%barrier3A_34)
    %mul3A_35 = arith.constant 640 : i32
    %mul3A_36 = arith.muli %arg1, %mul3A_35 : i32
    %mul3A_37 = arith.constant 640 : i32
    %mul3A_38 = arith.muli %arg1, %mul3A_37 : i32
    "tpu.region"() ({
      %run_scoped3A = tpu.sem_alloc : memref<!tpu.dma_semaphore, #tpu.memory_space<semaphore_mem>>
      %dma_start3A_39 = tpu.memref_slice %arg4[%arg0, %mul3A_38] : memref<2x10240xf32, #tpu.memory_space<hbm>> -> memref<1x640xf32, #tpu.memory_space<hbm>>
      %dma_start3A_40 = tpu.memref_squeeze %dma_start3A_39 : memref<1x640xf32, #tpu.memory_space<hbm>> -> memref<640xf32, #tpu.memory_space<hbm>>
      %dma_start3A_41 = tpu.memref_slice %arg12[%mul3A_36] : memref<10240xf32, #tpu.memory_space<vmem_shared>> -> memref<640xf32, #tpu.memory_space<vmem_shared>>
      tpu.enqueue_dma source(%dma_start3A_41 : memref<640xf32, #tpu.memory_space<vmem_shared>>) target(%dma_start3A_40 : memref<640xf32, #tpu.memory_space<hbm>>) target_semaphore(%run_scoped3A : memref<!tpu.dma_semaphore, #tpu.memory_space<semaphore_mem>>)
      %dma_wait3A = tpu.memref_slice %arg4[%arg0, %mul3A_38] : memref<2x10240xf32, #tpu.memory_space<hbm>> -> memref<1x640xf32, #tpu.memory_space<hbm>>
      %dma_wait3A_42 = tpu.memref_squeeze %dma_wait3A : memref<1x640xf32, #tpu.memory_space<hbm>> -> memref<640xf32, #tpu.memory_space<hbm>>
      %dma_wait3A_43 = tpu.memref_slice %arg12[%mul3A_36] : memref<10240xf32, #tpu.memory_space<vmem_shared>> -> memref<640xf32, #tpu.memory_space<vmem_shared>>
      tpu.wait_dma2 semaphore(%run_scoped3A : memref<!tpu.dma_semaphore, #tpu.memory_space<semaphore_mem>>) src(%dma_wait3A_43 : memref<640xf32, #tpu.memory_space<vmem_shared>>) dst(%dma_wait3A_42 : memref<640xf32, #tpu.memory_space<hbm>>)
      tpu.yield
    }) : () -> ()
    return
  }
}

module attributes {stable_mosaic.version = 14 : i64} {
  func.func @body(%arg0: memref<2x10240xf32, #tpu.memory_space<vmem>>, %arg1: memref<10000x128xf32, #tpu.memory_space<vmem>>, %arg2: memref<10240x1xf32, #tpu.memory_space<vmem>>, %arg3: memref<10000x128xf32, #tpu.memory_space<vmem>>) attributes {dimension_semantics = [], scalar_prefetch = 0 : i64, scratch_operands = 0 : i64, tpu.core_type = #tpu.core_type<tc>} {
    %get3A = arith.constant 0 : index
    %get3A_0 = arith.constant 0 : index
    %get3A_1 = vector.load %arg0[%get3A, %get3A_0] : memref<2x10240xf32, #tpu.memory_space<vmem>>, vector<1x10240xf32>
    %get3A_2 = vector.shape_cast %get3A_1 : vector<1x10240xf32> to vector<10240xf32>
    %get3A_3 = arith.constant 1 : index
    %get3A_4 = arith.constant 0 : index
    %get3A_5 = vector.load %arg0[%get3A_3, %get3A_4] : memref<2x10240xf32, #tpu.memory_space<vmem>>, vector<1x10240xf32>
    %get3A_6 = vector.shape_cast %get3A_5 : vector<1x10240xf32> to vector<10240xf32>
    %add3A = arith.addf %get3A_2, %get3A_6 : vector<10240xf32>
    %add3A_7 = arith.constant 1.000000e+00 : f32
    %add3A_8 = vector.broadcast %add3A_7 : f32 to vector<10240xf32>
    %add3A_9 = arith.addf %add3A, %add3A_8 : vector<10240xf32>
    %rsqrt3A = math.rsqrt %add3A_9 : vector<10240xf32>
    %broadcast_in_dim3A = vector.shape_cast %rsqrt3A : vector<10240xf32> to vector<10240x1xf32>
    %swap3A = arith.constant 0 : index
    %swap3A_10 = arith.constant 0 : index
    %swap3A_11 = vector.load %arg2[%swap3A, %swap3A_10] : memref<10240x1xf32, #tpu.memory_space<vmem>>, vector<10240x1xf32>
    tpu.vector_store %arg2[%swap3A, %swap3A_10], %broadcast_in_dim3A {strides = array<i32>} : memref<10240x1xf32, #tpu.memory_space<vmem>>, vector<10240x1xf32>,
    %get3A_12 = arith.constant 0 : index
    %get3A_13 = arith.constant 0 : index
    %get3A_14 = vector.load %arg1[%get3A_12, %get3A_13] : memref<10000x128xf32, #tpu.memory_space<vmem>>, vector<10000x128xf32>
    %slice3A = vector.extract_strided_slice %rsqrt3A {offsets = [0], sizes = [10000], strides = [1]} : vector<10240xf32> to vector<10000xf32>
    %broadcast_in_dim3A_15 = vector.shape_cast %slice3A : vector<10000xf32> to vector<10000x1xf32>
    %mul3A = vector.broadcast %broadcast_in_dim3A_15 : vector<10000x1xf32> to vector<10000x128xf32>
    %mul3A_16 = arith.mulf %get3A_14, %mul3A : vector<10000x128xf32>
    %swap3A_17 = arith.constant 0 : index
    %swap3A_18 = arith.constant 0 : index
    %swap3A_19 = vector.load %arg3[%swap3A_17, %swap3A_18] : memref<10000x128xf32, #tpu.memory_space<vmem>>, vector<10000x128xf32>
    tpu.vector_store %arg3[%swap3A_17, %swap3A_18], %mul3A_16 {strides = array<i32>} : memref<10000x128xf32, #tpu.memory_space<vmem>>, vector<10000x128xf32>,
    return
  }
}

module attributes {stable_mosaic.version = 14 : i64} {
  func.func @body(%arg0: i32, %arg1: memref<1000x128xf32, #tpu.memory_space<vmem>>, %arg2: memref<1000x128xf32, #tpu.memory_space<vmem>>, %arg3: memref<1000x128xf32, #tpu.memory_space<vmem>>, %arg4: memref<1000x1xf32, #tpu.memory_space<vmem>>, %arg5: memref<128x128xf32, #tpu.memory_space<vmem>>, %arg6: memref<1x128xf32, #tpu.memory_space<vmem>>, %arg7: memref<128x128xf32, #tpu.memory_space<vmem>>, %arg8: memref<1x128xf32, #tpu.memory_space<vmem>>, %arg9: memref<128x1xf32, #tpu.memory_space<vmem>>, %arg10: memref<1x1xf32, #tpu.memory_space<vmem>>, %arg11: memref<1000x1xf32, #tpu.memory_space<vmem>>, %arg12: memref<1000x128xf32, #tpu.memory_space<vmem>>) attributes {dimension_semantics = [#tpu.dimension_semantics<arbitrary>], iteration_bounds = array<i64: 10>, scalar_prefetch = 0 : i64, scratch_operands = 0 : i64, tpu.core_type = #tpu.core_type<tc>, window_params = [{transform_indices = @transform_0, window_bounds = array<i64: 1000, 128>}, {transform_indices = @transform_1, window_bounds = array<i64: 1000, 128>}, {transform_indices = @transform_2, window_bounds = array<i64: 1000, 128>}, {transform_indices = @transform_3, window_bounds = array<i64: 1000, 1>}, {pipeline_mode = #tpu.pipeline_mode<synchronous>, transform_indices = @transform_4, window_bounds = array<i64: 128, 128>}, {pipeline_mode = #tpu.pipeline_mode<synchronous>, transform_indices = @transform_5, window_bounds = array<i64: 1, 128>}, {pipeline_mode = #tpu.pipeline_mode<synchronous>, transform_indices = @transform_6, window_bounds = array<i64: 128, 128>}, {pipeline_mode = #tpu.pipeline_mode<synchronous>, transform_indices = @transform_7, window_bounds = array<i64: 1, 128>}, {pipeline_mode = #tpu.pipeline_mode<synchronous>, transform_indices = @transform_8, window_bounds = array<i64: 128, 1>}, {pipeline_mode = #tpu.pipeline_mode<synchronous>, transform_indices = @transform_9, window_bounds = array<i64: 1, 1>}, {transform_indices = @transform_10, window_bounds = array<i64: 1000, 1>}, {transform_indices = @transform_11, window_bounds = array<i64: 1000, 128>}]} {
    %get3A = arith.constant 0 : index
    %get3A_0 = arith.constant 0 : index
    %get3A_1 = vector.load %arg4[%get3A, %get3A_0] : memref<1000x1xf32, #tpu.memory_space<vmem>>, vector<1000x1xf32>
    %get3A_2 = arith.constant 0 : index
    %get3A_3 = arith.constant 0 : index
    %get3A_4 = vector.load %arg1[%get3A_2, %get3A_3] : memref<1000x128xf32, #tpu.memory_space<vmem>>, vector<1000x128xf32>
    %get3A_5 = arith.constant 0 : index
    %get3A_6 = arith.constant 0 : index
    %get3A_7 = vector.load %arg2[%get3A_5, %get3A_6] : memref<1000x128xf32, #tpu.memory_space<vmem>>, vector<1000x128xf32>
    %add3A = arith.addf %get3A_4, %get3A_7 : vector<1000x128xf32>
    %get3A_8 = arith.constant 0 : index
    %get3A_9 = arith.constant 0 : index
    %get3A_10 = vector.load %arg3[%get3A_8, %get3A_9] : memref<1000x128xf32, #tpu.memory_space<vmem>>, vector<1000x128xf32>
    %add3A_11 = arith.addf %add3A, %get3A_10 : vector<1000x128xf32>
    %mul3A = vector.broadcast %get3A_1 : vector<1000x1xf32> to vector<1000x128xf32>
    %mul3A_12 = arith.mulf %mul3A, %add3A_11 : vector<1000x128xf32>
    %get3A_13 = arith.constant 0 : index
    %get3A_14 = arith.constant 0 : index
    %get3A_15 = vector.load %arg5[%get3A_13, %get3A_14] : memref<128x128xf32, #tpu.memory_space<vmem>>, vector<128x128xf32>
    %dot_general3A = arith.constant dense<0.000000e+00> : vector<1000x128xf32>
    %dot_general3A_16 = tpu.matmul %mul3A_12, %get3A_15, %dot_general3A {dimension_numbers = #tpu.dot_dimension_numbers<[1], [0], [0], [1], [0, 0, 1, 1], [], []>, precision = #tpu.contract_precision<fp32>, transpose_lhs_hint = false} : vector<1000x128xf32>, vector<128x128xf32>, vector<1000x128xf32> -> vector<1000x128xf32>
    %get3A_17 = arith.constant 0 : index
    %get3A_18 = arith.constant 0 : index
    %get3A_19 = vector.load %arg6[%get3A_17, %get3A_18] : memref<1x128xf32, #tpu.memory_space<vmem>>, vector<1x128xf32>
    %add3A_20 = vector.broadcast %get3A_19 : vector<1x128xf32> to vector<1000x128xf32>
    %add3A_21 = arith.addf %dot_general3A_16, %add3A_20 : vector<1000x128xf32>
    %logistic3A = arith.negf %add3A_21 : vector<1000x128xf32>
    %logistic3A_22 = math.exp %logistic3A : vector<1000x128xf32>
    %logistic3A_23 = arith.constant 1.000000e+00 : f32
    %logistic3A_24 = vector.broadcast %logistic3A_23 : f32 to vector<1000x128xf32>
    %logistic3A_25 = arith.addf %logistic3A_24, %logistic3A_22 : vector<1000x128xf32>
    %logistic3A_26 = arith.divf %logistic3A_24, %logistic3A_25 : vector<1000x128xf32>
    %get3A_27 = arith.constant 0 : index
    %get3A_28 = arith.constant 0 : index
    %get3A_29 = vector.load %arg7[%get3A_27, %get3A_28] : memref<128x128xf32, #tpu.memory_space<vmem>>, vector<128x128xf32>
    %dot_general3A_30 = arith.constant dense<0.000000e+00> : vector<1000x128xf32>
    %dot_general3A_31 = tpu.matmul %mul3A_12, %get3A_29, %dot_general3A_30 {dimension_numbers = #tpu.dot_dimension_numbers<[1], [0], [0], [1], [0, 0, 1, 1], [], []>, precision = #tpu.contract_precision<fp32>, transpose_lhs_hint = false} : vector<1000x128xf32>, vector<128x128xf32>, vector<1000x128xf32> -> vector<1000x128xf32>
    %get3A_32 = arith.constant 0 : index
    %get3A_33 = arith.constant 0 : index
    %get3A_34 = vector.load %arg8[%get3A_32, %get3A_33] : memref<1x128xf32, #tpu.memory_space<vmem>>, vector<1x128xf32>
    %add3A_35 = vector.broadcast %get3A_34 : vector<1x128xf32> to vector<1000x128xf32>
    %add3A_36 = arith.addf %dot_general3A_31, %add3A_35 : vector<1000x128xf32>
    %tanh3A = math.tanh %add3A_36 : vector<1000x128xf32>
    %sub3A = arith.constant 1.000000e+00 : f32
    %sub3A_37 = vector.broadcast %sub3A : f32 to vector<1000x128xf32>
    %sub3A_38 = arith.subf %sub3A_37, %logistic3A_26 : vector<1000x128xf32>
    %mul3A_39 = arith.mulf %sub3A_38, %tanh3A : vector<1000x128xf32>
    %swap3A = arith.constant 0 : index
    %swap3A_40 = arith.constant 0 : index
    %swap3A_41 = vector.load %arg12[%swap3A, %swap3A_40] : memref<1000x128xf32, #tpu.memory_space<vmem>>, vector<1000x128xf32>
    tpu.vector_store %arg12[%swap3A, %swap3A_40], %mul3A_39 {strides = array<i32>} : memref<1000x128xf32, #tpu.memory_space<vmem>>, vector<1000x128xf32>,
    %get3A_42 = arith.constant 0 : index
    %get3A_43 = arith.constant 0 : index
    %get3A_44 = vector.load %arg9[%get3A_42, %get3A_43] : memref<128x1xf32, #tpu.memory_space<vmem>>, vector<128x1xf32>
    %dot_general3A_45 = arith.constant dense<0.000000e+00> : vector<1000x1xf32>
    %dot_general3A_46 = tpu.matmul %mul3A_39, %get3A_44, %dot_general3A_45 {dimension_numbers = #tpu.dot_dimension_numbers<[1], [0], [0], [1], [0, 0, 1, 1], [], []>, precision = #tpu.contract_precision<fp32>, transpose_lhs_hint = false} : vector<1000x128xf32>, vector<128x1xf32>, vector<1000x1xf32> -> vector<1000x1xf32>
    %get3A_47 = arith.constant 0 : index
    %get3A_48 = arith.constant 0 : index
    %get3A_49 = vector.load %arg10[%get3A_47, %get3A_48] : memref<1x1xf32, #tpu.memory_space<vmem>>, vector<1x1xf32>
    %add3A_50 = vector.broadcast %get3A_49 : vector<1x1xf32> to vector<1000x1xf32>
    %add3A_51 = arith.addf %dot_general3A_46, %add3A_50 : vector<1000x1xf32>
    %swap3A_52 = arith.constant 0 : index
    %swap3A_53 = arith.constant 0 : index
    %swap3A_54 = vector.load %arg11[%swap3A_52, %swap3A_53] : memref<1000x1xf32, #tpu.memory_space<vmem>>, vector<1000x1xf32>
    tpu.vector_store %arg11[%swap3A_52, %swap3A_53], %add3A_51 {strides = array<i32>} : memref<1000x1xf32, #tpu.memory_space<vmem>>, vector<1000x1xf32>,
    return
  }
  func.func @transform_0(%arg0: i32) -> (i32, i32) {
    %c0_i32 = arith.constant 0 : i32
    %c0_i32_0 = arith.constant 0 : i32
    return %arg0, %c0_i32 : i32, i32
  }
  func.func @transform_1(%arg0: i32) -> (i32, i32) {
    %c0_i32 = arith.constant 0 : i32
    %c0_i32_0 = arith.constant 0 : i32
    return %arg0, %c0_i32 : i32, i32
  }
  func.func @transform_2(%arg0: i32) -> (i32, i32) {
    %c0_i32 = arith.constant 0 : i32
    %c0_i32_0 = arith.constant 0 : i32
    return %arg0, %c0_i32 : i32, i32
  }
  func.func @transform_3(%arg0: i32) -> (i32, i32) {
    %c0_i32 = arith.constant 0 : i32
    %c0_i32_0 = arith.constant 0 : i32
    return %arg0, %c0_i32 : i32, i32
  }
  func.func @transform_4(%arg0: i32) -> (i32, i32) {
    %c0_i32 = arith.constant 0 : i32
    %c0_i32_0 = arith.constant 0 : i32
    %c0_i32_1 = arith.constant 0 : i32
    return %c0_i32, %c0_i32_0 : i32, i32
  }
  func.func @transform_5(%arg0: i32) -> (i32, i32) {
    %c0_i32 = arith.constant 0 : i32
    %c0_i32_0 = arith.constant 0 : i32
    %c0_i32_1 = arith.constant 0 : i32
    return %c0_i32, %c0_i32_0 : i32, i32
  }
  func.func @transform_6(%arg0: i32) -> (i32, i32) {
    %c0_i32 = arith.constant 0 : i32
    %c0_i32_0 = arith.constant 0 : i32
    %c0_i32_1 = arith.constant 0 : i32
    return %c0_i32, %c0_i32_0 : i32, i32
  }
  func.func @transform_7(%arg0: i32) -> (i32, i32) {
    %c0_i32 = arith.constant 0 : i32
    %c0_i32_0 = arith.constant 0 : i32
    %c0_i32_1 = arith.constant 0 : i32
    return %c0_i32, %c0_i32_0 : i32, i32
  }
  func.func @transform_8(%arg0: i32) -> (i32, i32) {
    %c0_i32 = arith.constant 0 : i32
    %c0_i32_0 = arith.constant 0 : i32
    %c0_i32_1 = arith.constant 0 : i32
    return %c0_i32, %c0_i32_0 : i32, i32
  }
  func.func @transform_9(%arg0: i32) -> (i32, i32) {
    %c0_i32 = arith.constant 0 : i32
    %c0_i32_0 = arith.constant 0 : i32
    %c0_i32_1 = arith.constant 0 : i32
    return %c0_i32, %c0_i32_0 : i32, i32
  }
  func.func @transform_10(%arg0: i32) -> (i32, i32) {
    %c0_i32 = arith.constant 0 : i32
    %c0_i32_0 = arith.constant 0 : i32
    return %arg0, %c0_i32 : i32, i32
  }
  func.func @transform_11(%arg0: i32) -> (i32, i32) {
    %c0_i32 = arith.constant 0 : i32
    %c0_i32_0 = arith.constant 0 : i32
    return %arg0, %c0_i32 : i32, i32
  }
}

</mosaic_0001>

<sc_bundles>
// kernel: kernel.6.cloned.1.call-start
scs
__scs_entry_jumppad:
0x0: {  	(pc) =	sbr.rel $0x88, $3  }
0x1: {  	(tag) =	ssettag $0x0;
	lr =	simm.s32 $0x1  }
0x2: {  	[smem:$0x3F94] =	sst lr;
	_ =	strace $0xD0000000  }
0x3: {  	_ = 	snop  }
0x4: {  	_ = 	snop  }
0x5: {  	_ = 	snop  }
0x6: {  	_ = 	snop  }
0x7: {  	_ = 	snop  }
__scs_overlays_trampoline_lowered:
0x8: {  	[smem:$0x3FA3] =	sst s0  }
0x9: {  	[smem:$0x3FA4] =	sst s1  }
0xa: {  	[smem:$0x3FA5] =	sst s2  }
0xb: {  	[smem:$0x3FA6] =	sst s3  }
0xc: {  	[smem:$0x3FA7] =	sst s4  }
0xd: {  	[smem:$0x3FA8] =	sst s5  }
0xe: {  	[smem:$0x3FA9] =	sst s6  }
0xf: {  	[smem:$0x3FAA] =	sst s7  }
0x10: {  	[smem:$0x3FAB] =	sst s8  }
0x11: {  	[smem:$0x3FAC] =	sst s9;
	s0 =	simm.s32 @!p0 $0x0  }
0x12: {  	s1 =	sld [smem:$0x3F92];
	s0 =	simm.s32 @p0 $0x1  }
0x13: {  	[smem:$0x3FAD] =	sst s0;
	s0 =	simm.s32 @!p1 $0x0  }
0x14: {  	s2 =	sld [smem:$0x3F91];
	s0 =	simm.s32 @p1 $0x1  }
0x15: {  	[smem:$0x3FAE] =	sst s0;
	s0 =	simm.s32 @!p2 $0x0  }
0x16: {  	s3 =	sld [smem:$0x3FDB];
	s0 =	simm.s32 @p2 $0x1  }
0x17: {  	s4 =	simm.s32 $0x1BF5;
	[smem:$0x3FB0] =	sst s0  }
0x18: {  	s0 =	sld [smem:$0x3F93];
	_ =	swait.ge [sflag:s4], $0x0  }
0x19: {  	s7 =	sld [smem:$0x3F94]  }
0x1a: {  	s8 =	sadd.s32 $0xFFFFE003, lr  }
0x1b: {  	s9 =	sadd.s32 $0xFFFFFEF7, lr;
	s5 =	simm.s32 $0xFFFFFFFF;
	p2 =	slt.u32 s8, $0xFFFFF086  }
0x1c: {  	p1 =	slt.u32 s9, $0xF7A;
	s5 =	simm.s32 @!p2 $0x0  }
0x1d: {  	s5 =	simm.s32 @p1 $0x1;
	p0 =	seq.s32 s7, s2  }
0x1e: {  	s7 =	smul.u32 @!p0 $0xF7A, s2;
	p2 =	seq.s32 @!p0 s5, $0x0  }
0x1f: {  	s9 =	smul.u32 $0xF7A, s1;
	s8 =	simm.s32 @!p0 $0x1BF5;
	p2 =	por !p2, p0  }
0x20: {  	[sflag:s8] =	ssyncset.s32 @!p0 $0xFFFFF086;
	s6 =	sadd.s32 @!p0 s3, s7;
	s7 =	simm.s32 @!p0 $0x108  }
0x21: {  	s3 =	sadd.s32 s3, s9;
	s6 =	sadd.s32 @!p0 $0x88, s6;
	s7 =	simm.s32 @p2 $0x1082  }
0x22: {  	[simem:s7], [sflag:s8] =	dma.local @!p0 [hbm:s6], $0xF7A  }
0x23: {  	s9 =	sor.u32 $0xD0000000, s2;
	s6 =	simm.s32 $0x108;
	_ =	swait.ge @!p0 [sflag:s8], $0x0  }
0x24: {  	s3 =	sadd.s32 $0x88, s3;
	s6 =	simm.s32 @!p1 $0x1082;
	[sflag:s4] =	ssyncset.s32 $0xFFFFF086  }
0x25: {  	[simem:s6], [sflag:s4] =	dma.local [hbm:s3], $0xF7A  }
0x26: {  	[smem:$0x3F94] =	sst s1;
	(tag) =	ssettag s2;
	_ =	strace s9  }
0x27: {  	s1 =	sld [smem:$0x3FA4]  }
0x28: {  	s2 =	sld [smem:$0x3FA5]  }
0x29: {  	s4 =	sld [smem:$0x3FA7]  }
0x2a: {  	p0 =	seq.s32 s5, $0x0;
	s5 =	sld [smem:$0x3FA8]  }
0x2b: {  	s6 =	sld [smem:$0x3FA9]  }
0x2c: {  	s7 =	sld [smem:$0x3FAA]  }
0x2d: {  	s3 =	simm.s32 $0x108;
	s8 =	sld [smem:$0x3FAB]  }
0x2e: {  	s3 =	simm.s32 @!p0 $0x1082;
	s9 =	sld [smem:$0x3FAC]  }
0x2f: {  	lr =	sadd.s32 s0, s3;
	s0 =	sld [smem:$0x3FA3]  }
0x30: {  	s3 =	sld [smem:$0x3FA6]  }
0x31: {  	[smem:$0x3FAF] =	sst s10  }
0x32: {  	s10 =	sld [smem:$0x3FAD];
	_ =	sdelay $0x3  }
0x33: {  	p0 =	seq.s32 s10, $0x1;
	s10 =	sld [smem:$0x3FAF];
	_ =	sdelay $0x3  }
0x34: {  	[smem:$0x3FAF] =	sst s10  }
0x35: {  	s10 =	sld [smem:$0x3FAE];
	_ =	sdelay $0x3  }
0x36: {  	p1 =	seq.s32 s10, $0x1;
	s10 =	sld [smem:$0x3FAF];
	_ =	sdelay $0x3  }
0x37: {  	[smem:$0x3FAF] =	sst s10  }
0x38: {  	s10 =	sld [smem:$0x3FB0]  }
0x39: {  	_ = 	snop;
	(pc) =	sbr.ind lr, $3  }
0x3a: {  	_ = 	snop  }
0x3b: {  	_ = 	snop  }
0x3c: {  	p2 =	seq.s32 s10, $0x1;
	s10 =	sld [smem:$0x3FAF]  }
0x3d: {  	_ =	shalt  }
0x3e: {  	_ =	shalt  }
0x3f: {  	_ =	shalt  }
0x40: {  	_ =	shalt  }
0x41: {  	_ =	shalt  }
0x42: {  	_ =	shalt  }
0x43: {  	_ =	shalt  }
0x44: {  	_ =	shalt  }
0x45: {  	_ =	shalt  }
0x46: {  	_ =	shalt  }
0x47: {  	_ =	shalt  }
0x48: {  	_ =	shalt  }
0x49: {  	_ =	shalt  }
0x4a: {  	_ =	shalt  }
0x4b: {  	_ =	shalt  }
0x4c: {  	_ =	shalt  }
0x4d: {  	_ =	shalt  }
0x4e: {  	_ =	shalt  }
0x4f: {  	_ =	shalt  }
0x50: {  	_ =	shalt  }
0x51: {  	_ =	shalt  }
0x52: {  	_ =	shalt  }
0x53: {  	_ =	shalt  }
0x54: {  	_ =	shalt  }
0x55: {  	_ =	shalt  }
0x56: {  	_ =	shalt  }
0x57: {  	_ =	shalt  }
0x58: {  	_ =	shalt  }
0x59: {  	_ =	shalt  }
0x5a: {  	_ =	shalt  }
0x5b: {  	_ =	shalt  }
0x5c: {  	_ =	shalt  }
0x5d: {  	_ =	shalt  }
0x5e: {  	_ =	shalt  }
0x5f: {  	_ =	shalt  }
0x60: {  	_ =	shalt  }
0x61: {  	_ =	shalt  }
0x62: {  	_ =	shalt  }
0x63: {  	_ =	shalt  }
0x64: {  	_ =	shalt  }
0x65: {  	_ =	shalt  }
0x66: {  	_ =	shalt  }
0x67: {  	_ =	shalt  }
0x68: {  	_ =	shalt  }
0x69: {  	_ =	shalt  }
0x6a: {  	_ =	shalt  }
0x6b: {  	_ =	shalt  }
0x6c: {  	_ =	shalt  }
0x6d: {  	_ =	shalt  }
0x6e: {  	_ =	shalt  }
0x6f: {  	_ =	shalt  }
0x70: {  	_ =	shalt  }
0x71: {  	_ =	shalt  }
0x72: {  	_ =	shalt  }
0x73: {  	_ =	shalt  }
0x74: {  	_ =	shalt  }
0x75: {  	_ =	shalt  }
0x76: {  	_ =	shalt  }
0x77: {  	_ =	shalt  }
0x78: {  	_ =	shalt  }
0x79: {  	_ =	shalt  }
0x7a: {  	_ =	shalt  }
0x7b: {  	_ =	shalt  }
0x7c: {  	_ =	shalt  }
0x7d: {  	_ =	shalt  }
0x7e: {  	_ =	shalt  }
0x7f: {  	_ =	shalt  }
0x80: {  	_ =	shalt  }
0x81: {  	_ =	shalt  }
0x82: {  	_ =	shalt  }
0x83: {  	_ =	shalt  }
0x84: {  	_ =	shalt  }
0x85: {  	_ =	shalt  }
0x86: {  	_ =	shalt  }
0x87: {  	_ =	shalt  }
.Lfunc_end0:
.L_simem_size_0:
called_computation_lowered:
.L_overlay_start_0:
0x88: {  	s2 =	sld [smem:$0x3FD9]  }
0x89: {  	s3 =	sld [smem:$0x3FFE];
	_ =	sdelay $0x1  }
0x8a: {  	s1 =	srdreg.scid  }
0x8b: {  	s0 =	sand.u32 $0x1, s1  }
0x8c: {  	s14 =	sshll.u32 s0, $0xA;
	s2 =	sadd.s32 s3, s2  }
0x8d: {  	s2 =	sadd.s32 s2, s14  }
0x8e: {  	[smem:$0x3FBB] =	sst s2  }
0x8f: {  	_ = 	snop  }
0x90: {  	s2 =	sld [smem:$0x3FD0];
	_ =	sdelay $0x2  }
0x91: {  	s15 =	simm.s32 $0xA;
	s4 =	simm.s32 $0x10  }
0x92: {  	[smem:s4], [sflag:s15] =	dma.local [hbm:s2], $0x1  }
0x93: {  	_ =	swait.eq [sflag:s15], $0x1  }
0x94: {  	[sflag:s15] =	ssyncset.done $0x0  }
0x95: {  	[sflag:s15] =	ssyncadd.s32 $0xFFFFFFFF  }
0x96: {  	s16 =	sld [smem:$0x11];
	(tm) =	ssettm $0x1  }
0x97: {  	s17 =	sld [smem:$0x3FFB];
	_ =	sdelay $0x3  }
0x98: {  	_ =	strace s17  }
0x99: {  	s3 =	sld [smem:$0x3FFC];
	_ =	sdelay $0x3  }
0x9a: {  	_ =	strace s3  }
0x9b: {  	s3 =	sld [smem:$0x3FFD];
	_ =	sdelay $0x3  }
0x9c: {  	_ =	strace s3  }
0x9d: {  	_ =	strace $0x8FFFFFFF  }
0x9e: {  	s18 =	sld [smem:$0x3FDB];
	_ =	sdelay $0x1  }
0x9f: {  	s19 =	simm.s32 $_scs_section_size  }
0xa0: {  	s5 =	simm.s32 $_size__tile_overlayer_lowered;
	s6 =	simm.s32 $_tile_overlayer_lowered  }
0xa1: {  	s22 =	simm.s32 $0x1BFF;
	s21 =	sshll.u32 s6, $0x1;
	s3 =	sadd.s32 s19, s18  }
0xa2: {  	s7 =	simm.s32 $0x0;
	s20 =	sshll.u32 s5, $0x1;
	s5 =	sadd.s32 s21, s3  }
0xa3: {  	[timem:s7], [sflag:s22] =	dma.local [hbm:s5], s20  }
0xa4: {  	_ =	swait.ge [sflag:s22], s20  }
0xa5: {  	s4 =	ssub.s32 $0x0, s20;
	[sflag:s22] =	ssyncset.done $0x0  }
0xa6: {  	[sflag:s22] =	ssyncadd.s32 s4;
	_ =	sdelay $0x1  }
0xa7: {  	s23 =	simm.s32 $0x1B8B  }
0xa8: {  	_ =	swait.ge [sflag:s23], $0x1  }
0xa9: {  	[sflag:s23] =	ssyncset.done $0x0  }
0xaa: {  	s25 =	simm.s32 $0x1B8E;
	s24 =	sld [smem:$0x3FFE];
	[sflag:s23] =	ssyncadd.s32 $0xFFFFFFFF  }
0xab: {  	s26 =	simm.s32 $execute0_lowered;
	[smem:$0x3FD2] =	sst s25  }
0xac: {  	s5 =	sshll.u32 s26, $0x1;
	_ =	strace $0x80000046;
	[dreg:$0x1] =	wrdreg $0xFFFFFFFF  }
0xad: {  	s28 =	simm.s32 $_size_execute0_lowered;
	s3 =	sadd.s32 s3, s5;
	[dreg:$0x0] =	wrdreg $0x0  }
0xae: {  	s5 =	sshll.u32 s28, $0x1;
	[dreg:$0x2] =	wrdreg s3  }
0xaf: {  	[dreg:$0x3] =	wrdreg s5  }
0xb0: {  	[dreg:$0x4] =	wrdreg $0xC0  }
0xb1: {  	_ =	task [dreg:s7], $0x5FFFF  }
0xb2: {  	[dreg:$0x1] =	wrdreg $0xFFFFFFFF  }
0xb3: {  	[dreg:$0x0] =	wrdreg $0x60  }
0xb4: {  	[dreg:$0x2] =	wrdreg s16  }
0xb5: {  	[dreg:$0x3] =	wrdreg s24  }
0xb6: {  	[dreg:$0x4] =	wrdreg $0x5800  }
0xb7: {  	[dreg:$0x5] =	wrdreg $0x9  }
0xb8: {  	_ =	task.clear_ibuf [dreg:s7], $0x6FFFF;
	_ =	strace $0x90000046  }
0xb9: {  	s29 =	simm.s32 $0x9;
	_ =	strace $0x80000048  }
0xba: {  	_ =	swait.ge [sflag:s29], $0x1  }
0xbb: {  	[sflag:s29] =	ssyncadd.s32 $0xFFFFFFFF  }
0xbc: {  	_ =	strace $0x90000048  }
0xbd: {  	_ =	sfence  }
0xbe: {  	s30 =	sld [smem:$0x0];
	_ =	sdelay $0x2  }
0xbf: {  	s31 =	sshll.u32 s1, $0xD;
	s1 =	sshrl.u32 s1, $0x2  }
0xc0: {  	s3 =	sand.u32 $0x4000, s31;
	s1 =	sadd.s32 s1, s30  }
0xc1: {  	s0 =	sor.u32 s3, s0;
	s1 =	sshll.u32 s1, $0x11  }
0xc2: {  	s0 =	sor.u32 s1, s0  }
0xc3: {  	s0 =	sadd.s32 $0x8F2B, s0  }
0xc4: {  	[sflag:s0] =	ssyncadd.remote.s32 $0x1  }
0xc5: {  	_ =	sfence.sel $0xFFFF  }
0xc6: {  	[dreg:$0x0] =	wrdreg $0xFFFFFFFF;
	(pc) =	sbr.abs _section_cstart, $3  }
0xc7: {  	[dreg:$0x1] =	wrdreg $0xFFFFFFFF  }
0xc8: {  	_ =	task.clear_ibuf [dreg:s7], $0x2FFFF;
	_ =	strace $0x9FFFFFFF  }
0xc9: {  	(tm) =	ssettm $0x7FFFFFFF  }
tec
execute0_lowered:
.L_overlay_start_1:
0x0: {  	(tag) =	ssettag $0x1  }
0x1: {  	s14 =	rddreg [dreg:$0x0]  }
0x2: {  	s4 =	rddreg [dreg:$0x1]  }
0x3: {  	s1 =	rddreg [dreg:$0x2]  }
0x4: {  	s0 =	rddreg [dreg:$0x3]  }
0x5: {  	s3 =	simm.s32 $0x0;
	s5 =	srdreg.scid;
	s2 =	stileid.u32  }
0x6: {  	s16 =	simm.s32 $0x4;
	s17 =	simm.s32 $0x100;
	s18 =	simm.s32 $0x80  }
0x7: {  	s19 =	simm.s32 $0x180;
	s20 =	simm.s32 $0x200;
	s21 =	simm.s32 $0x3  }
0x8: {  	s28 =	simm.s32 $0x0;
	[smem:$0x7FF] =	sst s3;
	s6 =	smul.u32 $0x500, s2  }
0x9: {  	s5 =	sand.u32 $0x1, s5;
	s7 =	sshll.u32 s2, $0x1;
	s10 =	smul.u32 $0xA00, s2  }
0xa: {  	s13 =	sadd.s32 $0x2E00, s4;
	s23 =	smul.u32 $0x5000, s2;
	_ =	strace $0x80000047  }
0xb: {  	s8 =	sshll.u32 s5, $0x7;
	s7 =	sor.u32 s5, s7;
	s26 =	smul.u32 $0x2800, s5  }
0xc: {  	s22 =	ssub.s32 $0x2, s5;
	s6 =	sor.u32 s8, s6;
	s7 =	smul.u32 $0x2800, s7  }
0xd: {  	s9 =	sshrl.u32 s22, $0x1;
	s24 =	sshrl.u32 s10, $0x2;
	s6 =	sshrl.u32 s6, $0x3  }
0xe: {  	s12 =	ssub.s32 s22, s9;
	s15 =	sadd.s32 s26, s23;
	s22 =	simm.s32 $0x280  }
0xf: {  	s23 =	simm.s32 $0x1;
	s26 =	simm.s32 $0x2;
	s11 =	sadd.s32 s6, s4  }
0x10: {  	s25 =	sshrl.u32 s7, $0x3;
	s4 =	sadd.s32 s24, s1;
	s30 =	sor.u32 $0x180, s15  }
0x11: {  	s10 =	smax.u32 s12, $0x1;
	s15 =	sor.u32 $0x100, s15;
	s24 =	simm.s32 $0x20  }
.Ltmp0:
0x12: {  	s5 =	sadd.s32 s14, s25;
	s29 =	sor.u32 $0x10, s25;
	(pc) =	sbr.rel .LBB2_1-.Ltmp0, $4  }
0x13: {  	s6 =	sadd.s32 s13, s25;
	s9 =	sadd.s32 $0xCE00, s11;
	s31 =	sshrl.u32 s30, $0x3  }
0x14: {  	s15 =	sshrl.u32 s15, $0x3;
	s25 =	simm.s32 $0x10;
	s7 =	sadd.s32 s14, s29  }
0x15: {  	s8 =	sadd.s32 s13, s29;
	s11 =	sadd.s32 s31, s13;
	s12 =	sadd.s32 s31, s14  }
0x16: {  	v0 =	vimm.f32 $0.0e+00;
	s13 =	sadd.s32 s15, s13;
	s14 =	sadd.s32 s15, s14;
	s15 =	simm.s32 $0x300  }
.LBB2_4:
0x17: {  	_ =	swait.ge [sflag:s23], $0x80  }
0x18: {  	s29 =	sshll.u32 s2, $0x6;
	s28 =	sadd.s32 $0x1, s28;
	[sflag:s23] =	ssyncset.done $0x0  }
0x19: {  	s30 =	sshrl.u32 s4, $0x3;
	p0 =	sne.s32 s28, s10;
	[sflag:s23] =	ssyncadd.s32 $0xFFFFFF80  }
.Ltmp1:
0x1a: {  	s29 =	sor.u32 $0x1C04, s29;
	[bflag:$0x0] =	sbarrier.arrive $0xFFFF;
	(pc) =	sbr.rel @!p0 .LBB2_5-.Ltmp1, $4  }
0x1b: {  	[hbm:s9@s24], [sflag:s29] =	dma.strided [spmem:s30@s25], $0x50, s23, $0x10   }
0x1c: {  	_ =	swait.ge [sflag:s16], $0x50  }
0x1d: {  	[sflag:s16] =	ssyncset.done $0x0  }
0x1e: {  	[sflag:s16] =	ssyncadd.s32 $0xFFFFFFB0  }
.LBB2_1:
0x1f: {  	[tilespmem:$0x300] =	vst v0  }
0x20: {  	[tilespmem:$0x310] =	vst v0  }
0x21: {  	[tilespmem:$0x320] =	vst v0  }
0x22: {  	[tilespmem:$0x330] =	vst v0  }
0x23: {  	[tilespmem:$0x340] =	vst v0  }
0x24: {  	[tilespmem:$0x350] =	vst v0  }
0x25: {  	[tilespmem:$0x360] =	vst v0  }
0x26: {  	[tilespmem:$0x370] =	vst v0  }
0x27: {  	[tilespmem:$0x380] =	vst v0  }
0x28: {  	[tilespmem:$0x390] =	vst v0  }
0x29: {  	[tilespmem:$0x3A0] =	vst v0  }
0x2a: {  	[tilespmem:$0x3B0] =	vst v0  }
0x2b: {  	[tilespmem:$0x3C0] =	vst v0  }
0x2c: {  	[tilespmem:$0x3D0] =	vst v0  }
0x2d: {  	[tilespmem:$0x3E0] =	vst v0  }
0x2e: {  	[tilespmem:$0x3F0] =	vst v0  }
0x2f: {  	[tilespmem:$0x400] =	vst v0  }
0x30: {  	[tilespmem:$0x410] =	vst v0  }
0x31: {  	[tilespmem:$0x420] =	vst v0  }
0x32: {  	[tilespmem:$0x430] =	vst v0  }
0x33: {  	[tilespmem:$0x440] =	vst v0  }
0x34: {  	[tilespmem:$0x450] =	vst v0  }
0x35: {  	[tilespmem:$0x460] =	vst v0  }
0x36: {  	[tilespmem:$0x470] =	vst v0  }
0x37: {  	[tilespmem:$0x480] =	vst v0  }
0x38: {  	[tilespmem:$0x490] =	vst v0  }
0x39: {  	[tilespmem:$0x4A0] =	vst v0  }
0x3a: {  	[tilespmem:$0x4B0] =	vst v0  }
0x3b: {  	[tilespmem:$0x4C0] =	vst v0  }
0x3c: {  	[tilespmem:$0x4D0] =	vst v0  }
0x3d: {  	[tilespmem:$0x4E0] =	vst v0  }
0x3e: {  	[tilespmem:$0x4F0] =	vst v0  }
0x3f: {  	[tilespmem:$0x500] =	vst v0  }
0x40: {  	[tilespmem:$0x510] =	vst v0  }
0x41: {  	[tilespmem:$0x520] =	vst v0  }
0x42: {  	[tilespmem:$0x530] =	vst v0  }
0x43: {  	[tilespmem:$0x540] =	vst v0  }
0x44: {  	[tilespmem:$0x550] =	vst v0  }
0x45: {  	[tilespmem:$0x560] =	vst v0  }
0x46: {  	[tilespmem:$0x570] =	vst v0  }
0x47: {  	[spmem:s4] =	stream.linear.scatter [tilespmem:s15], [sflag:$0x4], $0x280, $0x38;
	[tilespmem:$0x800] =	vst v63  }
0x48: {  	_ =	swait.ge [sflag:s16], $0x280  }
0x49: {  	[sflag:s16] =	ssyncset.done $0x0  }
0x4a: {  	[sflag:s16] =	ssyncadd.s32 $0xFFFFFD80  }
0x4b: {  	[tilespmem:s3], [sflag:$0x4] =	stream.linear.gather [hbm4b:s5+s3], $0x80, $0x38;
	[tilespmem:$0x800] =	vst v63  }
0x4c: {  	_ =	swait.ge [sflag:s16], $0x80  }
0x4d: {  	[sflag:s16] =	ssyncset.done $0x0  }
0x4e: {  	[sflag:s16] =	ssyncadd.s32 $0xFFFFFF80  }
0x4f: {  	[tilespmem:s17], [sflag:$0x4] =	stream.linear.gather [hbm4b:s6+s3], $0x80, $0x38;
	[tilespmem:$0x800] =	vst v63  }
0x50: {  	_ =	swait.ge [sflag:s16], $0x80  }
0x51: {  	[sflag:s16] =	ssyncset.done $0x0  }
0x52: {  	[sflag:s16] =	ssyncadd.s32 $0xFFFFFF80  }
0x53: {  	[tilespmem:s18], [sflag:$0x3] =	stream.linear.gather [hbm4b:s7+s3], $0x80, $0x38;
	[tilespmem:$0x800] =	vst v63  }
0x54: {  	_ = 	snop  }
0x55: {  	[tilespmem:s19], [sflag:$0x3] =	stream.linear.gather [hbm4b:s8+s3], $0x80, $0x38;
	[tilespmem:$0x800] =	vst v63  }
0x56: {  	v1 =	vld [tilespmem:$0x0]  }
0x57: {  	v2 =	vld [tilespmem:$0x10]  }
0x58: {  	v3 =	vld [tilespmem:$0x20]  }
0x59: {  	v4 =	vld [tilespmem:$0x30]  }
0x5a: {  	v5 =	vld [tilespmem:$0x40]  }
0x5b: {  	v6 =	vld [tilespmem:$0x50];
	v1 =	vshrl.u32 v1, $0x10  }
0x5c: {  	[tilespmem:$0x200] =	vst v1;
	v1 =	vshrl.u32 v2, $0x10;
	v2 =	vld [tilespmem:$0x60]  }
0x5d: {  	[tilespmem:$0x210] =	vst v1;
	v1 =	vshrl.u32 v3, $0x10;
	v3 =	vld [tilespmem:$0x70]  }
0x5e: {  	[tilespmem:$0x220] =	vst v1;
	v1 =	vshrl.u32 v4, $0x10  }
0x5f: {  	[tilespmem:$0x230] =	vst v1;
	v1 =	vshrl.u32 v5, $0x10  }
0x60: {  	[tilespmem:$0x240] =	vst v1;
	v1 =	vshrl.u32 v6, $0x10  }
0x61: {  	[tilespmem:$0x250] =	vst v1;
	v1 =	vshrl.u32 v2, $0x10  }
0x62: {  	[tilespmem:$0x260] =	vst v1;
	v1 =	vshrl.u32 v3, $0x10  }
0x63: {  	[tilespmem:$0x270] =	vst v1  }
0x64: {  	s29 =	simm.s32 $0x0;
	[bflag:$0x0] =	sbarrier.arrive $0xFFFF  }
.LBB2_2:
0x65: {  	[spmem:s1] =	stream.indirect.scatter.add.f32 [tilespmem:s17], [sflag:$0x1], $0x1, s20, s18, $0xb8;
	[tilespmem:$0x800] =	vst v63  }
0x66: {  	_ =	swait.ge [sflag:s21], $0x80  }
0x67: {  	[sflag:s21] =	ssyncset.done $0x0  }
0x68: {  	[sflag:s21] =	ssyncadd.s32 $0xFFFFFF80  }
0x69: {  	_ =	swait.ge [sflag:s21], $0x80  }
0x6a: {  	[sflag:s21] =	ssyncset.done $0x0  }
0x6b: {  	[sflag:s21] =	ssyncadd.s32 $0xFFFFFF80  }
0x6c: {  	v1 =	vld [tilespmem:$0x80]  }
0x6d: {  	v2 =	vld [tilespmem:$0x90]  }
0x6e: {  	v3 =	vld [tilespmem:$0xA0]  }
0x6f: {  	v4 =	vld [tilespmem:$0xB0]  }
0x70: {  	v5 =	vld [tilespmem:$0xC0]  }
0x71: {  	v6 =	vld [tilespmem:$0xD0];
	v1 =	vshrl.u32 v1, $0x10  }
0x72: {  	[tilespmem:$0x280] =	vst v1;
	v1 =	vshrl.u32 v2, $0x10;
	v2 =	vld [tilespmem:$0xE0]  }
0x73: {  	[tilespmem:$0x290] =	vst v1;
	v1 =	vshrl.u32 v3, $0x10;
	v3 =	vld [tilespmem:$0xF0]  }
0x74: {  	[tilespmem:$0x2A0] =	vst v1;
	v1 =	vshrl.u32 v4, $0x10  }
0x75: {  	[tilespmem:$0x2B0] =	vst v1;
	v1 =	vshrl.u32 v5, $0x10  }
0x76: {  	[tilespmem:$0x2C0] =	vst v1;
	v1 =	vshrl.u32 v6, $0x10  }
0x77: {  	[tilespmem:$0x2D0] =	vst v1;
	v1 =	vshrl.u32 v2, $0x10  }
0x78: {  	p0 =	seq.s32 s29, $0x4E0;
	[tilespmem:$0x2E0] =	vst v1;
	v1 =	vshrl.u32 v3, $0x10  }
.Ltmp2:
0x79: {  	[tilespmem:$0x2F0] =	vst v1;
	(pc) =	sbr.rel @p0 .LBB2_4-.Ltmp2, $4  }
0x7a: {  	[spmem:s1] =	stream.indirect.scatter.add.f32 [tilespmem:s19], [sflag:$0x1], $0x1, s22, s18, $0xb8;
	[tilespmem:$0x800] =	vst v63  }
0x7b: {  	_ =	swait.ge [sflag:s23], $0x80  }
0x7c: {  	[sflag:s23] =	ssyncset.done $0x0  }
0x7d: {  	[sflag:s23] =	ssyncadd.s32 $0xFFFFFF80  }
0x7e: {  	s30 =	sadd.s32 s29, s14  }
0x7f: {  	[tilespmem:s3], [sflag:$0x2] =	stream.linear.gather [hbm4b:s30+s3], $0x80, $0x38;
	[tilespmem:$0x800] =	vst v63  }
0x80: {  	s31 =	sadd.s32 s29, s13  }
0x81: {  	[tilespmem:s17], [sflag:$0x2] =	stream.linear.gather [hbm4b:s31+s3], $0x80, $0x38;
	[tilespmem:$0x800] =	vst v63  }
0x82: {  	_ =	swait.ge [sflag:s23], $0x80  }
0x83: {  	[sflag:s23] =	ssyncset.done $0x0  }
0x84: {  	[sflag:s23] =	ssyncadd.s32 $0xFFFFFF80  }
0x85: {  	_ =	swait.ge [sflag:s26], $0x80  }
0x86: {  	[sflag:s26] =	ssyncset.done $0x0  }
0x87: {  	[sflag:s26] =	ssyncadd.s32 $0xFFFFFF80  }
0x88: {  	_ =	swait.ge [sflag:s26], $0x80  }
0x89: {  	[sflag:s26] =	ssyncset.done $0x0  }
0x8a: {  	[sflag:s26] =	ssyncadd.s32 $0xFFFFFF80  }
0x8b: {  	v1 =	vld [tilespmem:$0x0]  }
0x8c: {  	v2 =	vld [tilespmem:$0x10]  }
0x8d: {  	v3 =	vld [tilespmem:$0x20]  }
0x8e: {  	v4 =	vld [tilespmem:$0x30]  }
0x8f: {  	v5 =	vld [tilespmem:$0x40]  }
0x90: {  	v6 =	vld [tilespmem:$0x50];
	v1 =	vshrl.u32 v1, $0x10  }
0x91: {  	[tilespmem:$0x200] =	vst v1;
	v1 =	vshrl.u32 v2, $0x10;
	v2 =	vld [tilespmem:$0x60]  }
0x92: {  	[tilespmem:$0x210] =	vst v1;
	v1 =	vshrl.u32 v3, $0x10;
	v3 =	vld [tilespmem:$0x70]  }
0x93: {  	[tilespmem:$0x220] =	vst v1;
	v1 =	vshrl.u32 v4, $0x10  }
0x94: {  	[tilespmem:$0x230] =	vst v1;
	v1 =	vshrl.u32 v5, $0x10  }
0x95: {  	[tilespmem:$0x240] =	vst v1;
	v1 =	vshrl.u32 v6, $0x10  }
0x96: {  	[tilespmem:$0x250] =	vst v1;
	v1 =	vshrl.u32 v2, $0x10  }
.Ltmp3:
0x97: {  	[tilespmem:$0x260] =	vst v1;
	v1 =	vshrl.u32 v3, $0x10;
	(pc) =	sbr.rel .LBB2_2-.Ltmp3, $4  }
0x98: {  	s31 =	sadd.s32 s29, s12;
	[tilespmem:$0x270] =	vst v1  }
0x99: {  	[tilespmem:s18], [sflag:$0x3] =	stream.linear.gather [hbm4b:s31+s3], $0x80, $0x38;
	[tilespmem:$0x800] =	vst v63  }
0x9a: {  	s31 =	sadd.s32 s29, s11;
	s29 =	sadd.s32 $0x20, s29  }
0x9b: {  	[tilespmem:s19], [sflag:$0x3] =	stream.linear.gather [hbm4b:s31+s3], $0x80, $0x38;
	[tilespmem:$0x800] =	vst v63  }
.LBB2_5:
0x9c: {  	_ =	sfence.sel $0x180000  }
0x9d: {  	[bflag:$0x0] =	sbarrier.arrive $0xFFFF  }
0x9e: {  	p0 =	sne.s32 s2, $0x0;
	_ =	strace $0x90000047  }
0x9f: {  	s0 =	sadd.s32 @!p0 $0x100000, s0;
	[bflag:$0x2] =	sbarrier.arrive $0xFFFF  }
0xa0: {  	[sflag:s0] =	ssyncadd.tile.s32 @!p0 $0x1;
	_ =	shalt  }
.Lfunc_end2:
_tile_overlayer_lowered:
.L_overlay_start_2:
0xa1: {  	(tag) =	ssettag $0x2  }
0xa2: {  	s0 =	rddreg [dreg:$0x0];
	s2 =	stileid.u32  }
0xa3: {  	s1 =	rddreg [dreg:$0x1];
	p0 =	sne.s32 s2, $0x0  }
0xa4: {  	s3 =	rddreg [dreg:$0x2];
	[bflag:$0x3] =	sbarrier.arrive $0xFFFF;
	s2 =	simm.s32 @!p0 $0x1C04  }
0xa5: {  	[timem:s3], [sflag:s2] =	dma.local @!p0 [hbm:s0], s1  }
0xa6: {  	s0 =	simm.s32 @!p0 $0x4  }
0xa7: {  	_ =	swait.ge @!p0 [sflag:s0], s1  }
0xa8: {  	s1 =	ssub.s32 @!p0 $0x0, s1;
	[sflag:s0] =	ssyncset.done @!p0 $0x0  }
0xa9: {  	[sflag:s0] =	ssyncadd.s32 @!p0 s1  }
0xaa: {  	[bflag:$0x3] =	sbarrier.arrive $0xFFFF  }
0xab: {  	_ =	shalt  }

// kernel: kernel.9.cloned.1.call-start
scs
__scs_entry_jumppad:
0x0: {  	(pc) =	sbr.rel $0x88, $3  }
0x1: {  	(tag) =	ssettag $0x0;
	lr =	simm.s32 $0x1  }
0x2: {  	[smem:$0x3F94] =	sst lr;
	_ =	strace $0xD0000000  }
0x3: {  	_ = 	snop  }
0x4: {  	_ = 	snop  }
0x5: {  	_ = 	snop  }
0x6: {  	_ = 	snop  }
0x7: {  	_ = 	snop  }
__scs_overlays_trampoline_lowered:
0x8: {  	[smem:$0x3FA3] =	sst s0  }
0x9: {  	[smem:$0x3FA4] =	sst s1  }
0xa: {  	[smem:$0x3FA5] =	sst s2  }
0xb: {  	[smem:$0x3FA6] =	sst s3  }
0xc: {  	[smem:$0x3FA7] =	sst s4  }
0xd: {  	[smem:$0x3FA8] =	sst s5  }
0xe: {  	[smem:$0x3FA9] =	sst s6  }
0xf: {  	[smem:$0x3FAA] =	sst s7  }
0x10: {  	[smem:$0x3FAB] =	sst s8  }
0x11: {  	[smem:$0x3FAC] =	sst s9;
	s0 =	simm.s32 @!p0 $0x0  }
0x12: {  	s1 =	sld [smem:$0x3F92];
	s0 =	simm.s32 @p0 $0x1  }
0x13: {  	[smem:$0x3FAD] =	sst s0;
	s0 =	simm.s32 @!p1 $0x0  }
0x14: {  	s2 =	sld [smem:$0x3F91];
	s0 =	simm.s32 @p1 $0x1  }
0x15: {  	[smem:$0x3FAE] =	sst s0;
	s0 =	simm.s32 @!p2 $0x0  }
0x16: {  	s3 =	sld [smem:$0x3FDB];
	s0 =	simm.s32 @p2 $0x1  }
0x17: {  	s4 =	simm.s32 $0x1BF5;
	[smem:$0x3FB0] =	sst s0  }
0x18: {  	s0 =	sld [smem:$0x3F93];
	_ =	swait.ge [sflag:s4], $0x0  }
0x19: {  	s7 =	sld [smem:$0x3F94]  }
0x1a: {  	s8 =	sadd.s32 $0xFFFFE003, lr  }
0x1b: {  	s9 =	sadd.s32 $0xFFFFFEF7, lr;
	s5 =	simm.s32 $0xFFFFFFFF;
	p2 =	slt.u32 s8, $0xFFFFF086  }
0x1c: {  	p1 =	slt.u32 s9, $0xF7A;
	s5 =	simm.s32 @!p2 $0x0  }
0x1d: {  	s5 =	simm.s32 @p1 $0x1;
	p0 =	seq.s32 s7, s2  }
0x1e: {  	s7 =	smul.u32 @!p0 $0xF7A, s2;
	p2 =	seq.s32 @!p0 s5, $0x0  }
0x1f: {  	s9 =	smul.u32 $0xF7A, s1;
	s8 =	simm.s32 @!p0 $0x1BF5;
	p2 =	por !p2, p0  }
0x20: {  	[sflag:s8] =	ssyncset.s32 @!p0 $0xFFFFF086;
	s6 =	sadd.s32 @!p0 s3, s7;
	s7 =	simm.s32 @!p0 $0x108  }
0x21: {  	s3 =	sadd.s32 s3, s9;
	s6 =	sadd.s32 @!p0 $0x88, s6;
	s7 =	simm.s32 @p2 $0x1082  }
0x22: {  	[simem:s7], [sflag:s8] =	dma.local @!p0 [hbm:s6], $0xF7A  }
0x23: {  	s9 =	sor.u32 $0xD0000000, s2;
	s6 =	simm.s32 $0x108;
	_ =	swait.ge @!p0 [sflag:s8], $0x0  }
0x24: {  	s3 =	sadd.s32 $0x88, s3;
	s6 =	simm.s32 @!p1 $0x1082;
	[sflag:s4] =	ssyncset.s32 $0xFFFFF086  }
0x25: {  	[simem:s6], [sflag:s4] =	dma.local [hbm:s3], $0xF7A  }
0x26: {  	[smem:$0x3F94] =	sst s1;
	(tag) =	ssettag s2;
	_ =	strace s9  }
0x27: {  	s1 =	sld [smem:$0x3FA4]  }
0x28: {  	s2 =	sld [smem:$0x3FA5]  }
0x29: {  	s4 =	sld [smem:$0x3FA7]  }
0x2a: {  	p0 =	seq.s32 s5, $0x0;
	s5 =	sld [smem:$0x3FA8]  }
0x2b: {  	s6 =	sld [smem:$0x3FA9]  }
0x2c: {  	s7 =	sld [smem:$0x3FAA]  }
0x2d: {  	s3 =	simm.s32 $0x108;
	s8 =	sld [smem:$0x3FAB]  }
0x2e: {  	s3 =	simm.s32 @!p0 $0x1082;
	s9 =	sld [smem:$0x3FAC]  }
0x2f: {  	lr =	sadd.s32 s0, s3;
	s0 =	sld [smem:$0x3FA3]  }
0x30: {  	s3 =	sld [smem:$0x3FA6]  }
0x31: {  	[smem:$0x3FAF] =	sst s10  }
0x32: {  	s10 =	sld [smem:$0x3FAD];
	_ =	sdelay $0x3  }
0x33: {  	p0 =	seq.s32 s10, $0x1;
	s10 =	sld [smem:$0x3FAF];
	_ =	sdelay $0x3  }
0x34: {  	[smem:$0x3FAF] =	sst s10  }
0x35: {  	s10 =	sld [smem:$0x3FAE];
	_ =	sdelay $0x3  }
0x36: {  	p1 =	seq.s32 s10, $0x1;
	s10 =	sld [smem:$0x3FAF];
	_ =	sdelay $0x3  }
0x37: {  	[smem:$0x3FAF] =	sst s10  }
0x38: {  	s10 =	sld [smem:$0x3FB0]  }
0x39: {  	_ = 	snop;
	(pc) =	sbr.ind lr, $3  }
0x3a: {  	_ = 	snop  }
0x3b: {  	_ = 	snop  }
0x3c: {  	p2 =	seq.s32 s10, $0x1;
	s10 =	sld [smem:$0x3FAF]  }
0x3d: {  	_ =	shalt  }
0x3e: {  	_ =	shalt  }
0x3f: {  	_ =	shalt  }
0x40: {  	_ =	shalt  }
0x41: {  	_ =	shalt  }
0x42: {  	_ =	shalt  }
0x43: {  	_ =	shalt  }
0x44: {  	_ =	shalt  }
0x45: {  	_ =	shalt  }
0x46: {  	_ =	shalt  }
0x47: {  	_ =	shalt  }
0x48: {  	_ =	shalt  }
0x49: {  	_ =	shalt  }
0x4a: {  	_ =	shalt  }
0x4b: {  	_ =	shalt  }
0x4c: {  	_ =	shalt  }
0x4d: {  	_ =	shalt  }
0x4e: {  	_ =	shalt  }
0x4f: {  	_ =	shalt  }
0x50: {  	_ =	shalt  }
0x51: {  	_ =	shalt  }
0x52: {  	_ =	shalt  }
0x53: {  	_ =	shalt  }
0x54: {  	_ =	shalt  }
0x55: {  	_ =	shalt  }
0x56: {  	_ =	shalt  }
0x57: {  	_ =	shalt  }
0x58: {  	_ =	shalt  }
0x59: {  	_ =	shalt  }
0x5a: {  	_ =	shalt  }
0x5b: {  	_ =	shalt  }
0x5c: {  	_ =	shalt  }
0x5d: {  	_ =	shalt  }
0x5e: {  	_ =	shalt  }
0x5f: {  	_ =	shalt  }
0x60: {  	_ =	shalt  }
0x61: {  	_ =	shalt  }
0x62: {  	_ =	shalt  }
0x63: {  	_ =	shalt  }
0x64: {  	_ =	shalt  }
0x65: {  	_ =	shalt  }
0x66: {  	_ =	shalt  }
0x67: {  	_ =	shalt  }
0x68: {  	_ =	shalt  }
0x69: {  	_ =	shalt  }
0x6a: {  	_ =	shalt  }
0x6b: {  	_ =	shalt  }
0x6c: {  	_ =	shalt  }
0x6d: {  	_ =	shalt  }
0x6e: {  	_ =	shalt  }
0x6f: {  	_ =	shalt  }
0x70: {  	_ =	shalt  }
0x71: {  	_ =	shalt  }
0x72: {  	_ =	shalt  }
0x73: {  	_ =	shalt  }
0x74: {  	_ =	shalt  }
0x75: {  	_ =	shalt  }
0x76: {  	_ =	shalt  }
0x77: {  	_ =	shalt  }
0x78: {  	_ =	shalt  }
0x79: {  	_ =	shalt  }
0x7a: {  	_ =	shalt  }
0x7b: {  	_ =	shalt  }
0x7c: {  	_ =	shalt  }
0x7d: {  	_ =	shalt  }
0x7e: {  	_ =	shalt  }
0x7f: {  	_ =	shalt  }
0x80: {  	_ =	shalt  }
0x81: {  	_ =	shalt  }
0x82: {  	_ =	shalt  }
0x83: {  	_ =	shalt  }
0x84: {  	_ =	shalt  }
0x85: {  	_ =	shalt  }
0x86: {  	_ =	shalt  }
0x87: {  	_ =	shalt  }
.Lfunc_end0:
.L_simem_size_0:
called_computation.1_lowered:
.L_overlay_start_0:
0x88: {  	s2 =	sld [smem:$0x3FD9]  }
0x89: {  	s3 =	sld [smem:$0x3FFE];
	_ =	sdelay $0x1  }
0x8a: {  	s1 =	srdreg.scid  }
0x8b: {  	s0 =	sand.u32 $0x1, s1  }
0x8c: {  	s14 =	sshll.u32 s0, $0xA;
	s2 =	sadd.s32 s3, s2  }
0x8d: {  	s2 =	sadd.s32 s2, s14  }
0x8e: {  	[smem:$0x3FBB] =	sst s2  }
0x8f: {  	_ = 	snop  }
0x90: {  	s2 =	sld [smem:$0x3FD0];
	_ =	sdelay $0x1  }
0x91: {  	s15 =	sld [smem:$0x3FC8]  }
0x92: {  	s5 =	simm.s32 $0xA;
	s6 =	simm.s32 $0x10;
	s4 =	sld [smem:$0x3FC7]  }
0x93: {  	[smem:s6], [sflag:s5] =	dma.local [hbm:s2], $0x1  }
0x94: {  	_ =	swait.eq [sflag:s5], $0x1  }
0x95: {  	[sflag:s5] =	ssyncset.done $0x0  }
0x96: {  	[sflag:s5] =	ssyncadd.s32 $0xFFFFFFFF  }
0x97: {  	s16 =	sld [smem:$0x11];
	(tm) =	ssettm $0x1  }
0x98: {  	s17 =	sld [smem:$0x3FFB];
	_ =	sdelay $0x3  }
0x99: {  	_ =	strace s17  }
0x9a: {  	s5 =	sld [smem:$0x3FFC];
	_ =	sdelay $0x3  }
0x9b: {  	_ =	strace s5  }
0x9c: {  	s5 =	sld [smem:$0x3FFD];
	_ =	sdelay $0x3  }
0x9d: {  	_ =	strace s5  }
0x9e: {  	_ =	strace $0x8FFFFFFF  }
0x9f: {  	s18 =	sld [smem:$0x3FDB];
	_ =	sdelay $0x1  }
0xa0: {  	s19 =	simm.s32 $_scs_section_size  }
0xa1: {  	s7 =	simm.s32 $_size__tile_overlayer_lowered;
	s8 =	simm.s32 $_tile_overlayer_lowered  }
0xa2: {  	s22 =	simm.s32 $0x1BFF;
	s21 =	sshll.u32 s8, $0x1;
	s5 =	sadd.s32 s19, s18  }
0xa3: {  	s9 =	simm.s32 $0x0;
	s20 =	sshll.u32 s7, $0x1;
	s7 =	sadd.s32 s21, s5  }
0xa4: {  	[timem:s9], [sflag:s22] =	dma.local [hbm:s7], s20  }
0xa5: {  	_ =	swait.ge [sflag:s22], s20  }
0xa6: {  	s6 =	ssub.s32 $0x0, s20;
	[sflag:s22] =	ssyncset.done $0x0  }
0xa7: {  	[sflag:s22] =	ssyncadd.s32 s6;
	_ =	sdelay $0x1  }
0xa8: {  	s23 =	simm.s32 $0x1B8B  }
0xa9: {  	_ =	swait.ge [sflag:s23], $0x1  }
0xaa: {  	[sflag:s23] =	ssyncset.done $0x0  }
0xab: {  	s25 =	simm.s32 $0x1B8E;
	s24 =	sld [smem:$0x3FFE];
	[sflag:s23] =	ssyncadd.s32 $0xFFFFFFFF  }
0xac: {  	s26 =	simm.s32 $execute0_lowered;
	[smem:$0x3FD2] =	sst s25  }
0xad: {  	s7 =	sshll.u32 s26, $0x1;
	_ =	strace $0x80000049;
	[dreg:$0x1] =	wrdreg $0xFFFFFFFF  }
0xae: {  	s28 =	simm.s32 $_size_execute0_lowered;
	s5 =	sadd.s32 s5, s7;
	[dreg:$0x0] =	wrdreg $0x0  }
0xaf: {  	s7 =	sshll.u32 s28, $0x1;
	[dreg:$0x2] =	wrdreg s5  }
0xb0: {  	[dreg:$0x3] =	wrdreg s7  }
0xb1: {  	[dreg:$0x4] =	wrdreg $0xC0  }
0xb2: {  	_ =	task [dreg:s9], $0x5FFFF  }
0xb3: {  	[dreg:$0x1] =	wrdreg $0xFFFFFFFF  }
0xb4: {  	[dreg:$0x0] =	wrdreg $0x60  }
0xb5: {  	[dreg:$0x2] =	wrdreg s16  }
0xb6: {  	[dreg:$0x3] =	wrdreg s15  }
0xb7: {  	[dreg:$0x4] =	wrdreg s4  }
0xb8: {  	[dreg:$0x5] =	wrdreg s24  }
0xb9: {  	[dreg:$0x6] =	wrdreg $0x41800  }
0xba: {  	[dreg:$0x7] =	wrdreg $0x9  }
0xbb: {  	_ =	task.clear_ibuf [dreg:s9], $0x8FFFF;
	_ =	strace $0x90000049  }
0xbc: {  	s29 =	simm.s32 $0x9;
	_ =	strace $0x8000004B  }
0xbd: {  	_ =	swait.ge [sflag:s29], $0x1  }
0xbe: {  	[sflag:s29] =	ssyncadd.s32 $0xFFFFFFFF  }
0xbf: {  	_ =	strace $0x9000004B  }
0xc0: {  	_ =	sfence  }
0xc1: {  	s30 =	sld [smem:$0x0];
	_ =	sdelay $0x2  }
0xc2: {  	s31 =	sshll.u32 s1, $0xD;
	s1 =	sshrl.u32 s1, $0x2  }
0xc3: {  	s3 =	sand.u32 $0x4000, s31;
	s1 =	sadd.s32 s1, s30  }
0xc4: {  	s0 =	sor.u32 s3, s0;
	s1 =	sshll.u32 s1, $0x11  }
0xc5: {  	s0 =	sor.u32 s1, s0  }
0xc6: {  	s0 =	sadd.s32 $0x8F2B, s0  }
0xc7: {  	[sflag:s0] =	ssyncadd.remote.s32 $0x1  }
0xc8: {  	_ =	sfence.sel $0xFFFF  }
0xc9: {  	[dreg:$0x0] =	wrdreg $0xFFFFFFFF;
	(pc) =	sbr.abs _section_cstart, $3  }
0xca: {  	[dreg:$0x1] =	wrdreg $0xFFFFFFFF  }
0xcb: {  	_ =	task.clear_ibuf [dreg:s9], $0x2FFFF;
	_ =	strace $0x9FFFFFFF  }
0xcc: {  	(tm) =	ssettm $0x7FFFFFFF  }
0xcd: {  	_ =	shalt  }
tec
execute0_lowered:
.L_overlay_start_1:
0x0: {  	(tag) =	ssettag $0x1  }
0x1: {  	s0 =	rddreg [dreg:$0x0]  }
0x2: {  	s2 =	rddreg [dreg:$0x1]  }
0x3: {  	s3 =	rddreg [dreg:$0x2]  }
0x4: {  	s9 =	rddreg [dreg:$0x3]  }
0x5: {  	s5 =	rddreg [dreg:$0x4]  }
0x6: {  	s1 =	srdreg.scid;
	s4 =	rddreg [dreg:$0x5];
	s6 =	simm.s32 $0x0  }
0x7: {  	s17 =	simm.s32 $0x180;
	s18 =	simm.s32 $0x5;
	s7 =	sand.u32 $0x1, s1  }
0x8: {  	s19 =	simm.s32 $0x80;
	s1 =	stileid.u32;
	s8 =	smul.u32 $0x140000, s7  }
0x9: {  	s20 =	simm.s32 $0x100;
	s21 =	simm.s32 $0x2;
	s10 =	smul.u32 $0x14000, s1  }
0xa: {  	s22 =	simm.s32 $0x3;
	s23 =	simm.s32 $0x4;
	s24 =	simm.s32 $0x1  }
0xb: {  	s25 =	simm.s32 $0x0;
	[smem:$0x7FF] =	sst s6;
	s8 =	sadd.s32 s10, s8  }
0xc: {  	s26 =	smul.u32 $0x50000, s1;
	s28 =	sshll.u32 s1, $0x1;
	s8 =	sshrl.u32 s8, $0x3  }
0xd: {  	s29 =	ssub.s32 $0x2, s7;
	s15 =	sadd.s32 s8, s9;
	s8 =	sor.u32 s7, s28  }
0xe: {  	s14 =	sadd.s32 $0x10, s2;
	s31 =	sshrl.u32 s29, $0x1;
	s12 =	smul.u32 $0x9C4, s8  }
.Ltmp0:
0xf: {  	s30 =	sshrl.u32 s26, $0x2;
	s16 =	ssub.s32 s29, s31;
	(pc) =	sbr.rel .LBB2_1-.Ltmp0, $4  }
0x10: {  	_ =	strace $0x8000004A;
	s16 =	smax.u32 s16, $0x1;
	s7 =	sadd.s32 s30, s5  }
0x11: {  	s8 =	sadd.s32 $0x4000, s7;
	s9 =	sadd.s32 $0x8000, s7;
	s13 =	sadd.s32 $0x9C4, s12  }
0x12: {  	s10 =	sadd.s32 $0xC000, s7;
	s12 =	sshrl.u32 s12, $0x5;
	s13 =	sshrl.u32 s13, $0x5  }
0x13: {  	v0 =	vimm.f32 $0.0e+00;
	s11 =	sadd.s32 $0x10000, s7;
	s15 =	sadd.s32 $0x2E00, s15;
	p0 =	sge.u32 s12, s13  }
.LBB2_7:
0x14: {  	s25 =	sadd.s32 $0x1, s25  }
0x15: {  	s26 =	sshll.u32 s1, $0x6;
	[bflag:$0x0] =	sbarrier.arrive $0xFFFF;
	p1 =	sne.s32 s25, s16  }
.Ltmp1:
0x16: {  	s28 =	sshrl.u32 s7, $0x3;
	s26 =	sor.u32 $0x1C05, s26;
	(pc) =	sbr.rel @!p1 .LBB2_8-.Ltmp1, $4  }
0x17: {  	[hbm:s15], [sflag:s26] =	dma.local [spmem:s28], $0x2800  }
0x18: {  	_ =	swait.ge [sflag:s18], $0x2800  }
0x19: {  	[sflag:s18] =	ssyncset.done $0x0  }
0x1a: {  	[sflag:s18] =	ssyncadd.s32 $0xFFFFD800  }
.LBB2_1:
0x1b: {  	s26 =	sand.u32 $0xFE00, s6  }
0x1c: {  	s28 =	sand.u32 $0x70, s6;
	s29 =	sshrl.u32 s26, $0x2  }
0x1d: {  	s26 =	simm.s32 $0x40;
	s29 =	sor.u32 s28, s29;
	s28 =	simm.s32 $0x0  }
.LBB2_2:
0x1e: {  	p1 =	sne.s32 s26, $0xFFC0  }
0x1f: {  	[tilespmem:s29+$0x180] =	vst v0;
	s28 =	sadd.s32 $0x10, s28;
	s29 =	smov.u32 s26;
	s26 =	sadd.s32 $0x40, s26  }
.Ltmp2:
0x20: {  	(pc) =	sbr.rel @p1 .LBB2_2-.Ltmp2, $4  }
0x21: {  	_ = 	snop  }
0x22: {  	s29 =	sand.u32 $0xFE00, s29  }
0x23: {  	s30 =	sand.u32 $0x70, s28;
	s29 =	sshrl.u32 s29, $0x2  }
0x24: {  	s29 =	sor.u32 s30, s29  }
0x25: {  	[tilespmem:s29+$0x180] =	vst v0  }
0x26: {  	[spmem:s7] =	stream.linear.scatter [tilespmem:s17], [sflag:$0x5], $0x4000, $0x38;
	[tilespmem:$0x18180] =	vst v63  }
0x27: {  	_ =	swait.ge [sflag:s18], $0x4000  }
0x28: {  	[sflag:s18] =	ssyncset.done $0x0  }
0x29: {  	[sflag:s18] =	ssyncadd.s32 $0xFFFFC000  }
0x2a: {  	[spmem:s8] =	stream.linear.scatter [tilespmem:s17], [sflag:$0x5], $0x4000, $0x38;
	[tilespmem:$0x18180] =	vst v63  }
0x2b: {  	_ =	swait.ge [sflag:s18], $0x4000  }
0x2c: {  	[sflag:s18] =	ssyncset.done $0x0  }
0x2d: {  	[sflag:s18] =	ssyncadd.s32 $0xFFFFC000  }
0x2e: {  	[spmem:s9] =	stream.linear.scatter [tilespmem:s17], [sflag:$0x5], $0x4000, $0x38;
	[tilespmem:$0x18180] =	vst v63  }
0x2f: {  	_ =	swait.ge [sflag:s18], $0x4000  }
0x30: {  	[sflag:s18] =	ssyncset.done $0x0  }
0x31: {  	[sflag:s18] =	ssyncadd.s32 $0xFFFFC000  }
0x32: {  	[spmem:s10] =	stream.linear.scatter [tilespmem:s17], [sflag:$0x5], $0x4000, $0x38;
	[tilespmem:$0x18180] =	vst v63  }
0x33: {  	_ =	swait.ge [sflag:s18], $0x4000  }
0x34: {  	[sflag:s18] =	ssyncset.done $0x0  }
0x35: {  	[sflag:s18] =	ssyncadd.s32 $0xFFFFC000  }
0x36: {  	[spmem:s11] =	stream.linear.scatter [tilespmem:s17], [sflag:$0x5], $0x4000, $0x38;
	[tilespmem:$0x18180] =	vst v63  }
.Ltmp3:
0x37: {  	_ =	swait.ge [sflag:s18], $0x4000;
	(pc) =	sbr.rel @p0 .LBB2_7-.Ltmp3, $4  }
0x38: {  	[sflag:s18] =	ssyncset.done $0x0  }
0x39: {  	[sflag:s18] =	ssyncadd.s32 $0xFFFFC000  }
0x3a: {  	[bflag:$0x0] =	sbarrier.arrive $0xFFFF  }
0x3b: {  	s26 =	smov.u32 s12  }
.LBB2_4:
0x3c: {  	s28 =	sshll.u32 s26, $0x5  }
0x3d: {  	s30 =	simm.s32 $0x0;
	s29 =	sadd.s32 s2, s28  }
0x3e: {  	[tilespmem:s30], [sflag:$0x2] =	stream.linear.gather [hbm4b:s29+s30], $0x80, $0x38;
	[tilespmem:$0x18180] =	vst v63  }
0x3f: {  	s28 =	sadd.s32 s28, s14  }
0x40: {  	[tilespmem:s19], [sflag:$0x3] =	stream.linear.gather [hbm4b:s28+s30], $0x80, $0x38;
	[tilespmem:$0x18180] =	vst v63  }
0x41: {  	s28 =	sshll.u32 s26, $0x4  }
0x42: {  	s28 =	sadd.s32 s3, s28  }
0x43: {  	[tilespmem:s20], [sflag:$0x4] =	stream.linear.gather [hbm4b:s28+s30], $0x80, $0x38;
	[tilespmem:$0x18180] =	vst v63  }
0x44: {  	_ =	swait.ge [sflag:s21], $0x80  }
0x45: {  	[sflag:s21] =	ssyncset.done $0x0  }
0x46: {  	[sflag:s21] =	ssyncadd.s32 $0xFFFFFF80  }
0x47: {  	[tilespmem:s17], [sflag:$0x1] =	stream.indirect.gather [hbm4b:s0+s19], $0x80, s30, s19, $0xb8;
	[tilespmem:$0x18180] =	vst v63  }
0x48: {  	_ =	swait.ge [sflag:s22], $0x80  }
0x49: {  	[sflag:s22] =	ssyncset.done $0x0  }
0x4a: {  	[sflag:s22] =	ssyncadd.s32 $0xFFFFFF80  }
0x4b: {  	_ =	swait.ge [sflag:s23], $0x80  }
0x4c: {  	[sflag:s23] =	ssyncset.done $0x0  }
0x4d: {  	[sflag:s23] =	ssyncadd.s32 $0xFFFFFF80  }
0x4e: {  	_ =	swait.ge [sflag:s24], $0x4000  }
0x4f: {  	s28 =	simm.s32 $0x0;
	[sflag:s24] =	ssyncset.done $0x0  }
0x50: {  	s28 =	sand.u32 $0x3FFFFFF0, s28;
	[sflag:s24] =	ssyncadd.s32 $0xFFFFC000  }
0x51: {  	s29 =	simm.s32 $0x0;
	v1 =	vld [tilespmem:s28+$0x100]  }
0x52: {  	s28 =	sand.u32 $0x3FFFF800, s29  }
0x53: {  	v3 =	vld [tilespmem:s28+$0x1A0]  }
0x54: {  	v4 =	vld [tilespmem:s28+$0x1B0]  }
0x55: {  	v10 =	vld [tilespmem:s28+$0x1E0]  }
0x56: {  	v11 =	vld [tilespmem:s28+$0x1F0];
	v2 =	vbroadcast v1, $0x0  }
0x57: {  	v12 =	vld [tilespmem:s28+$0x200]  }
0x58: {  	v13 =	vld [tilespmem:s28+$0x210];
	v3 =	vmul.f32 v3, v2  }
0x59: {  	v14 =	vld [tilespmem:s28+$0x220];
	v4 =	vmul.f32 v4, v2  }
0x5a: {  	v9 =	vld [tilespmem:s28+$0x230];
	v23 =	vbroadcast v1, $0x1;
	v22 =	vmul.f32 v10, v2;
	[tilespmem:s28+$0x1A0] =	vst v3  }
0x5b: {  	v7 =	vld [tilespmem:s28+$0x240];
	v11 =	vmul.f32 v11, v2;
	[tilespmem:s28+$0x1B0] =	vst v4  }
0x5c: {  	v8 =	vld [tilespmem:s28+$0x250];
	v12 =	vmul.f32 v12, v23;
	[tilespmem:s28+$0x1E0] =	vst v22  }
0x5d: {  	v25 =	vld [tilespmem:s28+$0x270];
	v13 =	vmul.f32 v13, v23;
	[tilespmem:s28+$0x1F0] =	vst v11  }
0x5e: {  	v26 =	vld [tilespmem:s28+$0x280];
	v14 =	vmul.f32 v14, v23;
	[tilespmem:s28+$0x200] =	vst v12  }
0x5f: {  	v27 =	vld [tilespmem:s28+$0x290];
	v9 =	vmul.f32 v9, v23;
	[tilespmem:s28+$0x210] =	vst v13  }
0x60: {  	v6 =	vld [tilespmem:s28+$0x6F0];
	v7 =	vmul.f32 v7, v23;
	[tilespmem:s28+$0x220] =	vst v14  }
0x61: {  	v24 =	vld [tilespmem:s28+$0x260];
	v15 =	vbroadcast v1, $0x2;
	v8 =	vmul.f32 v8, v23;
	[tilespmem:s28+$0x230] =	vst v9  }
0x62: {  	v28 =	vld [tilespmem:s28+$0x2A0];
	v10 =	vmul.f32 v25, v23;
	[tilespmem:s28+$0x240] =	vst v7  }
0x63: {  	v29 =	vld [tilespmem:s28+$0x2B0];
	v5 =	vbroadcast v1, $0xA;
	v32 =	vmul.f32 v26, v15;
	[tilespmem:s28+$0x250] =	vst v8  }
0x64: {  	v30 =	vld [tilespmem:s28+$0x2C0];
	v34 =	vmul.f32 v27, v15;
	[tilespmem:s28+$0x270] =	vst v10  }
0x65: {  	v33 =	vld [tilespmem:s28+$0x2E0];
	v3 =	vmul.f32 v6, v5;
	[tilespmem:s28+$0x280] =	vst v32  }
0x66: {  	v35 =	vld [tilespmem:s28+$0x2F0];
	v11 =	vmul.f32 v24, v23;
	[tilespmem:s28+$0x290] =	vst v34  }
0x67: {  	v36 =	vld [tilespmem:s28+$0x300];
	v9 =	vmul.f32 v28, v15;
	[tilespmem:s28+$0x6F0] =	vst v3  }
0x68: {  	v31 =	vld [tilespmem:s28+$0x2D0];
	v7 =	vmul.f32 v29, v15;
	[tilespmem:s28+$0x260] =	vst v11  }
0x69: {  	v37 =	vld [tilespmem:s28+$0x310];
	v8 =	vmul.f32 v30, v15;
	[tilespmem:s28+$0x2A0] =	vst v9  }
0x6a: {  	v38 =	vld [tilespmem:s28+$0x320];
	v41 =	vbroadcast v1, $0x3;
	v10 =	vmul.f32 v33, v15;
	[tilespmem:s28+$0x2B0] =	vst v7  }
0x6b: {  	v39 =	vld [tilespmem:s28+$0x330];
	v12 =	vmul.f32 v35, v15;
	[tilespmem:s28+$0x2C0] =	vst v8  }
0x6c: {  	v42 =	vld [tilespmem:s28+$0x350];
	v13 =	vmul.f32 v36, v41;
	[tilespmem:s28+$0x2E0] =	vst v10  }
0x6d: {  	v43 =	vld [tilespmem:s28+$0x360];
	v11 =	vmul.f32 v31, v15;
	[tilespmem:s28+$0x2F0] =	vst v12  }
0x6e: {  	v44 =	vld [tilespmem:s28+$0x370];
	v9 =	vmul.f32 v37, v41;
	[tilespmem:s28+$0x300] =	vst v13  }
0x6f: {  	v40 =	vld [tilespmem:s28+$0x340];
	v7 =	vmul.f32 v38, v41;
	[tilespmem:s28+$0x2D0] =	vst v11  }
0x70: {  	v45 =	vld [tilespmem:s28+$0x380];
	v8 =	vmul.f32 v39, v41;
	[tilespmem:s28+$0x310] =	vst v9  }
0x71: {  	v46 =	vld [tilespmem:s28+$0x390];
	v10 =	vmul.f32 v42, v41;
	[tilespmem:s28+$0x320] =	vst v7  }
0x72: {  	v47 =	vld [tilespmem:s28+$0x3A0];
	v12 =	vmul.f32 v43, v41;
	[tilespmem:s28+$0x330] =	vst v8  }
0x73: {  	v49 =	vld [tilespmem:s28+$0x3C0];
	v50 =	vbroadcast v1, $0x4;
	v13 =	vmul.f32 v44, v41;
	[tilespmem:s28+$0x350] =	vst v10  }
0x74: {  	v51 =	vld [tilespmem:s28+$0x3D0];
	v11 =	vmul.f32 v40, v41;
	[tilespmem:s28+$0x360] =	vst v12  }
0x75: {  	v52 =	vld [tilespmem:s28+$0x3E0];
	v9 =	vmul.f32 v45, v50;
	[tilespmem:s28+$0x370] =	vst v13  }
0x76: {  	v48 =	vld [tilespmem:s28+$0x3B0];
	v7 =	vmul.f32 v46, v50;
	[tilespmem:s28+$0x340] =	vst v11  }
0x77: {  	v53 =	vld [tilespmem:s28+$0x3F0];
	v8 =	vmul.f32 v47, v50;
	[tilespmem:s28+$0x380] =	vst v9  }
0x78: {  	v54 =	vld [tilespmem:s28+$0x400];
	v10 =	vmul.f32 v49, v50;
	[tilespmem:s28+$0x390] =	vst v7  }
0x79: {  	v55 =	vld [tilespmem:s28+$0x410];
	v12 =	vmul.f32 v51, v50;
	[tilespmem:s28+$0x3A0] =	vst v8  }
0x7a: {  	v57 =	vld [tilespmem:s28+$0x430];
	v13 =	vmul.f32 v52, v50;
	[tilespmem:s28+$0x3C0] =	vst v10  }
0x7b: {  	v58 =	vld [tilespmem:s28+$0x440];
	v59 =	vbroadcast v1, $0x5;
	v11 =	vmul.f32 v48, v50;
	[tilespmem:s28+$0x3D0] =	vst v12  }
0x7c: {  	v60 =	vld [tilespmem:s28+$0x450];
	v9 =	vmul.f32 v53, v50;
	[tilespmem:s28+$0x3E0] =	vst v13  }
0x7d: {  	v56 =	vld [tilespmem:s28+$0x420];
	v7 =	vmul.f32 v54, v59;
	[tilespmem:s28+$0x3B0] =	vst v11  }
0x7e: {  	v61 =	vld [tilespmem:s28+$0x460];
	v8 =	vmul.f32 v55, v59;
	[tilespmem:s28+$0x3F0] =	vst v9  }
0x7f: {  	v62 =	vld [tilespmem:s28+$0x470];
	v10 =	vmul.f32 v57, v59;
	[tilespmem:s28+$0x400] =	vst v7  }
0x80: {  	v63 =	vld [tilespmem:s28+$0x480];
	v12 =	vmul.f32 v58, v59;
	[tilespmem:s28+$0x410] =	vst v8  }
0x81: {  	v19 =	vld [tilespmem:s28+$0x4A0];
	v13 =	vmul.f32 v60, v59;
	[tilespmem:s28+$0x430] =	vst v10  }
0x82: {  	v20 =	vld [tilespmem:s28+$0x4B0];
	v11 =	vmul.f32 v56, v59;
	[tilespmem:s28+$0x440] =	vst v12  }
0x83: {  	v21 =	vld [tilespmem:s28+$0x4C0];
	v22 =	vbroadcast v1, $0x6;
	v9 =	vmul.f32 v61, v59;
	[tilespmem:s28+$0x450] =	vst v13  }
0x84: {  	v18 =	vld [tilespmem:s28+$0x490];
	v7 =	vmul.f32 v62, v59;
	[tilespmem:s28+$0x420] =	vst v11  }
0x85: {  	v23 =	vld [tilespmem:s28+$0x4D0];
	v8 =	vmul.f32 v63, v22;
	[tilespmem:s28+$0x460] =	vst v9  }
0x86: {  	v24 =	vld [tilespmem:s28+$0x4E0];
	v10 =	vmul.f32 v19, v22;
	[tilespmem:s28+$0x470] =	vst v7  }
0x87: {  	v25 =	vld [tilespmem:s28+$0x4F0];
	v12 =	vmul.f32 v20, v22;
	[tilespmem:s28+$0x480] =	vst v8  }
0x88: {  	v27 =	vld [tilespmem:s28+$0x510];
	v13 =	vmul.f32 v21, v22;
	[tilespmem:s28+$0x4A0] =	vst v10  }
0x89: {  	v28 =	vld [tilespmem:s28+$0x520];
	v11 =	vmul.f32 v18, v22;
	[tilespmem:s28+$0x4B0] =	vst v12  }
0x8a: {  	v29 =	vld [tilespmem:s28+$0x530];
	v9 =	vmul.f32 v23, v22;
	[tilespmem:s28+$0x4C0] =	vst v13  }
0x8b: {  	v31 =	vbroadcast v1, $0x7;
	v53 =	vld [tilespmem:s28+$0x680];
	v7 =	vmul.f32 v24, v22;
	[tilespmem:s28+$0x490] =	vst v11  }
0x8c: {  	v57 =	vld [tilespmem:s28+$0x6C0];
	v8 =	vmul.f32 v25, v22;
	[tilespmem:s28+$0x4D0] =	vst v9  }
0x8d: {  	v58 =	vld [tilespmem:s28+$0x6D0];
	v10 =	vmul.f32 v27, v31;
	[tilespmem:s28+$0x4E0] =	vst v7  }
0x8e: {  	v26 =	vld [tilespmem:s28+$0x500];
	v12 =	vmul.f32 v28, v31;
	[tilespmem:s28+$0x4F0] =	vst v8  }
0x8f: {  	v30 =	vld [tilespmem:s28+$0x540];
	v13 =	vmul.f32 v29, v31;
	[tilespmem:s28+$0x510] =	vst v10  }
0x90: {  	v32 =	vld [tilespmem:s28+$0x550];
	v59 =	vmul.f32 v53, v5;
	[tilespmem:s28+$0x520] =	vst v12  }
0x91: {  	v33 =	vld [tilespmem:s28+$0x560];
	v18 =	vmul.f32 v57, v5;
	[tilespmem:s28+$0x530] =	vst v13  }
0x92: {  	v35 =	vld [tilespmem:s28+$0x580];
	v20 =	vmul.f32 v58, v5;
	[tilespmem:s28+$0x680] =	vst v59  }
0x93: {  	v36 =	vld [tilespmem:s28+$0x590];
	v11 =	vmul.f32 v26, v31;
	[tilespmem:s28+$0x6C0] =	vst v18  }
0x94: {  	v37 =	vld [tilespmem:s28+$0x5A0];
	v9 =	vmul.f32 v30, v31;
	[tilespmem:s28+$0x6D0] =	vst v20  }
0x95: {  	v4 =	vld [tilespmem:s28+$0x700];
	v40 =	vbroadcast v1, $0x8;
	v7 =	vmul.f32 v32, v31;
	[tilespmem:s28+$0x500] =	vst v11  }
0x96: {  	v6 =	vld [tilespmem:s28+$0x710];
	v8 =	vmul.f32 v33, v31;
	[tilespmem:s28+$0x540] =	vst v9  }
0x97: {  	v3 =	vld [tilespmem:s28+$0x950];
	v10 =	vmul.f32 v35, v40;
	[tilespmem:s28+$0x550] =	vst v7  }
0x98: {  	v61 =	vld [tilespmem:s28+$0x180];
	v23 =	vbroadcast v1, $0xB;
	v12 =	vmul.f32 v36, v40;
	[tilespmem:s28+$0x560] =	vst v8  }
0x99: {  	v34 =	vld [tilespmem:s28+$0x570];
	v13 =	vmul.f32 v37, v40;
	[tilespmem:s28+$0x580] =	vst v10  }
0x9a: {  	v38 =	vld [tilespmem:s28+$0x5B0];
	v27 =	vbroadcast v1, $0xF;
	v4 =	vmul.f32 v4, v23;
	[tilespmem:s28+$0x590] =	vst v12  }
0x9b: {  	v39 =	vld [tilespmem:s28+$0x5C0];
	v6 =	vmul.f32 v6, v23;
	[tilespmem:s28+$0x5A0] =	vst v13  }
0x9c: {  	v41 =	vld [tilespmem:s28+$0x5D0];
	v3 =	vmul.f32 v3, v27;
	[tilespmem:s28+$0x700] =	vst v4  }
0x9d: {  	v43 =	vld [tilespmem:s28+$0x5F0];
	v24 =	vmul.f32 v2, v61;
	[tilespmem:s28+$0x710] =	vst v6  }
0x9e: {  	v44 =	vld [tilespmem:s28+$0x600];
	v11 =	vmul.f32 v34, v31;
	[tilespmem:s28+$0x950] =	vst v3  }
0x9f: {  	v45 =	vld [tilespmem:s28+$0x610];
	v9 =	vmul.f32 v38, v40;
	[tilespmem:s28+$0x180] =	vst v24  }
0xa0: {  	v63 =	vld [tilespmem:s28+$0x1C0];
	v7 =	vmul.f32 v39, v40;
	[tilespmem:s28+$0x570] =	vst v11  }
0xa1: {  	v49 =	vbroadcast v1, $0x9;
	v29 =	vld [tilespmem:s28+$0x770];
	v8 =	vmul.f32 v41, v40;
	[tilespmem:s28+$0x5B0] =	vst v9  }
0xa2: {  	v42 =	vld [tilespmem:s28+$0x5E0];
	v10 =	vmul.f32 v43, v40;
	[tilespmem:s28+$0x5C0] =	vst v7  }
0xa3: {  	v46 =	vld [tilespmem:s28+$0x620];
	v12 =	vmul.f32 v44, v49;
	[tilespmem:s28+$0x5D0] =	vst v8  }
0xa4: {  	v47 =	vld [tilespmem:s28+$0x630];
	v13 =	vmul.f32 v45, v49;
	[tilespmem:s28+$0x5F0] =	vst v10  }
0xa5: {  	v48 =	vld [tilespmem:s28+$0x640];
	v3 =	vmul.f32 v63, v2;
	[tilespmem:s28+$0x600] =	vst v12  }
0xa6: {  	v51 =	vld [tilespmem:s28+$0x660];
	v6 =	vmul.f32 v29, v23;
	[tilespmem:s28+$0x610] =	vst v13  }
0xa7: {  	v52 =	vld [tilespmem:s28+$0x670];
	v11 =	vmul.f32 v42, v40;
	[tilespmem:s28+$0x1C0] =	vst v3  }
0xa8: {  	v28 =	vld [tilespmem:s28+$0x760];
	v9 =	vmul.f32 v46, v49;
	[tilespmem:s28+$0x770] =	vst v6  }
0xa9: {  	v26 =	vld [tilespmem:s28+$0x750];
	v7 =	vmul.f32 v47, v49;
	[tilespmem:s28+$0x5E0] =	vst v11  }
0xaa: {  	v30 =	vld [tilespmem:s28+$0x780];
	v8 =	vmul.f32 v48, v49;
	[tilespmem:s28+$0x620] =	vst v9  }
0xab: {  	v50 =	vld [tilespmem:s28+$0x650];
	v10 =	vmul.f32 v51, v49;
	[tilespmem:s28+$0x630] =	vst v7  }
0xac: {  	v54 =	vld [tilespmem:s28+$0x690];
	v12 =	vmul.f32 v52, v49;
	[tilespmem:s28+$0x640] =	vst v8  }
0xad: {  	v55 =	vld [tilespmem:s28+$0x6A0];
	v35 =	vbroadcast v1, $0xC;
	v40 =	vmul.f32 v28, v23;
	[tilespmem:s28+$0x660] =	vst v10  }
0xae: {  	v56 =	vld [tilespmem:s28+$0x6B0];
	v32 =	vmul.f32 v26, v23;
	[tilespmem:s28+$0x670] =	vst v12  }
0xaf: {  	v60 =	vld [tilespmem:s28+$0x6E0];
	v15 =	vmul.f32 v30, v35;
	[tilespmem:s28+$0x760] =	vst v40  }
0xb0: {  	v62 =	vld [tilespmem:s28+$0x190];
	v11 =	vmul.f32 v50, v49;
	[tilespmem:s28+$0x750] =	vst v32  }
0xb1: {  	v19 =	vld [tilespmem:s28+$0x1D0];
	v9 =	vmul.f32 v54, v5;
	[tilespmem:s28+$0x780] =	vst v15  }
0xb2: {  	v33 =	vld [tilespmem:s28+$0x7B0];
	v7 =	vmul.f32 v55, v5;
	[tilespmem:s28+$0x650] =	vst v11  }
0xb3: {  	v61 =	vld [tilespmem:s28+$0x970];
	v8 =	vmul.f32 v56, v5;
	[tilespmem:s28+$0x690] =	vst v9  }
0xb4: {  	v38 =	vld [tilespmem:s28+$0x7F0];
	v5 =	vmul.f32 v60, v5;
	[tilespmem:s28+$0x6A0] =	vst v7  }
0xb5: {  	v21 =	vld [tilespmem:s28+$0x720];
	v12 =	vmul.f32 v62, v2;
	[tilespmem:s28+$0x6B0] =	vst v8  }
0xb6: {  	v22 =	vld [tilespmem:s28+$0x730];
	v2 =	vmul.f32 v19, v2;
	[tilespmem:s28+$0x6E0] =	vst v5  }
0xb7: {  	v25 =	vld [tilespmem:s28+$0x740];
	v62 =	vmul.f32 v33, v35;
	[tilespmem:s28+$0x190] =	vst v12  }
0xb8: {  	v31 =	vld [tilespmem:s28+$0x790];
	v63 =	vmul.f32 v61, v27;
	[tilespmem:s28+$0x1D0] =	vst v2  }
0xb9: {  	v34 =	vld [tilespmem:s28+$0x7C0];
	v15 =	vmul.f32 v38, v35;
	[tilespmem:s28+$0x7B0] =	vst v62  }
0xba: {  	v41 =	vld [tilespmem:s28+$0x820];
	v7 =	vmul.f32 v21, v23;
	[tilespmem:s28+$0x970] =	vst v63  }
0xbb: {  	v46 =	vld [tilespmem:s28+$0x860];
	v8 =	vmul.f32 v22, v23;
	[tilespmem:s28+$0x7F0] =	vst v15  }
0xbc: {  	v36 =	vld [tilespmem:s28+$0x7D0];
	v5 =	vmul.f32 v25, v23;
	[tilespmem:s28+$0x720] =	vst v7  }
0xbd: {  	v44 =	vbroadcast v1, $0xD;
	v9 =	vmul.f32 v31, v35;
	v2 =	vld [tilespmem:s28+$0x810];
	[tilespmem:s28+$0x730] =	vst v8  }
0xbe: {  	v37 =	vld [tilespmem:s28+$0x7E0];
	v12 =	vmul.f32 v34, v35;
	[tilespmem:s28+$0x740] =	vst v5  }
0xbf: {  	v39 =	vld [tilespmem:s28+$0x800];
	v11 =	vmul.f32 v41, v44;
	[tilespmem:s28+$0x790] =	vst v9  }
0xc0: {  	v42 =	vld [tilespmem:s28+$0x830];
	v51 =	vmul.f32 v46, v44;
	[tilespmem:s28+$0x7C0] =	vst v12  }
0xc1: {  	v48 =	vld [tilespmem:s28+$0x890];
	v8 =	vmul.f32 v36, v35;
	[tilespmem:s28+$0x820] =	vst v11  }
0xc2: {  	v49 =	vld [tilespmem:s28+$0x8A0];
	[tilespmem:s28+$0x860] =	vst v51;
	v2 =	vmul.f32 v2, v44  }
0xc3: {  	v50 =	vld [tilespmem:s28+$0x8B0];
	v5 =	vmul.f32 v37, v35;
	[tilespmem:s28+$0x7D0] =	vst v8  }
0xc4: {  	v1 =	vbroadcast v1, $0xE;
	v9 =	vmul.f32 v39, v44;
	[tilespmem:s28+$0x810] =	vst v2;
	v2 =	vld [tilespmem:s28+$0x880]  }
0xc5: {  	v60 =	vld [tilespmem:s28+$0x960];
	v12 =	vmul.f32 v42, v44;
	[tilespmem:s28+$0x7E0] =	vst v5  }
0xc6: {  	v45 =	vld [tilespmem:s28+$0x850];
	v11 =	vmul.f32 v48, v1;
	[tilespmem:s28+$0x800] =	vst v9  }
0xc7: {  	v47 =	vld [tilespmem:s28+$0x870];
	v10 =	vmul.f32 v49, v1;
	[tilespmem:s28+$0x830] =	vst v12  }
0xc8: {  	v43 =	vld [tilespmem:s28+$0x840];
	v6 =	vmul.f32 v50, v1;
	[tilespmem:s28+$0x890] =	vst v11  }
0xc9: {  	v55 =	vld [tilespmem:s28+$0x900];
	[tilespmem:s28+$0x8A0] =	vst v10;
	v2 =	vmul.f32 v2, v1  }
0xca: {  	v57 =	vld [tilespmem:s28+$0x920];
	v4 =	vmul.f32 v60, v27;
	[tilespmem:s28+$0x8B0] =	vst v6  }
0xcb: {  	v5 =	vmul.f32 v45, v44;
	[tilespmem:s28+$0x880] =	vst v2;
	v2 =	vld [tilespmem:s28+$0x8F0]  }
0xcc: {  	v52 =	vld [tilespmem:s28+$0x8C0];
	v9 =	vmul.f32 v47, v44;
	[tilespmem:s28+$0x960] =	vst v4  }
0xcd: {  	v56 =	vld [tilespmem:s28+$0x910];
	v8 =	vmul.f32 v43, v44;
	[tilespmem:s28+$0x850] =	vst v5  }
0xce: {  	v54 =	vld [tilespmem:s28+$0x8E0];
	v11 =	vmul.f32 v55, v27;
	[tilespmem:s28+$0x870] =	vst v9  }
0xcf: {  	v58 =	vld [tilespmem:s28+$0x930];
	v6 =	vmul.f32 v57, v27;
	[tilespmem:s28+$0x840] =	vst v8  }
0xd0: {  	v53 =	vld [tilespmem:s28+$0x8D0];
	[tilespmem:s28+$0x900] =	vst v11;
	v2 =	vmul.f32 v2, v1  }
0xd1: {  	v59 =	vld [tilespmem:s28+$0x940];
	v5 =	vmul.f32 v52, v1;
	[tilespmem:s28+$0x920] =	vst v6  }
0xd2: {  	[tilespmem:s28+$0x8F0] =	vst v2;
	v2 =	vmul.f32 v56, v27  }
0xd3: {  	v3 =	vld [tilespmem:s28+$0x7A0];
	v9 =	vmul.f32 v54, v1;
	[tilespmem:s28+$0x8C0] =	vst v5  }
0xd4: {  	[tilespmem:s28+$0x910] =	vst v2;
	v2 =	vmul.f32 v58, v27  }
0xd5: {  	[tilespmem:s28+$0x8E0] =	vst v9;
	v1 =	vmul.f32 v53, v1  }
0xd6: {  	[tilespmem:s28+$0x930] =	vst v2;
	v2 =	vmul.f32 v59, v27  }
0xd7: {  	[tilespmem:s28+$0x8D0] =	vst v1  }
0xd8: {  	s29 =	simm.s32 $0x1;
	[tilespmem:s28+$0x940] =	vst v2;
	v2 =	vmul.f32 v3, v35  }
.LBB2_5:
0xd9: {  	s30 =	sshll.u32 s29, $0x4  }
0xda: {  	p1 =	sne.s32 s29, $0x7;
	[tilespmem:s28+$0x7A0] =	vst v2;
	s28 =	smov.u32 s29;
	s29 =	sadd.s32 $0x1, s29  }
0xdb: {  	s30 =	sand.u32 $0x3FFFFFF0, s30  }
0xdc: {  	s28 =	sshll.u32 s28, $0xB;
	v1 =	vld [tilespmem:s30+$0x100]  }
0xdd: {  	s28 =	sand.u32 $0x3FFFF800, s28  }
0xde: {  	v8 =	vld [tilespmem:s28+$0x240]  }
0xdf: {  	v9 =	vld [tilespmem:s28+$0x250]  }
0xe0: {  	v10 =	vld [tilespmem:s28+$0x230]  }
0xe1: {  	v2 =	vbroadcast v1, $0x0;
	v3 =	vld [tilespmem:s28+$0x1A0];
	v7 =	vbroadcast v1, $0x4  }
0xe2: {  	v5 =	vld [tilespmem:s28+$0x1B0]  }
0xe3: {  	v6 =	vld [tilespmem:s28+$0x6F0]  }
0xe4: {  	v11 =	vld [tilespmem:s28+$0x1E0]  }
0xe5: {  	v12 =	vld [tilespmem:s28+$0x1F0]  }
0xe6: {  	v4 =	vbroadcast v1, $0xA;
	v3 =	vmul.f32 v3, v2;
	v13 =	vld [tilespmem:s28+$0x200]  }
0xe7: {  	v5 =	vmul.f32 v5, v2;
	v14 =	vld [tilespmem:s28+$0x210]  }
0xe8: {  	[tilespmem:s28+$0x1A0] =	vst v3;
	v15 =	vld [tilespmem:s28+$0x220];
	v3 =	vmul.f32 v6, v4  }
0xe9: {  	[tilespmem:s28+$0x1B0] =	vst v5;
	v6 =	vmul.f32 v11, v2;
	v11 =	vbroadcast v1, $0x1;
	v5 =	vld [tilespmem:s28+$0x700]  }
0xea: {  	v12 =	vmul.f32 v12, v2;
	[tilespmem:s28+$0x6F0] =	vst v3;
	v3 =	vld [tilespmem:s28+$0x950]  }
0xeb: {  	[tilespmem:s28+$0x1E0] =	vst v6;
	v13 =	vmul.f32 v13, v11;
	v6 =	vld [tilespmem:s28+$0x710]  }
0xec: {  	[tilespmem:s28+$0x1F0] =	vst v12;
	v12 =	vmul.f32 v14, v11;
	v14 =	vld [tilespmem:s28+$0x260]  }
0xed: {  	[tilespmem:s28+$0x200] =	vst v13;
	v13 =	vmul.f32 v15, v11;
	v15 =	vld [tilespmem:s28+$0x270]  }
0xee: {  	v10 =	vmul.f32 v10, v11;
	[tilespmem:s28+$0x210] =	vst v12;
	v12 =	vld [tilespmem:s28+$0x280]  }
0xef: {  	v8 =	vmul.f32 v8, v11;
	[tilespmem:s28+$0x220] =	vst v13;
	v13 =	vld [tilespmem:s28+$0x290]  }
0xf0: {  	v9 =	vmul.f32 v9, v11;
	[tilespmem:s28+$0x230] =	vst v10;
	v10 =	vld [tilespmem:s28+$0x2A0]  }
0xf1: {  	[tilespmem:s28+$0x240] =	vst v8;
	v8 =	vmul.f32 v14, v11;
	v14 =	vbroadcast v1, $0x2;
	v16 =	vld [tilespmem:s28+$0x2B0]  }
0xf2: {  	[tilespmem:s28+$0x250] =	vst v9;
	v9 =	vmul.f32 v15, v11;
	v11 =	vld [tilespmem:s28+$0x2C0]  }
0xf3: {  	[tilespmem:s28+$0x260] =	vst v8;
	v8 =	vmul.f32 v12, v14;
	v12 =	vld [tilespmem:s28+$0x2D0]  }
0xf4: {  	[tilespmem:s28+$0x270] =	vst v9;
	v9 =	vmul.f32 v13, v14;
	v13 =	vld [tilespmem:s28+$0x2E0]  }
0xf5: {  	[tilespmem:s28+$0x280] =	vst v8;
	v8 =	vmul.f32 v10, v14;
	v10 =	vld [tilespmem:s28+$0x2F0]  }
0xf6: {  	[tilespmem:s28+$0x290] =	vst v9;
	v9 =	vmul.f32 v16, v14;
	v15 =	vld [tilespmem:s28+$0x300]  }
0xf7: {  	[tilespmem:s28+$0x2A0] =	vst v8;
	v8 =	vmul.f32 v11, v14;
	v11 =	vld [tilespmem:s28+$0x310]  }
0xf8: {  	[tilespmem:s28+$0x2B0] =	vst v9;
	v9 =	vmul.f32 v12, v14;
	v12 =	vld [tilespmem:s28+$0x320]  }
0xf9: {  	[tilespmem:s28+$0x2C0] =	vst v8;
	v8 =	vmul.f32 v13, v14;
	v13 =	vbroadcast v1, $0x3;
	v16 =	vld [tilespmem:s28+$0x330]  }
0xfa: {  	[tilespmem:s28+$0x2D0] =	vst v9;
	v9 =	vmul.f32 v10, v14;
	v10 =	vld [tilespmem:s28+$0x340]  }
0xfb: {  	[tilespmem:s28+$0x2E0] =	vst v8;
	v8 =	vmul.f32 v15, v13;
	v14 =	vld [tilespmem:s28+$0x350]  }
0xfc: {  	[tilespmem:s28+$0x2F0] =	vst v9;
	v9 =	vmul.f32 v11, v13;
	v11 =	vld [tilespmem:s28+$0x360]  }
0xfd: {  	[tilespmem:s28+$0x300] =	vst v8;
	v8 =	vmul.f32 v12, v13;
	v12 =	vld [tilespmem:s28+$0x370]  }
0xfe: {  	[tilespmem:s28+$0x310] =	vst v9;
	v9 =	vmul.f32 v16, v13;
	v15 =	vld [tilespmem:s28+$0x380]  }
0xff: {  	[tilespmem:s28+$0x320] =	vst v8;
	v8 =	vmul.f32 v10, v13;
	v10 =	vld [tilespmem:s28+$0x390]  }
0x100: {  	[tilespmem:s28+$0x330] =	vst v9;
	v9 =	vmul.f32 v14, v13;
	v14 =	vld [tilespmem:s28+$0x3A0]  }
0x101: {  	[tilespmem:s28+$0x340] =	vst v8;
	v8 =	vmul.f32 v11, v13;
	v11 =	vld [tilespmem:s28+$0x3B0]  }
0x102: {  	[tilespmem:s28+$0x350] =	vst v9;
	v9 =	vmul.f32 v12, v13;
	v12 =	vld [tilespmem:s28+$0x3C0]  }
0x103: {  	[tilespmem:s28+$0x360] =	vst v8;
	v8 =	vmul.f32 v15, v7;
	v13 =	vld [tilespmem:s28+$0x3D0]  }
0x104: {  	[tilespmem:s28+$0x370] =	vst v9;
	v9 =	vmul.f32 v10, v7;
	v10 =	vld [tilespmem:s28+$0x3E0]  }
0x105: {  	[tilespmem:s28+$0x380] =	vst v8;
	v8 =	vmul.f32 v14, v7;
	v14 =	vld [tilespmem:s28+$0x3F0]  }
0x106: {  	[tilespmem:s28+$0x390] =	vst v9;
	v9 =	vmul.f32 v11, v7;
	v11 =	vld [tilespmem:s28+$0x400]  }
0x107: {  	[tilespmem:s28+$0x3A0] =	vst v8;
	v8 =	vmul.f32 v12, v7;
	v12 =	vld [tilespmem:s28+$0x410]  }
0x108: {  	[tilespmem:s28+$0x3B0] =	vst v9;
	v9 =	vmul.f32 v13, v7;
	v13 =	vld [tilespmem:s28+$0x420]  }
0x109: {  	[tilespmem:s28+$0x3C0] =	vst v8;
	v8 =	vmul.f32 v10, v7;
	v10 =	vbroadcast v1, $0x5;
	v15 =	vld [tilespmem:s28+$0x430]  }
0x10a: {  	[tilespmem:s28+$0x3D0] =	vst v9;
	v7 =	vmul.f32 v14, v7;
	v9 =	vld [tilespmem:s28+$0x440]  }
0x10b: {  	[tilespmem:s28+$0x3E0] =	vst v8;
	v8 =	vmul.f32 v11, v10;
	v11 =	vld [tilespmem:s28+$0x450]  }
0x10c: {  	[tilespmem:s28+$0x3F0] =	vst v7;
	v7 =	vmul.f32 v12, v10;
	v12 =	vld [tilespmem:s28+$0x460]  }
0x10d: {  	[tilespmem:s28+$0x400] =	vst v8;
	v8 =	vmul.f32 v13, v10;
	v13 =	vld [tilespmem:s28+$0x470]  }
0x10e: {  	[tilespmem:s28+$0x410] =	vst v7;
	v7 =	vmul.f32 v15, v10;
	v14 =	vld [tilespmem:s28+$0x480]  }
0x10f: {  	[tilespmem:s28+$0x420] =	vst v8;
	v8 =	vmul.f32 v9, v10;
	v9 =	vld [tilespmem:s28+$0x490]  }
0x110: {  	[tilespmem:s28+$0x430] =	vst v7;
	v7 =	vmul.f32 v11, v10;
	v11 =	vld [tilespmem:s28+$0x4A0]  }
0x111: {  	[tilespmem:s28+$0x440] =	vst v8;
	v8 =	vmul.f32 v12, v10;
	v12 =	vbroadcast v1, $0x6;
	v15 =	vld [tilespmem:s28+$0x4B0]  }
0x112: {  	[tilespmem:s28+$0x450] =	vst v7;
	v7 =	vmul.f32 v13, v10;
	v10 =	vld [tilespmem:s28+$0x4C0]  }
0x113: {  	[tilespmem:s28+$0x460] =	vst v8;
	v8 =	vmul.f32 v14, v12;
	v13 =	vld [tilespmem:s28+$0x4D0]  }
0x114: {  	[tilespmem:s28+$0x470] =	vst v7;
	v7 =	vmul.f32 v9, v12;
	v9 =	vld [tilespmem:s28+$0x4E0]  }
0x115: {  	[tilespmem:s28+$0x480] =	vst v8;
	v8 =	vmul.f32 v11, v12;
	v11 =	vld [tilespmem:s28+$0x4F0]  }
0x116: {  	[tilespmem:s28+$0x490] =	vst v7;
	v7 =	vmul.f32 v15, v12;
	v14 =	vld [tilespmem:s28+$0x500]  }
0x117: {  	[tilespmem:s28+$0x4A0] =	vst v8;
	v8 =	vmul.f32 v10, v12;
	v10 =	vld [tilespmem:s28+$0x510]  }
0x118: {  	[tilespmem:s28+$0x4B0] =	vst v7;
	v7 =	vmul.f32 v13, v12;
	v13 =	vld [tilespmem:s28+$0x520]  }
0x119: {  	[tilespmem:s28+$0x4C0] =	vst v8;
	v8 =	vmul.f32 v9, v12;
	v9 =	vbroadcast v1, $0x7;
	v15 =	vld [tilespmem:s28+$0x530]  }
0x11a: {  	[tilespmem:s28+$0x4D0] =	vst v7;
	v7 =	vmul.f32 v11, v12;
	v11 =	vld [tilespmem:s28+$0x540]  }
0x11b: {  	[tilespmem:s28+$0x4E0] =	vst v8;
	v8 =	vmul.f32 v14, v9;
	v12 =	vld [tilespmem:s28+$0x550]  }
0x11c: {  	[tilespmem:s28+$0x4F0] =	vst v7;
	v7 =	vmul.f32 v10, v9;
	v10 =	vld [tilespmem:s28+$0x560]  }
0x11d: {  	[tilespmem:s28+$0x500] =	vst v8;
	v8 =	vmul.f32 v13, v9;
	v13 =	vld [tilespmem:s28+$0x570]  }
0x11e: {  	[tilespmem:s28+$0x510] =	vst v7;
	v7 =	vmul.f32 v15, v9;
	v14 =	vld [tilespmem:s28+$0x580]  }
0x11f: {  	[tilespmem:s28+$0x520] =	vst v8;
	v8 =	vmul.f32 v11, v9;
	v11 =	vld [tilespmem:s28+$0x590]  }
0x120: {  	[tilespmem:s28+$0x530] =	vst v7;
	v7 =	vmul.f32 v12, v9;
	v12 =	vld [tilespmem:s28+$0x5A0]  }
0x121: {  	[tilespmem:s28+$0x540] =	vst v8;
	v8 =	vmul.f32 v10, v9;
	v10 =	vbroadcast v1, $0x8;
	v15 =	vld [tilespmem:s28+$0x5B0]  }
0x122: {  	[tilespmem:s28+$0x550] =	vst v7;
	v7 =	vmul.f32 v13, v9;
	v9 =	vld [tilespmem:s28+$0x5C0]  }
0x123: {  	[tilespmem:s28+$0x560] =	vst v8;
	v8 =	vmul.f32 v14, v10;
	v13 =	vld [tilespmem:s28+$0x5D0]  }
0x124: {  	[tilespmem:s28+$0x570] =	vst v7;
	v7 =	vmul.f32 v11, v10;
	v11 =	vld [tilespmem:s28+$0x5E0]  }
0x125: {  	[tilespmem:s28+$0x580] =	vst v8;
	v8 =	vmul.f32 v12, v10;
	v12 =	vld [tilespmem:s28+$0x5F0]  }
0x126: {  	[tilespmem:s28+$0x590] =	vst v7;
	v7 =	vmul.f32 v15, v10;
	v14 =	vld [tilespmem:s28+$0x600]  }
0x127: {  	[tilespmem:s28+$0x5A0] =	vst v8;
	v8 =	vmul.f32 v9, v10;
	v9 =	vld [tilespmem:s28+$0x610]  }
0x128: {  	[tilespmem:s28+$0x5B0] =	vst v7;
	v7 =	vmul.f32 v13, v10;
	v13 =	vld [tilespmem:s28+$0x620]  }
0x129: {  	[tilespmem:s28+$0x5C0] =	vst v8;
	v8 =	vmul.f32 v11, v10;
	v11 =	vbroadcast v1, $0x9;
	v15 =	vld [tilespmem:s28+$0x630]  }
0x12a: {  	[tilespmem:s28+$0x5D0] =	vst v7;
	v7 =	vmul.f32 v12, v10;
	v10 =	vld [tilespmem:s28+$0x640]  }
0x12b: {  	[tilespmem:s28+$0x5E0] =	vst v8;
	v8 =	vmul.f32 v14, v11;
	v12 =	vld [tilespmem:s28+$0x650]  }
0x12c: {  	[tilespmem:s28+$0x5F0] =	vst v7;
	v7 =	vmul.f32 v9, v11;
	v9 =	vld [tilespmem:s28+$0x660]  }
0x12d: {  	[tilespmem:s28+$0x600] =	vst v8;
	v8 =	vmul.f32 v13, v11;
	v13 =	vld [tilespmem:s28+$0x670]  }
0x12e: {  	[tilespmem:s28+$0x610] =	vst v7;
	v7 =	vmul.f32 v15, v11;
	v14 =	vld [tilespmem:s28+$0x680]  }
0x12f: {  	[tilespmem:s28+$0x620] =	vst v8;
	v8 =	vmul.f32 v10, v11;
	v10 =	vld [tilespmem:s28+$0x690]  }
0x130: {  	[tilespmem:s28+$0x630] =	vst v7;
	v7 =	vmul.f32 v12, v11;
	v12 =	vld [tilespmem:s28+$0x6A0]  }
0x131: {  	[tilespmem:s28+$0x640] =	vst v8;
	v8 =	vmul.f32 v9, v11;
	v9 =	vld [tilespmem:s28+$0x6B0]  }
0x132: {  	[tilespmem:s28+$0x650] =	vst v7;
	v7 =	vmul.f32 v13, v11;
	v11 =	vld [tilespmem:s28+$0x6C0]  }
0x133: {  	[tilespmem:s28+$0x660] =	vst v8;
	v8 =	vmul.f32 v14, v4;
	v13 =	vld [tilespmem:s28+$0x6D0]  }
0x134: {  	[tilespmem:s28+$0x670] =	vst v7;
	v7 =	vmul.f32 v10, v4;
	v10 =	vld [tilespmem:s28+$0x6E0]  }
0x135: {  	v14 =	vld [tilespmem:s28+$0x180];
	[tilespmem:s28+$0x680] =	vst v8;
	v8 =	vmul.f32 v12, v4  }
0x136: {  	v12 =	vld [tilespmem:s28+$0x190];
	[tilespmem:s28+$0x690] =	vst v7;
	v7 =	vmul.f32 v9, v4  }
0x137: {  	v9 =	vld [tilespmem:s28+$0x1C0];
	[tilespmem:s28+$0x6A0] =	vst v8;
	v8 =	vmul.f32 v11, v4  }
0x138: {  	v11 =	vld [tilespmem:s28+$0x1D0];
	[tilespmem:s28+$0x6B0] =	vst v7;
	v7 =	vmul.f32 v13, v4  }
0x139: {  	[tilespmem:s28+$0x6C0] =	vst v8;
	v8 =	vmul.f32 v10, v4;
	v10 =	vbroadcast v1, $0xB;
	v13 =	vld [tilespmem:s28+$0x720]  }
0x13a: {  	v4 =	vbroadcast v1, $0xF;
	v14 =	vmul.f32 v2, v14;
	[tilespmem:s28+$0x6D0] =	vst v7;
	v7 =	vld [tilespmem:s28+$0x730]  }
0x13b: {  	v12 =	vmul.f32 v12, v2;
	[tilespmem:s28+$0x6E0] =	vst v8;
	v5 =	vmul.f32 v5, v10;
	v8 =	vld [tilespmem:s28+$0x740]  }
0x13c: {  	v6 =	vmul.f32 v6, v10;
	[tilespmem:s28+$0x180] =	vst v14;
	v9 =	vmul.f32 v9, v2;
	v14 =	vld [tilespmem:s28+$0x750]  }
0x13d: {  	v3 =	vmul.f32 v3, v4;
	v11 =	vmul.f32 v11, v2;
	[tilespmem:s28+$0x700] =	vst v5;
	v2 =	vld [tilespmem:s28+$0x760]  }
0x13e: {  	[tilespmem:s28+$0x710] =	vst v6;
	v5 =	vmul.f32 v13, v10;
	v6 =	vld [tilespmem:s28+$0x770]  }
0x13f: {  	v7 =	vmul.f32 v7, v10;
	v13 =	vld [tilespmem:s28+$0x780];
	[tilespmem:s28+$0x950] =	vst v3  }
0x140: {  	[tilespmem:s28+$0x190] =	vst v12;
	v3 =	vmul.f32 v8, v10;
	v8 =	vld [tilespmem:s28+$0x790]  }
0x141: {  	[tilespmem:s28+$0x1C0] =	vst v9;
	v9 =	vmul.f32 v14, v10;
	v12 =	vld [tilespmem:s28+$0x7A0]  }
0x142: {  	v14 =	vbroadcast v1, $0xC;
	[tilespmem:s28+$0x720] =	vst v5;
	v5 =	vmul.f32 v2, v10;
	v15 =	vld [tilespmem:s28+$0x7B0]  }
0x143: {  	[tilespmem:s28+$0x750] =	vst v9;
	v6 =	vmul.f32 v6, v10;
	v9 =	vld [tilespmem:s28+$0x7C0]  }
0x144: {  	[tilespmem:s28+$0x730] =	vst v7;
	v2 =	vmul.f32 v13, v14;
	v7 =	vld [tilespmem:s28+$0x7D0]  }
0x145: {  	[tilespmem:s28+$0x740] =	vst v3;
	v3 =	vmul.f32 v8, v14;
	v8 =	vld [tilespmem:s28+$0x7E0]  }
0x146: {  	[tilespmem:s28+$0x780] =	vst v2;
	v2 =	vmul.f32 v12, v14;
	v10 =	vld [tilespmem:s28+$0x7F0]  }
0x147: {  	[tilespmem:s28+$0x790] =	vst v3;
	v3 =	vld [tilespmem:s28+$0x800]  }
0x148: {  	[tilespmem:s28+$0x1D0] =	vst v11;
	v9 =	vmul.f32 v9, v14;
	v11 =	vld [tilespmem:s28+$0x810]  }
0x149: {  	[tilespmem:s28+$0x760] =	vst v5;
	v5 =	vmul.f32 v7, v14;
	v7 =	vld [tilespmem:s28+$0x820]  }
0x14a: {  	[tilespmem:s28+$0x7C0] =	vst v9;
	v8 =	vmul.f32 v8, v14;
	v9 =	vbroadcast v1, $0xD;
	v12 =	vld [tilespmem:s28+$0x830]  }
0x14b: {  	[tilespmem:s28+$0x7D0] =	vst v5;
	v5 =	vmul.f32 v10, v14;
	v10 =	vld [tilespmem:s28+$0x840]  }
0x14c: {  	[tilespmem:s28+$0x7E0] =	vst v8;
	v3 =	vmul.f32 v3, v9;
	v8 =	vld [tilespmem:s28+$0x850]  }
0x14d: {  	[tilespmem:s28+$0x7F0] =	vst v5;
	v5 =	vmul.f32 v11, v9;
	v11 =	vld [tilespmem:s28+$0x860]  }
0x14e: {  	[tilespmem:s28+$0x800] =	vst v3;
	v3 =	vmul.f32 v7, v9;
	v7 =	vld [tilespmem:s28+$0x870]  }
0x14f: {  	[tilespmem:s28+$0x810] =	vst v5;
	v5 =	vmul.f32 v12, v9;
	v12 =	vld [tilespmem:s28+$0x880]  }
0x150: {  	[tilespmem:s28+$0x820] =	vst v3;
	v3 =	vmul.f32 v10, v9;
	v10 =	vld [tilespmem:s28+$0x890]  }
0x151: {  	[tilespmem:s28+$0x830] =	vst v5;
	v5 =	vmul.f32 v8, v9;
	v8 =	vld [tilespmem:s28+$0x8A0]  }
0x152: {  	v1 =	vbroadcast v1, $0xE;
	[tilespmem:s28+$0x770] =	vst v6;
	v6 =	vmul.f32 v11, v9;
	v11 =	vld [tilespmem:s28+$0x8B0]  }
0x153: {  	[tilespmem:s28+$0x850] =	vst v5;
	v5 =	vmul.f32 v7, v9;
	v7 =	vld [tilespmem:s28+$0x8C0]  }
0x154: {  	[tilespmem:s28+$0x860] =	vst v6;
	v6 =	vmul.f32 v12, v1;
	v9 =	vld [tilespmem:s28+$0x8D0]  }
0x155: {  	[tilespmem:s28+$0x870] =	vst v5;
	v5 =	vmul.f32 v10, v1;
	v10 =	vld [tilespmem:s28+$0x8E0]  }
0x156: {  	[tilespmem:s28+$0x880] =	vst v6;
	v6 =	vmul.f32 v8, v1;
	v8 =	vld [tilespmem:s28+$0x8F0]  }
0x157: {  	[tilespmem:s28+$0x890] =	vst v5;
	v5 =	vmul.f32 v11, v1;
	v11 =	vld [tilespmem:s28+$0x900]  }
0x158: {  	[tilespmem:s28+$0x8A0] =	vst v6;
	v6 =	vmul.f32 v7, v1;
	v7 =	vld [tilespmem:s28+$0x910]  }
0x159: {  	[tilespmem:s28+$0x8B0] =	vst v5;
	v5 =	vmul.f32 v9, v1;
	v9 =	vld [tilespmem:s28+$0x920]  }
0x15a: {  	[tilespmem:s28+$0x8C0] =	vst v6;
	v6 =	vmul.f32 v10, v1;
	v10 =	vld [tilespmem:s28+$0x930]  }
0x15b: {  	[tilespmem:s28+$0x840] =	vst v3;
	v1 =	vmul.f32 v8, v1;
	v3 =	vld [tilespmem:s28+$0x940]  }
0x15c: {  	[tilespmem:s28+$0x8E0] =	vst v6;
	v6 =	vmul.f32 v11, v4;
	v8 =	vld [tilespmem:s28+$0x960]  }
0x15d: {  	[tilespmem:s28+$0x8F0] =	vst v1;
	v1 =	vmul.f32 v7, v4;
	v7 =	vld [tilespmem:s28+$0x970]  }
0x15e: {  	[tilespmem:s28+$0x900] =	vst v6;
	v6 =	vmul.f32 v9, v4  }
0x15f: {  	[tilespmem:s28+$0x910] =	vst v1;
	v1 =	vmul.f32 v10, v4  }
0x160: {  	v9 =	vmul.f32 v15, v14;
	[tilespmem:s28+$0x920] =	vst v6  }
0x161: {  	[tilespmem:s28+$0x930] =	vst v1;
	v1 =	vmul.f32 v3, v4  }
.Ltmp4:
0x162: {  	[tilespmem:s28+$0x7B0] =	vst v9;
	v3 =	vmul.f32 v7, v4;
	(pc) =	sbr.rel @p1 .LBB2_5-.Ltmp4, $4  }
0x163: {  	[tilespmem:s28+$0x940] =	vst v1  }
0x164: {  	v1 =	vmul.f32 v8, v4;
	[tilespmem:s28+$0x970] =	vst v3  }
0x165: {  	[tilespmem:s28+$0x8D0] =	vst v5  }
0x166: {  	[tilespmem:s28+$0x960] =	vst v1  }
0x167: {  	[tilespmem:s28+$0x7A0] =	vst v2;
	s26 =	sadd.s32 $0x1, s26  }
0x168: {  	[spmem:s5] =	stream.indirect.scatter.add.f32 [tilespmem:s17], [sflag:$0x5], $0x80, s19, s19, $0xb8;
	[tilespmem:$0x18180] =	vst v63  }
0x169: {  	p1 =	slt.u32 s26, s13  }
.Ltmp5:
0x16a: {  	_ = 	snop;
	(pc) =	sbr.rel @p1 .LBB2_4-.Ltmp5, $4  }
.Ltmp6:
0x16b: {  	_ = 	snop;
	(pc) =	sbr.rel @!p1 .LBB2_7-.Ltmp6, $4  }
0x16c: {  	_ =	swait.ge [sflag:s18], $0x4000  }
0x16d: {  	[sflag:s18] =	ssyncset.done $0x0  }
0x16e: {  	[sflag:s18] =	ssyncadd.s32 $0xFFFFC000  }
0x16f: {  	_ = 	snop  }
.LBB2_8:
0x170: {  	_ =	sfence.sel $0x180000  }
0x171: {  	[bflag:$0x0] =	sbarrier.arrive $0xFFFF  }
0x172: {  	p0 =	sne.s32 s1, $0x0;
	_ =	strace $0x9000004A  }
0x173: {  	s0 =	sadd.s32 @!p0 $0x100000, s4;
	[bflag:$0x2] =	sbarrier.arrive $0xFFFF  }
0x174: {  	[sflag:s0] =	ssyncadd.tile.s32 @!p0 $0x1;
	_ =	shalt  }
.Lfunc_end2:
_tile_overlayer_lowered:
.L_overlay_start_2:
0x175: {  	(tag) =	ssettag $0x2  }
0x176: {  	s0 =	rddreg [dreg:$0x0];
	s2 =	stileid.u32  }
0x177: {  	s1 =	rddreg [dreg:$0x1];
	p0 =	sne.s32 s2, $0x0  }
0x178: {  	s3 =	rddreg [dreg:$0x2];
	[bflag:$0x3] =	sbarrier.arrive $0xFFFF;
	s2 =	simm.s32 @!p0 $0x1C05  }
0x179: {  	[timem:s3], [sflag:s2] =	dma.local @!p0 [hbm:s0], s1  }
0x17a: {  	s0 =	simm.s32 @!p0 $0x5  }
0x17b: {  	_ =	swait.ge @!p0 [sflag:s0], s1  }
0x17c: {  	s1 =	ssub.s32 @!p0 $0x0, s1;
	[sflag:s0] =	ssyncset.done @!p0 $0x0  }
0x17d: {  	[sflag:s0] =	ssyncadd.s32 @!p0 s1  }
0x17e: {  	[bflag:$0x3] =	sbarrier.arrive $0xFFFF  }
0x17f: {  	_ =	shalt  }

</sc_bundles>
